<compile_context>
chip_gen: v7x
topology: tpu7x:2x2x1
jax: 0.10.2.dev20260603
libtpu: 0.0.44.dev20260713+nightly
codegen_flags: <defaults>
</compile_context>

<pallas_src>
import numpy as np
import jax
import jax.numpy as jnp
from jax import lax
from jax.experimental import pallas as pl
from jax.experimental.pallas import tpu as pltpu
from jax.experimental.pallas import tpu_sc as plsc

_B, _L, _D, _V = 16384, 200, 16, 100000
_N = _B * _L
_NC, _NS = 2, 16
_NW = _NC * _NS
_BPW = _B // _NW
_NG = _BPW // 16


def _pe_lane_table():
    pos = np.arange(_L, dtype=np.float32)[:, None]
    i = np.arange(_D, dtype=np.float32)[None, :]
    angle = pos / np.power(10000.0, (2.0 * np.floor(i / 2.0)) / _D)
    pe = np.zeros((_L, _D), dtype=np.float32)
    pe[:, 0::2] = np.sin(angle[:, 0::2])
    pe[:, 1::2] = np.cos(angle[:, 1::2])
    return np.ascontiguousarray(
        np.broadcast_to(pe[:, :, None], (_L, _D, 16))).reshape(-1)


_PE_LANE = _pe_lane_table()


def _rsqrt(a):
    bits = lax.bitcast_convert_type(a, jnp.int32)
    y = lax.bitcast_convert_type(
        jnp.int32(0x5F3759DF) - lax.shift_right_arithmetic(bits, 1),
        jnp.float32)
    for _ in range(2):
        y = y * (1.5 - 0.5 * a * y * y)
    return y


def _tree_sum(vs):
    vs = list(vs)
    while len(vs) > 1:
        nxt = [vs[i] + vs[i + 1] for i in range(0, len(vs) - 1, 2)]
        if len(vs) % 2:
            nxt.append(vs[-1])
        vs = nxt
    return vs[0]


def _tec_body(stamp_hbm, pe_hbm, table_hbm, gamma_hbm, beta_hbm, out_hbm,
              idx_v, rows_v, out_v, pe_v, g_v, b_v, isem, gsem, osem):
    wid = lax.axis_index("s") * _NC + lax.axis_index("c")
    pltpu.sync_copy(pe_hbm, pe_v)
    pltpu.sync_copy(gamma_hbm, g_v)
    pltpu.sync_copy(beta_hbm, b_v)
    b0 = wid * _BPW
    iota = lax.iota(jnp.int32, 16)
    gsp = [plsc.load_gather(g_v, [jnp.full((16,), d, jnp.int32)])
           for d in range(_D)]
    bsp = [plsc.load_gather(b_v, [jnp.full((16,), d, jnp.int32)])
           for d in range(_D)]

    def start_idx(l, b):
        off = l * _B + b0
        pltpu.async_copy(stamp_hbm.at[pl.ds(off, _BPW)], idx_v[b], isem[b])

    def wait_idx(b):
        pltpu.make_async_copy(stamp_hbm.at[pl.ds(0, _BPW)], idx_v[b],
                              isem[b]).wait()

    def start_gather(b):
        pltpu.async_copy(table_hbm.at[idx_v[b]], rows_v[b], gsem[b])

    def wait_gather(b):
        pltpu.make_async_copy(table_hbm.at[idx_v[b]], rows_v[b],
                              gsem[b]).wait()

    def start_out(l, b):
        for i in range(2):
            off = (l * 256 + i * 128 + wid * 4) * 1024
            pltpu.async_copy(out_v[b].at[pl.ds(i * 4096, 4096)],
                             out_hbm.at[pl.ds(off, 4096)], osem[b])

    def wait_out(b):
        for i in range(2):
            pltpu.make_async_copy(out_v[b].at[pl.ds(i * 4096, 4096)],
                                  out_hbm.at[pl.ds(0, 4096)], osem[b]).wait()

    def compute(l, rows, out):
        lbase = l * 256
        psp = [pe_v[pl.ds(lbase + d * 16, 16)] for d in range(_D)]

        def one_group(g):
            rowidx = g * 16 + iota
            gpart = (g // 8) * 1024 + (g % 8) * 16
            xs = []
            for d in range(_D):
                e = plsc.load_gather(rows, [rowidx,
                                            jnp.full((16,), d, jnp.int32)])
                xs.append(e + psp[d])
            mu = _tree_sum(xs) * (1.0 / _D)
            devs = [x - mu for x in xs]
            s2 = _tree_sum([dv * dv for dv in devs])
            r = _rsqrt(s2 * (1.0 / _D) + 1e-5)
            for d in range(_D):
                obase = gpart + (d // 8) * 4096 + (d % 8) * 128
                plsc.store_scatter(out, [obase + iota],
                                   devs[d] * (r * gsp[d]) + bsp[d])

        def group_body(h, carry):
            for q in range(4):
                one_group(4 * h + q)
            return carry

        lax.fori_loop(0, _NG // 4, group_body, 0)

    start_idx(0, 0)
    start_idx(1, 1)
    wait_idx(0)
    start_gather(0)

    def outer(i, carry):
        for b in range(2):
            c = 2 * i + b

            @pl.when(c + 1 < _L)
            def _():
                wait_idx(b ^ 1)
                start_gather(b ^ 1)

            wait_gather(b)

            @pl.when(c >= 2)
            def _():
                wait_out(b)

            compute(c, rows_v[b], out_v[b])
            start_out(c, b)

            @pl.when(c + 2 < _L)
            def _():
                start_idx(c + 2, b)
        return carry

    lax.fori_loop(0, _L // 2, outer, 0)
    wait_out(0)
    wait_out(1)


def kernel(stamp, table, ln_gamma, ln_beta):
    stamp_t = jnp.transpose(stamp).reshape(-1)
    pe_const = jnp.asarray(_PE_LANE)
    mesh = plsc.VectorSubcoreMesh(core_axis_name="c", subcore_axis_name="s")
    run = pl.kernel(
        _tec_body,
        compiler_params=pltpu.CompilerParams(
            needs_layout_passes=False, use_tc_tiling_on_sc=False),
        out_type=jax.ShapeDtypeStruct((_N * _D,), jnp.float32),
        mesh=mesh,
        scratch_types=[
            [pltpu.VMEM((_BPW,), jnp.int32)] * 2,
            [pltpu.VMEM((_BPW, _D), jnp.float32)] * 2,
            [pltpu.VMEM((_BPW * _D,), jnp.float32)] * 2,
            pltpu.VMEM((_L * _D * 16,), jnp.float32),
            pltpu.VMEM((_D,), jnp.float32),
            pltpu.VMEM((_D,), jnp.float32),
            [pltpu.SemaphoreType.DMA] * 2,
            [pltpu.SemaphoreType.DMA] * 2,
            [pltpu.SemaphoreType.DMA] * 2,
        ],
    )
    out = run(stamp_t, pe_const, table, ln_gamma, ln_beta)
    out = out.reshape(_L, 2, _B // 128, 8, 128)
    return jnp.transpose(out, (2, 4, 0, 1, 3)).reshape(_B, _L, _D)

# --- scband reference (transcript-rebuilt; emitter-appended) ---
"""Pipeline reference for scband-timestamp-18949395710642 (READ-ONLY COPY).

The authoritative reference and input builder live on the scoring server;
editing this copy changes nothing except your own understanding.
"""

import jax, jax.numpy as jnp
import numpy as np

CIRCLE = 100000
HIST_LEN = 200
DIM = 16  # n_attr // 4
BATCH = 16384


def _sin_pe(L, d):
    pos = np.arange(L, dtype=np.float32)[:, None]
    i = np.arange(d, dtype=np.float32)[None, :]
    angle = pos / np.power(10000.0, (2.0 * np.floor(i / 2.0)) / d)
    pe = np.zeros((L, d), dtype=np.float32)
    pe[:, 0::2] = np.sin(angle[:, 0::2])
    pe[:, 1::2] = np.cos(angle[:, 1::2])
    return jnp.asarray(pe)


def setup_inputs(seed: int = 0):
    key = jax.random.key(seed)
    k1, k2 = jax.random.split(key)
    stamp = jax.random.randint(k1, (BATCH, HIST_LEN), 0, CIRCLE, dtype=jnp.int32)
    table = jax.random.normal(k2, (CIRCLE, DIM), dtype=jnp.float32) * 0.02
    ln_gamma = jnp.ones((DIM,), dtype=jnp.float32)
    ln_beta = jnp.zeros((DIM,), dtype=jnp.float32)
    return {"stamp": stamp, "table": table, "ln_gamma": ln_gamma, "ln_beta": ln_beta}


def reference(stamp, table, ln_gamma, ln_beta):
    # nn.Embedding lookup: time_emb = self.time_stamp(stamp)
    emb = jnp.take(table, stamp, axis=0)  # [B, L, DIM]
    # TempoEnc: add sinusoidal temporal positional encoding over history_len,
    # then normalize (TE['nor'] == True -> LayerNorm over feature dim)
    pe = _sin_pe(HIST_LEN, DIM)
    x = emb + pe[None, :, :]
    mu = jnp.mean(x, axis=-1, keepdims=True)
    var = jnp.var(x, axis=-1, keepdims=True)
    xn = (x - mu) / jnp.sqrt(var + 1e-5)
    return xn * ln_gamma + ln_beta

if __name__ == "__main__":
    import jax
    _d = setup_inputs()
    print(jax.jit(kernel)(*tuple(_d.values())))

</pallas_src>

<mosaic_0001>
#map = affine_map<(d0, d1) -> (0)>
#map1 = affine_map<(d0, d1) -> (0, 0)>
module attributes {stable_mosaic.version = 14 : i64} {
  func.func @_tec_body(%arg0: i32, %arg1: i32, %arg2: memref<3276800xi32, #tpu.memory_space<hbm>>, %arg3: memref<51200xf32, #tpu.memory_space<hbm>>, %arg4: memref<100000x16xf32, #tpu.memory_space<hbm>>, %arg5: memref<16xf32, #tpu.memory_space<hbm>>, %arg6: memref<16xf32, #tpu.memory_space<hbm>>, %arg7: memref<52428800xf32, #tpu.memory_space<hbm>>, %arg8: memref<512xi32, #tpu.memory_space<vmem>>, %arg9: memref<512xi32, #tpu.memory_space<vmem>>, %arg10: memref<512x16xf32, #tpu.memory_space<vmem>>, %arg11: memref<512x16xf32, #tpu.memory_space<vmem>>, %arg12: memref<8192xf32, #tpu.memory_space<vmem>>, %arg13: memref<8192xf32, #tpu.memory_space<vmem>>, %arg14: memref<51200xf32, #tpu.memory_space<vmem>>, %arg15: memref<16xf32, #tpu.memory_space<vmem>>, %arg16: memref<16xf32, #tpu.memory_space<vmem>>, %arg17: memref<!tpu.dma_semaphore, #tpu.memory_space<semaphore_mem>>, %arg18: memref<!tpu.dma_semaphore, #tpu.memory_space<semaphore_mem>>, %arg19: memref<!tpu.dma_semaphore, #tpu.memory_space<semaphore_mem>>, %arg20: memref<!tpu.dma_semaphore, #tpu.memory_space<semaphore_mem>>, %arg21: memref<!tpu.dma_semaphore, #tpu.memory_space<semaphore_mem>>, %arg22: memref<!tpu.dma_semaphore, #tpu.memory_space<semaphore_mem>>) attributes {dimension_semantics = [#tpu.dimension_semantics<core_parallel>, #tpu.dimension_semantics<subcore_parallel>], iteration_bounds = array<i64: 2, 16>, scalar_prefetch = 0 : i64, scratch_operands = 15 : i64, tpu.core_type = #tpu.core_type<sc_vector_subcore>, window_params = [{transform_indices = #map}, {transform_indices = #map}, {transform_indices = #map1}, {transform_indices = #map}, {transform_indices = #map}, {transform_indices = #map}]} {
    %mul3A = arith.constant 2 : i32
    %mul3A_0 = arith.muli %arg1, %mul3A : i32
    %add3A = arith.addi %mul3A_0, %arg0 : i32
    "tpu.region"() ({
      %run_scoped3A = tpu.sem_alloc : memref<!tpu.dma_semaphore, #tpu.memory_space<semaphore_mem>>
      tpu.enqueue_dma source(%arg3 : memref<51200xf32, #tpu.memory_space<hbm>>) target(%arg14 : memref<51200xf32, #tpu.memory_space<vmem>>) target_semaphore(%run_scoped3A : memref<!tpu.dma_semaphore, #tpu.memory_space<semaphore_mem>>)
      tpu.wait_dma2 semaphore(%run_scoped3A : memref<!tpu.dma_semaphore, #tpu.memory_space<semaphore_mem>>) src(%arg3 : memref<51200xf32, #tpu.memory_space<hbm>>) dst(%arg14 : memref<51200xf32, #tpu.memory_space<vmem>>)
      tpu.yield
    }) : () -> ()
    "tpu.region"() ({
      %run_scoped3A = tpu.sem_alloc : memref<!tpu.dma_semaphore, #tpu.memory_space<semaphore_mem>>
      tpu.enqueue_dma source(%arg5 : memref<16xf32, #tpu.memory_space<hbm>>) target(%arg15 : memref<16xf32, #tpu.memory_space<vmem>>) target_semaphore(%run_scoped3A : memref<!tpu.dma_semaphore, #tpu.memory_space<semaphore_mem>>)
      tpu.wait_dma2 semaphore(%run_scoped3A : memref<!tpu.dma_semaphore, #tpu.memory_space<semaphore_mem>>) src(%arg5 : memref<16xf32, #tpu.memory_space<hbm>>) dst(%arg15 : memref<16xf32, #tpu.memory_space<vmem>>)
      tpu.yield
    }) : () -> ()
    "tpu.region"() ({
      %run_scoped3A = tpu.sem_alloc : memref<!tpu.dma_semaphore, #tpu.memory_space<semaphore_mem>>
      tpu.enqueue_dma source(%arg6 : memref<16xf32, #tpu.memory_space<hbm>>) target(%arg16 : memref<16xf32, #tpu.memory_space<vmem>>) target_semaphore(%run_scoped3A : memref<!tpu.dma_semaphore, #tpu.memory_space<semaphore_mem>>)
      tpu.wait_dma2 semaphore(%run_scoped3A : memref<!tpu.dma_semaphore, #tpu.memory_space<semaphore_mem>>) src(%arg6 : memref<16xf32, #tpu.memory_space<hbm>>) dst(%arg16 : memref<16xf32, #tpu.memory_space<vmem>>)
      tpu.yield
    }) : () -> ()
    %mul3A_1 = arith.constant 512 : i32
    %mul3A_2 = arith.muli %add3A, %mul3A_1 : i32
    %iota3A = tpu.iota {dimensions = array<i32: 0>} : vector<16xi32>
    %broadcast_in_dim3A = arith.constant 0 : i32
    %broadcast_in_dim3A_3 = vector.broadcast %broadcast_in_dim3A : i32 to vector<16xi32>
    %gather3A = tpu.vector_load_idx %arg15[%broadcast_in_dim3A_3] : memref<16xf32, #tpu.memory_space<vmem>>[vector<16xi32>], vector<16xf32>,
    %broadcast_in_dim3A_4 = arith.constant 1 : i32
    %broadcast_in_dim3A_5 = vector.broadcast %broadcast_in_dim3A_4 : i32 to vector<16xi32>
    %gather3A_6 = tpu.vector_load_idx %arg15[%broadcast_in_dim3A_5] : memref<16xf32, #tpu.memory_space<vmem>>[vector<16xi32>], vector<16xf32>,
    %broadcast_in_dim3A_7 = arith.constant 2 : i32
    %broadcast_in_dim3A_8 = vector.broadcast %broadcast_in_dim3A_7 : i32 to vector<16xi32>
    %gather3A_9 = tpu.vector_load_idx %arg15[%broadcast_in_dim3A_8] : memref<16xf32, #tpu.memory_space<vmem>>[vector<16xi32>], vector<16xf32>,
    %broadcast_in_dim3A_10 = arith.constant 3 : i32
    %broadcast_in_dim3A_11 = vector.broadcast %broadcast_in_dim3A_10 : i32 to vector<16xi32>
    %gather3A_12 = tpu.vector_load_idx %arg15[%broadcast_in_dim3A_11] : memref<16xf32, #tpu.memory_space<vmem>>[vector<16xi32>], vector<16xf32>,
    %broadcast_in_dim3A_13 = arith.constant 4 : i32
    %broadcast_in_dim3A_14 = vector.broadcast %broadcast_in_dim3A_13 : i32 to vector<16xi32>
    %gather3A_15 = tpu.vector_load_idx %arg15[%broadcast_in_dim3A_14] : memref<16xf32, #tpu.memory_space<vmem>>[vector<16xi32>], vector<16xf32>,
    %broadcast_in_dim3A_16 = arith.constant 5 : i32
    %broadcast_in_dim3A_17 = vector.broadcast %broadcast_in_dim3A_16 : i32 to vector<16xi32>
    %gather3A_18 = tpu.vector_load_idx %arg15[%broadcast_in_dim3A_17] : memref<16xf32, #tpu.memory_space<vmem>>[vector<16xi32>], vector<16xf32>,
    %broadcast_in_dim3A_19 = arith.constant 6 : i32
    %broadcast_in_dim3A_20 = vector.broadcast %broadcast_in_dim3A_19 : i32 to vector<16xi32>
    %gather3A_21 = tpu.vector_load_idx %arg15[%broadcast_in_dim3A_20] : memref<16xf32, #tpu.memory_space<vmem>>[vector<16xi32>], vector<16xf32>,
    %broadcast_in_dim3A_22 = arith.constant 7 : i32
    %broadcast_in_dim3A_23 = vector.broadcast %broadcast_in_dim3A_22 : i32 to vector<16xi32>
    %gather3A_24 = tpu.vector_load_idx %arg15[%broadcast_in_dim3A_23] : memref<16xf32, #tpu.memory_space<vmem>>[vector<16xi32>], vector<16xf32>,
    %broadcast_in_dim3A_25 = arith.constant 8 : i32
    %broadcast_in_dim3A_26 = vector.broadcast %broadcast_in_dim3A_25 : i32 to vector<16xi32>
    %gather3A_27 = tpu.vector_load_idx %arg15[%broadcast_in_dim3A_26] : memref<16xf32, #tpu.memory_space<vmem>>[vector<16xi32>], vector<16xf32>,
    %broadcast_in_dim3A_28 = arith.constant 9 : i32
    %broadcast_in_dim3A_29 = vector.broadcast %broadcast_in_dim3A_28 : i32 to vector<16xi32>
    %gather3A_30 = tpu.vector_load_idx %arg15[%broadcast_in_dim3A_29] : memref<16xf32, #tpu.memory_space<vmem>>[vector<16xi32>], vector<16xf32>,
    %broadcast_in_dim3A_31 = arith.constant 10 : i32
    %broadcast_in_dim3A_32 = vector.broadcast %broadcast_in_dim3A_31 : i32 to vector<16xi32>
    %gather3A_33 = tpu.vector_load_idx %arg15[%broadcast_in_dim3A_32] : memref<16xf32, #tpu.memory_space<vmem>>[vector<16xi32>], vector<16xf32>,
    %broadcast_in_dim3A_34 = arith.constant 11 : i32
    %broadcast_in_dim3A_35 = vector.broadcast %broadcast_in_dim3A_34 : i32 to vector<16xi32>
    %gather3A_36 = tpu.vector_load_idx %arg15[%broadcast_in_dim3A_35] : memref<16xf32, #tpu.memory_space<vmem>>[vector<16xi32>], vector<16xf32>,
    %broadcast_in_dim3A_37 = arith.constant 12 : i32
    %broadcast_in_dim3A_38 = vector.broadcast %broadcast_in_dim3A_37 : i32 to vector<16xi32>
    %gather3A_39 = tpu.vector_load_idx %arg15[%broadcast_in_dim3A_38] : memref<16xf32, #tpu.memory_space<vmem>>[vector<16xi32>], vector<16xf32>,
    %broadcast_in_dim3A_40 = arith.constant 13 : i32
    %broadcast_in_dim3A_41 = vector.broadcast %broadcast_in_dim3A_40 : i32 to vector<16xi32>
    %gather3A_42 = tpu.vector_load_idx %arg15[%broadcast_in_dim3A_41] : memref<16xf32, #tpu.memory_space<vmem>>[vector<16xi32>], vector<16xf32>,
    %broadcast_in_dim3A_43 = arith.constant 14 : i32
    %broadcast_in_dim3A_44 = vector.broadcast %broadcast_in_dim3A_43 : i32 to vector<16xi32>
    %gather3A_45 = tpu.vector_load_idx %arg15[%broadcast_in_dim3A_44] : memref<16xf32, #tpu.memory_space<vmem>>[vector<16xi32>], vector<16xf32>,
    %broadcast_in_dim3A_46 = arith.constant 15 : i32
    %broadcast_in_dim3A_47 = vector.broadcast %broadcast_in_dim3A_46 : i32 to vector<16xi32>
    %gather3A_48 = tpu.vector_load_idx %arg15[%broadcast_in_dim3A_47] : memref<16xf32, #tpu.memory_space<vmem>>[vector<16xi32>], vector<16xf32>,
    %broadcast_in_dim3A_49 = arith.constant 0 : i32
    %broadcast_in_dim3A_50 = vector.broadcast %broadcast_in_dim3A_49 : i32 to vector<16xi32>
    %gather3A_51 = tpu.vector_load_idx %arg16[%broadcast_in_dim3A_50] : memref<16xf32, #tpu.memory_space<vmem>>[vector<16xi32>], vector<16xf32>,
    %broadcast_in_dim3A_52 = arith.constant 1 : i32
    %broadcast_in_dim3A_53 = vector.broadcast %broadcast_in_dim3A_52 : i32 to vector<16xi32>
    %gather3A_54 = tpu.vector_load_idx %arg16[%broadcast_in_dim3A_53] : memref<16xf32, #tpu.memory_space<vmem>>[vector<16xi32>], vector<16xf32>,
    %broadcast_in_dim3A_55 = arith.constant 2 : i32
    %broadcast_in_dim3A_56 = vector.broadcast %broadcast_in_dim3A_55 : i32 to vector<16xi32>
    %gather3A_57 = tpu.vector_load_idx %arg16[%broadcast_in_dim3A_56] : memref<16xf32, #tpu.memory_space<vmem>>[vector<16xi32>], vector<16xf32>,
    %broadcast_in_dim3A_58 = arith.constant 3 : i32
    %broadcast_in_dim3A_59 = vector.broadcast %broadcast_in_dim3A_58 : i32 to vector<16xi32>
    %gather3A_60 = tpu.vector_load_idx %arg16[%broadcast_in_dim3A_59] : memref<16xf32, #tpu.memory_space<vmem>>[vector<16xi32>], vector<16xf32>,
    %broadcast_in_dim3A_61 = arith.constant 4 : i32
    %broadcast_in_dim3A_62 = vector.broadcast %broadcast_in_dim3A_61 : i32 to vector<16xi32>
    %gather3A_63 = tpu.vector_load_idx %arg16[%broadcast_in_dim3A_62] : memref<16xf32, #tpu.memory_space<vmem>>[vector<16xi32>], vector<16xf32>,
    %broadcast_in_dim3A_64 = arith.constant 5 : i32
    %broadcast_in_dim3A_65 = vector.broadcast %broadcast_in_dim3A_64 : i32 to vector<16xi32>
    %gather3A_66 = tpu.vector_load_idx %arg16[%broadcast_in_dim3A_65] : memref<16xf32, #tpu.memory_space<vmem>>[vector<16xi32>], vector<16xf32>,
    %broadcast_in_dim3A_67 = arith.constant 6 : i32
    %broadcast_in_dim3A_68 = vector.broadcast %broadcast_in_dim3A_67 : i32 to vector<16xi32>
    %gather3A_69 = tpu.vector_load_idx %arg16[%broadcast_in_dim3A_68] : memref<16xf32, #tpu.memory_space<vmem>>[vector<16xi32>], vector<16xf32>,
    %broadcast_in_dim3A_70 = arith.constant 7 : i32
    %broadcast_in_dim3A_71 = vector.broadcast %broadcast_in_dim3A_70 : i32 to vector<16xi32>
    %gather3A_72 = tpu.vector_load_idx %arg16[%broadcast_in_dim3A_71] : memref<16xf32, #tpu.memory_space<vmem>>[vector<16xi32>], vector<16xf32>,
    %broadcast_in_dim3A_73 = arith.constant 8 : i32
    %broadcast_in_dim3A_74 = vector.broadcast %broadcast_in_dim3A_73 : i32 to vector<16xi32>
    %gather3A_75 = tpu.vector_load_idx %arg16[%broadcast_in_dim3A_74] : memref<16xf32, #tpu.memory_space<vmem>>[vector<16xi32>], vector<16xf32>,
    %broadcast_in_dim3A_76 = arith.constant 9 : i32
    %broadcast_in_dim3A_77 = vector.broadcast %broadcast_in_dim3A_76 : i32 to vector<16xi32>
    %gather3A_78 = tpu.vector_load_idx %arg16[%broadcast_in_dim3A_77] : memref<16xf32, #tpu.memory_space<vmem>>[vector<16xi32>], vector<16xf32>,
    %broadcast_in_dim3A_79 = arith.constant 10 : i32
    %broadcast_in_dim3A_80 = vector.broadcast %broadcast_in_dim3A_79 : i32 to vector<16xi32>
    %gather3A_81 = tpu.vector_load_idx %arg16[%broadcast_in_dim3A_80] : memref<16xf32, #tpu.memory_space<vmem>>[vector<16xi32>], vector<16xf32>,
    %broadcast_in_dim3A_82 = arith.constant 11 : i32
    %broadcast_in_dim3A_83 = vector.broadcast %broadcast_in_dim3A_82 : i32 to vector<16xi32>
    %gather3A_84 = tpu.vector_load_idx %arg16[%broadcast_in_dim3A_83] : memref<16xf32, #tpu.memory_space<vmem>>[vector<16xi32>], vector<16xf32>,
    %broadcast_in_dim3A_85 = arith.constant 12 : i32
    %broadcast_in_dim3A_86 = vector.broadcast %broadcast_in_dim3A_85 : i32 to vector<16xi32>
    %gather3A_87 = tpu.vector_load_idx %arg16[%broadcast_in_dim3A_86] : memref<16xf32, #tpu.memory_space<vmem>>[vector<16xi32>], vector<16xf32>,
    %broadcast_in_dim3A_88 = arith.constant 13 : i32
    %broadcast_in_dim3A_89 = vector.broadcast %broadcast_in_dim3A_88 : i32 to vector<16xi32>
    %gather3A_90 = tpu.vector_load_idx %arg16[%broadcast_in_dim3A_89] : memref<16xf32, #tpu.memory_space<vmem>>[vector<16xi32>], vector<16xf32>,
    %broadcast_in_dim3A_91 = arith.constant 14 : i32
    %broadcast_in_dim3A_92 = vector.broadcast %broadcast_in_dim3A_91 : i32 to vector<16xi32>
    %gather3A_93 = tpu.vector_load_idx %arg16[%broadcast_in_dim3A_92] : memref<16xf32, #tpu.memory_space<vmem>>[vector<16xi32>], vector<16xf32>,
    %broadcast_in_dim3A_94 = arith.constant 15 : i32
    %broadcast_in_dim3A_95 = vector.broadcast %broadcast_in_dim3A_94 : i32 to vector<16xi32>
    %gather3A_96 = tpu.vector_load_idx %arg16[%broadcast_in_dim3A_95] : memref<16xf32, #tpu.memory_space<vmem>>[vector<16xi32>], vector<16xf32>,
    %add3A_97 = arith.constant 0 : i32
    %add3A_98 = arith.addi %add3A_97, %mul3A_2 : i32
    %dma_start3A = tpu.memref_slice %arg2[%add3A_98] : memref<3276800xi32, #tpu.memory_space<hbm>> -> memref<512xi32, #tpu.memory_space<hbm>>
    %dma_start3A_99 = tpu.memref_slice %arg2[%add3A_98] : memref<3276800xi32, #tpu.memory_space<hbm>> -> memref<512xi32, #tpu.memory_space<hbm>>
    tpu.enqueue_dma source(%dma_start3A_99 : memref<512xi32, #tpu.memory_space<hbm>>) target(%arg8 : memref<512xi32, #tpu.memory_space<vmem>>) target_semaphore(%arg17 : memref<!tpu.dma_semaphore, #tpu.memory_space<semaphore_mem>>)
    %add3A_100 = arith.constant 16384 : i32
    %add3A_101 = arith.addi %add3A_100, %mul3A_2 : i32
    %dma_start3A_102 = tpu.memref_slice %arg2[%add3A_101] : memref<3276800xi32, #tpu.memory_space<hbm>> -> memref<512xi32, #tpu.memory_space<hbm>>
    %dma_start3A_103 = tpu.memref_slice %arg2[%add3A_101] : memref<3276800xi32, #tpu.memory_space<hbm>> -> memref<512xi32, #tpu.memory_space<hbm>>
    tpu.enqueue_dma source(%dma_start3A_103 : memref<512xi32, #tpu.memory_space<hbm>>) target(%arg9 : memref<512xi32, #tpu.memory_space<vmem>>) target_semaphore(%arg18 : memref<!tpu.dma_semaphore, #tpu.memory_space<semaphore_mem>>)
    %dma_wait3A = arith.constant 0 : i32
    %dma_wait3A_104 = tpu.memref_slice %arg2[%dma_wait3A] : memref<3276800xi32, #tpu.memory_space<hbm>> -> memref<512xi32, #tpu.memory_space<hbm>>
    %dma_wait3A_105 = arith.constant 0 : i32
    %dma_wait3A_106 = tpu.memref_slice %arg2[%dma_wait3A_105] : memref<3276800xi32, #tpu.memory_space<hbm>> -> memref<512xi32, #tpu.memory_space<hbm>>
    tpu.wait_dma2 semaphore(%arg17 : memref<!tpu.dma_semaphore, #tpu.memory_space<semaphore_mem>>) src(%dma_wait3A_106 : memref<512xi32, #tpu.memory_space<hbm>>) dst(%arg8 : memref<512xi32, #tpu.memory_space<vmem>>)
    %dma_start3A_107 = arith.constant 0 : i32
    %dma_start3A_108 = arith.constant 0 : i32
    %dma_start3A_109 = tpu.memref_slice %arg4[%dma_start3A_107, %dma_start3A_108] : memref<100000x16xf32, #tpu.memory_space<hbm>> -> memref<100000x16xf32, #tpu.memory_space<hbm>>
    tpu.enqueue_indirect_dma source(%dma_start3A_109 : memref<100000x16xf32, #tpu.memory_space<hbm>>) target(%arg10 : memref<512x16xf32, #tpu.memory_space<vmem>>) offsets(%arg8 : memref<512xi32, #tpu.memory_space<vmem>>) semaphore(%arg19 : memref<!tpu.dma_semaphore, #tpu.memory_space<semaphore_mem>>)
    %scan3A = arith.constant 0 : i32
    %scan3A_110 = arith.constant 0 : i32
    %scan3A_111 = arith.constant 100 : i32
    %scan3A_112 = arith.addi %scan3A_110, %scan3A_111 : i32
    %scan3A_113 = arith.constant 1 : i32
    scf.for %scan3A_147 = %scan3A_110 to %scan3A_112 step %scan3A_113  : i32 {
      %mul3A_148 = arith.constant 2 : i32
      %mul3A_149 = arith.muli %mul3A_148, %scan3A_147 : i32
      %add3A_150 = arith.constant 0 : i32
      %add3A_151 = arith.addi %mul3A_149, %add3A_150 : i32
      %add3A_152 = arith.constant 1 : i32
      %add3A_153 = arith.addi %add3A_151, %add3A_152 : i32
      %lt3A = arith.constant 200 : i32
      %lt3A_154 = arith.cmpi slt, %add3A_153, %lt3A : i32
      %convert_element_type3A = arith.extui %lt3A_154 : i1 to i32
      %cond3A = arith.constant 0 : i32
      %cond3A_155 = arith.cmpi ne, %convert_element_type3A, %cond3A : i32
      scf.if %cond3A_155 {
        %dma_wait3A_399 = arith.constant 0 : i32
        %dma_wait3A_400 = tpu.memref_slice %arg2[%dma_wait3A_399] : memref<3276800xi32, #tpu.memory_space<hbm>> -> memref<512xi32, #tpu.memory_space<hbm>>
        %dma_wait3A_401 = arith.constant 0 : i32
        %dma_wait3A_402 = tpu.memref_slice %arg2[%dma_wait3A_401] : memref<3276800xi32, #tpu.memory_space<hbm>> -> memref<512xi32, #tpu.memory_space<hbm>>
        tpu.wait_dma2 semaphore(%arg18 : memref<!tpu.dma_semaphore, #tpu.memory_space<semaphore_mem>>) src(%dma_wait3A_402 : memref<512xi32, #tpu.memory_space<hbm>>) dst(%arg9 : memref<512xi32, #tpu.memory_space<vmem>>)
        %dma_start3A_403 = arith.constant 0 : i32
        %dma_start3A_404 = arith.constant 0 : i32
        %dma_start3A_405 = tpu.memref_slice %arg4[%dma_start3A_403, %dma_start3A_404] : memref<100000x16xf32, #tpu.memory_space<hbm>> -> memref<100000x16xf32, #tpu.memory_space<hbm>>
        tpu.enqueue_indirect_dma source(%dma_start3A_405 : memref<100000x16xf32, #tpu.memory_space<hbm>>) target(%arg11 : memref<512x16xf32, #tpu.memory_space<vmem>>) offsets(%arg9 : memref<512xi32, #tpu.memory_space<vmem>>) semaphore(%arg20 : memref<!tpu.dma_semaphore, #tpu.memory_space<semaphore_mem>>)
      } else {
      }
      %dma_wait3A_156 = arith.constant 0 : i32
      %dma_wait3A_157 = arith.constant 0 : i32
      %dma_wait3A_158 = tpu.memref_slice %arg4[%dma_wait3A_156, %dma_wait3A_157] : memref<100000x16xf32, #tpu.memory_space<hbm>> -> memref<100000x16xf32, #tpu.memory_space<hbm>>
      tpu.wait_indirect_dma semaphore(%arg19 : memref<!tpu.dma_semaphore, #tpu.memory_space<semaphore_mem>>) src(%dma_wait3A_158 : memref<100000x16xf32, #tpu.memory_space<hbm>>) dst(%arg10 : memref<512x16xf32, #tpu.memory_space<vmem>>)
      %ge3A = arith.constant 2 : i32
      %ge3A_159 = arith.cmpi sge, %add3A_151, %ge3A : i32
      %convert_element_type3A_160 = arith.extui %ge3A_159 : i1 to i32
      %cond3A_161 = arith.constant 0 : i32
      %cond3A_162 = arith.cmpi ne, %convert_element_type3A_160, %cond3A_161 : i32
      scf.if %cond3A_162 {
        %dma_wait3A_399 = arith.constant 0 : i32
        %dma_wait3A_400 = tpu.memref_slice %arg12[%dma_wait3A_399] : memref<8192xf32, #tpu.memory_space<vmem>> -> memref<4096xf32, #tpu.memory_space<vmem>>
        %dma_wait3A_401 = arith.constant 0 : i32
        %dma_wait3A_402 = tpu.memref_slice %arg7[%dma_wait3A_401] : memref<52428800xf32, #tpu.memory_space<hbm>> -> memref<4096xf32, #tpu.memory_space<hbm>>
        %dma_wait3A_403 = arith.constant 0 : i32
        %dma_wait3A_404 = tpu.memref_slice %arg7[%dma_wait3A_403] : memref<52428800xf32, #tpu.memory_space<hbm>> -> memref<4096xf32, #tpu.memory_space<hbm>>
        %dma_wait3A_405 = arith.constant 0 : i32
        %dma_wait3A_406 = tpu.memref_slice %arg12[%dma_wait3A_405] : memref<8192xf32, #tpu.memory_space<vmem>> -> memref<4096xf32, #tpu.memory_space<vmem>>
        tpu.wait_dma2 semaphore(%arg21 : memref<!tpu.dma_semaphore, #tpu.memory_space<semaphore_mem>>) src(%dma_wait3A_406 : memref<4096xf32, #tpu.memory_space<vmem>>) dst(%dma_wait3A_404 : memref<4096xf32, #tpu.memory_space<hbm>>)
        %dma_wait3A_407 = arith.constant 4096 : i32
        %dma_wait3A_408 = tpu.memref_slice %arg12[%dma_wait3A_407] : memref<8192xf32, #tpu.memory_space<vmem>> -> memref<4096xf32, #tpu.memory_space<vmem>>
        %dma_wait3A_409 = arith.constant 0 : i32
        %dma_wait3A_410 = tpu.memref_slice %arg7[%dma_wait3A_409] : memref<52428800xf32, #tpu.memory_space<hbm>> -> memref<4096xf32, #tpu.memory_space<hbm>>
        %dma_wait3A_411 = arith.constant 0 : i32
        %dma_wait3A_412 = tpu.memref_slice %arg7[%dma_wait3A_411] : memref<52428800xf32, #tpu.memory_space<hbm>> -> memref<4096xf32, #tpu.memory_space<hbm>>
        %dma_wait3A_413 = arith.constant 4096 : i32
        %dma_wait3A_414 = tpu.memref_slice %arg12[%dma_wait3A_413] : memref<8192xf32, #tpu.memory_space<vmem>> -> memref<4096xf32, #tpu.memory_space<vmem>>
        tpu.wait_dma2 semaphore(%arg21 : memref<!tpu.dma_semaphore, #tpu.memory_space<semaphore_mem>>) src(%dma_wait3A_414 : memref<4096xf32, #tpu.memory_space<vmem>>) dst(%dma_wait3A_412 : memref<4096xf32, #tpu.memory_space<hbm>>)
      } else {
      }
      %mul3A_163 = arith.constant 256 : i32
      %mul3A_164 = arith.muli %add3A_151, %mul3A_163 : i32
      %add3A_165 = arith.constant 0 : i32
      %add3A_166 = arith.addi %mul3A_164, %add3A_165 : i32
      %get3A = arith.index_cast %add3A_166 : i32 to index
      %get3A_167 = tpu.vector_load %arg14[%get3A] {strides = array<i32>} : memref<51200xf32, #tpu.memory_space<vmem>>, vector<16xf32>,
      %add3A_168 = arith.constant 16 : i32
      %add3A_169 = arith.addi %mul3A_164, %add3A_168 : i32
      %get3A_170 = arith.index_cast %add3A_169 : i32 to index
      %get3A_171 = tpu.vector_load %arg14[%get3A_170] {strides = array<i32>} : memref<51200xf32, #tpu.memory_space<vmem>>, vector<16xf32>,
      %add3A_172 = arith.constant 32 : i32
      %add3A_173 = arith.addi %mul3A_164, %add3A_172 : i32
      %get3A_174 = arith.index_cast %add3A_173 : i32 to index
      %get3A_175 = tpu.vector_load %arg14[%get3A_174] {strides = array<i32>} : memref<51200xf32, #tpu.memory_space<vmem>>, vector<16xf32>,
      %add3A_176 = arith.constant 48 : i32
      %add3A_177 = arith.addi %mul3A_164, %add3A_176 : i32
      %get3A_178 = arith.index_cast %add3A_177 : i32 to index
      %get3A_179 = tpu.vector_load %arg14[%get3A_178] {strides = array<i32>} : memref<51200xf32, #tpu.memory_space<vmem>>, vector<16xf32>,
      %add3A_180 = arith.constant 64 : i32
      %add3A_181 = arith.addi %mul3A_164, %add3A_180 : i32
      %get3A_182 = arith.index_cast %add3A_181 : i32 to index
      %get3A_183 = tpu.vector_load %arg14[%get3A_182] {strides = array<i32>} : memref<51200xf32, #tpu.memory_space<vmem>>, vector<16xf32>,
      %add3A_184 = arith.constant 80 : i32
      %add3A_185 = arith.addi %mul3A_164, %add3A_184 : i32
      %get3A_186 = arith.index_cast %add3A_185 : i32 to index
      %get3A_187 = tpu.vector_load %arg14[%get3A_186] {strides = array<i32>} : memref<51200xf32, #tpu.memory_space<vmem>>, vector<16xf32>,
      %add3A_188 = arith.constant 96 : i32
      %add3A_189 = arith.addi %mul3A_164, %add3A_188 : i32
      %get3A_190 = arith.index_cast %add3A_189 : i32 to index
      %get3A_191 = tpu.vector_load %arg14[%get3A_190] {strides = array<i32>} : memref<51200xf32, #tpu.memory_space<vmem>>, vector<16xf32>,
      %add3A_192 = arith.constant 112 : i32
      %add3A_193 = arith.addi %mul3A_164, %add3A_192 : i32
      %get3A_194 = arith.index_cast %add3A_193 : i32 to index
      %get3A_195 = tpu.vector_load %arg14[%get3A_194] {strides = array<i32>} : memref<51200xf32, #tpu.memory_space<vmem>>, vector<16xf32>,
      %add3A_196 = arith.constant 128 : i32
      %add3A_197 = arith.addi %mul3A_164, %add3A_196 : i32
      %get3A_198 = arith.index_cast %add3A_197 : i32 to index
      %get3A_199 = tpu.vector_load %arg14[%get3A_198] {strides = array<i32>} : memref<51200xf32, #tpu.memory_space<vmem>>, vector<16xf32>,
      %add3A_200 = arith.constant 144 : i32
      %add3A_201 = arith.addi %mul3A_164, %add3A_200 : i32
      %get3A_202 = arith.index_cast %add3A_201 : i32 to index
      %get3A_203 = tpu.vector_load %arg14[%get3A_202] {strides = array<i32>} : memref<51200xf32, #tpu.memory_space<vmem>>, vector<16xf32>,
      %add3A_204 = arith.constant 160 : i32
      %add3A_205 = arith.addi %mul3A_164, %add3A_204 : i32
      %get3A_206 = arith.index_cast %add3A_205 : i32 to index
      %get3A_207 = tpu.vector_load %arg14[%get3A_206] {strides = array<i32>} : memref<51200xf32, #tpu.memory_space<vmem>>, vector<16xf32>,
      %add3A_208 = arith.constant 176 : i32
      %add3A_209 = arith.addi %mul3A_164, %add3A_208 : i32
      %get3A_210 = arith.index_cast %add3A_209 : i32 to index
      %get3A_211 = tpu.vector_load %arg14[%get3A_210] {strides = array<i32>} : memref<51200xf32, #tpu.memory_space<vmem>>, vector<16xf32>,
      %add3A_212 = arith.constant 192 : i32
      %add3A_213 = arith.addi %mul3A_164, %add3A_212 : i32
      %get3A_214 = arith.index_cast %add3A_213 : i32 to index
      %get3A_215 = tpu.vector_load %arg14[%get3A_214] {strides = array<i32>} : memref<51200xf32, #tpu.memory_space<vmem>>, vector<16xf32>,
      %add3A_216 = arith.constant 208 : i32
      %add3A_217 = arith.addi %mul3A_164, %add3A_216 : i32
      %get3A_218 = arith.index_cast %add3A_217 : i32 to index
      %get3A_219 = tpu.vector_load %arg14[%get3A_218] {strides = array<i32>} : memref<51200xf32, #tpu.memory_space<vmem>>, vector<16xf32>,
      %add3A_220 = arith.constant 224 : i32
      %add3A_221 = arith.addi %mul3A_164, %add3A_220 : i32
      %get3A_222 = arith.index_cast %add3A_221 : i32 to index
      %get3A_223 = tpu.vector_load %arg14[%get3A_222] {strides = array<i32>} : memref<51200xf32, #tpu.memory_space<vmem>>, vector<16xf32>,
      %add3A_224 = arith.constant 240 : i32
      %add3A_225 = arith.addi %mul3A_164, %add3A_224 : i32
      %get3A_226 = arith.index_cast %add3A_225 : i32 to index
      %get3A_227 = tpu.vector_load %arg14[%get3A_226] {strides = array<i32>} : memref<51200xf32, #tpu.memory_space<vmem>>, vector<16xf32>,
      %scan3A_228 = arith.constant 0 : i32
      %scan3A_229 = arith.constant 0 : i32
      %scan3A_230 = arith.constant 8 : i32
      %scan3A_231 = arith.addi %scan3A_229, %scan3A_230 : i32
      %scan3A_232 = arith.constant 1 : i32
      scf.for %scan3A_399 = %scan3A_229 to %scan3A_231 step %scan3A_232  : i32 {
        %mul3A_400 = arith.constant 4 : i32
        %mul3A_401 = arith.muli %mul3A_400, %scan3A_399 : i32
        %add3A_402 = arith.constant 0 : i32
        %add3A_403 = arith.addi %mul3A_401, %add3A_402 : i32
        %mul3A_404 = arith.constant 16 : i32
        %mul3A_405 = arith.muli %add3A_403, %mul3A_404 : i32
        %add3A_406 = vector.broadcast %mul3A_405 : i32 to vector<16xi32>
        %add3A_407 = arith.addi %add3A_406, %iota3A : vector<16xi32>
        %jit3A = arith.constant 8 : i32
        %div3A = arith.divsi %add3A_403, %jit3A : i32
        %sign3A = arith.constant 0 : i32
        %sign3A_408 = arith.cmpi sgt, %add3A_403, %sign3A : i32
        %sign3A_409 = arith.extui %sign3A_408 : i1 to i32
        %sign3A_410 = arith.constant 0 : i32
        %sign3A_411 = arith.cmpi slt, %add3A_403, %sign3A_410 : i32
        %sign3A_412 = arith.extui %sign3A_411 : i1 to i32
        %sign3A_413 = arith.subi %sign3A_409, %sign3A_412 : i32
        %sign3A_414 = arith.constant 0 : i32
        %sign3A_415 = arith.cmpi sgt, %jit3A, %sign3A_414 : i32
        %sign3A_416 = arith.extui %sign3A_415 : i1 to i32
        %sign3A_417 = arith.constant 0 : i32
        %sign3A_418 = arith.cmpi slt, %jit3A, %sign3A_417 : i32
        %sign3A_419 = arith.extui %sign3A_418 : i1 to i32
        %sign3A_420 = arith.subi %sign3A_416, %sign3A_419 : i32
        %ne3A = arith.cmpi ne, %sign3A_413, %sign3A_420 : i32
        %rem3A = arith.remsi %add3A_403, %jit3A : i32
        %ne3A_421 = arith.constant 0 : i32
        %ne3A_422 = arith.cmpi ne, %rem3A, %ne3A_421 : i32
        %and3A = arith.andi %ne3A, %ne3A_422 : i1
        %sub3A = arith.constant 1 : i32
        %sub3A_423 = arith.subi %div3A, %sub3A : i32
        %select_n3A = arith.select %and3A, %sub3A_423, %div3A : i32
        %mul3A_424 = arith.constant 1024 : i32
        %mul3A_425 = arith.muli %select_n3A, %mul3A_424 : i32
        %jit3A_426 = arith.constant 8 : i32
        %eq3A = arith.constant 0 : i32
        %eq3A_427 = arith.cmpi eq, %jit3A_426, %eq3A : i32
        %jit3A_428 = arith.constant 1 : i32
        %select_n3A_429 = arith.select %eq3A_427, %jit3A_428, %jit3A_426 : i32
        %rem3A_430 = arith.remsi %add3A_403, %select_n3A_429 : i32
        %ne3A_431 = arith.constant 0 : i32
        %ne3A_432 = arith.cmpi ne, %rem3A_430, %ne3A_431 : i32
        %lt3A_433 = arith.constant 0 : i32
        %lt3A_434 = arith.cmpi slt, %rem3A_430, %lt3A_433 : i32
        %lt3A_435 = arith.constant 0 : i32
        %lt3A_436 = arith.cmpi slt, %select_n3A_429, %lt3A_435 : i32
        %ne3A_437 = arith.xori %lt3A_434, %lt3A_436 : i1
        %and3A_438 = arith.andi %ne3A_437, %ne3A_432 : i1
        %add3A_439 = arith.addi %rem3A_430, %select_n3A_429 : i32
        %select_n3A_440 = arith.select %and3A_438, %add3A_439, %rem3A_430 : i32
        %mul3A_441 = arith.constant 16 : i32
        %mul3A_442 = arith.muli %select_n3A_440, %mul3A_441 : i32
        %add3A_443 = arith.addi %mul3A_425, %mul3A_442 : i32
        %broadcast_in_dim3A_444 = arith.constant 0 : i32
        %broadcast_in_dim3A_445 = vector.broadcast %broadcast_in_dim3A_444 : i32 to vector<16xi32>
        %gather3A_446 = tpu.vector_load_idx %arg10[%add3A_407, %broadcast_in_dim3A_445] : memref<512x16xf32, #tpu.memory_space<vmem>>[vector<16xi32>, vector<16xi32>], vector<16xf32>,
        %add3A_447 = arith.addf %gather3A_446, %get3A_167 : vector<16xf32>
        %broadcast_in_dim3A_448 = arith.constant 1 : i32
        %broadcast_in_dim3A_449 = vector.broadcast %broadcast_in_dim3A_448 : i32 to vector<16xi32>
        %gather3A_450 = tpu.vector_load_idx %arg10[%add3A_407, %broadcast_in_dim3A_449] : memref<512x16xf32, #tpu.memory_space<vmem>>[vector<16xi32>, vector<16xi32>], vector<16xf32>,
        %add3A_451 = arith.addf %gather3A_450, %get3A_171 : vector<16xf32>
        %broadcast_in_dim3A_452 = arith.constant 2 : i32
        %broadcast_in_dim3A_453 = vector.broadcast %broadcast_in_dim3A_452 : i32 to vector<16xi32>
        %gather3A_454 = tpu.vector_load_idx %arg10[%add3A_407, %broadcast_in_dim3A_453] : memref<512x16xf32, #tpu.memory_space<vmem>>[vector<16xi32>, vector<16xi32>], vector<16xf32>,
        %add3A_455 = arith.addf %gather3A_454, %get3A_175 : vector<16xf32>
        %broadcast_in_dim3A_456 = arith.constant 3 : i32
        %broadcast_in_dim3A_457 = vector.broadcast %broadcast_in_dim3A_456 : i32 to vector<16xi32>
        %gather3A_458 = tpu.vector_load_idx %arg10[%add3A_407, %broadcast_in_dim3A_457] : memref<512x16xf32, #tpu.memory_space<vmem>>[vector<16xi32>, vector<16xi32>], vector<16xf32>,
        %add3A_459 = arith.addf %gather3A_458, %get3A_179 : vector<16xf32>
        %broadcast_in_dim3A_460 = arith.constant 4 : i32
        %broadcast_in_dim3A_461 = vector.broadcast %broadcast_in_dim3A_460 : i32 to vector<16xi32>
        %gather3A_462 = tpu.vector_load_idx %arg10[%add3A_407, %broadcast_in_dim3A_461] : memref<512x16xf32, #tpu.memory_space<vmem>>[vector<16xi32>, vector<16xi32>], vector<16xf32>,
        %add3A_463 = arith.addf %gather3A_462, %get3A_183 : vector<16xf32>
        %broadcast_in_dim3A_464 = arith.constant 5 : i32
        %broadcast_in_dim3A_465 = vector.broadcast %broadcast_in_dim3A_464 : i32 to vector<16xi32>
        %gather3A_466 = tpu.vector_load_idx %arg10[%add3A_407, %broadcast_in_dim3A_465] : memref<512x16xf32, #tpu.memory_space<vmem>>[vector<16xi32>, vector<16xi32>], vector<16xf32>,
        %add3A_467 = arith.addf %gather3A_466, %get3A_187 : vector<16xf32>
        %broadcast_in_dim3A_468 = arith.constant 6 : i32
        %broadcast_in_dim3A_469 = vector.broadcast %broadcast_in_dim3A_468 : i32 to vector<16xi32>
        %gather3A_470 = tpu.vector_load_idx %arg10[%add3A_407, %broadcast_in_dim3A_469] : memref<512x16xf32, #tpu.memory_space<vmem>>[vector<16xi32>, vector<16xi32>], vector<16xf32>,
        %add3A_471 = arith.addf %gather3A_470, %get3A_191 : vector<16xf32>
        %broadcast_in_dim3A_472 = arith.constant 7 : i32
        %broadcast_in_dim3A_473 = vector.broadcast %broadcast_in_dim3A_472 : i32 to vector<16xi32>
        %gather3A_474 = tpu.vector_load_idx %arg10[%add3A_407, %broadcast_in_dim3A_473] : memref<512x16xf32, #tpu.memory_space<vmem>>[vector<16xi32>, vector<16xi32>], vector<16xf32>,
        %add3A_475 = arith.addf %gather3A_474, %get3A_195 : vector<16xf32>
        %broadcast_in_dim3A_476 = arith.constant 8 : i32
        %broadcast_in_dim3A_477 = vector.broadcast %broadcast_in_dim3A_476 : i32 to vector<16xi32>
        %gather3A_478 = tpu.vector_load_idx %arg10[%add3A_407, %broadcast_in_dim3A_477] : memref<512x16xf32, #tpu.memory_space<vmem>>[vector<16xi32>, vector<16xi32>], vector<16xf32>,
        %add3A_479 = arith.addf %gather3A_478, %get3A_199 : vector<16xf32>
        %broadcast_in_dim3A_480 = arith.constant 9 : i32
        %broadcast_in_dim3A_481 = vector.broadcast %broadcast_in_dim3A_480 : i32 to vector<16xi32>
        %gather3A_482 = tpu.vector_load_idx %arg10[%add3A_407, %broadcast_in_dim3A_481] : memref<512x16xf32, #tpu.memory_space<vmem>>[vector<16xi32>, vector<16xi32>], vector<16xf32>,
        %add3A_483 = arith.addf %gather3A_482, %get3A_203 : vector<16xf32>
        %broadcast_in_dim3A_484 = arith.constant 10 : i32
        %broadcast_in_dim3A_485 = vector.broadcast %broadcast_in_dim3A_484 : i32 to vector<16xi32>
        %gather3A_486 = tpu.vector_load_idx %arg10[%add3A_407, %broadcast_in_dim3A_485] : memref<512x16xf32, #tpu.memory_space<vmem>>[vector<16xi32>, vector<16xi32>], vector<16xf32>,
        %add3A_487 = arith.addf %gather3A_486, %get3A_207 : vector<16xf32>
        %broadcast_in_dim3A_488 = arith.constant 11 : i32
        %broadcast_in_dim3A_489 = vector.broadcast %broadcast_in_dim3A_488 : i32 to vector<16xi32>
        %gather3A_490 = tpu.vector_load_idx %arg10[%add3A_407, %broadcast_in_dim3A_489] : memref<512x16xf32, #tpu.memory_space<vmem>>[vector<16xi32>, vector<16xi32>], vector<16xf32>,
        %add3A_491 = arith.addf %gather3A_490, %get3A_211 : vector<16xf32>
        %broadcast_in_dim3A_492 = arith.constant 12 : i32
        %broadcast_in_dim3A_493 = vector.broadcast %broadcast_in_dim3A_492 : i32 to vector<16xi32>
        %gather3A_494 = tpu.vector_load_idx %arg10[%add3A_407, %broadcast_in_dim3A_493] : memref<512x16xf32, #tpu.memory_space<vmem>>[vector<16xi32>, vector<16xi32>], vector<16xf32>,
        %add3A_495 = arith.addf %gather3A_494, %get3A_215 : vector<16xf32>
        %broadcast_in_dim3A_496 = arith.constant 13 : i32
        %broadcast_in_dim3A_497 = vector.broadcast %broadcast_in_dim3A_496 : i32 to vector<16xi32>
        %gather3A_498 = tpu.vector_load_idx %arg10[%add3A_407, %broadcast_in_dim3A_497] : memref<512x16xf32, #tpu.memory_space<vmem>>[vector<16xi32>, vector<16xi32>], vector<16xf32>,
        %add3A_499 = arith.addf %gather3A_498, %get3A_219 : vector<16xf32>
        %broadcast_in_dim3A_500 = arith.constant 14 : i32
        %broadcast_in_dim3A_501 = vector.broadcast %broadcast_in_dim3A_500 : i32 to vector<16xi32>
        %gather3A_502 = tpu.vector_load_idx %arg10[%add3A_407, %broadcast_in_dim3A_501] : memref<512x16xf32, #tpu.memory_space<vmem>>[vector<16xi32>, vector<16xi32>], vector<16xf32>,
        %add3A_503 = arith.addf %gather3A_502, %get3A_223 : vector<16xf32>
        %broadcast_in_dim3A_504 = arith.constant 15 : i32
        %broadcast_in_dim3A_505 = vector.broadcast %broadcast_in_dim3A_504 : i32 to vector<16xi32>
        %gather3A_506 = tpu.vector_load_idx %arg10[%add3A_407, %broadcast_in_dim3A_505] : memref<512x16xf32, #tpu.memory_space<vmem>>[vector<16xi32>, vector<16xi32>], vector<16xf32>,
        %add3A_507 = arith.addf %gather3A_506, %get3A_227 : vector<16xf32>
        %add3A_508 = arith.addf %add3A_447, %add3A_451 : vector<16xf32>
        %add3A_509 = arith.addf %add3A_455, %add3A_459 : vector<16xf32>
        %add3A_510 = arith.addf %add3A_463, %add3A_467 : vector<16xf32>
        %add3A_511 = arith.addf %add3A_471, %add3A_475 : vector<16xf32>
        %add3A_512 = arith.addf %add3A_479, %add3A_483 : vector<16xf32>
        %add3A_513 = arith.addf %add3A_487, %add3A_491 : vector<16xf32>
        %add3A_514 = arith.addf %add3A_495, %add3A_499 : vector<16xf32>
        %add3A_515 = arith.addf %add3A_503, %add3A_507 : vector<16xf32>
        %add3A_516 = arith.addf %add3A_508, %add3A_509 : vector<16xf32>
        %add3A_517 = arith.addf %add3A_510, %add3A_511 : vector<16xf32>
        %add3A_518 = arith.addf %add3A_512, %add3A_513 : vector<16xf32>
        %add3A_519 = arith.addf %add3A_514, %add3A_515 : vector<16xf32>
        %add3A_520 = arith.addf %add3A_516, %add3A_517 : vector<16xf32>
        %add3A_521 = arith.addf %add3A_518, %add3A_519 : vector<16xf32>
        %add3A_522 = arith.addf %add3A_520, %add3A_521 : vector<16xf32>
        %mul3A_523 = arith.constant 6.250000e-02 : f32
        %mul3A_524 = vector.broadcast %mul3A_523 : f32 to vector<16xf32>
        %mul3A_525 = arith.mulf %add3A_522, %mul3A_524 : vector<16xf32>
        %sub3A_526 = arith.subf %add3A_447, %mul3A_525 : vector<16xf32>
        %sub3A_527 = arith.subf %add3A_451, %mul3A_525 : vector<16xf32>
        %sub3A_528 = arith.subf %add3A_455, %mul3A_525 : vector<16xf32>
        %sub3A_529 = arith.subf %add3A_459, %mul3A_525 : vector<16xf32>
        %sub3A_530 = arith.subf %add3A_463, %mul3A_525 : vector<16xf32>
        %sub3A_531 = arith.subf %add3A_467, %mul3A_525 : vector<16xf32>
        %sub3A_532 = arith.subf %add3A_471, %mul3A_525 : vector<16xf32>
        %sub3A_533 = arith.subf %add3A_475, %mul3A_525 : vector<16xf32>
        %sub3A_534 = arith.subf %add3A_479, %mul3A_525 : vector<16xf32>
        %sub3A_535 = arith.subf %add3A_483, %mul3A_525 : vector<16xf32>
        %sub3A_536 = arith.subf %add3A_487, %mul3A_525 : vector<16xf32>
        %sub3A_537 = arith.subf %add3A_491, %mul3A_525 : vector<16xf32>
        %sub3A_538 = arith.subf %add3A_495, %mul3A_525 : vector<16xf32>
        %sub3A_539 = arith.subf %add3A_499, %mul3A_525 : vector<16xf32>
        %sub3A_540 = arith.subf %add3A_503, %mul3A_525 : vector<16xf32>
        %sub3A_541 = arith.subf %add3A_507, %mul3A_525 : vector<16xf32>
        %mul3A_542 = arith.mulf %sub3A_526, %sub3A_526 : vector<16xf32>
        %mul3A_543 = arith.mulf %sub3A_527, %sub3A_527 : vector<16xf32>
        %mul3A_544 = arith.mulf %sub3A_528, %sub3A_528 : vector<16xf32>
        %mul3A_545 = arith.mulf %sub3A_529, %sub3A_529 : vector<16xf32>
        %mul3A_546 = arith.mulf %sub3A_530, %sub3A_530 : vector<16xf32>
        %mul3A_547 = arith.mulf %sub3A_531, %sub3A_531 : vector<16xf32>
        %mul3A_548 = arith.mulf %sub3A_532, %sub3A_532 : vector<16xf32>
        %mul3A_549 = arith.mulf %sub3A_533, %sub3A_533 : vector<16xf32>
        %mul3A_550 = arith.mulf %sub3A_534, %sub3A_534 : vector<16xf32>
        %mul3A_551 = arith.mulf %sub3A_535, %sub3A_535 : vector<16xf32>
        %mul3A_552 = arith.mulf %sub3A_536, %sub3A_536 : vector<16xf32>
        %mul3A_553 = arith.mulf %sub3A_537, %sub3A_537 : vector<16xf32>
        %mul3A_554 = arith.mulf %sub3A_538, %sub3A_538 : vector<16xf32>
        %mul3A_555 = arith.mulf %sub3A_539, %sub3A_539 : vector<16xf32>
        %mul3A_556 = arith.mulf %sub3A_540, %sub3A_540 : vector<16xf32>
        %mul3A_557 = arith.mulf %sub3A_541, %sub3A_541 : vector<16xf32>
        %add3A_558 = arith.addf %mul3A_542, %mul3A_543 : vector<16xf32>
        %add3A_559 = arith.addf %mul3A_544, %mul3A_545 : vector<16xf32>
        %add3A_560 = arith.addf %mul3A_546, %mul3A_547 : vector<16xf32>
        %add3A_561 = arith.addf %mul3A_548, %mul3A_549 : vector<16xf32>
        %add3A_562 = arith.addf %mul3A_550, %mul3A_551 : vector<16xf32>
        %add3A_563 = arith.addf %mul3A_552, %mul3A_553 : vector<16xf32>
        %add3A_564 = arith.addf %mul3A_554, %mul3A_555 : vector<16xf32>
        %add3A_565 = arith.addf %mul3A_556, %mul3A_557 : vector<16xf32>
        %add3A_566 = arith.addf %add3A_558, %add3A_559 : vector<16xf32>
        %add3A_567 = arith.addf %add3A_560, %add3A_561 : vector<16xf32>
        %add3A_568 = arith.addf %add3A_562, %add3A_563 : vector<16xf32>
        %add3A_569 = arith.addf %add3A_564, %add3A_565 : vector<16xf32>
        %add3A_570 = arith.addf %add3A_566, %add3A_567 : vector<16xf32>
        %add3A_571 = arith.addf %add3A_568, %add3A_569 : vector<16xf32>
        %add3A_572 = arith.addf %add3A_570, %add3A_571 : vector<16xf32>
        %mul3A_573 = arith.constant 6.250000e-02 : f32
        %mul3A_574 = vector.broadcast %mul3A_573 : f32 to vector<16xf32>
        %mul3A_575 = arith.mulf %add3A_572, %mul3A_574 : vector<16xf32>
        %add3A_576 = arith.constant 9.99999974E-6 : f32
        %add3A_577 = vector.broadcast %add3A_576 : f32 to vector<16xf32>
        %add3A_578 = arith.addf %mul3A_575, %add3A_577 : vector<16xf32>
        %bitcast_convert_type3A = tpu.bitcast %add3A_578 : vector<16xf32> -> vector<16xi32>
        %shift_right_arithmetic3A = arith.constant 1 : i32
        %shift_right_arithmetic3A_579 = vector.broadcast %shift_right_arithmetic3A : i32 to vector<16xi32>
        %shift_right_arithmetic3A_580 = arith.shrsi %bitcast_convert_type3A, %shift_right_arithmetic3A_579 : vector<16xi32>
        %sub3A_581 = arith.constant 1597463007 : i32
        %sub3A_582 = vector.broadcast %sub3A_581 : i32 to vector<16xi32>
        %sub3A_583 = arith.subi %sub3A_582, %shift_right_arithmetic3A_580 : vector<16xi32>
        %bitcast_convert_type3A_584 = tpu.bitcast %sub3A_583 : vector<16xi32> -> vector<16xf32>
        %mul3A_585 = arith.constant 5.000000e-01 : f32
        %mul3A_586 = vector.broadcast %mul3A_585 : f32 to vector<16xf32>
        %mul3A_587 = arith.mulf %mul3A_586, %add3A_578 : vector<16xf32>
        %mul3A_588 = arith.mulf %mul3A_587, %bitcast_convert_type3A_584 : vector<16xf32>
        %mul3A_589 = arith.mulf %mul3A_588, %bitcast_convert_type3A_584 : vector<16xf32>
        %sub3A_590 = arith.constant 1.500000e+00 : f32
        %sub3A_591 = vector.broadcast %sub3A_590 : f32 to vector<16xf32>
        %sub3A_592 = arith.subf %sub3A_591, %mul3A_589 : vector<16xf32>
        %mul3A_593 = arith.mulf %bitcast_convert_type3A_584, %sub3A_592 : vector<16xf32>
        %mul3A_594 = arith.constant 5.000000e-01 : f32
        %mul3A_595 = vector.broadcast %mul3A_594 : f32 to vector<16xf32>
        %mul3A_596 = arith.mulf %mul3A_595, %add3A_578 : vector<16xf32>
        %mul3A_597 = arith.mulf %mul3A_596, %mul3A_593 : vector<16xf32>
        %mul3A_598 = arith.mulf %mul3A_597, %mul3A_593 : vector<16xf32>
        %sub3A_599 = arith.constant 1.500000e+00 : f32
        %sub3A_600 = vector.broadcast %sub3A_599 : f32 to vector<16xf32>
        %sub3A_601 = arith.subf %sub3A_600, %mul3A_598 : vector<16xf32>
        %mul3A_602 = arith.mulf %mul3A_593, %sub3A_601 : vector<16xf32>
        %add3A_603 = arith.constant 0 : i32
        %add3A_604 = arith.addi %add3A_443, %add3A_603 : i32
        %add3A_605 = arith.constant 0 : i32
        %add3A_606 = arith.addi %add3A_604, %add3A_605 : i32
        %add3A_607 = vector.broadcast %add3A_606 : i32 to vector<16xi32>
        %add3A_608 = arith.addi %add3A_607, %iota3A : vector<16xi32>
        %mul3A_609 = arith.mulf %mul3A_602, %gather3A : vector<16xf32>
        %mul3A_610 = arith.mulf %sub3A_526, %mul3A_609 : vector<16xf32>
        %add3A_611 = arith.addf %mul3A_610, %gather3A_51 : vector<16xf32>
        tpu.vector_store_idx %arg12[%add3A_608], %add3A_611 : memref<8192xf32, #tpu.memory_space<vmem>>[vector<16xi32>], vector<16xf32>,
        %add3A_612 = arith.constant 0 : i32
        %add3A_613 = arith.addi %add3A_443, %add3A_612 : i32
        %add3A_614 = arith.constant 128 : i32
        %add3A_615 = arith.addi %add3A_613, %add3A_614 : i32
        %add3A_616 = vector.broadcast %add3A_615 : i32 to vector<16xi32>
        %add3A_617 = arith.addi %add3A_616, %iota3A : vector<16xi32>
        %mul3A_618 = arith.mulf %mul3A_602, %gather3A_6 : vector<16xf32>
        %mul3A_619 = arith.mulf %sub3A_527, %mul3A_618 : vector<16xf32>
        %add3A_620 = arith.addf %mul3A_619, %gather3A_54 : vector<16xf32>
        tpu.vector_store_idx %arg12[%add3A_617], %add3A_620 : memref<8192xf32, #tpu.memory_space<vmem>>[vector<16xi32>], vector<16xf32>,
        %add3A_621 = arith.constant 0 : i32
        %add3A_622 = arith.addi %add3A_443, %add3A_621 : i32
        %add3A_623 = arith.constant 256 : i32
        %add3A_624 = arith.addi %add3A_622, %add3A_623 : i32
        %add3A_625 = vector.broadcast %add3A_624 : i32 to vector<16xi32>
        %add3A_626 = arith.addi %add3A_625, %iota3A : vector<16xi32>
        %mul3A_627 = arith.mulf %mul3A_602, %gather3A_9 : vector<16xf32>
        %mul3A_628 = arith.mulf %sub3A_528, %mul3A_627 : vector<16xf32>
        %add3A_629 = arith.addf %mul3A_628, %gather3A_57 : vector<16xf32>
        tpu.vector_store_idx %arg12[%add3A_626], %add3A_629 : memref<8192xf32, #tpu.memory_space<vmem>>[vector<16xi32>], vector<16xf32>,
        %add3A_630 = arith.constant 0 : i32
        %add3A_631 = arith.addi %add3A_443, %add3A_630 : i32
        %add3A_632 = arith.constant 384 : i32
        %add3A_633 = arith.addi %add3A_631, %add3A_632 : i32
        %add3A_634 = vector.broadcast %add3A_633 : i32 to vector<16xi32>
        %add3A_635 = arith.addi %add3A_634, %iota3A : vector<16xi32>
        %mul3A_636 = arith.mulf %mul3A_602, %gather3A_12 : vector<16xf32>
        %mul3A_637 = arith.mulf %sub3A_529, %mul3A_636 : vector<16xf32>
        %add3A_638 = arith.addf %mul3A_637, %gather3A_60 : vector<16xf32>
        tpu.vector_store_idx %arg12[%add3A_635], %add3A_638 : memref<8192xf32, #tpu.memory_space<vmem>>[vector<16xi32>], vector<16xf32>,
        %add3A_639 = arith.constant 0 : i32
        %add3A_640 = arith.addi %add3A_443, %add3A_639 : i32
        %add3A_641 = arith.constant 512 : i32
        %add3A_642 = arith.addi %add3A_640, %add3A_641 : i32
        %add3A_643 = vector.broadcast %add3A_642 : i32 to vector<16xi32>
        %add3A_644 = arith.addi %add3A_643, %iota3A : vector<16xi32>
        %mul3A_645 = arith.mulf %mul3A_602, %gather3A_15 : vector<16xf32>
        %mul3A_646 = arith.mulf %sub3A_530, %mul3A_645 : vector<16xf32>
        %add3A_647 = arith.addf %mul3A_646, %gather3A_63 : vector<16xf32>
        tpu.vector_store_idx %arg12[%add3A_644], %add3A_647 : memref<8192xf32, #tpu.memory_space<vmem>>[vector<16xi32>], vector<16xf32>,
        %add3A_648 = arith.constant 0 : i32
        %add3A_649 = arith.addi %add3A_443, %add3A_648 : i32
        %add3A_650 = arith.constant 640 : i32
        %add3A_651 = arith.addi %add3A_649, %add3A_650 : i32
        %add3A_652 = vector.broadcast %add3A_651 : i32 to vector<16xi32>
        %add3A_653 = arith.addi %add3A_652, %iota3A : vector<16xi32>
        %mul3A_654 = arith.mulf %mul3A_602, %gather3A_18 : vector<16xf32>
        %mul3A_655 = arith.mulf %sub3A_531, %mul3A_654 : vector<16xf32>
        %add3A_656 = arith.addf %mul3A_655, %gather3A_66 : vector<16xf32>
        tpu.vector_store_idx %arg12[%add3A_653], %add3A_656 : memref<8192xf32, #tpu.memory_space<vmem>>[vector<16xi32>], vector<16xf32>,
        %add3A_657 = arith.constant 0 : i32
        %add3A_658 = arith.addi %add3A_443, %add3A_657 : i32
        %add3A_659 = arith.constant 768 : i32
        %add3A_660 = arith.addi %add3A_658, %add3A_659 : i32
        %add3A_661 = vector.broadcast %add3A_660 : i32 to vector<16xi32>
        %add3A_662 = arith.addi %add3A_661, %iota3A : vector<16xi32>
        %mul3A_663 = arith.mulf %mul3A_602, %gather3A_21 : vector<16xf32>
        %mul3A_664 = arith.mulf %sub3A_532, %mul3A_663 : vector<16xf32>
        %add3A_665 = arith.addf %mul3A_664, %gather3A_69 : vector<16xf32>
        tpu.vector_store_idx %arg12[%add3A_662], %add3A_665 : memref<8192xf32, #tpu.memory_space<vmem>>[vector<16xi32>], vector<16xf32>,
        %add3A_666 = arith.constant 0 : i32
        %add3A_667 = arith.addi %add3A_443, %add3A_666 : i32
        %add3A_668 = arith.constant 896 : i32
        %add3A_669 = arith.addi %add3A_667, %add3A_668 : i32
        %add3A_670 = vector.broadcast %add3A_669 : i32 to vector<16xi32>
        %add3A_671 = arith.addi %add3A_670, %iota3A : vector<16xi32>
        %mul3A_672 = arith.mulf %mul3A_602, %gather3A_24 : vector<16xf32>
        %mul3A_673 = arith.mulf %sub3A_533, %mul3A_672 : vector<16xf32>
        %add3A_674 = arith.addf %mul3A_673, %gather3A_72 : vector<16xf32>
        tpu.vector_store_idx %arg12[%add3A_671], %add3A_674 : memref<8192xf32, #tpu.memory_space<vmem>>[vector<16xi32>], vector<16xf32>,
        %add3A_675 = arith.constant 4096 : i32
        %add3A_676 = arith.addi %add3A_443, %add3A_675 : i32
        %add3A_677 = arith.constant 0 : i32
        %add3A_678 = arith.addi %add3A_676, %add3A_677 : i32
        %add3A_679 = vector.broadcast %add3A_678 : i32 to vector<16xi32>
        %add3A_680 = arith.addi %add3A_679, %iota3A : vector<16xi32>
        %mul3A_681 = arith.mulf %mul3A_602, %gather3A_27 : vector<16xf32>
        %mul3A_682 = arith.mulf %sub3A_534, %mul3A_681 : vector<16xf32>
        %add3A_683 = arith.addf %mul3A_682, %gather3A_75 : vector<16xf32>
        tpu.vector_store_idx %arg12[%add3A_680], %add3A_683 : memref<8192xf32, #tpu.memory_space<vmem>>[vector<16xi32>], vector<16xf32>,
        %add3A_684 = arith.constant 4096 : i32
        %add3A_685 = arith.addi %add3A_443, %add3A_684 : i32
        %add3A_686 = arith.constant 128 : i32
        %add3A_687 = arith.addi %add3A_685, %add3A_686 : i32
        %add3A_688 = vector.broadcast %add3A_687 : i32 to vector<16xi32>
        %add3A_689 = arith.addi %add3A_688, %iota3A : vector<16xi32>
        %mul3A_690 = arith.mulf %mul3A_602, %gather3A_30 : vector<16xf32>
        %mul3A_691 = arith.mulf %sub3A_535, %mul3A_690 : vector<16xf32>
        %add3A_692 = arith.addf %mul3A_691, %gather3A_78 : vector<16xf32>
        tpu.vector_store_idx %arg12[%add3A_689], %add3A_692 : memref<8192xf32, #tpu.memory_space<vmem>>[vector<16xi32>], vector<16xf32>,
        %add3A_693 = arith.constant 4096 : i32
        %add3A_694 = arith.addi %add3A_443, %add3A_693 : i32
        %add3A_695 = arith.constant 256 : i32
        %add3A_696 = arith.addi %add3A_694, %add3A_695 : i32
        %add3A_697 = vector.broadcast %add3A_696 : i32 to vector<16xi32>
        %add3A_698 = arith.addi %add3A_697, %iota3A : vector<16xi32>
        %mul3A_699 = arith.mulf %mul3A_602, %gather3A_33 : vector<16xf32>
        %mul3A_700 = arith.mulf %sub3A_536, %mul3A_699 : vector<16xf32>
        %add3A_701 = arith.addf %mul3A_700, %gather3A_81 : vector<16xf32>
        tpu.vector_store_idx %arg12[%add3A_698], %add3A_701 : memref<8192xf32, #tpu.memory_space<vmem>>[vector<16xi32>], vector<16xf32>,
        %add3A_702 = arith.constant 4096 : i32
        %add3A_703 = arith.addi %add3A_443, %add3A_702 : i32
        %add3A_704 = arith.constant 384 : i32
        %add3A_705 = arith.addi %add3A_703, %add3A_704 : i32
        %add3A_706 = vector.broadcast %add3A_705 : i32 to vector<16xi32>
        %add3A_707 = arith.addi %add3A_706, %iota3A : vector<16xi32>
        %mul3A_708 = arith.mulf %mul3A_602, %gather3A_36 : vector<16xf32>
        %mul3A_709 = arith.mulf %sub3A_537, %mul3A_708 : vector<16xf32>
        %add3A_710 = arith.addf %mul3A_709, %gather3A_84 : vector<16xf32>
        tpu.vector_store_idx %arg12[%add3A_707], %add3A_710 : memref<8192xf32, #tpu.memory_space<vmem>>[vector<16xi32>], vector<16xf32>,
        %add3A_711 = arith.constant 4096 : i32
        %add3A_712 = arith.addi %add3A_443, %add3A_711 : i32
        %add3A_713 = arith.constant 512 : i32
        %add3A_714 = arith.addi %add3A_712, %add3A_713 : i32
        %add3A_715 = vector.broadcast %add3A_714 : i32 to vector<16xi32>
        %add3A_716 = arith.addi %add3A_715, %iota3A : vector<16xi32>
        %mul3A_717 = arith.mulf %mul3A_602, %gather3A_39 : vector<16xf32>
        %mul3A_718 = arith.mulf %sub3A_538, %mul3A_717 : vector<16xf32>
        %add3A_719 = arith.addf %mul3A_718, %gather3A_87 : vector<16xf32>
        tpu.vector_store_idx %arg12[%add3A_716], %add3A_719 : memref<8192xf32, #tpu.memory_space<vmem>>[vector<16xi32>], vector<16xf32>,
        %add3A_720 = arith.constant 4096 : i32
        %add3A_721 = arith.addi %add3A_443, %add3A_720 : i32
        %add3A_722 = arith.constant 640 : i32
        %add3A_723 = arith.addi %add3A_721, %add3A_722 : i32
        %add3A_724 = vector.broadcast %add3A_723 : i32 to vector<16xi32>
        %add3A_725 = arith.addi %add3A_724, %iota3A : vector<16xi32>
        %mul3A_726 = arith.mulf %mul3A_602, %gather3A_42 : vector<16xf32>
        %mul3A_727 = arith.mulf %sub3A_539, %mul3A_726 : vector<16xf32>
        %add3A_728 = arith.addf %mul3A_727, %gather3A_90 : vector<16xf32>
        tpu.vector_store_idx %arg12[%add3A_725], %add3A_728 : memref<8192xf32, #tpu.memory_space<vmem>>[vector<16xi32>], vector<16xf32>,
        %add3A_729 = arith.constant 4096 : i32
        %add3A_730 = arith.addi %add3A_443, %add3A_729 : i32
        %add3A_731 = arith.constant 768 : i32
        %add3A_732 = arith.addi %add3A_730, %add3A_731 : i32
        %add3A_733 = vector.broadcast %add3A_732 : i32 to vector<16xi32>
        %add3A_734 = arith.addi %add3A_733, %iota3A : vector<16xi32>
        %mul3A_735 = arith.mulf %mul3A_602, %gather3A_45 : vector<16xf32>
        %mul3A_736 = arith.mulf %sub3A_540, %mul3A_735 : vector<16xf32>
        %add3A_737 = arith.addf %mul3A_736, %gather3A_93 : vector<16xf32>
        tpu.vector_store_idx %arg12[%add3A_734], %add3A_737 : memref<8192xf32, #tpu.memory_space<vmem>>[vector<16xi32>], vector<16xf32>,
        %add3A_738 = arith.constant 4096 : i32
        %add3A_739 = arith.addi %add3A_443, %add3A_738 : i32
        %add3A_740 = arith.constant 896 : i32
        %add3A_741 = arith.addi %add3A_739, %add3A_740 : i32
        %add3A_742 = vector.broadcast %add3A_741 : i32 to vector<16xi32>
        %add3A_743 = arith.addi %add3A_742, %iota3A : vector<16xi32>
        %mul3A_744 = arith.mulf %mul3A_602, %gather3A_48 : vector<16xf32>
        %mul3A_745 = arith.mulf %sub3A_541, %mul3A_744 : vector<16xf32>
        %add3A_746 = arith.addf %mul3A_745, %gather3A_96 : vector<16xf32>
        tpu.vector_store_idx %arg12[%add3A_743], %add3A_746 : memref<8192xf32, #tpu.memory_space<vmem>>[vector<16xi32>], vector<16xf32>,
        %mul3A_747 = arith.constant 4 : i32
        %mul3A_748 = arith.muli %mul3A_747, %scan3A_399 : i32
        %add3A_749 = arith.constant 1 : i32
        %add3A_750 = arith.addi %mul3A_748, %add3A_749 : i32
        %mul3A_751 = arith.constant 16 : i32
        %mul3A_752 = arith.muli %add3A_750, %mul3A_751 : i32
        %add3A_753 = vector.broadcast %mul3A_752 : i32 to vector<16xi32>
        %add3A_754 = arith.addi %add3A_753, %iota3A : vector<16xi32>
        %jit3A_755 = arith.constant 8 : i32
        %div3A_756 = arith.divsi %add3A_750, %jit3A_755 : i32
        %sign3A_757 = arith.constant 0 : i32
        %sign3A_758 = arith.cmpi sgt, %add3A_750, %sign3A_757 : i32
        %sign3A_759 = arith.extui %sign3A_758 : i1 to i32
        %sign3A_760 = arith.constant 0 : i32
        %sign3A_761 = arith.cmpi slt, %add3A_750, %sign3A_760 : i32
        %sign3A_762 = arith.extui %sign3A_761 : i1 to i32
        %sign3A_763 = arith.subi %sign3A_759, %sign3A_762 : i32
        %sign3A_764 = arith.constant 0 : i32
        %sign3A_765 = arith.cmpi sgt, %jit3A_755, %sign3A_764 : i32
        %sign3A_766 = arith.extui %sign3A_765 : i1 to i32
        %sign3A_767 = arith.constant 0 : i32
        %sign3A_768 = arith.cmpi slt, %jit3A_755, %sign3A_767 : i32
        %sign3A_769 = arith.extui %sign3A_768 : i1 to i32
        %sign3A_770 = arith.subi %sign3A_766, %sign3A_769 : i32
        %ne3A_771 = arith.cmpi ne, %sign3A_763, %sign3A_770 : i32
        %rem3A_772 = arith.remsi %add3A_750, %jit3A_755 : i32
        %ne3A_773 = arith.constant 0 : i32
        %ne3A_774 = arith.cmpi ne, %rem3A_772, %ne3A_773 : i32
        %and3A_775 = arith.andi %ne3A_771, %ne3A_774 : i1
        %sub3A_776 = arith.constant 1 : i32
        %sub3A_777 = arith.subi %div3A_756, %sub3A_776 : i32
        %select_n3A_778 = arith.select %and3A_775, %sub3A_777, %div3A_756 : i32
        %mul3A_779 = arith.constant 1024 : i32
        %mul3A_780 = arith.muli %select_n3A_778, %mul3A_779 : i32
        %jit3A_781 = arith.constant 8 : i32
        %eq3A_782 = arith.constant 0 : i32
        %eq3A_783 = arith.cmpi eq, %jit3A_781, %eq3A_782 : i32
        %jit3A_784 = arith.constant 1 : i32
        %select_n3A_785 = arith.select %eq3A_783, %jit3A_784, %jit3A_781 : i32
        %rem3A_786 = arith.remsi %add3A_750, %select_n3A_785 : i32
        %ne3A_787 = arith.constant 0 : i32
        %ne3A_788 = arith.cmpi ne, %rem3A_786, %ne3A_787 : i32
        %lt3A_789 = arith.constant 0 : i32
        %lt3A_790 = arith.cmpi slt, %rem3A_786, %lt3A_789 : i32
        %lt3A_791 = arith.constant 0 : i32
        %lt3A_792 = arith.cmpi slt, %select_n3A_785, %lt3A_791 : i32
        %ne3A_793 = arith.xori %lt3A_790, %lt3A_792 : i1
        %and3A_794 = arith.andi %ne3A_793, %ne3A_788 : i1
        %add3A_795 = arith.addi %rem3A_786, %select_n3A_785 : i32
        %select_n3A_796 = arith.select %and3A_794, %add3A_795, %rem3A_786 : i32
        %mul3A_797 = arith.constant 16 : i32
        %mul3A_798 = arith.muli %select_n3A_796, %mul3A_797 : i32
        %add3A_799 = arith.addi %mul3A_780, %mul3A_798 : i32
        %broadcast_in_dim3A_800 = arith.constant 0 : i32
        %broadcast_in_dim3A_801 = vector.broadcast %broadcast_in_dim3A_800 : i32 to vector<16xi32>
        %gather3A_802 = tpu.vector_load_idx %arg10[%add3A_754, %broadcast_in_dim3A_801] : memref<512x16xf32, #tpu.memory_space<vmem>>[vector<16xi32>, vector<16xi32>], vector<16xf32>,
        %add3A_803 = arith.addf %gather3A_802, %get3A_167 : vector<16xf32>
        %broadcast_in_dim3A_804 = arith.constant 1 : i32
        %broadcast_in_dim3A_805 = vector.broadcast %broadcast_in_dim3A_804 : i32 to vector<16xi32>
        %gather3A_806 = tpu.vector_load_idx %arg10[%add3A_754, %broadcast_in_dim3A_805] : memref<512x16xf32, #tpu.memory_space<vmem>>[vector<16xi32>, vector<16xi32>], vector<16xf32>,
        %add3A_807 = arith.addf %gather3A_806, %get3A_171 : vector<16xf32>
        %broadcast_in_dim3A_808 = arith.constant 2 : i32
        %broadcast_in_dim3A_809 = vector.broadcast %broadcast_in_dim3A_808 : i32 to vector<16xi32>
        %gather3A_810 = tpu.vector_load_idx %arg10[%add3A_754, %broadcast_in_dim3A_809] : memref<512x16xf32, #tpu.memory_space<vmem>>[vector<16xi32>, vector<16xi32>], vector<16xf32>,
        %add3A_811 = arith.addf %gather3A_810, %get3A_175 : vector<16xf32>
        %broadcast_in_dim3A_812 = arith.constant 3 : i32
        %broadcast_in_dim3A_813 = vector.broadcast %broadcast_in_dim3A_812 : i32 to vector<16xi32>
        %gather3A_814 = tpu.vector_load_idx %arg10[%add3A_754, %broadcast_in_dim3A_813] : memref<512x16xf32, #tpu.memory_space<vmem>>[vector<16xi32>, vector<16xi32>], vector<16xf32>,
        %add3A_815 = arith.addf %gather3A_814, %get3A_179 : vector<16xf32>
        %broadcast_in_dim3A_816 = arith.constant 4 : i32
        %broadcast_in_dim3A_817 = vector.broadcast %broadcast_in_dim3A_816 : i32 to vector<16xi32>
        %gather3A_818 = tpu.vector_load_idx %arg10[%add3A_754, %broadcast_in_dim3A_817] : memref<512x16xf32, #tpu.memory_space<vmem>>[vector<16xi32>, vector<16xi32>], vector<16xf32>,
        %add3A_819 = arith.addf %gather3A_818, %get3A_183 : vector<16xf32>
        %broadcast_in_dim3A_820 = arith.constant 5 : i32
        %broadcast_in_dim3A_821 = vector.broadcast %broadcast_in_dim3A_820 : i32 to vector<16xi32>
        %gather3A_822 = tpu.vector_load_idx %arg10[%add3A_754, %broadcast_in_dim3A_821] : memref<512x16xf32, #tpu.memory_space<vmem>>[vector<16xi32>, vector<16xi32>], vector<16xf32>,
        %add3A_823 = arith.addf %gather3A_822, %get3A_187 : vector<16xf32>
        %broadcast_in_dim3A_824 = arith.constant 6 : i32
        %broadcast_in_dim3A_825 = vector.broadcast %broadcast_in_dim3A_824 : i32 to vector<16xi32>
        %gather3A_826 = tpu.vector_load_idx %arg10[%add3A_754, %broadcast_in_dim3A_825] : memref<512x16xf32, #tpu.memory_space<vmem>>[vector<16xi32>, vector<16xi32>], vector<16xf32>,
        %add3A_827 = arith.addf %gather3A_826, %get3A_191 : vector<16xf32>
        %broadcast_in_dim3A_828 = arith.constant 7 : i32
        %broadcast_in_dim3A_829 = vector.broadcast %broadcast_in_dim3A_828 : i32 to vector<16xi32>
        %gather3A_830 = tpu.vector_load_idx %arg10[%add3A_754, %broadcast_in_dim3A_829] : memref<512x16xf32, #tpu.memory_space<vmem>>[vector<16xi32>, vector<16xi32>], vector<16xf32>,
        %add3A_831 = arith.addf %gather3A_830, %get3A_195 : vector<16xf32>
        %broadcast_in_dim3A_832 = arith.constant 8 : i32
        %broadcast_in_dim3A_833 = vector.broadcast %broadcast_in_dim3A_832 : i32 to vector<16xi32>
        %gather3A_834 = tpu.vector_load_idx %arg10[%add3A_754, %broadcast_in_dim3A_833] : memref<512x16xf32, #tpu.memory_space<vmem>>[vector<16xi32>, vector<16xi32>], vector<16xf32>,
        %add3A_835 = arith.addf %gather3A_834, %get3A_199 : vector<16xf32>
        %broadcast_in_dim3A_836 = arith.constant 9 : i32
        %broadcast_in_dim3A_837 = vector.broadcast %broadcast_in_dim3A_836 : i32 to vector<16xi32>
        %gather3A_838 = tpu.vector_load_idx %arg10[%add3A_754, %broadcast_in_dim3A_837] : memref<512x16xf32, #tpu.memory_space<vmem>>[vector<16xi32>, vector<16xi32>], vector<16xf32>,
        %add3A_839 = arith.addf %gather3A_838, %get3A_203 : vector<16xf32>
        %broadcast_in_dim3A_840 = arith.constant 10 : i32
        %broadcast_in_dim3A_841 = vector.broadcast %broadcast_in_dim3A_840 : i32 to vector<16xi32>
        %gather3A_842 = tpu.vector_load_idx %arg10[%add3A_754, %broadcast_in_dim3A_841] : memref<512x16xf32, #tpu.memory_space<vmem>>[vector<16xi32>, vector<16xi32>], vector<16xf32>,
        %add3A_843 = arith.addf %gather3A_842, %get3A_207 : vector<16xf32>
        %broadcast_in_dim3A_844 = arith.constant 11 : i32
        %broadcast_in_dim3A_845 = vector.broadcast %broadcast_in_dim3A_844 : i32 to vector<16xi32>
        %gather3A_846 = tpu.vector_load_idx %arg10[%add3A_754, %broadcast_in_dim3A_845] : memref<512x16xf32, #tpu.memory_space<vmem>>[vector<16xi32>, vector<16xi32>], vector<16xf32>,
        %add3A_847 = arith.addf %gather3A_846, %get3A_211 : vector<16xf32>
        %broadcast_in_dim3A_848 = arith.constant 12 : i32
        %broadcast_in_dim3A_849 = vector.broadcast %broadcast_in_dim3A_848 : i32 to vector<16xi32>
        %gather3A_850 = tpu.vector_load_idx %arg10[%add3A_754, %broadcast_in_dim3A_849] : memref<512x16xf32, #tpu.memory_space<vmem>>[vector<16xi32>, vector<16xi32>], vector<16xf32>,
        %add3A_851 = arith.addf %gather3A_850, %get3A_215 : vector<16xf32>
        %broadcast_in_dim3A_852 = arith.constant 13 : i32
        %broadcast_in_dim3A_853 = vector.broadcast %broadcast_in_dim3A_852 : i32 to vector<16xi32>
        %gather3A_854 = tpu.vector_load_idx %arg10[%add3A_754, %broadcast_in_dim3A_853] : memref<512x16xf32, #tpu.memory_space<vmem>>[vector<16xi32>, vector<16xi32>], vector<16xf32>,
        %add3A_855 = arith.addf %gather3A_854, %get3A_219 : vector<16xf32>
        %broadcast_in_dim3A_856 = arith.constant 14 : i32
        %broadcast_in_dim3A_857 = vector.broadcast %broadcast_in_dim3A_856 : i32 to vector<16xi32>
        %gather3A_858 = tpu.vector_load_idx %arg10[%add3A_754, %broadcast_in_dim3A_857] : memref<512x16xf32, #tpu.memory_space<vmem>>[vector<16xi32>, vector<16xi32>], vector<16xf32>,
        %add3A_859 = arith.addf %gather3A_858, %get3A_223 : vector<16xf32>
        %broadcast_in_dim3A_860 = arith.constant 15 : i32
        %broadcast_in_dim3A_861 = vector.broadcast %broadcast_in_dim3A_860 : i32 to vector<16xi32>
        %gather3A_862 = tpu.vector_load_idx %arg10[%add3A_754, %broadcast_in_dim3A_861] : memref<512x16xf32, #tpu.memory_space<vmem>>[vector<16xi32>, vector<16xi32>], vector<16xf32>,
        %add3A_863 = arith.addf %gather3A_862, %get3A_227 : vector<16xf32>
        %add3A_864 = arith.addf %add3A_803, %add3A_807 : vector<16xf32>
        %add3A_865 = arith.addf %add3A_811, %add3A_815 : vector<16xf32>
        %add3A_866 = arith.addf %add3A_819, %add3A_823 : vector<16xf32>
        %add3A_867 = arith.addf %add3A_827, %add3A_831 : vector<16xf32>
        %add3A_868 = arith.addf %add3A_835, %add3A_839 : vector<16xf32>
        %add3A_869 = arith.addf %add3A_843, %add3A_847 : vector<16xf32>
        %add3A_870 = arith.addf %add3A_851, %add3A_855 : vector<16xf32>
        %add3A_871 = arith.addf %add3A_859, %add3A_863 : vector<16xf32>
        %add3A_872 = arith.addf %add3A_864, %add3A_865 : vector<16xf32>
        %add3A_873 = arith.addf %add3A_866, %add3A_867 : vector<16xf32>
        %add3A_874 = arith.addf %add3A_868, %add3A_869 : vector<16xf32>
        %add3A_875 = arith.addf %add3A_870, %add3A_871 : vector<16xf32>
        %add3A_876 = arith.addf %add3A_872, %add3A_873 : vector<16xf32>
        %add3A_877 = arith.addf %add3A_874, %add3A_875 : vector<16xf32>
        %add3A_878 = arith.addf %add3A_876, %add3A_877 : vector<16xf32>
        %mul3A_879 = arith.constant 6.250000e-02 : f32
        %mul3A_880 = vector.broadcast %mul3A_879 : f32 to vector<16xf32>
        %mul3A_881 = arith.mulf %add3A_878, %mul3A_880 : vector<16xf32>
        %sub3A_882 = arith.subf %add3A_803, %mul3A_881 : vector<16xf32>
        %sub3A_883 = arith.subf %add3A_807, %mul3A_881 : vector<16xf32>
        %sub3A_884 = arith.subf %add3A_811, %mul3A_881 : vector<16xf32>
        %sub3A_885 = arith.subf %add3A_815, %mul3A_881 : vector<16xf32>
        %sub3A_886 = arith.subf %add3A_819, %mul3A_881 : vector<16xf32>
        %sub3A_887 = arith.subf %add3A_823, %mul3A_881 : vector<16xf32>
        %sub3A_888 = arith.subf %add3A_827, %mul3A_881 : vector<16xf32>
        %sub3A_889 = arith.subf %add3A_831, %mul3A_881 : vector<16xf32>
        %sub3A_890 = arith.subf %add3A_835, %mul3A_881 : vector<16xf32>
        %sub3A_891 = arith.subf %add3A_839, %mul3A_881 : vector<16xf32>
        %sub3A_892 = arith.subf %add3A_843, %mul3A_881 : vector<16xf32>
        %sub3A_893 = arith.subf %add3A_847, %mul3A_881 : vector<16xf32>
        %sub3A_894 = arith.subf %add3A_851, %mul3A_881 : vector<16xf32>
        %sub3A_895 = arith.subf %add3A_855, %mul3A_881 : vector<16xf32>
        %sub3A_896 = arith.subf %add3A_859, %mul3A_881 : vector<16xf32>
        %sub3A_897 = arith.subf %add3A_863, %mul3A_881 : vector<16xf32>
        %mul3A_898 = arith.mulf %sub3A_882, %sub3A_882 : vector<16xf32>
        %mul3A_899 = arith.mulf %sub3A_883, %sub3A_883 : vector<16xf32>
        %mul3A_900 = arith.mulf %sub3A_884, %sub3A_884 : vector<16xf32>
        %mul3A_901 = arith.mulf %sub3A_885, %sub3A_885 : vector<16xf32>
        %mul3A_902 = arith.mulf %sub3A_886, %sub3A_886 : vector<16xf32>
        %mul3A_903 = arith.mulf %sub3A_887, %sub3A_887 : vector<16xf32>
        %mul3A_904 = arith.mulf %sub3A_888, %sub3A_888 : vector<16xf32>
        %mul3A_905 = arith.mulf %sub3A_889, %sub3A_889 : vector<16xf32>
        %mul3A_906 = arith.mulf %sub3A_890, %sub3A_890 : vector<16xf32>
        %mul3A_907 = arith.mulf %sub3A_891, %sub3A_891 : vector<16xf32>
        %mul3A_908 = arith.mulf %sub3A_892, %sub3A_892 : vector<16xf32>
        %mul3A_909 = arith.mulf %sub3A_893, %sub3A_893 : vector<16xf32>
        %mul3A_910 = arith.mulf %sub3A_894, %sub3A_894 : vector<16xf32>
        %mul3A_911 = arith.mulf %sub3A_895, %sub3A_895 : vector<16xf32>
        %mul3A_912 = arith.mulf %sub3A_896, %sub3A_896 : vector<16xf32>
        %mul3A_913 = arith.mulf %sub3A_897, %sub3A_897 : vector<16xf32>
        %add3A_914 = arith.addf %mul3A_898, %mul3A_899 : vector<16xf32>
        %add3A_915 = arith.addf %mul3A_900, %mul3A_901 : vector<16xf32>
        %add3A_916 = arith.addf %mul3A_902, %mul3A_903 : vector<16xf32>
        %add3A_917 = arith.addf %mul3A_904, %mul3A_905 : vector<16xf32>
        %add3A_918 = arith.addf %mul3A_906, %mul3A_907 : vector<16xf32>
        %add3A_919 = arith.addf %mul3A_908, %mul3A_909 : vector<16xf32>
        %add3A_920 = arith.addf %mul3A_910, %mul3A_911 : vector<16xf32>
        %add3A_921 = arith.addf %mul3A_912, %mul3A_913 : vector<16xf32>
        %add3A_922 = arith.addf %add3A_914, %add3A_915 : vector<16xf32>
        %add3A_923 = arith.addf %add3A_916, %add3A_917 : vector<16xf32>
        %add3A_924 = arith.addf %add3A_918, %add3A_919 : vector<16xf32>
        %add3A_925 = arith.addf %add3A_920, %add3A_921 : vector<16xf32>
        %add3A_926 = arith.addf %add3A_922, %add3A_923 : vector<16xf32>
        %add3A_927 = arith.addf %add3A_924, %add3A_925 : vector<16xf32>
        %add3A_928 = arith.addf %add3A_926, %add3A_927 : vector<16xf32>
        %mul3A_929 = arith.constant 6.250000e-02 : f32
        %mul3A_930 = vector.broadcast %mul3A_929 : f32 to vector<16xf32>
        %mul3A_931 = arith.mulf %add3A_928, %mul3A_930 : vector<16xf32>
        %add3A_932 = arith.constant 9.99999974E-6 : f32
        %add3A_933 = vector.broadcast %add3A_932 : f32 to vector<16xf32>
        %add3A_934 = arith.addf %mul3A_931, %add3A_933 : vector<16xf32>
        %bitcast_convert_type3A_935 = tpu.bitcast %add3A_934 : vector<16xf32> -> vector<16xi32>
        %shift_right_arithmetic3A_936 = arith.constant 1 : i32
        %shift_right_arithmetic3A_937 = vector.broadcast %shift_right_arithmetic3A_936 : i32 to vector<16xi32>
        %shift_right_arithmetic3A_938 = arith.shrsi %bitcast_convert_type3A_935, %shift_right_arithmetic3A_937 : vector<16xi32>
        %sub3A_939 = arith.constant 1597463007 : i32
        %sub3A_940 = vector.broadcast %sub3A_939 : i32 to vector<16xi32>
        %sub3A_941 = arith.subi %sub3A_940, %shift_right_arithmetic3A_938 : vector<16xi32>
        %bitcast_convert_type3A_942 = tpu.bitcast %sub3A_941 : vector<16xi32> -> vector<16xf32>
        %mul3A_943 = arith.constant 5.000000e-01 : f32
        %mul3A_944 = vector.broadcast %mul3A_943 : f32 to vector<16xf32>
        %mul3A_945 = arith.mulf %mul3A_944, %add3A_934 : vector<16xf32>
        %mul3A_946 = arith.mulf %mul3A_945, %bitcast_convert_type3A_942 : vector<16xf32>
        %mul3A_947 = arith.mulf %mul3A_946, %bitcast_convert_type3A_942 : vector<16xf32>
        %sub3A_948 = arith.constant 1.500000e+00 : f32
        %sub3A_949 = vector.broadcast %sub3A_948 : f32 to vector<16xf32>
        %sub3A_950 = arith.subf %sub3A_949, %mul3A_947 : vector<16xf32>
        %mul3A_951 = arith.mulf %bitcast_convert_type3A_942, %sub3A_950 : vector<16xf32>
        %mul3A_952 = arith.constant 5.000000e-01 : f32
        %mul3A_953 = vector.broadcast %mul3A_952 : f32 to vector<16xf32>
        %mul3A_954 = arith.mulf %mul3A_953, %add3A_934 : vector<16xf32>
        %mul3A_955 = arith.mulf %mul3A_954, %mul3A_951 : vector<16xf32>
        %mul3A_956 = arith.mulf %mul3A_955, %mul3A_951 : vector<16xf32>
        %sub3A_957 = arith.constant 1.500000e+00 : f32
        %sub3A_958 = vector.broadcast %sub3A_957 : f32 to vector<16xf32>
        %sub3A_959 = arith.subf %sub3A_958, %mul3A_956 : vector<16xf32>
        %mul3A_960 = arith.mulf %mul3A_951, %sub3A_959 : vector<16xf32>
        %add3A_961 = arith.constant 0 : i32
        %add3A_962 = arith.addi %add3A_799, %add3A_961 : i32
        %add3A_963 = arith.constant 0 : i32
        %add3A_964 = arith.addi %add3A_962, %add3A_963 : i32
        %add3A_965 = vector.broadcast %add3A_964 : i32 to vector<16xi32>
        %add3A_966 = arith.addi %add3A_965, %iota3A : vector<16xi32>
        %mul3A_967 = arith.mulf %mul3A_960, %gather3A : vector<16xf32>
        %mul3A_968 = arith.mulf %sub3A_882, %mul3A_967 : vector<16xf32>
        %add3A_969 = arith.addf %mul3A_968, %gather3A_51 : vector<16xf32>
        tpu.vector_store_idx %arg12[%add3A_966], %add3A_969 : memref<8192xf32, #tpu.memory_space<vmem>>[vector<16xi32>], vector<16xf32>,
        %add3A_970 = arith.constant 0 : i32
        %add3A_971 = arith.addi %add3A_799, %add3A_970 : i32
        %add3A_972 = arith.constant 128 : i32
        %add3A_973 = arith.addi %add3A_971, %add3A_972 : i32
        %add3A_974 = vector.broadcast %add3A_973 : i32 to vector<16xi32>
        %add3A_975 = arith.addi %add3A_974, %iota3A : vector<16xi32>
        %mul3A_976 = arith.mulf %mul3A_960, %gather3A_6 : vector<16xf32>
        %mul3A_977 = arith.mulf %sub3A_883, %mul3A_976 : vector<16xf32>
        %add3A_978 = arith.addf %mul3A_977, %gather3A_54 : vector<16xf32>
        tpu.vector_store_idx %arg12[%add3A_975], %add3A_978 : memref<8192xf32, #tpu.memory_space<vmem>>[vector<16xi32>], vector<16xf32>,
        %add3A_979 = arith.constant 0 : i32
        %add3A_980 = arith.addi %add3A_799, %add3A_979 : i32
        %add3A_981 = arith.constant 256 : i32
        %add3A_982 = arith.addi %add3A_980, %add3A_981 : i32
        %add3A_983 = vector.broadcast %add3A_982 : i32 to vector<16xi32>
        %add3A_984 = arith.addi %add3A_983, %iota3A : vector<16xi32>
        %mul3A_985 = arith.mulf %mul3A_960, %gather3A_9 : vector<16xf32>
        %mul3A_986 = arith.mulf %sub3A_884, %mul3A_985 : vector<16xf32>
        %add3A_987 = arith.addf %mul3A_986, %gather3A_57 : vector<16xf32>
        tpu.vector_store_idx %arg12[%add3A_984], %add3A_987 : memref<8192xf32, #tpu.memory_space<vmem>>[vector<16xi32>], vector<16xf32>,
        %add3A_988 = arith.constant 0 : i32
        %add3A_989 = arith.addi %add3A_799, %add3A_988 : i32
        %add3A_990 = arith.constant 384 : i32
        %add3A_991 = arith.addi %add3A_989, %add3A_990 : i32
        %add3A_992 = vector.broadcast %add3A_991 : i32 to vector<16xi32>
        %add3A_993 = arith.addi %add3A_992, %iota3A : vector<16xi32>
        %mul3A_994 = arith.mulf %mul3A_960, %gather3A_12 : vector<16xf32>
        %mul3A_995 = arith.mulf %sub3A_885, %mul3A_994 : vector<16xf32>
        %add3A_996 = arith.addf %mul3A_995, %gather3A_60 : vector<16xf32>
        tpu.vector_store_idx %arg12[%add3A_993], %add3A_996 : memref<8192xf32, #tpu.memory_space<vmem>>[vector<16xi32>], vector<16xf32>,
        %add3A_997 = arith.constant 0 : i32
        %add3A_998 = arith.addi %add3A_799, %add3A_997 : i32
        %add3A_999 = arith.constant 512 : i32
        %add3A_1000 = arith.addi %add3A_998, %add3A_999 : i32
        %add3A_1001 = vector.broadcast %add3A_1000 : i32 to vector<16xi32>
        %add3A_1002 = arith.addi %add3A_1001, %iota3A : vector<16xi32>
        %mul3A_1003 = arith.mulf %mul3A_960, %gather3A_15 : vector<16xf32>
        %mul3A_1004 = arith.mulf %sub3A_886, %mul3A_1003 : vector<16xf32>
        %add3A_1005 = arith.addf %mul3A_1004, %gather3A_63 : vector<16xf32>
        tpu.vector_store_idx %arg12[%add3A_1002], %add3A_1005 : memref<8192xf32, #tpu.memory_space<vmem>>[vector<16xi32>], vector<16xf32>,
        %add3A_1006 = arith.constant 0 : i32
        %add3A_1007 = arith.addi %add3A_799, %add3A_1006 : i32
        %add3A_1008 = arith.constant 640 : i32
        %add3A_1009 = arith.addi %add3A_1007, %add3A_1008 : i32
        %add3A_1010 = vector.broadcast %add3A_1009 : i32 to vector<16xi32>
        %add3A_1011 = arith.addi %add3A_1010, %iota3A : vector<16xi32>
        %mul3A_1012 = arith.mulf %mul3A_960, %gather3A_18 : vector<16xf32>
        %mul3A_1013 = arith.mulf %sub3A_887, %mul3A_1012 : vector<16xf32>
        %add3A_1014 = arith.addf %mul3A_1013, %gather3A_66 : vector<16xf32>
        tpu.vector_store_idx %arg12[%add3A_1011], %add3A_1014 : memref<8192xf32, #tpu.memory_space<vmem>>[vector<16xi32>], vector<16xf32>,
        %add3A_1015 = arith.constant 0 : i32
        %add3A_1016 = arith.addi %add3A_799, %add3A_1015 : i32
        %add3A_1017 = arith.constant 768 : i32
        %add3A_1018 = arith.addi %add3A_1016, %add3A_1017 : i32
        %add3A_1019 = vector.broadcast %add3A_1018 : i32 to vector<16xi32>
        %add3A_1020 = arith.addi %add3A_1019, %iota3A : vector<16xi32>
        %mul3A_1021 = arith.mulf %mul3A_960, %gather3A_21 : vector<16xf32>
        %mul3A_1022 = arith.mulf %sub3A_888, %mul3A_1021 : vector<16xf32>
        %add3A_1023 = arith.addf %mul3A_1022, %gather3A_69 : vector<16xf32>
        tpu.vector_store_idx %arg12[%add3A_1020], %add3A_1023 : memref<8192xf32, #tpu.memory_space<vmem>>[vector<16xi32>], vector<16xf32>,
        %add3A_1024 = arith.constant 0 : i32
        %add3A_1025 = arith.addi %add3A_799, %add3A_1024 : i32
        %add3A_1026 = arith.constant 896 : i32
        %add3A_1027 = arith.addi %add3A_1025, %add3A_1026 : i32
        %add3A_1028 = vector.broadcast %add3A_1027 : i32 to vector<16xi32>
        %add3A_1029 = arith.addi %add3A_1028, %iota3A : vector<16xi32>
        %mul3A_1030 = arith.mulf %mul3A_960, %gather3A_24 : vector<16xf32>
        %mul3A_1031 = arith.mulf %sub3A_889, %mul3A_1030 : vector<16xf32>
        %add3A_1032 = arith.addf %mul3A_1031, %gather3A_72 : vector<16xf32>
        tpu.vector_store_idx %arg12[%add3A_1029], %add3A_1032 : memref<8192xf32, #tpu.memory_space<vmem>>[vector<16xi32>], vector<16xf32>,
        %add3A_1033 = arith.constant 4096 : i32
        %add3A_1034 = arith.addi %add3A_799, %add3A_1033 : i32
        %add3A_1035 = arith.constant 0 : i32
        %add3A_1036 = arith.addi %add3A_1034, %add3A_1035 : i32
        %add3A_1037 = vector.broadcast %add3A_1036 : i32 to vector<16xi32>
        %add3A_1038 = arith.addi %add3A_1037, %iota3A : vector<16xi32>
        %mul3A_1039 = arith.mulf %mul3A_960, %gather3A_27 : vector<16xf32>
        %mul3A_1040 = arith.mulf %sub3A_890, %mul3A_1039 : vector<16xf32>
        %add3A_1041 = arith.addf %mul3A_1040, %gather3A_75 : vector<16xf32>
        tpu.vector_store_idx %arg12[%add3A_1038], %add3A_1041 : memref<8192xf32, #tpu.memory_space<vmem>>[vector<16xi32>], vector<16xf32>,
        %add3A_1042 = arith.constant 4096 : i32
        %add3A_1043 = arith.addi %add3A_799, %add3A_1042 : i32
        %add3A_1044 = arith.constant 128 : i32
        %add3A_1045 = arith.addi %add3A_1043, %add3A_1044 : i32
        %add3A_1046 = vector.broadcast %add3A_1045 : i32 to vector<16xi32>
        %add3A_1047 = arith.addi %add3A_1046, %iota3A : vector<16xi32>
        %mul3A_1048 = arith.mulf %mul3A_960, %gather3A_30 : vector<16xf32>
        %mul3A_1049 = arith.mulf %sub3A_891, %mul3A_1048 : vector<16xf32>
        %add3A_1050 = arith.addf %mul3A_1049, %gather3A_78 : vector<16xf32>
        tpu.vector_store_idx %arg12[%add3A_1047], %add3A_1050 : memref<8192xf32, #tpu.memory_space<vmem>>[vector<16xi32>], vector<16xf32>,
        %add3A_1051 = arith.constant 4096 : i32
        %add3A_1052 = arith.addi %add3A_799, %add3A_1051 : i32
        %add3A_1053 = arith.constant 256 : i32
        %add3A_1054 = arith.addi %add3A_1052, %add3A_1053 : i32
        %add3A_1055 = vector.broadcast %add3A_1054 : i32 to vector<16xi32>
        %add3A_1056 = arith.addi %add3A_1055, %iota3A : vector<16xi32>
        %mul3A_1057 = arith.mulf %mul3A_960, %gather3A_33 : vector<16xf32>
        %mul3A_1058 = arith.mulf %sub3A_892, %mul3A_1057 : vector<16xf32>
        %add3A_1059 = arith.addf %mul3A_1058, %gather3A_81 : vector<16xf32>
        tpu.vector_store_idx %arg12[%add3A_1056], %add3A_1059 : memref<8192xf32, #tpu.memory_space<vmem>>[vector<16xi32>], vector<16xf32>,
        %add3A_1060 = arith.constant 4096 : i32
        %add3A_1061 = arith.addi %add3A_799, %add3A_1060 : i32
        %add3A_1062 = arith.constant 384 : i32
        %add3A_1063 = arith.addi %add3A_1061, %add3A_1062 : i32
        %add3A_1064 = vector.broadcast %add3A_1063 : i32 to vector<16xi32>
        %add3A_1065 = arith.addi %add3A_1064, %iota3A : vector<16xi32>
        %mul3A_1066 = arith.mulf %mul3A_960, %gather3A_36 : vector<16xf32>
        %mul3A_1067 = arith.mulf %sub3A_893, %mul3A_1066 : vector<16xf32>
        %add3A_1068 = arith.addf %mul3A_1067, %gather3A_84 : vector<16xf32>
        tpu.vector_store_idx %arg12[%add3A_1065], %add3A_1068 : memref<8192xf32, #tpu.memory_space<vmem>>[vector<16xi32>], vector<16xf32>,
        %add3A_1069 = arith.constant 4096 : i32
        %add3A_1070 = arith.addi %add3A_799, %add3A_1069 : i32
        %add3A_1071 = arith.constant 512 : i32
        %add3A_1072 = arith.addi %add3A_1070, %add3A_1071 : i32
        %add3A_1073 = vector.broadcast %add3A_1072 : i32 to vector<16xi32>
        %add3A_1074 = arith.addi %add3A_1073, %iota3A : vector<16xi32>
        %mul3A_1075 = arith.mulf %mul3A_960, %gather3A_39 : vector<16xf32>
        %mul3A_1076 = arith.mulf %sub3A_894, %mul3A_1075 : vector<16xf32>
        %add3A_1077 = arith.addf %mul3A_1076, %gather3A_87 : vector<16xf32>
        tpu.vector_store_idx %arg12[%add3A_1074], %add3A_1077 : memref<8192xf32, #tpu.memory_space<vmem>>[vector<16xi32>], vector<16xf32>,
        %add3A_1078 = arith.constant 4096 : i32
        %add3A_1079 = arith.addi %add3A_799, %add3A_1078 : i32
        %add3A_1080 = arith.constant 640 : i32
        %add3A_1081 = arith.addi %add3A_1079, %add3A_1080 : i32
        %add3A_1082 = vector.broadcast %add3A_1081 : i32 to vector<16xi32>
        %add3A_1083 = arith.addi %add3A_1082, %iota3A : vector<16xi32>
        %mul3A_1084 = arith.mulf %mul3A_960, %gather3A_42 : vector<16xf32>
        %mul3A_1085 = arith.mulf %sub3A_895, %mul3A_1084 : vector<16xf32>
        %add3A_1086 = arith.addf %mul3A_1085, %gather3A_90 : vector<16xf32>
        tpu.vector_store_idx %arg12[%add3A_1083], %add3A_1086 : memref<8192xf32, #tpu.memory_space<vmem>>[vector<16xi32>], vector<16xf32>,
        %add3A_1087 = arith.constant 4096 : i32
        %add3A_1088 = arith.addi %add3A_799, %add3A_1087 : i32
        %add3A_1089 = arith.constant 768 : i32
        %add3A_1090 = arith.addi %add3A_1088, %add3A_1089 : i32
        %add3A_1091 = vector.broadcast %add3A_1090 : i32 to vector<16xi32>
        %add3A_1092 = arith.addi %add3A_1091, %iota3A : vector<16xi32>
        %mul3A_1093 = arith.mulf %mul3A_960, %gather3A_45 : vector<16xf32>
        %mul3A_1094 = arith.mulf %sub3A_896, %mul3A_1093 : vector<16xf32>
        %add3A_1095 = arith.addf %mul3A_1094, %gather3A_93 : vector<16xf32>
        tpu.vector_store_idx %arg12[%add3A_1092], %add3A_1095 : memref<8192xf32, #tpu.memory_space<vmem>>[vector<16xi32>], vector<16xf32>,
        %add3A_1096 = arith.constant 4096 : i32
        %add3A_1097 = arith.addi %add3A_799, %add3A_1096 : i32
        %add3A_1098 = arith.constant 896 : i32
        %add3A_1099 = arith.addi %add3A_1097, %add3A_1098 : i32
        %add3A_1100 = vector.broadcast %add3A_1099 : i32 to vector<16xi32>
        %add3A_1101 = arith.addi %add3A_1100, %iota3A : vector<16xi32>
        %mul3A_1102 = arith.mulf %mul3A_960, %gather3A_48 : vector<16xf32>
        %mul3A_1103 = arith.mulf %sub3A_897, %mul3A_1102 : vector<16xf32>
        %add3A_1104 = arith.addf %mul3A_1103, %gather3A_96 : vector<16xf32>
        tpu.vector_store_idx %arg12[%add3A_1101], %add3A_1104 : memref<8192xf32, #tpu.memory_space<vmem>>[vector<16xi32>], vector<16xf32>,
        %mul3A_1105 = arith.constant 4 : i32
        %mul3A_1106 = arith.muli %mul3A_1105, %scan3A_399 : i32
        %add3A_1107 = arith.constant 2 : i32
        %add3A_1108 = arith.addi %mul3A_1106, %add3A_1107 : i32
        %mul3A_1109 = arith.constant 16 : i32
        %mul3A_1110 = arith.muli %add3A_1108, %mul3A_1109 : i32
        %add3A_1111 = vector.broadcast %mul3A_1110 : i32 to vector<16xi32>
        %add3A_1112 = arith.addi %add3A_1111, %iota3A : vector<16xi32>
        %jit3A_1113 = arith.constant 8 : i32
        %div3A_1114 = arith.divsi %add3A_1108, %jit3A_1113 : i32
        %sign3A_1115 = arith.constant 0 : i32
        %sign3A_1116 = arith.cmpi sgt, %add3A_1108, %sign3A_1115 : i32
        %sign3A_1117 = arith.extui %sign3A_1116 : i1 to i32
        %sign3A_1118 = arith.constant 0 : i32
        %sign3A_1119 = arith.cmpi slt, %add3A_1108, %sign3A_1118 : i32
        %sign3A_1120 = arith.extui %sign3A_1119 : i1 to i32
        %sign3A_1121 = arith.subi %sign3A_1117, %sign3A_1120 : i32
        %sign3A_1122 = arith.constant 0 : i32
        %sign3A_1123 = arith.cmpi sgt, %jit3A_1113, %sign3A_1122 : i32
        %sign3A_1124 = arith.extui %sign3A_1123 : i1 to i32
        %sign3A_1125 = arith.constant 0 : i32
        %sign3A_1126 = arith.cmpi slt, %jit3A_1113, %sign3A_1125 : i32
        %sign3A_1127 = arith.extui %sign3A_1126 : i1 to i32
        %sign3A_1128 = arith.subi %sign3A_1124, %sign3A_1127 : i32
        %ne3A_1129 = arith.cmpi ne, %sign3A_1121, %sign3A_1128 : i32
        %rem3A_1130 = arith.remsi %add3A_1108, %jit3A_1113 : i32
        %ne3A_1131 = arith.constant 0 : i32
        %ne3A_1132 = arith.cmpi ne, %rem3A_1130, %ne3A_1131 : i32
        %and3A_1133 = arith.andi %ne3A_1129, %ne3A_1132 : i1
        %sub3A_1134 = arith.constant 1 : i32
        %sub3A_1135 = arith.subi %div3A_1114, %sub3A_1134 : i32
        %select_n3A_1136 = arith.select %and3A_1133, %sub3A_1135, %div3A_1114 : i32
        %mul3A_1137 = arith.constant 1024 : i32
        %mul3A_1138 = arith.muli %select_n3A_1136, %mul3A_1137 : i32
        %jit3A_1139 = arith.constant 8 : i32
        %eq3A_1140 = arith.constant 0 : i32
        %eq3A_1141 = arith.cmpi eq, %jit3A_1139, %eq3A_1140 : i32
        %jit3A_1142 = arith.constant 1 : i32
        %select_n3A_1143 = arith.select %eq3A_1141, %jit3A_1142, %jit3A_1139 : i32
        %rem3A_1144 = arith.remsi %add3A_1108, %select_n3A_1143 : i32
        %ne3A_1145 = arith.constant 0 : i32
        %ne3A_1146 = arith.cmpi ne, %rem3A_1144, %ne3A_1145 : i32
        %lt3A_1147 = arith.constant 0 : i32
        %lt3A_1148 = arith.cmpi slt, %rem3A_1144, %lt3A_1147 : i32
        %lt3A_1149 = arith.constant 0 : i32
        %lt3A_1150 = arith.cmpi slt, %select_n3A_1143, %lt3A_1149 : i32
        %ne3A_1151 = arith.xori %lt3A_1148, %lt3A_1150 : i1
        %and3A_1152 = arith.andi %ne3A_1151, %ne3A_1146 : i1
        %add3A_1153 = arith.addi %rem3A_1144, %select_n3A_1143 : i32
        %select_n3A_1154 = arith.select %and3A_1152, %add3A_1153, %rem3A_1144 : i32
        %mul3A_1155 = arith.constant 16 : i32
        %mul3A_1156 = arith.muli %select_n3A_1154, %mul3A_1155 : i32
        %add3A_1157 = arith.addi %mul3A_1138, %mul3A_1156 : i32
        %broadcast_in_dim3A_1158 = arith.constant 0 : i32
        %broadcast_in_dim3A_1159 = vector.broadcast %broadcast_in_dim3A_1158 : i32 to vector<16xi32>
        %gather3A_1160 = tpu.vector_load_idx %arg10[%add3A_1112, %broadcast_in_dim3A_1159] : memref<512x16xf32, #tpu.memory_space<vmem>>[vector<16xi32>, vector<16xi32>], vector<16xf32>,
        %add3A_1161 = arith.addf %gather3A_1160, %get3A_167 : vector<16xf32>
        %broadcast_in_dim3A_1162 = arith.constant 1 : i32
        %broadcast_in_dim3A_1163 = vector.broadcast %broadcast_in_dim3A_1162 : i32 to vector<16xi32>
        %gather3A_1164 = tpu.vector_load_idx %arg10[%add3A_1112, %broadcast_in_dim3A_1163] : memref<512x16xf32, #tpu.memory_space<vmem>>[vector<16xi32>, vector<16xi32>], vector<16xf32>,
        %add3A_1165 = arith.addf %gather3A_1164, %get3A_171 : vector<16xf32>
        %broadcast_in_dim3A_1166 = arith.constant 2 : i32
        %broadcast_in_dim3A_1167 = vector.broadcast %broadcast_in_dim3A_1166 : i32 to vector<16xi32>
        %gather3A_1168 = tpu.vector_load_idx %arg10[%add3A_1112, %broadcast_in_dim3A_1167] : memref<512x16xf32, #tpu.memory_space<vmem>>[vector<16xi32>, vector<16xi32>], vector<16xf32>,
        %add3A_1169 = arith.addf %gather3A_1168, %get3A_175 : vector<16xf32>
        %broadcast_in_dim3A_1170 = arith.constant 3 : i32
        %broadcast_in_dim3A_1171 = vector.broadcast %broadcast_in_dim3A_1170 : i32 to vector<16xi32>
        %gather3A_1172 = tpu.vector_load_idx %arg10[%add3A_1112, %broadcast_in_dim3A_1171] : memref<512x16xf32, #tpu.memory_space<vmem>>[vector<16xi32>, vector<16xi32>], vector<16xf32>,
        %add3A_1173 = arith.addf %gather3A_1172, %get3A_179 : vector<16xf32>
        %broadcast_in_dim3A_1174 = arith.constant 4 : i32
        %broadcast_in_dim3A_1175 = vector.broadcast %broadcast_in_dim3A_1174 : i32 to vector<16xi32>
        %gather3A_1176 = tpu.vector_load_idx %arg10[%add3A_1112, %broadcast_in_dim3A_1175] : memref<512x16xf32, #tpu.memory_space<vmem>>[vector<16xi32>, vector<16xi32>], vector<16xf32>,
        %add3A_1177 = arith.addf %gather3A_1176, %get3A_183 : vector<16xf32>
        %broadcast_in_dim3A_1178 = arith.constant 5 : i32
        %broadcast_in_dim3A_1179 = vector.broadcast %broadcast_in_dim3A_1178 : i32 to vector<16xi32>
        %gather3A_1180 = tpu.vector_load_idx %arg10[%add3A_1112, %broadcast_in_dim3A_1179] : memref<512x16xf32, #tpu.memory_space<vmem>>[vector<16xi32>, vector<16xi32>], vector<16xf32>,
        %add3A_1181 = arith.addf %gather3A_1180, %get3A_187 : vector<16xf32>
        %broadcast_in_dim3A_1182 = arith.constant 6 : i32
        %broadcast_in_dim3A_1183 = vector.broadcast %broadcast_in_dim3A_1182 : i32 to vector<16xi32>
        %gather3A_1184 = tpu.vector_load_idx %arg10[%add3A_1112, %broadcast_in_dim3A_1183] : memref<512x16xf32, #tpu.memory_space<vmem>>[vector<16xi32>, vector<16xi32>], vector<16xf32>,
        %add3A_1185 = arith.addf %gather3A_1184, %get3A_191 : vector<16xf32>
        %broadcast_in_dim3A_1186 = arith.constant 7 : i32
        %broadcast_in_dim3A_1187 = vector.broadcast %broadcast_in_dim3A_1186 : i32 to vector<16xi32>
        %gather3A_1188 = tpu.vector_load_idx %arg10[%add3A_1112, %broadcast_in_dim3A_1187] : memref<512x16xf32, #tpu.memory_space<vmem>>[vector<16xi32>, vector<16xi32>], vector<16xf32>,
        %add3A_1189 = arith.addf %gather3A_1188, %get3A_195 : vector<16xf32>
        %broadcast_in_dim3A_1190 = arith.constant 8 : i32
        %broadcast_in_dim3A_1191 = vector.broadcast %broadcast_in_dim3A_1190 : i32 to vector<16xi32>
        %gather3A_1192 = tpu.vector_load_idx %arg10[%add3A_1112, %broadcast_in_dim3A_1191] : memref<512x16xf32, #tpu.memory_space<vmem>>[vector<16xi32>, vector<16xi32>], vector<16xf32>,
        %add3A_1193 = arith.addf %gather3A_1192, %get3A_199 : vector<16xf32>
        %broadcast_in_dim3A_1194 = arith.constant 9 : i32
        %broadcast_in_dim3A_1195 = vector.broadcast %broadcast_in_dim3A_1194 : i32 to vector<16xi32>
        %gather3A_1196 = tpu.vector_load_idx %arg10[%add3A_1112, %broadcast_in_dim3A_1195] : memref<512x16xf32, #tpu.memory_space<vmem>>[vector<16xi32>, vector<16xi32>], vector<16xf32>,
        %add3A_1197 = arith.addf %gather3A_1196, %get3A_203 : vector<16xf32>
        %broadcast_in_dim3A_1198 = arith.constant 10 : i32
        %broadcast_in_dim3A_1199 = vector.broadcast %broadcast_in_dim3A_1198 : i32 to vector<16xi32>
        %gather3A_1200 = tpu.vector_load_idx %arg10[%add3A_1112, %broadcast_in_dim3A_1199] : memref<512x16xf32, #tpu.memory_space<vmem>>[vector<16xi32>, vector<16xi32>], vector<16xf32>,
        %add3A_1201 = arith.addf %gather3A_1200, %get3A_207 : vector<16xf32>
        %broadcast_in_dim3A_1202 = arith.constant 11 : i32
        %broadcast_in_dim3A_1203 = vector.broadcast %broadcast_in_dim3A_1202 : i32 to vector<16xi32>
        %gather3A_1204 = tpu.vector_load_idx %arg10[%add3A_1112, %broadcast_in_dim3A_1203] : memref<512x16xf32, #tpu.memory_space<vmem>>[vector<16xi32>, vector<16xi32>], vector<16xf32>,
        %add3A_1205 = arith.addf %gather3A_1204, %get3A_211 : vector<16xf32>
        %broadcast_in_dim3A_1206 = arith.constant 12 : i32
        %broadcast_in_dim3A_1207 = vector.broadcast %broadcast_in_dim3A_1206 : i32 to vector<16xi32>
        %gather3A_1208 = tpu.vector_load_idx %arg10[%add3A_1112, %broadcast_in_dim3A_1207] : memref<512x16xf32, #tpu.memory_space<vmem>>[vector<16xi32>, vector<16xi32>], vector<16xf32>,
        %add3A_1209 = arith.addf %gather3A_1208, %get3A_215 : vector<16xf32>
        %broadcast_in_dim3A_1210 = arith.constant 13 : i32
        %broadcast_in_dim3A_1211 = vector.broadcast %broadcast_in_dim3A_1210 : i32 to vector<16xi32>
        %gather3A_1212 = tpu.vector_load_idx %arg10[%add3A_1112, %broadcast_in_dim3A_1211] : memref<512x16xf32, #tpu.memory_space<vmem>>[vector<16xi32>, vector<16xi32>], vector<16xf32>,
        %add3A_1213 = arith.addf %gather3A_1212, %get3A_219 : vector<16xf32>
        %broadcast_in_dim3A_1214 = arith.constant 14 : i32
        %broadcast_in_dim3A_1215 = vector.broadcast %broadcast_in_dim3A_1214 : i32 to vector<16xi32>
        %gather3A_1216 = tpu.vector_load_idx %arg10[%add3A_1112, %broadcast_in_dim3A_1215] : memref<512x16xf32, #tpu.memory_space<vmem>>[vector<16xi32>, vector<16xi32>], vector<16xf32>,
        %add3A_1217 = arith.addf %gather3A_1216, %get3A_223 : vector<16xf32>
        %broadcast_in_dim3A_1218 = arith.constant 15 : i32
        %broadcast_in_dim3A_1219 = vector.broadcast %broadcast_in_dim3A_1218 : i32 to vector<16xi32>
        %gather3A_1220 = tpu.vector_load_idx %arg10[%add3A_1112, %broadcast_in_dim3A_1219] : memref<512x16xf32, #tpu.memory_space<vmem>>[vector<16xi32>, vector<16xi32>], vector<16xf32>,
        %add3A_1221 = arith.addf %gather3A_1220, %get3A_227 : vector<16xf32>
        %add3A_1222 = arith.addf %add3A_1161, %add3A_1165 : vector<16xf32>
        %add3A_1223 = arith.addf %add3A_1169, %add3A_1173 : vector<16xf32>
        %add3A_1224 = arith.addf %add3A_1177, %add3A_1181 : vector<16xf32>
        %add3A_1225 = arith.addf %add3A_1185, %add3A_1189 : vector<16xf32>
        %add3A_1226 = arith.addf %add3A_1193, %add3A_1197 : vector<16xf32>
        %add3A_1227 = arith.addf %add3A_1201, %add3A_1205 : vector<16xf32>
        %add3A_1228 = arith.addf %add3A_1209, %add3A_1213 : vector<16xf32>
        %add3A_1229 = arith.addf %add3A_1217, %add3A_1221 : vector<16xf32>
        %add3A_1230 = arith.addf %add3A_1222, %add3A_1223 : vector<16xf32>
        %add3A_1231 = arith.addf %add3A_1224, %add3A_1225 : vector<16xf32>
        %add3A_1232 = arith.addf %add3A_1226, %add3A_1227 : vector<16xf32>
        %add3A_1233 = arith.addf %add3A_1228, %add3A_1229 : vector<16xf32>
        %add3A_1234 = arith.addf %add3A_1230, %add3A_1231 : vector<16xf32>
        %add3A_1235 = arith.addf %add3A_1232, %add3A_1233 : vector<16xf32>
        %add3A_1236 = arith.addf %add3A_1234, %add3A_1235 : vector<16xf32>
        %mul3A_1237 = arith.constant 6.250000e-02 : f32
        %mul3A_1238 = vector.broadcast %mul3A_1237 : f32 to vector<16xf32>
        %mul3A_1239 = arith.mulf %add3A_1236, %mul3A_1238 : vector<16xf32>
        %sub3A_1240 = arith.subf %add3A_1161, %mul3A_1239 : vector<16xf32>
        %sub3A_1241 = arith.subf %add3A_1165, %mul3A_1239 : vector<16xf32>
        %sub3A_1242 = arith.subf %add3A_1169, %mul3A_1239 : vector<16xf32>
        %sub3A_1243 = arith.subf %add3A_1173, %mul3A_1239 : vector<16xf32>
        %sub3A_1244 = arith.subf %add3A_1177, %mul3A_1239 : vector<16xf32>
        %sub3A_1245 = arith.subf %add3A_1181, %mul3A_1239 : vector<16xf32>
        %sub3A_1246 = arith.subf %add3A_1185, %mul3A_1239 : vector<16xf32>
        %sub3A_1247 = arith.subf %add3A_1189, %mul3A_1239 : vector<16xf32>
        %sub3A_1248 = arith.subf %add3A_1193, %mul3A_1239 : vector<16xf32>
        %sub3A_1249 = arith.subf %add3A_1197, %mul3A_1239 : vector<16xf32>
        %sub3A_1250 = arith.subf %add3A_1201, %mul3A_1239 : vector<16xf32>
        %sub3A_1251 = arith.subf %add3A_1205, %mul3A_1239 : vector<16xf32>
        %sub3A_1252 = arith.subf %add3A_1209, %mul3A_1239 : vector<16xf32>
        %sub3A_1253 = arith.subf %add3A_1213, %mul3A_1239 : vector<16xf32>
        %sub3A_1254 = arith.subf %add3A_1217, %mul3A_1239 : vector<16xf32>
        %sub3A_1255 = arith.subf %add3A_1221, %mul3A_1239 : vector<16xf32>
        %mul3A_1256 = arith.mulf %sub3A_1240, %sub3A_1240 : vector<16xf32>
        %mul3A_1257 = arith.mulf %sub3A_1241, %sub3A_1241 : vector<16xf32>
        %mul3A_1258 = arith.mulf %sub3A_1242, %sub3A_1242 : vector<16xf32>
        %mul3A_1259 = arith.mulf %sub3A_1243, %sub3A_1243 : vector<16xf32>
        %mul3A_1260 = arith.mulf %sub3A_1244, %sub3A_1244 : vector<16xf32>
        %mul3A_1261 = arith.mulf %sub3A_1245, %sub3A_1245 : vector<16xf32>
        %mul3A_1262 = arith.mulf %sub3A_1246, %sub3A_1246 : vector<16xf32>
        %mul3A_1263 = arith.mulf %sub3A_1247, %sub3A_1247 : vector<16xf32>
        %mul3A_1264 = arith.mulf %sub3A_1248, %sub3A_1248 : vector<16xf32>
        %mul3A_1265 = arith.mulf %sub3A_1249, %sub3A_1249 : vector<16xf32>
        %mul3A_1266 = arith.mulf %sub3A_1250, %sub3A_1250 : vector<16xf32>
        %mul3A_1267 = arith.mulf %sub3A_1251, %sub3A_1251 : vector<16xf32>
        %mul3A_1268 = arith.mulf %sub3A_1252, %sub3A_1252 : vector<16xf32>
        %mul3A_1269 = arith.mulf %sub3A_1253, %sub3A_1253 : vector<16xf32>
        %mul3A_1270 = arith.mulf %sub3A_1254, %sub3A_1254 : vector<16xf32>
        %mul3A_1271 = arith.mulf %sub3A_1255, %sub3A_1255 : vector<16xf32>
        %add3A_1272 = arith.addf %mul3A_1256, %mul3A_1257 : vector<16xf32>
        %add3A_1273 = arith.addf %mul3A_1258, %mul3A_1259 : vector<16xf32>
        %add3A_1274 = arith.addf %mul3A_1260, %mul3A_1261 : vector<16xf32>
        %add3A_1275 = arith.addf %mul3A_1262, %mul3A_1263 : vector<16xf32>
        %add3A_1276 = arith.addf %mul3A_1264, %mul3A_1265 : vector<16xf32>
        %add3A_1277 = arith.addf %mul3A_1266, %mul3A_1267 : vector<16xf32>
        %add3A_1278 = arith.addf %mul3A_1268, %mul3A_1269 : vector<16xf32>
        %add3A_1279 = arith.addf %mul3A_1270, %mul3A_1271 : vector<16xf32>
        %add3A_1280 = arith.addf %add3A_1272, %add3A_1273 : vector<16xf32>
        %add3A_1281 = arith.addf %add3A_1274, %add3A_1275 : vector<16xf32>
        %add3A_1282 = arith.addf %add3A_1276, %add3A_1277 : vector<16xf32>
        %add3A_1283 = arith.addf %add3A_1278, %add3A_1279 : vector<16xf32>
        %add3A_1284 = arith.addf %add3A_1280, %add3A_1281 : vector<16xf32>
        %add3A_1285 = arith.addf %add3A_1282, %add3A_1283 : vector<16xf32>
        %add3A_1286 = arith.addf %add3A_1284, %add3A_1285 : vector<16xf32>
        %mul3A_1287 = arith.constant 6.250000e-02 : f32
        %mul3A_1288 = vector.broadcast %mul3A_1287 : f32 to vector<16xf32>
        %mul3A_1289 = arith.mulf %add3A_1286, %mul3A_1288 : vector<16xf32>
        %add3A_1290 = arith.constant 9.99999974E-6 : f32
        %add3A_1291 = vector.broadcast %add3A_1290 : f32 to vector<16xf32>
        %add3A_1292 = arith.addf %mul3A_1289, %add3A_1291 : vector<16xf32>
        %bitcast_convert_type3A_1293 = tpu.bitcast %add3A_1292 : vector<16xf32> -> vector<16xi32>
        %shift_right_arithmetic3A_1294 = arith.constant 1 : i32
        %shift_right_arithmetic3A_1295 = vector.broadcast %shift_right_arithmetic3A_1294 : i32 to vector<16xi32>
        %shift_right_arithmetic3A_1296 = arith.shrsi %bitcast_convert_type3A_1293, %shift_right_arithmetic3A_1295 : vector<16xi32>
        %sub3A_1297 = arith.constant 1597463007 : i32
        %sub3A_1298 = vector.broadcast %sub3A_1297 : i32 to vector<16xi32>
        %sub3A_1299 = arith.subi %sub3A_1298, %shift_right_arithmetic3A_1296 : vector<16xi32>
        %bitcast_convert_type3A_1300 = tpu.bitcast %sub3A_1299 : vector<16xi32> -> vector<16xf32>
        %mul3A_1301 = arith.constant 5.000000e-01 : f32
        %mul3A_1302 = vector.broadcast %mul3A_1301 : f32 to vector<16xf32>
        %mul3A_1303 = arith.mulf %mul3A_1302, %add3A_1292 : vector<16xf32>
        %mul3A_1304 = arith.mulf %mul3A_1303, %bitcast_convert_type3A_1300 : vector<16xf32>
        %mul3A_1305 = arith.mulf %mul3A_1304, %bitcast_convert_type3A_1300 : vector<16xf32>
        %sub3A_1306 = arith.constant 1.500000e+00 : f32
        %sub3A_1307 = vector.broadcast %sub3A_1306 : f32 to vector<16xf32>
        %sub3A_1308 = arith.subf %sub3A_1307, %mul3A_1305 : vector<16xf32>
        %mul3A_1309 = arith.mulf %bitcast_convert_type3A_1300, %sub3A_1308 : vector<16xf32>
        %mul3A_1310 = arith.constant 5.000000e-01 : f32
        %mul3A_1311 = vector.broadcast %mul3A_1310 : f32 to vector<16xf32>
        %mul3A_1312 = arith.mulf %mul3A_1311, %add3A_1292 : vector<16xf32>
        %mul3A_1313 = arith.mulf %mul3A_1312, %mul3A_1309 : vector<16xf32>
        %mul3A_1314 = arith.mulf %mul3A_1313, %mul3A_1309 : vector<16xf32>
        %sub3A_1315 = arith.constant 1.500000e+00 : f32
        %sub3A_1316 = vector.broadcast %sub3A_1315 : f32 to vector<16xf32>
        %sub3A_1317 = arith.subf %sub3A_1316, %mul3A_1314 : vector<16xf32>
        %mul3A_1318 = arith.mulf %mul3A_1309, %sub3A_1317 : vector<16xf32>
        %add3A_1319 = arith.constant 0 : i32
        %add3A_1320 = arith.addi %add3A_1157, %add3A_1319 : i32
        %add3A_1321 = arith.constant 0 : i32
        %add3A_1322 = arith.addi %add3A_1320, %add3A_1321 : i32
        %add3A_1323 = vector.broadcast %add3A_1322 : i32 to vector<16xi32>
        %add3A_1324 = arith.addi %add3A_1323, %iota3A : vector<16xi32>
        %mul3A_1325 = arith.mulf %mul3A_1318, %gather3A : vector<16xf32>
        %mul3A_1326 = arith.mulf %sub3A_1240, %mul3A_1325 : vector<16xf32>
        %add3A_1327 = arith.addf %mul3A_1326, %gather3A_51 : vector<16xf32>
        tpu.vector_store_idx %arg12[%add3A_1324], %add3A_1327 : memref<8192xf32, #tpu.memory_space<vmem>>[vector<16xi32>], vector<16xf32>,
        %add3A_1328 = arith.constant 0 : i32
        %add3A_1329 = arith.addi %add3A_1157, %add3A_1328 : i32
        %add3A_1330 = arith.constant 128 : i32
        %add3A_1331 = arith.addi %add3A_1329, %add3A_1330 : i32
        %add3A_1332 = vector.broadcast %add3A_1331 : i32 to vector<16xi32>
        %add3A_1333 = arith.addi %add3A_1332, %iota3A : vector<16xi32>
        %mul3A_1334 = arith.mulf %mul3A_1318, %gather3A_6 : vector<16xf32>
        %mul3A_1335 = arith.mulf %sub3A_1241, %mul3A_1334 : vector<16xf32>
        %add3A_1336 = arith.addf %mul3A_1335, %gather3A_54 : vector<16xf32>
        tpu.vector_store_idx %arg12[%add3A_1333], %add3A_1336 : memref<8192xf32, #tpu.memory_space<vmem>>[vector<16xi32>], vector<16xf32>,
        %add3A_1337 = arith.constant 0 : i32
        %add3A_1338 = arith.addi %add3A_1157, %add3A_1337 : i32
        %add3A_1339 = arith.constant 256 : i32
        %add3A_1340 = arith.addi %add3A_1338, %add3A_1339 : i32
        %add3A_1341 = vector.broadcast %add3A_1340 : i32 to vector<16xi32>
        %add3A_1342 = arith.addi %add3A_1341, %iota3A : vector<16xi32>
        %mul3A_1343 = arith.mulf %mul3A_1318, %gather3A_9 : vector<16xf32>
        %mul3A_1344 = arith.mulf %sub3A_1242, %mul3A_1343 : vector<16xf32>
        %add3A_1345 = arith.addf %mul3A_1344, %gather3A_57 : vector<16xf32>
        tpu.vector_store_idx %arg12[%add3A_1342], %add3A_1345 : memref<8192xf32, #tpu.memory_space<vmem>>[vector<16xi32>], vector<16xf32>,
        %add3A_1346 = arith.constant 0 : i32
        %add3A_1347 = arith.addi %add3A_1157, %add3A_1346 : i32
        %add3A_1348 = arith.constant 384 : i32
        %add3A_1349 = arith.addi %add3A_1347, %add3A_1348 : i32
        %add3A_1350 = vector.broadcast %add3A_1349 : i32 to vector<16xi32>
        %add3A_1351 = arith.addi %add3A_1350, %iota3A : vector<16xi32>
        %mul3A_1352 = arith.mulf %mul3A_1318, %gather3A_12 : vector<16xf32>
        %mul3A_1353 = arith.mulf %sub3A_1243, %mul3A_1352 : vector<16xf32>
        %add3A_1354 = arith.addf %mul3A_1353, %gather3A_60 : vector<16xf32>
        tpu.vector_store_idx %arg12[%add3A_1351], %add3A_1354 : memref<8192xf32, #tpu.memory_space<vmem>>[vector<16xi32>], vector<16xf32>,
        %add3A_1355 = arith.constant 0 : i32
        %add3A_1356 = arith.addi %add3A_1157, %add3A_1355 : i32
        %add3A_1357 = arith.constant 512 : i32
        %add3A_1358 = arith.addi %add3A_1356, %add3A_1357 : i32
        %add3A_1359 = vector.broadcast %add3A_1358 : i32 to vector<16xi32>
        %add3A_1360 = arith.addi %add3A_1359, %iota3A : vector<16xi32>
        %mul3A_1361 = arith.mulf %mul3A_1318, %gather3A_15 : vector<16xf32>
        %mul3A_1362 = arith.mulf %sub3A_1244, %mul3A_1361 : vector<16xf32>
        %add3A_1363 = arith.addf %mul3A_1362, %gather3A_63 : vector<16xf32>
        tpu.vector_store_idx %arg12[%add3A_1360], %add3A_1363 : memref<8192xf32, #tpu.memory_space<vmem>>[vector<16xi32>], vector<16xf32>,
        %add3A_1364 = arith.constant 0 : i32
        %add3A_1365 = arith.addi %add3A_1157, %add3A_1364 : i32
        %add3A_1366 = arith.constant 640 : i32
        %add3A_1367 = arith.addi %add3A_1365, %add3A_1366 : i32
        %add3A_1368 = vector.broadcast %add3A_1367 : i32 to vector<16xi32>
        %add3A_1369 = arith.addi %add3A_1368, %iota3A : vector<16xi32>
        %mul3A_1370 = arith.mulf %mul3A_1318, %gather3A_18 : vector<16xf32>
        %mul3A_1371 = arith.mulf %sub3A_1245, %mul3A_1370 : vector<16xf32>
        %add3A_1372 = arith.addf %mul3A_1371, %gather3A_66 : vector<16xf32>
        tpu.vector_store_idx %arg12[%add3A_1369], %add3A_1372 : memref<8192xf32, #tpu.memory_space<vmem>>[vector<16xi32>], vector<16xf32>,
        %add3A_1373 = arith.constant 0 : i32
        %add3A_1374 = arith.addi %add3A_1157, %add3A_1373 : i32
        %add3A_1375 = arith.constant 768 : i32
        %add3A_1376 = arith.addi %add3A_1374, %add3A_1375 : i32
        %add3A_1377 = vector.broadcast %add3A_1376 : i32 to vector<16xi32>
        %add3A_1378 = arith.addi %add3A_1377, %iota3A : vector<16xi32>
        %mul3A_1379 = arith.mulf %mul3A_1318, %gather3A_21 : vector<16xf32>
        %mul3A_1380 = arith.mulf %sub3A_1246, %mul3A_1379 : vector<16xf32>
        %add3A_1381 = arith.addf %mul3A_1380, %gather3A_69 : vector<16xf32>
        tpu.vector_store_idx %arg12[%add3A_1378], %add3A_1381 : memref<8192xf32, #tpu.memory_space<vmem>>[vector<16xi32>], vector<16xf32>,
        %add3A_1382 = arith.constant 0 : i32
        %add3A_1383 = arith.addi %add3A_1157, %add3A_1382 : i32
        %add3A_1384 = arith.constant 896 : i32
        %add3A_1385 = arith.addi %add3A_1383, %add3A_1384 : i32
        %add3A_1386 = vector.broadcast %add3A_1385 : i32 to vector<16xi32>
        %add3A_1387 = arith.addi %add3A_1386, %iota3A : vector<16xi32>
        %mul3A_1388 = arith.mulf %mul3A_1318, %gather3A_24 : vector<16xf32>
        %mul3A_1389 = arith.mulf %sub3A_1247, %mul3A_1388 : vector<16xf32>
        %add3A_1390 = arith.addf %mul3A_1389, %gather3A_72 : vector<16xf32>
        tpu.vector_store_idx %arg12[%add3A_1387], %add3A_1390 : memref<8192xf32, #tpu.memory_space<vmem>>[vector<16xi32>], vector<16xf32>,
        %add3A_1391 = arith.constant 4096 : i32
        %add3A_1392 = arith.addi %add3A_1157, %add3A_1391 : i32
        %add3A_1393 = arith.constant 0 : i32
        %add3A_1394 = arith.addi %add3A_1392, %add3A_1393 : i32
        %add3A_1395 = vector.broadcast %add3A_1394 : i32 to vector<16xi32>
        %add3A_1396 = arith.addi %add3A_1395, %iota3A : vector<16xi32>
        %mul3A_1397 = arith.mulf %mul3A_1318, %gather3A_27 : vector<16xf32>
        %mul3A_1398 = arith.mulf %sub3A_1248, %mul3A_1397 : vector<16xf32>
        %add3A_1399 = arith.addf %mul3A_1398, %gather3A_75 : vector<16xf32>
        tpu.vector_store_idx %arg12[%add3A_1396], %add3A_1399 : memref<8192xf32, #tpu.memory_space<vmem>>[vector<16xi32>], vector<16xf32>,
        %add3A_1400 = arith.constant 4096 : i32
        %add3A_1401 = arith.addi %add3A_1157, %add3A_1400 : i32
        %add3A_1402 = arith.constant 128 : i32
        %add3A_1403 = arith.addi %add3A_1401, %add3A_1402 : i32
        %add3A_1404 = vector.broadcast %add3A_1403 : i32 to vector<16xi32>
        %add3A_1405 = arith.addi %add3A_1404, %iota3A : vector<16xi32>
        %mul3A_1406 = arith.mulf %mul3A_1318, %gather3A_30 : vector<16xf32>
        %mul3A_1407 = arith.mulf %sub3A_1249, %mul3A_1406 : vector<16xf32>
        %add3A_1408 = arith.addf %mul3A_1407, %gather3A_78 : vector<16xf32>
        tpu.vector_store_idx %arg12[%add3A_1405], %add3A_1408 : memref<8192xf32, #tpu.memory_space<vmem>>[vector<16xi32>], vector<16xf32>,
        %add3A_1409 = arith.constant 4096 : i32
        %add3A_1410 = arith.addi %add3A_1157, %add3A_1409 : i32
        %add3A_1411 = arith.constant 256 : i32
        %add3A_1412 = arith.addi %add3A_1410, %add3A_1411 : i32
        %add3A_1413 = vector.broadcast %add3A_1412 : i32 to vector<16xi32>
        %add3A_1414 = arith.addi %add3A_1413, %iota3A : vector<16xi32>
        %mul3A_1415 = arith.mulf %mul3A_1318, %gather3A_33 : vector<16xf32>
        %mul3A_1416 = arith.mulf %sub3A_1250, %mul3A_1415 : vector<16xf32>
        %add3A_1417 = arith.addf %mul3A_1416, %gather3A_81 : vector<16xf32>
        tpu.vector_store_idx %arg12[%add3A_1414], %add3A_1417 : memref<8192xf32, #tpu.memory_space<vmem>>[vector<16xi32>], vector<16xf32>,
        %add3A_1418 = arith.constant 4096 : i32
        %add3A_1419 = arith.addi %add3A_1157, %add3A_1418 : i32
        %add3A_1420 = arith.constant 384 : i32
        %add3A_1421 = arith.addi %add3A_1419, %add3A_1420 : i32
        %add3A_1422 = vector.broadcast %add3A_1421 : i32 to vector<16xi32>
        %add3A_1423 = arith.addi %add3A_1422, %iota3A : vector<16xi32>
        %mul3A_1424 = arith.mulf %mul3A_1318, %gather3A_36 : vector<16xf32>
        %mul3A_1425 = arith.mulf %sub3A_1251, %mul3A_1424 : vector<16xf32>
        %add3A_1426 = arith.addf %mul3A_1425, %gather3A_84 : vector<16xf32>
        tpu.vector_store_idx %arg12[%add3A_1423], %add3A_1426 : memref<8192xf32, #tpu.memory_space<vmem>>[vector<16xi32>], vector<16xf32>,
        %add3A_1427 = arith.constant 4096 : i32
        %add3A_1428 = arith.addi %add3A_1157, %add3A_1427 : i32
        %add3A_1429 = arith.constant 512 : i32
        %add3A_1430 = arith.addi %add3A_1428, %add3A_1429 : i32
        %add3A_1431 = vector.broadcast %add3A_1430 : i32 to vector<16xi32>
        %add3A_1432 = arith.addi %add3A_1431, %iota3A : vector<16xi32>
        %mul3A_1433 = arith.mulf %mul3A_1318, %gather3A_39 : vector<16xf32>
        %mul3A_1434 = arith.mulf %sub3A_1252, %mul3A_1433 : vector<16xf32>
        %add3A_1435 = arith.addf %mul3A_1434, %gather3A_87 : vector<16xf32>
        tpu.vector_store_idx %arg12[%add3A_1432], %add3A_1435 : memref<8192xf32, #tpu.memory_space<vmem>>[vector<16xi32>], vector<16xf32>,
        %add3A_1436 = arith.constant 4096 : i32
        %add3A_1437 = arith.addi %add3A_1157, %add3A_1436 : i32
        %add3A_1438 = arith.constant 640 : i32
        %add3A_1439 = arith.addi %add3A_1437, %add3A_1438 : i32
        %add3A_1440 = vector.broadcast %add3A_1439 : i32 to vector<16xi32>
        %add3A_1441 = arith.addi %add3A_1440, %iota3A : vector<16xi32>
        %mul3A_1442 = arith.mulf %mul3A_1318, %gather3A_42 : vector<16xf32>
        %mul3A_1443 = arith.mulf %sub3A_1253, %mul3A_1442 : vector<16xf32>
        %add3A_1444 = arith.addf %mul3A_1443, %gather3A_90 : vector<16xf32>
        tpu.vector_store_idx %arg12[%add3A_1441], %add3A_1444 : memref<8192xf32, #tpu.memory_space<vmem>>[vector<16xi32>], vector<16xf32>,
        %add3A_1445 = arith.constant 4096 : i32
        %add3A_1446 = arith.addi %add3A_1157, %add3A_1445 : i32
        %add3A_1447 = arith.constant 768 : i32
        %add3A_1448 = arith.addi %add3A_1446, %add3A_1447 : i32
        %add3A_1449 = vector.broadcast %add3A_1448 : i32 to vector<16xi32>
        %add3A_1450 = arith.addi %add3A_1449, %iota3A : vector<16xi32>
        %mul3A_1451 = arith.mulf %mul3A_1318, %gather3A_45 : vector<16xf32>
        %mul3A_1452 = arith.mulf %sub3A_1254, %mul3A_1451 : vector<16xf32>
        %add3A_1453 = arith.addf %mul3A_1452, %gather3A_93 : vector<16xf32>
        tpu.vector_store_idx %arg12[%add3A_1450], %add3A_1453 : memref<8192xf32, #tpu.memory_space<vmem>>[vector<16xi32>], vector<16xf32>,
        %add3A_1454 = arith.constant 4096 : i32
        %add3A_1455 = arith.addi %add3A_1157, %add3A_1454 : i32
        %add3A_1456 = arith.constant 896 : i32
        %add3A_1457 = arith.addi %add3A_1455, %add3A_1456 : i32
        %add3A_1458 = vector.broadcast %add3A_1457 : i32 to vector<16xi32>
        %add3A_1459 = arith.addi %add3A_1458, %iota3A : vector<16xi32>
        %mul3A_1460 = arith.mulf %mul3A_1318, %gather3A_48 : vector<16xf32>
        %mul3A_1461 = arith.mulf %sub3A_1255, %mul3A_1460 : vector<16xf32>
        %add3A_1462 = arith.addf %mul3A_1461, %gather3A_96 : vector<16xf32>
        tpu.vector_store_idx %arg12[%add3A_1459], %add3A_1462 : memref<8192xf32, #tpu.memory_space<vmem>>[vector<16xi32>], vector<16xf32>,
        %mul3A_1463 = arith.constant 4 : i32
        %mul3A_1464 = arith.muli %mul3A_1463, %scan3A_399 : i32
        %add3A_1465 = arith.constant 3 : i32
        %add3A_1466 = arith.addi %mul3A_1464, %add3A_1465 : i32
        %mul3A_1467 = arith.constant 16 : i32
        %mul3A_1468 = arith.muli %add3A_1466, %mul3A_1467 : i32
        %add3A_1469 = vector.broadcast %mul3A_1468 : i32 to vector<16xi32>
        %add3A_1470 = arith.addi %add3A_1469, %iota3A : vector<16xi32>
        %jit3A_1471 = arith.constant 8 : i32
        %div3A_1472 = arith.divsi %add3A_1466, %jit3A_1471 : i32
        %sign3A_1473 = arith.constant 0 : i32
        %sign3A_1474 = arith.cmpi sgt, %add3A_1466, %sign3A_1473 : i32
        %sign3A_1475 = arith.extui %sign3A_1474 : i1 to i32
        %sign3A_1476 = arith.constant 0 : i32
        %sign3A_1477 = arith.cmpi slt, %add3A_1466, %sign3A_1476 : i32
        %sign3A_1478 = arith.extui %sign3A_1477 : i1 to i32
        %sign3A_1479 = arith.subi %sign3A_1475, %sign3A_1478 : i32
        %sign3A_1480 = arith.constant 0 : i32
        %sign3A_1481 = arith.cmpi sgt, %jit3A_1471, %sign3A_1480 : i32
        %sign3A_1482 = arith.extui %sign3A_1481 : i1 to i32
        %sign3A_1483 = arith.constant 0 : i32
        %sign3A_1484 = arith.cmpi slt, %jit3A_1471, %sign3A_1483 : i32
        %sign3A_1485 = arith.extui %sign3A_1484 : i1 to i32
        %sign3A_1486 = arith.subi %sign3A_1482, %sign3A_1485 : i32
        %ne3A_1487 = arith.cmpi ne, %sign3A_1479, %sign3A_1486 : i32
        %rem3A_1488 = arith.remsi %add3A_1466, %jit3A_1471 : i32
        %ne3A_1489 = arith.constant 0 : i32
        %ne3A_1490 = arith.cmpi ne, %rem3A_1488, %ne3A_1489 : i32
        %and3A_1491 = arith.andi %ne3A_1487, %ne3A_1490 : i1
        %sub3A_1492 = arith.constant 1 : i32
        %sub3A_1493 = arith.subi %div3A_1472, %sub3A_1492 : i32
        %select_n3A_1494 = arith.select %and3A_1491, %sub3A_1493, %div3A_1472 : i32
        %mul3A_1495 = arith.constant 1024 : i32
        %mul3A_1496 = arith.muli %select_n3A_1494, %mul3A_1495 : i32
        %jit3A_1497 = arith.constant 8 : i32
        %eq3A_1498 = arith.constant 0 : i32
        %eq3A_1499 = arith.cmpi eq, %jit3A_1497, %eq3A_1498 : i32
        %jit3A_1500 = arith.constant 1 : i32
        %select_n3A_1501 = arith.select %eq3A_1499, %jit3A_1500, %jit3A_1497 : i32
        %rem3A_1502 = arith.remsi %add3A_1466, %select_n3A_1501 : i32
        %ne3A_1503 = arith.constant 0 : i32
        %ne3A_1504 = arith.cmpi ne, %rem3A_1502, %ne3A_1503 : i32
        %lt3A_1505 = arith.constant 0 : i32
        %lt3A_1506 = arith.cmpi slt, %rem3A_1502, %lt3A_1505 : i32
        %lt3A_1507 = arith.constant 0 : i32
        %lt3A_1508 = arith.cmpi slt, %select_n3A_1501, %lt3A_1507 : i32
        %ne3A_1509 = arith.xori %lt3A_1506, %lt3A_1508 : i1
        %and3A_1510 = arith.andi %ne3A_1509, %ne3A_1504 : i1
        %add3A_1511 = arith.addi %rem3A_1502, %select_n3A_1501 : i32
        %select_n3A_1512 = arith.select %and3A_1510, %add3A_1511, %rem3A_1502 : i32
        %mul3A_1513 = arith.constant 16 : i32
        %mul3A_1514 = arith.muli %select_n3A_1512, %mul3A_1513 : i32
        %add3A_1515 = arith.addi %mul3A_1496, %mul3A_1514 : i32
        %broadcast_in_dim3A_1516 = arith.constant 0 : i32
        %broadcast_in_dim3A_1517 = vector.broadcast %broadcast_in_dim3A_1516 : i32 to vector<16xi32>
        %gather3A_1518 = tpu.vector_load_idx %arg10[%add3A_1470, %broadcast_in_dim3A_1517] : memref<512x16xf32, #tpu.memory_space<vmem>>[vector<16xi32>, vector<16xi32>], vector<16xf32>,
        %add3A_1519 = arith.addf %gather3A_1518, %get3A_167 : vector<16xf32>
        %broadcast_in_dim3A_1520 = arith.constant 1 : i32
        %broadcast_in_dim3A_1521 = vector.broadcast %broadcast_in_dim3A_1520 : i32 to vector<16xi32>
        %gather3A_1522 = tpu.vector_load_idx %arg10[%add3A_1470, %broadcast_in_dim3A_1521] : memref<512x16xf32, #tpu.memory_space<vmem>>[vector<16xi32>, vector<16xi32>], vector<16xf32>,
        %add3A_1523 = arith.addf %gather3A_1522, %get3A_171 : vector<16xf32>
        %broadcast_in_dim3A_1524 = arith.constant 2 : i32
        %broadcast_in_dim3A_1525 = vector.broadcast %broadcast_in_dim3A_1524 : i32 to vector<16xi32>
        %gather3A_1526 = tpu.vector_load_idx %arg10[%add3A_1470, %broadcast_in_dim3A_1525] : memref<512x16xf32, #tpu.memory_space<vmem>>[vector<16xi32>, vector<16xi32>], vector<16xf32>,
        %add3A_1527 = arith.addf %gather3A_1526, %get3A_175 : vector<16xf32>
        %broadcast_in_dim3A_1528 = arith.constant 3 : i32
        %broadcast_in_dim3A_1529 = vector.broadcast %broadcast_in_dim3A_1528 : i32 to vector<16xi32>
        %gather3A_1530 = tpu.vector_load_idx %arg10[%add3A_1470, %broadcast_in_dim3A_1529] : memref<512x16xf32, #tpu.memory_space<vmem>>[vector<16xi32>, vector<16xi32>], vector<16xf32>,
        %add3A_1531 = arith.addf %gather3A_1530, %get3A_179 : vector<16xf32>
        %broadcast_in_dim3A_1532 = arith.constant 4 : i32
        %broadcast_in_dim3A_1533 = vector.broadcast %broadcast_in_dim3A_1532 : i32 to vector<16xi32>
        %gather3A_1534 = tpu.vector_load_idx %arg10[%add3A_1470, %broadcast_in_dim3A_1533] : memref<512x16xf32, #tpu.memory_space<vmem>>[vector<16xi32>, vector<16xi32>], vector<16xf32>,
        %add3A_1535 = arith.addf %gather3A_1534, %get3A_183 : vector<16xf32>
        %broadcast_in_dim3A_1536 = arith.constant 5 : i32
        %broadcast_in_dim3A_1537 = vector.broadcast %broadcast_in_dim3A_1536 : i32 to vector<16xi32>
        %gather3A_1538 = tpu.vector_load_idx %arg10[%add3A_1470, %broadcast_in_dim3A_1537] : memref<512x16xf32, #tpu.memory_space<vmem>>[vector<16xi32>, vector<16xi32>], vector<16xf32>,
        %add3A_1539 = arith.addf %gather3A_1538, %get3A_187 : vector<16xf32>
        %broadcast_in_dim3A_1540 = arith.constant 6 : i32
        %broadcast_in_dim3A_1541 = vector.broadcast %broadcast_in_dim3A_1540 : i32 to vector<16xi32>
        %gather3A_1542 = tpu.vector_load_idx %arg10[%add3A_1470, %broadcast_in_dim3A_1541] : memref<512x16xf32, #tpu.memory_space<vmem>>[vector<16xi32>, vector<16xi32>], vector<16xf32>,
        %add3A_1543 = arith.addf %gather3A_1542, %get3A_191 : vector<16xf32>
        %broadcast_in_dim3A_1544 = arith.constant 7 : i32
        %broadcast_in_dim3A_1545 = vector.broadcast %broadcast_in_dim3A_1544 : i32 to vector<16xi32>
        %gather3A_1546 = tpu.vector_load_idx %arg10[%add3A_1470, %broadcast_in_dim3A_1545] : memref<512x16xf32, #tpu.memory_space<vmem>>[vector<16xi32>, vector<16xi32>], vector<16xf32>,
        %add3A_1547 = arith.addf %gather3A_1546, %get3A_195 : vector<16xf32>
        %broadcast_in_dim3A_1548 = arith.constant 8 : i32
        %broadcast_in_dim3A_1549 = vector.broadcast %broadcast_in_dim3A_1548 : i32 to vector<16xi32>
        %gather3A_1550 = tpu.vector_load_idx %arg10[%add3A_1470, %broadcast_in_dim3A_1549] : memref<512x16xf32, #tpu.memory_space<vmem>>[vector<16xi32>, vector<16xi32>], vector<16xf32>,
        %add3A_1551 = arith.addf %gather3A_1550, %get3A_199 : vector<16xf32>
        %broadcast_in_dim3A_1552 = arith.constant 9 : i32
        %broadcast_in_dim3A_1553 = vector.broadcast %broadcast_in_dim3A_1552 : i32 to vector<16xi32>
        %gather3A_1554 = tpu.vector_load_idx %arg10[%add3A_1470, %broadcast_in_dim3A_1553] : memref<512x16xf32, #tpu.memory_space<vmem>>[vector<16xi32>, vector<16xi32>], vector<16xf32>,
        %add3A_1555 = arith.addf %gather3A_1554, %get3A_203 : vector<16xf32>
        %broadcast_in_dim3A_1556 = arith.constant 10 : i32
        %broadcast_in_dim3A_1557 = vector.broadcast %broadcast_in_dim3A_1556 : i32 to vector<16xi32>
        %gather3A_1558 = tpu.vector_load_idx %arg10[%add3A_1470, %broadcast_in_dim3A_1557] : memref<512x16xf32, #tpu.memory_space<vmem>>[vector<16xi32>, vector<16xi32>], vector<16xf32>,
        %add3A_1559 = arith.addf %gather3A_1558, %get3A_207 : vector<16xf32>
        %broadcast_in_dim3A_1560 = arith.constant 11 : i32
        %broadcast_in_dim3A_1561 = vector.broadcast %broadcast_in_dim3A_1560 : i32 to vector<16xi32>
        %gather3A_1562 = tpu.vector_load_idx %arg10[%add3A_1470, %broadcast_in_dim3A_1561] : memref<512x16xf32, #tpu.memory_space<vmem>>[vector<16xi32>, vector<16xi32>], vector<16xf32>,
        %add3A_1563 = arith.addf %gather3A_1562, %get3A_211 : vector<16xf32>
        %broadcast_in_dim3A_1564 = arith.constant 12 : i32
        %broadcast_in_dim3A_1565 = vector.broadcast %broadcast_in_dim3A_1564 : i32 to vector<16xi32>
        %gather3A_1566 = tpu.vector_load_idx %arg10[%add3A_1470, %broadcast_in_dim3A_1565] : memref<512x16xf32, #tpu.memory_space<vmem>>[vector<16xi32>, vector<16xi32>], vector<16xf32>,
        %add3A_1567 = arith.addf %gather3A_1566, %get3A_215 : vector<16xf32>
        %broadcast_in_dim3A_1568 = arith.constant 13 : i32
        %broadcast_in_dim3A_1569 = vector.broadcast %broadcast_in_dim3A_1568 : i32 to vector<16xi32>
        %gather3A_1570 = tpu.vector_load_idx %arg10[%add3A_1470, %broadcast_in_dim3A_1569] : memref<512x16xf32, #tpu.memory_space<vmem>>[vector<16xi32>, vector<16xi32>], vector<16xf32>,
        %add3A_1571 = arith.addf %gather3A_1570, %get3A_219 : vector<16xf32>
        %broadcast_in_dim3A_1572 = arith.constant 14 : i32
        %broadcast_in_dim3A_1573 = vector.broadcast %broadcast_in_dim3A_1572 : i32 to vector<16xi32>
        %gather3A_1574 = tpu.vector_load_idx %arg10[%add3A_1470, %broadcast_in_dim3A_1573] : memref<512x16xf32, #tpu.memory_space<vmem>>[vector<16xi32>, vector<16xi32>], vector<16xf32>,
        %add3A_1575 = arith.addf %gather3A_1574, %get3A_223 : vector<16xf32>
        %broadcast_in_dim3A_1576 = arith.constant 15 : i32
        %broadcast_in_dim3A_1577 = vector.broadcast %broadcast_in_dim3A_1576 : i32 to vector<16xi32>
        %gather3A_1578 = tpu.vector_load_idx %arg10[%add3A_1470, %broadcast_in_dim3A_1577] : memref<512x16xf32, #tpu.memory_space<vmem>>[vector<16xi32>, vector<16xi32>], vector<16xf32>,
        %add3A_1579 = arith.addf %gather3A_1578, %get3A_227 : vector<16xf32>
        %add3A_1580 = arith.addf %add3A_1519, %add3A_1523 : vector<16xf32>
        %add3A_1581 = arith.addf %add3A_1527, %add3A_1531 : vector<16xf32>
        %add3A_1582 = arith.addf %add3A_1535, %add3A_1539 : vector<16xf32>
        %add3A_1583 = arith.addf %add3A_1543, %add3A_1547 : vector<16xf32>
        %add3A_1584 = arith.addf %add3A_1551, %add3A_1555 : vector<16xf32>
        %add3A_1585 = arith.addf %add3A_1559, %add3A_1563 : vector<16xf32>
        %add3A_1586 = arith.addf %add3A_1567, %add3A_1571 : vector<16xf32>
        %add3A_1587 = arith.addf %add3A_1575, %add3A_1579 : vector<16xf32>
        %add3A_1588 = arith.addf %add3A_1580, %add3A_1581 : vector<16xf32>
        %add3A_1589 = arith.addf %add3A_1582, %add3A_1583 : vector<16xf32>
        %add3A_1590 = arith.addf %add3A_1584, %add3A_1585 : vector<16xf32>
        %add3A_1591 = arith.addf %add3A_1586, %add3A_1587 : vector<16xf32>
        %add3A_1592 = arith.addf %add3A_1588, %add3A_1589 : vector<16xf32>
        %add3A_1593 = arith.addf %add3A_1590, %add3A_1591 : vector<16xf32>
        %add3A_1594 = arith.addf %add3A_1592, %add3A_1593 : vector<16xf32>
        %mul3A_1595 = arith.constant 6.250000e-02 : f32
        %mul3A_1596 = vector.broadcast %mul3A_1595 : f32 to vector<16xf32>
        %mul3A_1597 = arith.mulf %add3A_1594, %mul3A_1596 : vector<16xf32>
        %sub3A_1598 = arith.subf %add3A_1519, %mul3A_1597 : vector<16xf32>
        %sub3A_1599 = arith.subf %add3A_1523, %mul3A_1597 : vector<16xf32>
        %sub3A_1600 = arith.subf %add3A_1527, %mul3A_1597 : vector<16xf32>
        %sub3A_1601 = arith.subf %add3A_1531, %mul3A_1597 : vector<16xf32>
        %sub3A_1602 = arith.subf %add3A_1535, %mul3A_1597 : vector<16xf32>
        %sub3A_1603 = arith.subf %add3A_1539, %mul3A_1597 : vector<16xf32>
        %sub3A_1604 = arith.subf %add3A_1543, %mul3A_1597 : vector<16xf32>
        %sub3A_1605 = arith.subf %add3A_1547, %mul3A_1597 : vector<16xf32>
        %sub3A_1606 = arith.subf %add3A_1551, %mul3A_1597 : vector<16xf32>
        %sub3A_1607 = arith.subf %add3A_1555, %mul3A_1597 : vector<16xf32>
        %sub3A_1608 = arith.subf %add3A_1559, %mul3A_1597 : vector<16xf32>
        %sub3A_1609 = arith.subf %add3A_1563, %mul3A_1597 : vector<16xf32>
        %sub3A_1610 = arith.subf %add3A_1567, %mul3A_1597 : vector<16xf32>
        %sub3A_1611 = arith.subf %add3A_1571, %mul3A_1597 : vector<16xf32>
        %sub3A_1612 = arith.subf %add3A_1575, %mul3A_1597 : vector<16xf32>
        %sub3A_1613 = arith.subf %add3A_1579, %mul3A_1597 : vector<16xf32>
        %mul3A_1614 = arith.mulf %sub3A_1598, %sub3A_1598 : vector<16xf32>
        %mul3A_1615 = arith.mulf %sub3A_1599, %sub3A_1599 : vector<16xf32>
        %mul3A_1616 = arith.mulf %sub3A_1600, %sub3A_1600 : vector<16xf32>
        %mul3A_1617 = arith.mulf %sub3A_1601, %sub3A_1601 : vector<16xf32>
        %mul3A_1618 = arith.mulf %sub3A_1602, %sub3A_1602 : vector<16xf32>
        %mul3A_1619 = arith.mulf %sub3A_1603, %sub3A_1603 : vector<16xf32>
        %mul3A_1620 = arith.mulf %sub3A_1604, %sub3A_1604 : vector<16xf32>
        %mul3A_1621 = arith.mulf %sub3A_1605, %sub3A_1605 : vector<16xf32>
        %mul3A_1622 = arith.mulf %sub3A_1606, %sub3A_1606 : vector<16xf32>
        %mul3A_1623 = arith.mulf %sub3A_1607, %sub3A_1607 : vector<16xf32>
        %mul3A_1624 = arith.mulf %sub3A_1608, %sub3A_1608 : vector<16xf32>
        %mul3A_1625 = arith.mulf %sub3A_1609, %sub3A_1609 : vector<16xf32>
        %mul3A_1626 = arith.mulf %sub3A_1610, %sub3A_1610 : vector<16xf32>
        %mul3A_1627 = arith.mulf %sub3A_1611, %sub3A_1611 : vector<16xf32>
        %mul3A_1628 = arith.mulf %sub3A_1612, %sub3A_1612 : vector<16xf32>
        %mul3A_1629 = arith.mulf %sub3A_1613, %sub3A_1613 : vector<16xf32>
        %add3A_1630 = arith.addf %mul3A_1614, %mul3A_1615 : vector<16xf32>
        %add3A_1631 = arith.addf %mul3A_1616, %mul3A_1617 : vector<16xf32>
        %add3A_1632 = arith.addf %mul3A_1618, %mul3A_1619 : vector<16xf32>
        %add3A_1633 = arith.addf %mul3A_1620, %mul3A_1621 : vector<16xf32>
        %add3A_1634 = arith.addf %mul3A_1622, %mul3A_1623 : vector<16xf32>
        %add3A_1635 = arith.addf %mul3A_1624, %mul3A_1625 : vector<16xf32>
        %add3A_1636 = arith.addf %mul3A_1626, %mul3A_1627 : vector<16xf32>
        %add3A_1637 = arith.addf %mul3A_1628, %mul3A_1629 : vector<16xf32>
        %add3A_1638 = arith.addf %add3A_1630, %add3A_1631 : vector<16xf32>
        %add3A_1639 = arith.addf %add3A_1632, %add3A_1633 : vector<16xf32>
        %add3A_1640 = arith.addf %add3A_1634, %add3A_1635 : vector<16xf32>
        %add3A_1641 = arith.addf %add3A_1636, %add3A_1637 : vector<16xf32>
        %add3A_1642 = arith.addf %add3A_1638, %add3A_1639 : vector<16xf32>
        %add3A_1643 = arith.addf %add3A_1640, %add3A_1641 : vector<16xf32>
        %add3A_1644 = arith.addf %add3A_1642, %add3A_1643 : vector<16xf32>
        %mul3A_1645 = arith.constant 6.250000e-02 : f32
        %mul3A_1646 = vector.broadcast %mul3A_1645 : f32 to vector<16xf32>
        %mul3A_1647 = arith.mulf %add3A_1644, %mul3A_1646 : vector<16xf32>
        %add3A_1648 = arith.constant 9.99999974E-6 : f32
        %add3A_1649 = vector.broadcast %add3A_1648 : f32 to vector<16xf32>
        %add3A_1650 = arith.addf %mul3A_1647, %add3A_1649 : vector<16xf32>
        %bitcast_convert_type3A_1651 = tpu.bitcast %add3A_1650 : vector<16xf32> -> vector<16xi32>
        %shift_right_arithmetic3A_1652 = arith.constant 1 : i32
        %shift_right_arithmetic3A_1653 = vector.broadcast %shift_right_arithmetic3A_1652 : i32 to vector<16xi32>
        %shift_right_arithmetic3A_1654 = arith.shrsi %bitcast_convert_type3A_1651, %shift_right_arithmetic3A_1653 : vector<16xi32>
        %sub3A_1655 = arith.constant 1597463007 : i32
        %sub3A_1656 = vector.broadcast %sub3A_1655 : i32 to vector<16xi32>
        %sub3A_1657 = arith.subi %sub3A_1656, %shift_right_arithmetic3A_1654 : vector<16xi32>
        %bitcast_convert_type3A_1658 = tpu.bitcast %sub3A_1657 : vector<16xi32> -> vector<16xf32>
        %mul3A_1659 = arith.constant 5.000000e-01 : f32
        %mul3A_1660 = vector.broadcast %mul3A_1659 : f32 to vector<16xf32>
        %mul3A_1661 = arith.mulf %mul3A_1660, %add3A_1650 : vector<16xf32>
        %mul3A_1662 = arith.mulf %mul3A_1661, %bitcast_convert_type3A_1658 : vector<16xf32>
        %mul3A_1663 = arith.mulf %mul3A_1662, %bitcast_convert_type3A_1658 : vector<16xf32>
        %sub3A_1664 = arith.constant 1.500000e+00 : f32
        %sub3A_1665 = vector.broadcast %sub3A_1664 : f32 to vector<16xf32>
        %sub3A_1666 = arith.subf %sub3A_1665, %mul3A_1663 : vector<16xf32>
        %mul3A_1667 = arith.mulf %bitcast_convert_type3A_1658, %sub3A_1666 : vector<16xf32>
        %mul3A_1668 = arith.constant 5.000000e-01 : f32
        %mul3A_1669 = vector.broadcast %mul3A_1668 : f32 to vector<16xf32>
        %mul3A_1670 = arith.mulf %mul3A_1669, %add3A_1650 : vector<16xf32>
        %mul3A_1671 = arith.mulf %mul3A_1670, %mul3A_1667 : vector<16xf32>
        %mul3A_1672 = arith.mulf %mul3A_1671, %mul3A_1667 : vector<16xf32>
        %sub3A_1673 = arith.constant 1.500000e+00 : f32
        %sub3A_1674 = vector.broadcast %sub3A_1673 : f32 to vector<16xf32>
        %sub3A_1675 = arith.subf %sub3A_1674, %mul3A_1672 : vector<16xf32>
        %mul3A_1676 = arith.mulf %mul3A_1667, %sub3A_1675 : vector<16xf32>
        %add3A_1677 = arith.constant 0 : i32
        %add3A_1678 = arith.addi %add3A_1515, %add3A_1677 : i32
        %add3A_1679 = arith.constant 0 : i32
        %add3A_1680 = arith.addi %add3A_1678, %add3A_1679 : i32
        %add3A_1681 = vector.broadcast %add3A_1680 : i32 to vector<16xi32>
        %add3A_1682 = arith.addi %add3A_1681, %iota3A : vector<16xi32>
        %mul3A_1683 = arith.mulf %mul3A_1676, %gather3A : vector<16xf32>
        %mul3A_1684 = arith.mulf %sub3A_1598, %mul3A_1683 : vector<16xf32>
        %add3A_1685 = arith.addf %mul3A_1684, %gather3A_51 : vector<16xf32>
        tpu.vector_store_idx %arg12[%add3A_1682], %add3A_1685 : memref<8192xf32, #tpu.memory_space<vmem>>[vector<16xi32>], vector<16xf32>,
        %add3A_1686 = arith.constant 0 : i32
        %add3A_1687 = arith.addi %add3A_1515, %add3A_1686 : i32
        %add3A_1688 = arith.constant 128 : i32
        %add3A_1689 = arith.addi %add3A_1687, %add3A_1688 : i32
        %add3A_1690 = vector.broadcast %add3A_1689 : i32 to vector<16xi32>
        %add3A_1691 = arith.addi %add3A_1690, %iota3A : vector<16xi32>
        %mul3A_1692 = arith.mulf %mul3A_1676, %gather3A_6 : vector<16xf32>
        %mul3A_1693 = arith.mulf %sub3A_1599, %mul3A_1692 : vector<16xf32>
        %add3A_1694 = arith.addf %mul3A_1693, %gather3A_54 : vector<16xf32>
        tpu.vector_store_idx %arg12[%add3A_1691], %add3A_1694 : memref<8192xf32, #tpu.memory_space<vmem>>[vector<16xi32>], vector<16xf32>,
        %add3A_1695 = arith.constant 0 : i32
        %add3A_1696 = arith.addi %add3A_1515, %add3A_1695 : i32
        %add3A_1697 = arith.constant 256 : i32
        %add3A_1698 = arith.addi %add3A_1696, %add3A_1697 : i32
        %add3A_1699 = vector.broadcast %add3A_1698 : i32 to vector<16xi32>
        %add3A_1700 = arith.addi %add3A_1699, %iota3A : vector<16xi32>
        %mul3A_1701 = arith.mulf %mul3A_1676, %gather3A_9 : vector<16xf32>
        %mul3A_1702 = arith.mulf %sub3A_1600, %mul3A_1701 : vector<16xf32>
        %add3A_1703 = arith.addf %mul3A_1702, %gather3A_57 : vector<16xf32>
        tpu.vector_store_idx %arg12[%add3A_1700], %add3A_1703 : memref<8192xf32, #tpu.memory_space<vmem>>[vector<16xi32>], vector<16xf32>,
        %add3A_1704 = arith.constant 0 : i32
        %add3A_1705 = arith.addi %add3A_1515, %add3A_1704 : i32
        %add3A_1706 = arith.constant 384 : i32
        %add3A_1707 = arith.addi %add3A_1705, %add3A_1706 : i32
        %add3A_1708 = vector.broadcast %add3A_1707 : i32 to vector<16xi32>
        %add3A_1709 = arith.addi %add3A_1708, %iota3A : vector<16xi32>
        %mul3A_1710 = arith.mulf %mul3A_1676, %gather3A_12 : vector<16xf32>
        %mul3A_1711 = arith.mulf %sub3A_1601, %mul3A_1710 : vector<16xf32>
        %add3A_1712 = arith.addf %mul3A_1711, %gather3A_60 : vector<16xf32>
        tpu.vector_store_idx %arg12[%add3A_1709], %add3A_1712 : memref<8192xf32, #tpu.memory_space<vmem>>[vector<16xi32>], vector<16xf32>,
        %add3A_1713 = arith.constant 0 : i32
        %add3A_1714 = arith.addi %add3A_1515, %add3A_1713 : i32
        %add3A_1715 = arith.constant 512 : i32
        %add3A_1716 = arith.addi %add3A_1714, %add3A_1715 : i32
        %add3A_1717 = vector.broadcast %add3A_1716 : i32 to vector<16xi32>
        %add3A_1718 = arith.addi %add3A_1717, %iota3A : vector<16xi32>
        %mul3A_1719 = arith.mulf %mul3A_1676, %gather3A_15 : vector<16xf32>
        %mul3A_1720 = arith.mulf %sub3A_1602, %mul3A_1719 : vector<16xf32>
        %add3A_1721 = arith.addf %mul3A_1720, %gather3A_63 : vector<16xf32>
        tpu.vector_store_idx %arg12[%add3A_1718], %add3A_1721 : memref<8192xf32, #tpu.memory_space<vmem>>[vector<16xi32>], vector<16xf32>,
        %add3A_1722 = arith.constant 0 : i32
        %add3A_1723 = arith.addi %add3A_1515, %add3A_1722 : i32
        %add3A_1724 = arith.constant 640 : i32
        %add3A_1725 = arith.addi %add3A_1723, %add3A_1724 : i32
        %add3A_1726 = vector.broadcast %add3A_1725 : i32 to vector<16xi32>
        %add3A_1727 = arith.addi %add3A_1726, %iota3A : vector<16xi32>
        %mul3A_1728 = arith.mulf %mul3A_1676, %gather3A_18 : vector<16xf32>
        %mul3A_1729 = arith.mulf %sub3A_1603, %mul3A_1728 : vector<16xf32>
        %add3A_1730 = arith.addf %mul3A_1729, %gather3A_66 : vector<16xf32>
        tpu.vector_store_idx %arg12[%add3A_1727], %add3A_1730 : memref<8192xf32, #tpu.memory_space<vmem>>[vector<16xi32>], vector<16xf32>,
        %add3A_1731 = arith.constant 0 : i32
        %add3A_1732 = arith.addi %add3A_1515, %add3A_1731 : i32
        %add3A_1733 = arith.constant 768 : i32
        %add3A_1734 = arith.addi %add3A_1732, %add3A_1733 : i32
        %add3A_1735 = vector.broadcast %add3A_1734 : i32 to vector<16xi32>
        %add3A_1736 = arith.addi %add3A_1735, %iota3A : vector<16xi32>
        %mul3A_1737 = arith.mulf %mul3A_1676, %gather3A_21 : vector<16xf32>
        %mul3A_1738 = arith.mulf %sub3A_1604, %mul3A_1737 : vector<16xf32>
        %add3A_1739 = arith.addf %mul3A_1738, %gather3A_69 : vector<16xf32>
        tpu.vector_store_idx %arg12[%add3A_1736], %add3A_1739 : memref<8192xf32, #tpu.memory_space<vmem>>[vector<16xi32>], vector<16xf32>,
        %add3A_1740 = arith.constant 0 : i32
        %add3A_1741 = arith.addi %add3A_1515, %add3A_1740 : i32
        %add3A_1742 = arith.constant 896 : i32
        %add3A_1743 = arith.addi %add3A_1741, %add3A_1742 : i32
        %add3A_1744 = vector.broadcast %add3A_1743 : i32 to vector<16xi32>
        %add3A_1745 = arith.addi %add3A_1744, %iota3A : vector<16xi32>
        %mul3A_1746 = arith.mulf %mul3A_1676, %gather3A_24 : vector<16xf32>
        %mul3A_1747 = arith.mulf %sub3A_1605, %mul3A_1746 : vector<16xf32>
        %add3A_1748 = arith.addf %mul3A_1747, %gather3A_72 : vector<16xf32>
        tpu.vector_store_idx %arg12[%add3A_1745], %add3A_1748 : memref<8192xf32, #tpu.memory_space<vmem>>[vector<16xi32>], vector<16xf32>,
        %add3A_1749 = arith.constant 4096 : i32
        %add3A_1750 = arith.addi %add3A_1515, %add3A_1749 : i32
        %add3A_1751 = arith.constant 0 : i32
        %add3A_1752 = arith.addi %add3A_1750, %add3A_1751 : i32
        %add3A_1753 = vector.broadcast %add3A_1752 : i32 to vector<16xi32>
        %add3A_1754 = arith.addi %add3A_1753, %iota3A : vector<16xi32>
        %mul3A_1755 = arith.mulf %mul3A_1676, %gather3A_27 : vector<16xf32>
        %mul3A_1756 = arith.mulf %sub3A_1606, %mul3A_1755 : vector<16xf32>
        %add3A_1757 = arith.addf %mul3A_1756, %gather3A_75 : vector<16xf32>
        tpu.vector_store_idx %arg12[%add3A_1754], %add3A_1757 : memref<8192xf32, #tpu.memory_space<vmem>>[vector<16xi32>], vector<16xf32>,
        %add3A_1758 = arith.constant 4096 : i32
        %add3A_1759 = arith.addi %add3A_1515, %add3A_1758 : i32
        %add3A_1760 = arith.constant 128 : i32
        %add3A_1761 = arith.addi %add3A_1759, %add3A_1760 : i32
        %add3A_1762 = vector.broadcast %add3A_1761 : i32 to vector<16xi32>
        %add3A_1763 = arith.addi %add3A_1762, %iota3A : vector<16xi32>
        %mul3A_1764 = arith.mulf %mul3A_1676, %gather3A_30 : vector<16xf32>
        %mul3A_1765 = arith.mulf %sub3A_1607, %mul3A_1764 : vector<16xf32>
        %add3A_1766 = arith.addf %mul3A_1765, %gather3A_78 : vector<16xf32>
        tpu.vector_store_idx %arg12[%add3A_1763], %add3A_1766 : memref<8192xf32, #tpu.memory_space<vmem>>[vector<16xi32>], vector<16xf32>,
        %add3A_1767 = arith.constant 4096 : i32
        %add3A_1768 = arith.addi %add3A_1515, %add3A_1767 : i32
        %add3A_1769 = arith.constant 256 : i32
        %add3A_1770 = arith.addi %add3A_1768, %add3A_1769 : i32
        %add3A_1771 = vector.broadcast %add3A_1770 : i32 to vector<16xi32>
        %add3A_1772 = arith.addi %add3A_1771, %iota3A : vector<16xi32>
        %mul3A_1773 = arith.mulf %mul3A_1676, %gather3A_33 : vector<16xf32>
        %mul3A_1774 = arith.mulf %sub3A_1608, %mul3A_1773 : vector<16xf32>
        %add3A_1775 = arith.addf %mul3A_1774, %gather3A_81 : vector<16xf32>
        tpu.vector_store_idx %arg12[%add3A_1772], %add3A_1775 : memref<8192xf32, #tpu.memory_space<vmem>>[vector<16xi32>], vector<16xf32>,
        %add3A_1776 = arith.constant 4096 : i32
        %add3A_1777 = arith.addi %add3A_1515, %add3A_1776 : i32
        %add3A_1778 = arith.constant 384 : i32
        %add3A_1779 = arith.addi %add3A_1777, %add3A_1778 : i32
        %add3A_1780 = vector.broadcast %add3A_1779 : i32 to vector<16xi32>
        %add3A_1781 = arith.addi %add3A_1780, %iota3A : vector<16xi32>
        %mul3A_1782 = arith.mulf %mul3A_1676, %gather3A_36 : vector<16xf32>
        %mul3A_1783 = arith.mulf %sub3A_1609, %mul3A_1782 : vector<16xf32>
        %add3A_1784 = arith.addf %mul3A_1783, %gather3A_84 : vector<16xf32>
        tpu.vector_store_idx %arg12[%add3A_1781], %add3A_1784 : memref<8192xf32, #tpu.memory_space<vmem>>[vector<16xi32>], vector<16xf32>,
        %add3A_1785 = arith.constant 4096 : i32
        %add3A_1786 = arith.addi %add3A_1515, %add3A_1785 : i32
        %add3A_1787 = arith.constant 512 : i32
        %add3A_1788 = arith.addi %add3A_1786, %add3A_1787 : i32
        %add3A_1789 = vector.broadcast %add3A_1788 : i32 to vector<16xi32>
        %add3A_1790 = arith.addi %add3A_1789, %iota3A : vector<16xi32>
        %mul3A_1791 = arith.mulf %mul3A_1676, %gather3A_39 : vector<16xf32>
        %mul3A_1792 = arith.mulf %sub3A_1610, %mul3A_1791 : vector<16xf32>
        %add3A_1793 = arith.addf %mul3A_1792, %gather3A_87 : vector<16xf32>
        tpu.vector_store_idx %arg12[%add3A_1790], %add3A_1793 : memref<8192xf32, #tpu.memory_space<vmem>>[vector<16xi32>], vector<16xf32>,
        %add3A_1794 = arith.constant 4096 : i32
        %add3A_1795 = arith.addi %add3A_1515, %add3A_1794 : i32
        %add3A_1796 = arith.constant 640 : i32
        %add3A_1797 = arith.addi %add3A_1795, %add3A_1796 : i32
        %add3A_1798 = vector.broadcast %add3A_1797 : i32 to vector<16xi32>
        %add3A_1799 = arith.addi %add3A_1798, %iota3A : vector<16xi32>
        %mul3A_1800 = arith.mulf %mul3A_1676, %gather3A_42 : vector<16xf32>
        %mul3A_1801 = arith.mulf %sub3A_1611, %mul3A_1800 : vector<16xf32>
        %add3A_1802 = arith.addf %mul3A_1801, %gather3A_90 : vector<16xf32>
        tpu.vector_store_idx %arg12[%add3A_1799], %add3A_1802 : memref<8192xf32, #tpu.memory_space<vmem>>[vector<16xi32>], vector<16xf32>,
        %add3A_1803 = arith.constant 4096 : i32
        %add3A_1804 = arith.addi %add3A_1515, %add3A_1803 : i32
        %add3A_1805 = arith.constant 768 : i32
        %add3A_1806 = arith.addi %add3A_1804, %add3A_1805 : i32
        %add3A_1807 = vector.broadcast %add3A_1806 : i32 to vector<16xi32>
        %add3A_1808 = arith.addi %add3A_1807, %iota3A : vector<16xi32>
        %mul3A_1809 = arith.mulf %mul3A_1676, %gather3A_45 : vector<16xf32>
        %mul3A_1810 = arith.mulf %sub3A_1612, %mul3A_1809 : vector<16xf32>
        %add3A_1811 = arith.addf %mul3A_1810, %gather3A_93 : vector<16xf32>
        tpu.vector_store_idx %arg12[%add3A_1808], %add3A_1811 : memref<8192xf32, #tpu.memory_space<vmem>>[vector<16xi32>], vector<16xf32>,
        %add3A_1812 = arith.constant 4096 : i32
        %add3A_1813 = arith.addi %add3A_1515, %add3A_1812 : i32
        %add3A_1814 = arith.constant 896 : i32
        %add3A_1815 = arith.addi %add3A_1813, %add3A_1814 : i32
        %add3A_1816 = vector.broadcast %add3A_1815 : i32 to vector<16xi32>
        %add3A_1817 = arith.addi %add3A_1816, %iota3A : vector<16xi32>
        %mul3A_1818 = arith.mulf %mul3A_1676, %gather3A_48 : vector<16xf32>
        %mul3A_1819 = arith.mulf %sub3A_1613, %mul3A_1818 : vector<16xf32>
        %add3A_1820 = arith.addf %mul3A_1819, %gather3A_96 : vector<16xf32>
        tpu.vector_store_idx %arg12[%add3A_1817], %add3A_1820 : memref<8192xf32, #tpu.memory_space<vmem>>[vector<16xi32>], vector<16xf32>,
      }
      %scan3A_233 = arith.constant 8 : i32
      %mul3A_234 = arith.constant 256 : i32
      %mul3A_235 = arith.muli %add3A_151, %mul3A_234 : i32
      %add3A_236 = arith.constant 0 : i32
      %add3A_237 = arith.addi %mul3A_235, %add3A_236 : i32
      %mul3A_238 = arith.constant 4 : i32
      %mul3A_239 = arith.muli %add3A, %mul3A_238 : i32
      %add3A_240 = arith.addi %add3A_237, %mul3A_239 : i32
      %mul3A_241 = arith.constant 1024 : i32
      %mul3A_242 = arith.muli %add3A_240, %mul3A_241 : i32
      %dma_start3A_243 = arith.constant 0 : i32
      %dma_start3A_244 = tpu.memref_slice %arg12[%dma_start3A_243] : memref<8192xf32, #tpu.memory_space<vmem>> -> memref<4096xf32, #tpu.memory_space<vmem>>
      %dma_start3A_245 = tpu.memref_slice %arg7[%mul3A_242] : memref<52428800xf32, #tpu.memory_space<hbm>> -> memref<4096xf32, #tpu.memory_space<hbm>>
      %dma_start3A_246 = tpu.memref_slice %arg7[%mul3A_242] : memref<52428800xf32, #tpu.memory_space<hbm>> -> memref<4096xf32, #tpu.memory_space<hbm>>
      %dma_start3A_247 = arith.constant 0 : i32
      %dma_start3A_248 = tpu.memref_slice %arg12[%dma_start3A_247] : memref<8192xf32, #tpu.memory_space<vmem>> -> memref<4096xf32, #tpu.memory_space<vmem>>
      tpu.enqueue_dma source(%dma_start3A_248 : memref<4096xf32, #tpu.memory_space<vmem>>) target(%dma_start3A_246 : memref<4096xf32, #tpu.memory_space<hbm>>) target_semaphore(%arg21 : memref<!tpu.dma_semaphore, #tpu.memory_space<semaphore_mem>>)
      %mul3A_249 = arith.constant 256 : i32
      %mul3A_250 = arith.muli %add3A_151, %mul3A_249 : i32
      %add3A_251 = arith.constant 128 : i32
      %add3A_252 = arith.addi %mul3A_250, %add3A_251 : i32
      %mul3A_253 = arith.constant 4 : i32
      %mul3A_254 = arith.muli %add3A, %mul3A_253 : i32
      %add3A_255 = arith.addi %add3A_252, %mul3A_254 : i32
      %mul3A_256 = arith.constant 1024 : i32
      %mul3A_257 = arith.muli %add3A_255, %mul3A_256 : i32
      %dma_start3A_258 = arith.constant 4096 : i32
      %dma_start3A_259 = tpu.memref_slice %arg12[%dma_start3A_258] : memref<8192xf32, #tpu.memory_space<vmem>> -> memref<4096xf32, #tpu.memory_space<vmem>>
      %dma_start3A_260 = tpu.memref_slice %arg7[%mul3A_257] : memref<52428800xf32, #tpu.memory_space<hbm>> -> memref<4096xf32, #tpu.memory_space<hbm>>
      %dma_start3A_261 = tpu.memref_slice %arg7[%mul3A_257] : memref<52428800xf32, #tpu.memory_space<hbm>> -> memref<4096xf32, #tpu.memory_space<hbm>>
      %dma_start3A_262 = arith.constant 4096 : i32
      %dma_start3A_263 = tpu.memref_slice %arg12[%dma_start3A_262] : memref<8192xf32, #tpu.memory_space<vmem>> -> memref<4096xf32, #tpu.memory_space<vmem>>
      tpu.enqueue_dma source(%dma_start3A_263 : memref<4096xf32, #tpu.memory_space<vmem>>) target(%dma_start3A_261 : memref<4096xf32, #tpu.memory_space<hbm>>) target_semaphore(%arg21 : memref<!tpu.dma_semaphore, #tpu.memory_space<semaphore_mem>>)
      %add3A_264 = arith.constant 2 : i32
      %add3A_265 = arith.addi %add3A_151, %add3A_264 : i32
      %lt3A_266 = arith.constant 200 : i32
      %lt3A_267 = arith.cmpi slt, %add3A_265, %lt3A_266 : i32
      %convert_element_type3A_268 = arith.extui %lt3A_267 : i1 to i32
      %cond3A_269 = arith.constant 0 : i32
      %cond3A_270 = arith.cmpi ne, %convert_element_type3A_268, %cond3A_269 : i32
      scf.if %cond3A_270 {
        %add3A_399 = arith.constant 2 : i32
        %add3A_400 = arith.addi %add3A_151, %add3A_399 : i32
        %mul3A_401 = arith.constant 16384 : i32
        %mul3A_402 = arith.muli %add3A_400, %mul3A_401 : i32
        %add3A_403 = arith.addi %mul3A_402, %mul3A_2 : i32
        %dma_start3A_404 = tpu.memref_slice %arg2[%add3A_403] : memref<3276800xi32, #tpu.memory_space<hbm>> -> memref<512xi32, #tpu.memory_space<hbm>>
        %dma_start3A_405 = tpu.memref_slice %arg2[%add3A_403] : memref<3276800xi32, #tpu.memory_space<hbm>> -> memref<512xi32, #tpu.memory_space<hbm>>
        tpu.enqueue_dma source(%dma_start3A_405 : memref<512xi32, #tpu.memory_space<hbm>>) target(%arg8 : memref<512xi32, #tpu.memory_space<vmem>>) target_semaphore(%arg17 : memref<!tpu.dma_semaphore, #tpu.memory_space<semaphore_mem>>)
      } else {
      }
      %mul3A_271 = arith.constant 2 : i32
      %mul3A_272 = arith.muli %mul3A_271, %scan3A_147 : i32
      %add3A_273 = arith.constant 1 : i32
      %add3A_274 = arith.addi %mul3A_272, %add3A_273 : i32
      %add3A_275 = arith.constant 1 : i32
      %add3A_276 = arith.addi %add3A_274, %add3A_275 : i32
      %lt3A_277 = arith.constant 200 : i32
      %lt3A_278 = arith.cmpi slt, %add3A_276, %lt3A_277 : i32
      %convert_element_type3A_279 = arith.extui %lt3A_278 : i1 to i32
      %cond3A_280 = arith.constant 0 : i32
      %cond3A_281 = arith.cmpi ne, %convert_element_type3A_279, %cond3A_280 : i32
      scf.if %cond3A_281 {
        %dma_wait3A_399 = arith.constant 0 : i32
        %dma_wait3A_400 = tpu.memref_slice %arg2[%dma_wait3A_399] : memref<3276800xi32, #tpu.memory_space<hbm>> -> memref<512xi32, #tpu.memory_space<hbm>>
        %dma_wait3A_401 = arith.constant 0 : i32
        %dma_wait3A_402 = tpu.memref_slice %arg2[%dma_wait3A_401] : memref<3276800xi32, #tpu.memory_space<hbm>> -> memref<512xi32, #tpu.memory_space<hbm>>
        tpu.wait_dma2 semaphore(%arg17 : memref<!tpu.dma_semaphore, #tpu.memory_space<semaphore_mem>>) src(%dma_wait3A_402 : memref<512xi32, #tpu.memory_space<hbm>>) dst(%arg8 : memref<512xi32, #tpu.memory_space<vmem>>)
        %dma_start3A_403 = arith.constant 0 : i32
        %dma_start3A_404 = arith.constant 0 : i32
        %dma_start3A_405 = tpu.memref_slice %arg4[%dma_start3A_403, %dma_start3A_404] : memref<100000x16xf32, #tpu.memory_space<hbm>> -> memref<100000x16xf32, #tpu.memory_space<hbm>>
        tpu.enqueue_indirect_dma source(%dma_start3A_405 : memref<100000x16xf32, #tpu.memory_space<hbm>>) target(%arg10 : memref<512x16xf32, #tpu.memory_space<vmem>>) offsets(%arg8 : memref<512xi32, #tpu.memory_space<vmem>>) semaphore(%arg19 : memref<!tpu.dma_semaphore, #tpu.memory_space<semaphore_mem>>)
      } else {
      }
      %dma_wait3A_282 = arith.constant 0 : i32
      %dma_wait3A_283 = arith.constant 0 : i32
      %dma_wait3A_284 = tpu.memref_slice %arg4[%dma_wait3A_282, %dma_wait3A_283] : memref<100000x16xf32, #tpu.memory_space<hbm>> -> memref<100000x16xf32, #tpu.memory_space<hbm>>
      tpu.wait_indirect_dma semaphore(%arg20 : memref<!tpu.dma_semaphore, #tpu.memory_space<semaphore_mem>>) src(%dma_wait3A_284 : memref<100000x16xf32, #tpu.memory_space<hbm>>) dst(%arg11 : memref<512x16xf32, #tpu.memory_space<vmem>>)
      %ge3A_285 = arith.constant 2 : i32
      %ge3A_286 = arith.cmpi sge, %add3A_274, %ge3A_285 : i32
      %convert_element_type3A_287 = arith.extui %ge3A_286 : i1 to i32
      %cond3A_288 = arith.constant 0 : i32
      %cond3A_289 = arith.cmpi ne, %convert_element_type3A_287, %cond3A_288 : i32
      scf.if %cond3A_289 {
        %dma_wait3A_399 = arith.constant 0 : i32
        %dma_wait3A_400 = tpu.memref_slice %arg13[%dma_wait3A_399] : memref<8192xf32, #tpu.memory_space<vmem>> -> memref<4096xf32, #tpu.memory_space<vmem>>
        %dma_wait3A_401 = arith.constant 0 : i32
        %dma_wait3A_402 = tpu.memref_slice %arg7[%dma_wait3A_401] : memref<52428800xf32, #tpu.memory_space<hbm>> -> memref<4096xf32, #tpu.memory_space<hbm>>
        %dma_wait3A_403 = arith.constant 0 : i32
        %dma_wait3A_404 = tpu.memref_slice %arg7[%dma_wait3A_403] : memref<52428800xf32, #tpu.memory_space<hbm>> -> memref<4096xf32, #tpu.memory_space<hbm>>
        %dma_wait3A_405 = arith.constant 0 : i32
        %dma_wait3A_406 = tpu.memref_slice %arg13[%dma_wait3A_405] : memref<8192xf32, #tpu.memory_space<vmem>> -> memref<4096xf32, #tpu.memory_space<vmem>>
        tpu.wait_dma2 semaphore(%arg22 : memref<!tpu.dma_semaphore, #tpu.memory_space<semaphore_mem>>) src(%dma_wait3A_406 : memref<4096xf32, #tpu.memory_space<vmem>>) dst(%dma_wait3A_404 : memref<4096xf32, #tpu.memory_space<hbm>>)
        %dma_wait3A_407 = arith.constant 4096 : i32
        %dma_wait3A_408 = tpu.memref_slice %arg13[%dma_wait3A_407] : memref<8192xf32, #tpu.memory_space<vmem>> -> memref<4096xf32, #tpu.memory_space<vmem>>
        %dma_wait3A_409 = arith.constant 0 : i32
        %dma_wait3A_410 = tpu.memref_slice %arg7[%dma_wait3A_409] : memref<52428800xf32, #tpu.memory_space<hbm>> -> memref<4096xf32, #tpu.memory_space<hbm>>
        %dma_wait3A_411 = arith.constant 0 : i32
        %dma_wait3A_412 = tpu.memref_slice %arg7[%dma_wait3A_411] : memref<52428800xf32, #tpu.memory_space<hbm>> -> memref<4096xf32, #tpu.memory_space<hbm>>
        %dma_wait3A_413 = arith.constant 4096 : i32
        %dma_wait3A_414 = tpu.memref_slice %arg13[%dma_wait3A_413] : memref<8192xf32, #tpu.memory_space<vmem>> -> memref<4096xf32, #tpu.memory_space<vmem>>
        tpu.wait_dma2 semaphore(%arg22 : memref<!tpu.dma_semaphore, #tpu.memory_space<semaphore_mem>>) src(%dma_wait3A_414 : memref<4096xf32, #tpu.memory_space<vmem>>) dst(%dma_wait3A_412 : memref<4096xf32, #tpu.memory_space<hbm>>)
      } else {
      }
      %mul3A_290 = arith.constant 256 : i32
      %mul3A_291 = arith.muli %add3A_274, %mul3A_290 : i32
      %add3A_292 = arith.constant 0 : i32
      %add3A_293 = arith.addi %mul3A_291, %add3A_292 : i32
      %get3A_294 = arith.index_cast %add3A_293 : i32 to index
      %get3A_295 = tpu.vector_load %arg14[%get3A_294] {strides = array<i32>} : memref<51200xf32, #tpu.memory_space<vmem>>, vector<16xf32>,
      %add3A_296 = arith.constant 16 : i32
      %add3A_297 = arith.addi %mul3A_291, %add3A_296 : i32
      %get3A_298 = arith.index_cast %add3A_297 : i32 to index
      %get3A_299 = tpu.vector_load %arg14[%get3A_298] {strides = array<i32>} : memref<51200xf32, #tpu.memory_space<vmem>>, vector<16xf32>,
      %add3A_300 = arith.constant 32 : i32
      %add3A_301 = arith.addi %mul3A_291, %add3A_300 : i32
      %get3A_302 = arith.index_cast %add3A_301 : i32 to index
      %get3A_303 = tpu.vector_load %arg14[%get3A_302] {strides = array<i32>} : memref<51200xf32, #tpu.memory_space<vmem>>, vector<16xf32>,
      %add3A_304 = arith.constant 48 : i32
      %add3A_305 = arith.addi %mul3A_291, %add3A_304 : i32
      %get3A_306 = arith.index_cast %add3A_305 : i32 to index
      %get3A_307 = tpu.vector_load %arg14[%get3A_306] {strides = array<i32>} : memref<51200xf32, #tpu.memory_space<vmem>>, vector<16xf32>,
      %add3A_308 = arith.constant 64 : i32
      %add3A_309 = arith.addi %mul3A_291, %add3A_308 : i32
      %get3A_310 = arith.index_cast %add3A_309 : i32 to index
      %get3A_311 = tpu.vector_load %arg14[%get3A_310] {strides = array<i32>} : memref<51200xf32, #tpu.memory_space<vmem>>, vector<16xf32>,
      %add3A_312 = arith.constant 80 : i32
      %add3A_313 = arith.addi %mul3A_291, %add3A_312 : i32
      %get3A_314 = arith.index_cast %add3A_313 : i32 to index
      %get3A_315 = tpu.vector_load %arg14[%get3A_314] {strides = array<i32>} : memref<51200xf32, #tpu.memory_space<vmem>>, vector<16xf32>,
      %add3A_316 = arith.constant 96 : i32
      %add3A_317 = arith.addi %mul3A_291, %add3A_316 : i32
      %get3A_318 = arith.index_cast %add3A_317 : i32 to index
      %get3A_319 = tpu.vector_load %arg14[%get3A_318] {strides = array<i32>} : memref<51200xf32, #tpu.memory_space<vmem>>, vector<16xf32>,
      %add3A_320 = arith.constant 112 : i32
      %add3A_321 = arith.addi %mul3A_291, %add3A_320 : i32
      %get3A_322 = arith.index_cast %add3A_321 : i32 to index
      %get3A_323 = tpu.vector_load %arg14[%get3A_322] {strides = array<i32>} : memref<51200xf32, #tpu.memory_space<vmem>>, vector<16xf32>,
      %add3A_324 = arith.constant 128 : i32
      %add3A_325 = arith.addi %mul3A_291, %add3A_324 : i32
      %get3A_326 = arith.index_cast %add3A_325 : i32 to index
      %get3A_327 = tpu.vector_load %arg14[%get3A_326] {strides = array<i32>} : memref<51200xf32, #tpu.memory_space<vmem>>, vector<16xf32>,
      %add3A_328 = arith.constant 144 : i32
      %add3A_329 = arith.addi %mul3A_291, %add3A_328 : i32
      %get3A_330 = arith.index_cast %add3A_329 : i32 to index
      %get3A_331 = tpu.vector_load %arg14[%get3A_330] {strides = array<i32>} : memref<51200xf32, #tpu.memory_space<vmem>>, vector<16xf32>,
      %add3A_332 = arith.constant 160 : i32
      %add3A_333 = arith.addi %mul3A_291, %add3A_332 : i32
      %get3A_334 = arith.index_cast %add3A_333 : i32 to index
      %get3A_335 = tpu.vector_load %arg14[%get3A_334] {strides = array<i32>} : memref<51200xf32, #tpu.memory_space<vmem>>, vector<16xf32>,
      %add3A_336 = arith.constant 176 : i32
      %add3A_337 = arith.addi %mul3A_291, %add3A_336 : i32
      %get3A_338 = arith.index_cast %add3A_337 : i32 to index
      %get3A_339 = tpu.vector_load %arg14[%get3A_338] {strides = array<i32>} : memref<51200xf32, #tpu.memory_space<vmem>>, vector<16xf32>,
      %add3A_340 = arith.constant 192 : i32
      %add3A_341 = arith.addi %mul3A_291, %add3A_340 : i32
      %get3A_342 = arith.index_cast %add3A_341 : i32 to index
      %get3A_343 = tpu.vector_load %arg14[%get3A_342] {strides = array<i32>} : memref<51200xf32, #tpu.memory_space<vmem>>, vector<16xf32>,
      %add3A_344 = arith.constant 208 : i32
      %add3A_345 = arith.addi %mul3A_291, %add3A_344 : i32
      %get3A_346 = arith.index_cast %add3A_345 : i32 to index
      %get3A_347 = tpu.vector_load %arg14[%get3A_346] {strides = array<i32>} : memref<51200xf32, #tpu.memory_space<vmem>>, vector<16xf32>,
      %add3A_348 = arith.constant 224 : i32
      %add3A_349 = arith.addi %mul3A_291, %add3A_348 : i32
      %get3A_350 = arith.index_cast %add3A_349 : i32 to index
      %get3A_351 = tpu.vector_load %arg14[%get3A_350] {strides = array<i32>} : memref<51200xf32, #tpu.memory_space<vmem>>, vector<16xf32>,
      %add3A_352 = arith.constant 240 : i32
      %add3A_353 = arith.addi %mul3A_291, %add3A_352 : i32
      %get3A_354 = arith.index_cast %add3A_353 : i32 to index
      %get3A_355 = tpu.vector_load %arg14[%get3A_354] {strides = array<i32>} : memref<51200xf32, #tpu.memory_space<vmem>>, vector<16xf32>,
      %scan3A_356 = arith.constant 0 : i32
      %scan3A_357 = arith.constant 0 : i32
      %scan3A_358 = arith.constant 8 : i32
      %scan3A_359 = arith.addi %scan3A_357, %scan3A_358 : i32
      %scan3A_360 = arith.constant 1 : i32
      scf.for %scan3A_399 = %scan3A_357 to %scan3A_359 step %scan3A_360  : i32 {
        %mul3A_400 = arith.constant 4 : i32
        %mul3A_401 = arith.muli %mul3A_400, %scan3A_399 : i32
        %add3A_402 = arith.constant 0 : i32
        %add3A_403 = arith.addi %mul3A_401, %add3A_402 : i32
        %mul3A_404 = arith.constant 16 : i32
        %mul3A_405 = arith.muli %add3A_403, %mul3A_404 : i32
        %add3A_406 = vector.broadcast %mul3A_405 : i32 to vector<16xi32>
        %add3A_407 = arith.addi %add3A_406, %iota3A : vector<16xi32>
        %jit3A = arith.constant 8 : i32
        %div3A = arith.divsi %add3A_403, %jit3A : i32
        %sign3A = arith.constant 0 : i32
        %sign3A_408 = arith.cmpi sgt, %add3A_403, %sign3A : i32
        %sign3A_409 = arith.extui %sign3A_408 : i1 to i32
        %sign3A_410 = arith.constant 0 : i32
        %sign3A_411 = arith.cmpi slt, %add3A_403, %sign3A_410 : i32
        %sign3A_412 = arith.extui %sign3A_411 : i1 to i32
        %sign3A_413 = arith.subi %sign3A_409, %sign3A_412 : i32
        %sign3A_414 = arith.constant 0 : i32
        %sign3A_415 = arith.cmpi sgt, %jit3A, %sign3A_414 : i32
        %sign3A_416 = arith.extui %sign3A_415 : i1 to i32
        %sign3A_417 = arith.constant 0 : i32
        %sign3A_418 = arith.cmpi slt, %jit3A, %sign3A_417 : i32
        %sign3A_419 = arith.extui %sign3A_418 : i1 to i32
        %sign3A_420 = arith.subi %sign3A_416, %sign3A_419 : i32
        %ne3A = arith.cmpi ne, %sign3A_413, %sign3A_420 : i32
        %rem3A = arith.remsi %add3A_403, %jit3A : i32
        %ne3A_421 = arith.constant 0 : i32
        %ne3A_422 = arith.cmpi ne, %rem3A, %ne3A_421 : i32
        %and3A = arith.andi %ne3A, %ne3A_422 : i1
        %sub3A = arith.constant 1 : i32
        %sub3A_423 = arith.subi %div3A, %sub3A : i32
        %select_n3A = arith.select %and3A, %sub3A_423, %div3A : i32
        %mul3A_424 = arith.constant 1024 : i32
        %mul3A_425 = arith.muli %select_n3A, %mul3A_424 : i32
        %jit3A_426 = arith.constant 8 : i32
        %eq3A = arith.constant 0 : i32
        %eq3A_427 = arith.cmpi eq, %jit3A_426, %eq3A : i32
        %jit3A_428 = arith.constant 1 : i32
        %select_n3A_429 = arith.select %eq3A_427, %jit3A_428, %jit3A_426 : i32
        %rem3A_430 = arith.remsi %add3A_403, %select_n3A_429 : i32
        %ne3A_431 = arith.constant 0 : i32
        %ne3A_432 = arith.cmpi ne, %rem3A_430, %ne3A_431 : i32
        %lt3A_433 = arith.constant 0 : i32
        %lt3A_434 = arith.cmpi slt, %rem3A_430, %lt3A_433 : i32
        %lt3A_435 = arith.constant 0 : i32
        %lt3A_436 = arith.cmpi slt, %select_n3A_429, %lt3A_435 : i32
        %ne3A_437 = arith.xori %lt3A_434, %lt3A_436 : i1
        %and3A_438 = arith.andi %ne3A_437, %ne3A_432 : i1
        %add3A_439 = arith.addi %rem3A_430, %select_n3A_429 : i32
        %select_n3A_440 = arith.select %and3A_438, %add3A_439, %rem3A_430 : i32
        %mul3A_441 = arith.constant 16 : i32
        %mul3A_442 = arith.muli %select_n3A_440, %mul3A_441 : i32
        %add3A_443 = arith.addi %mul3A_425, %mul3A_442 : i32
        %broadcast_in_dim3A_444 = arith.constant 0 : i32
        %broadcast_in_dim3A_445 = vector.broadcast %broadcast_in_dim3A_444 : i32 to vector<16xi32>
        %gather3A_446 = tpu.vector_load_idx %arg11[%add3A_407, %broadcast_in_dim3A_445] : memref<512x16xf32, #tpu.memory_space<vmem>>[vector<16xi32>, vector<16xi32>], vector<16xf32>,
        %add3A_447 = arith.addf %gather3A_446, %get3A_295 : vector<16xf32>
        %broadcast_in_dim3A_448 = arith.constant 1 : i32
        %broadcast_in_dim3A_449 = vector.broadcast %broadcast_in_dim3A_448 : i32 to vector<16xi32>
        %gather3A_450 = tpu.vector_load_idx %arg11[%add3A_407, %broadcast_in_dim3A_449] : memref<512x16xf32, #tpu.memory_space<vmem>>[vector<16xi32>, vector<16xi32>], vector<16xf32>,
        %add3A_451 = arith.addf %gather3A_450, %get3A_299 : vector<16xf32>
        %broadcast_in_dim3A_452 = arith.constant 2 : i32
        %broadcast_in_dim3A_453 = vector.broadcast %broadcast_in_dim3A_452 : i32 to vector<16xi32>
        %gather3A_454 = tpu.vector_load_idx %arg11[%add3A_407, %broadcast_in_dim3A_453] : memref<512x16xf32, #tpu.memory_space<vmem>>[vector<16xi32>, vector<16xi32>], vector<16xf32>,
        %add3A_455 = arith.addf %gather3A_454, %get3A_303 : vector<16xf32>
        %broadcast_in_dim3A_456 = arith.constant 3 : i32
        %broadcast_in_dim3A_457 = vector.broadcast %broadcast_in_dim3A_456 : i32 to vector<16xi32>
        %gather3A_458 = tpu.vector_load_idx %arg11[%add3A_407, %broadcast_in_dim3A_457] : memref<512x16xf32, #tpu.memory_space<vmem>>[vector<16xi32>, vector<16xi32>], vector<16xf32>,
        %add3A_459 = arith.addf %gather3A_458, %get3A_307 : vector<16xf32>
        %broadcast_in_dim3A_460 = arith.constant 4 : i32
        %broadcast_in_dim3A_461 = vector.broadcast %broadcast_in_dim3A_460 : i32 to vector<16xi32>
        %gather3A_462 = tpu.vector_load_idx %arg11[%add3A_407, %broadcast_in_dim3A_461] : memref<512x16xf32, #tpu.memory_space<vmem>>[vector<16xi32>, vector<16xi32>], vector<16xf32>,
        %add3A_463 = arith.addf %gather3A_462, %get3A_311 : vector<16xf32>
        %broadcast_in_dim3A_464 = arith.constant 5 : i32
        %broadcast_in_dim3A_465 = vector.broadcast %broadcast_in_dim3A_464 : i32 to vector<16xi32>
        %gather3A_466 = tpu.vector_load_idx %arg11[%add3A_407, %broadcast_in_dim3A_465] : memref<512x16xf32, #tpu.memory_space<vmem>>[vector<16xi32>, vector<16xi32>], vector<16xf32>,
        %add3A_467 = arith.addf %gather3A_466, %get3A_315 : vector<16xf32>
        %broadcast_in_dim3A_468 = arith.constant 6 : i32
        %broadcast_in_dim3A_469 = vector.broadcast %broadcast_in_dim3A_468 : i32 to vector<16xi32>
        %gather3A_470 = tpu.vector_load_idx %arg11[%add3A_407, %broadcast_in_dim3A_469] : memref<512x16xf32, #tpu.memory_space<vmem>>[vector<16xi32>, vector<16xi32>], vector<16xf32>,
        %add3A_471 = arith.addf %gather3A_470, %get3A_319 : vector<16xf32>
        %broadcast_in_dim3A_472 = arith.constant 7 : i32
        %broadcast_in_dim3A_473 = vector.broadcast %broadcast_in_dim3A_472 : i32 to vector<16xi32>
        %gather3A_474 = tpu.vector_load_idx %arg11[%add3A_407, %broadcast_in_dim3A_473] : memref<512x16xf32, #tpu.memory_space<vmem>>[vector<16xi32>, vector<16xi32>], vector<16xf32>,
        %add3A_475 = arith.addf %gather3A_474, %get3A_323 : vector<16xf32>
        %broadcast_in_dim3A_476 = arith.constant 8 : i32
        %broadcast_in_dim3A_477 = vector.broadcast %broadcast_in_dim3A_476 : i32 to vector<16xi32>
        %gather3A_478 = tpu.vector_load_idx %arg11[%add3A_407, %broadcast_in_dim3A_477] : memref<512x16xf32, #tpu.memory_space<vmem>>[vector<16xi32>, vector<16xi32>], vector<16xf32>,
        %add3A_479 = arith.addf %gather3A_478, %get3A_327 : vector<16xf32>
        %broadcast_in_dim3A_480 = arith.constant 9 : i32
        %broadcast_in_dim3A_481 = vector.broadcast %broadcast_in_dim3A_480 : i32 to vector<16xi32>
        %gather3A_482 = tpu.vector_load_idx %arg11[%add3A_407, %broadcast_in_dim3A_481] : memref<512x16xf32, #tpu.memory_space<vmem>>[vector<16xi32>, vector<16xi32>], vector<16xf32>,
        %add3A_483 = arith.addf %gather3A_482, %get3A_331 : vector<16xf32>
        %broadcast_in_dim3A_484 = arith.constant 10 : i32
        %broadcast_in_dim3A_485 = vector.broadcast %broadcast_in_dim3A_484 : i32 to vector<16xi32>
        %gather3A_486 = tpu.vector_load_idx %arg11[%add3A_407, %broadcast_in_dim3A_485] : memref<512x16xf32, #tpu.memory_space<vmem>>[vector<16xi32>, vector<16xi32>], vector<16xf32>,
        %add3A_487 = arith.addf %gather3A_486, %get3A_335 : vector<16xf32>
        %broadcast_in_dim3A_488 = arith.constant 11 : i32
        %broadcast_in_dim3A_489 = vector.broadcast %broadcast_in_dim3A_488 : i32 to vector<16xi32>
        %gather3A_490 = tpu.vector_load_idx %arg11[%add3A_407, %broadcast_in_dim3A_489] : memref<512x16xf32, #tpu.memory_space<vmem>>[vector<16xi32>, vector<16xi32>], vector<16xf32>,
        %add3A_491 = arith.addf %gather3A_490, %get3A_339 : vector<16xf32>
        %broadcast_in_dim3A_492 = arith.constant 12 : i32
        %broadcast_in_dim3A_493 = vector.broadcast %broadcast_in_dim3A_492 : i32 to vector<16xi32>
        %gather3A_494 = tpu.vector_load_idx %arg11[%add3A_407, %broadcast_in_dim3A_493] : memref<512x16xf32, #tpu.memory_space<vmem>>[vector<16xi32>, vector<16xi32>], vector<16xf32>,
        %add3A_495 = arith.addf %gather3A_494, %get3A_343 : vector<16xf32>
        %broadcast_in_dim3A_496 = arith.constant 13 : i32
        %broadcast_in_dim3A_497 = vector.broadcast %broadcast_in_dim3A_496 : i32 to vector<16xi32>
        %gather3A_498 = tpu.vector_load_idx %arg11[%add3A_407, %broadcast_in_dim3A_497] : memref<512x16xf32, #tpu.memory_space<vmem>>[vector<16xi32>, vector<16xi32>], vector<16xf32>,
        %add3A_499 = arith.addf %gather3A_498, %get3A_347 : vector<16xf32>
        %broadcast_in_dim3A_500 = arith.constant 14 : i32
        %broadcast_in_dim3A_501 = vector.broadcast %broadcast_in_dim3A_500 : i32 to vector<16xi32>
        %gather3A_502 = tpu.vector_load_idx %arg11[%add3A_407, %broadcast_in_dim3A_501] : memref<512x16xf32, #tpu.memory_space<vmem>>[vector<16xi32>, vector<16xi32>], vector<16xf32>,
        %add3A_503 = arith.addf %gather3A_502, %get3A_351 : vector<16xf32>
        %broadcast_in_dim3A_504 = arith.constant 15 : i32
        %broadcast_in_dim3A_505 = vector.broadcast %broadcast_in_dim3A_504 : i32 to vector<16xi32>
        %gather3A_506 = tpu.vector_load_idx %arg11[%add3A_407, %broadcast_in_dim3A_505] : memref<512x16xf32, #tpu.memory_space<vmem>>[vector<16xi32>, vector<16xi32>], vector<16xf32>,
        %add3A_507 = arith.addf %gather3A_506, %get3A_355 : vector<16xf32>
        %add3A_508 = arith.addf %add3A_447, %add3A_451 : vector<16xf32>
        %add3A_509 = arith.addf %add3A_455, %add3A_459 : vector<16xf32>
        %add3A_510 = arith.addf %add3A_463, %add3A_467 : vector<16xf32>
        %add3A_511 = arith.addf %add3A_471, %add3A_475 : vector<16xf32>
        %add3A_512 = arith.addf %add3A_479, %add3A_483 : vector<16xf32>
        %add3A_513 = arith.addf %add3A_487, %add3A_491 : vector<16xf32>
        %add3A_514 = arith.addf %add3A_495, %add3A_499 : vector<16xf32>
        %add3A_515 = arith.addf %add3A_503, %add3A_507 : vector<16xf32>
        %add3A_516 = arith.addf %add3A_508, %add3A_509 : vector<16xf32>
        %add3A_517 = arith.addf %add3A_510, %add3A_511 : vector<16xf32>
        %add3A_518 = arith.addf %add3A_512, %add3A_513 : vector<16xf32>
        %add3A_519 = arith.addf %add3A_514, %add3A_515 : vector<16xf32>
        %add3A_520 = arith.addf %add3A_516, %add3A_517 : vector<16xf32>
        %add3A_521 = arith.addf %add3A_518, %add3A_519 : vector<16xf32>
        %add3A_522 = arith.addf %add3A_520, %add3A_521 : vector<16xf32>
        %mul3A_523 = arith.constant 6.250000e-02 : f32
        %mul3A_524 = vector.broadcast %mul3A_523 : f32 to vector<16xf32>
        %mul3A_525 = arith.mulf %add3A_522, %mul3A_524 : vector<16xf32>
        %sub3A_526 = arith.subf %add3A_447, %mul3A_525 : vector<16xf32>
        %sub3A_527 = arith.subf %add3A_451, %mul3A_525 : vector<16xf32>
        %sub3A_528 = arith.subf %add3A_455, %mul3A_525 : vector<16xf32>
        %sub3A_529 = arith.subf %add3A_459, %mul3A_525 : vector<16xf32>
        %sub3A_530 = arith.subf %add3A_463, %mul3A_525 : vector<16xf32>
        %sub3A_531 = arith.subf %add3A_467, %mul3A_525 : vector<16xf32>
        %sub3A_532 = arith.subf %add3A_471, %mul3A_525 : vector<16xf32>
        %sub3A_533 = arith.subf %add3A_475, %mul3A_525 : vector<16xf32>
        %sub3A_534 = arith.subf %add3A_479, %mul3A_525 : vector<16xf32>
        %sub3A_535 = arith.subf %add3A_483, %mul3A_525 : vector<16xf32>
        %sub3A_536 = arith.subf %add3A_487, %mul3A_525 : vector<16xf32>
        %sub3A_537 = arith.subf %add3A_491, %mul3A_525 : vector<16xf32>
        %sub3A_538 = arith.subf %add3A_495, %mul3A_525 : vector<16xf32>
        %sub3A_539 = arith.subf %add3A_499, %mul3A_525 : vector<16xf32>
        %sub3A_540 = arith.subf %add3A_503, %mul3A_525 : vector<16xf32>
        %sub3A_541 = arith.subf %add3A_507, %mul3A_525 : vector<16xf32>
        %mul3A_542 = arith.mulf %sub3A_526, %sub3A_526 : vector<16xf32>
        %mul3A_543 = arith.mulf %sub3A_527, %sub3A_527 : vector<16xf32>
        %mul3A_544 = arith.mulf %sub3A_528, %sub3A_528 : vector<16xf32>
        %mul3A_545 = arith.mulf %sub3A_529, %sub3A_529 : vector<16xf32>
        %mul3A_546 = arith.mulf %sub3A_530, %sub3A_530 : vector<16xf32>
        %mul3A_547 = arith.mulf %sub3A_531, %sub3A_531 : vector<16xf32>
        %mul3A_548 = arith.mulf %sub3A_532, %sub3A_532 : vector<16xf32>
        %mul3A_549 = arith.mulf %sub3A_533, %sub3A_533 : vector<16xf32>
        %mul3A_550 = arith.mulf %sub3A_534, %sub3A_534 : vector<16xf32>
        %mul3A_551 = arith.mulf %sub3A_535, %sub3A_535 : vector<16xf32>
        %mul3A_552 = arith.mulf %sub3A_536, %sub3A_536 : vector<16xf32>
        %mul3A_553 = arith.mulf %sub3A_537, %sub3A_537 : vector<16xf32>
        %mul3A_554 = arith.mulf %sub3A_538, %sub3A_538 : vector<16xf32>
        %mul3A_555 = arith.mulf %sub3A_539, %sub3A_539 : vector<16xf32>
        %mul3A_556 = arith.mulf %sub3A_540, %sub3A_540 : vector<16xf32>
        %mul3A_557 = arith.mulf %sub3A_541, %sub3A_541 : vector<16xf32>
        %add3A_558 = arith.addf %mul3A_542, %mul3A_543 : vector<16xf32>
        %add3A_559 = arith.addf %mul3A_544, %mul3A_545 : vector<16xf32>
        %add3A_560 = arith.addf %mul3A_546, %mul3A_547 : vector<16xf32>
        %add3A_561 = arith.addf %mul3A_548, %mul3A_549 : vector<16xf32>
        %add3A_562 = arith.addf %mul3A_550, %mul3A_551 : vector<16xf32>
        %add3A_563 = arith.addf %mul3A_552, %mul3A_553 : vector<16xf32>
        %add3A_564 = arith.addf %mul3A_554, %mul3A_555 : vector<16xf32>
        %add3A_565 = arith.addf %mul3A_556, %mul3A_557 : vector<16xf32>
        %add3A_566 = arith.addf %add3A_558, %add3A_559 : vector<16xf32>
        %add3A_567 = arith.addf %add3A_560, %add3A_561 : vector<16xf32>
        %add3A_568 = arith.addf %add3A_562, %add3A_563 : vector<16xf32>
        %add3A_569 = arith.addf %add3A_564, %add3A_565 : vector<16xf32>
        %add3A_570 = arith.addf %add3A_566, %add3A_567 : vector<16xf32>
        %add3A_571 = arith.addf %add3A_568, %add3A_569 : vector<16xf32>
        %add3A_572 = arith.addf %add3A_570, %add3A_571 : vector<16xf32>
        %mul3A_573 = arith.constant 6.250000e-02 : f32
        %mul3A_574 = vector.broadcast %mul3A_573 : f32 to vector<16xf32>
        %mul3A_575 = arith.mulf %add3A_572, %mul3A_574 : vector<16xf32>
        %add3A_576 = arith.constant 9.99999974E-6 : f32
        %add3A_577 = vector.broadcast %add3A_576 : f32 to vector<16xf32>
        %add3A_578 = arith.addf %mul3A_575, %add3A_577 : vector<16xf32>
        %bitcast_convert_type3A = tpu.bitcast %add3A_578 : vector<16xf32> -> vector<16xi32>
        %shift_right_arithmetic3A = arith.constant 1 : i32
        %shift_right_arithmetic3A_579 = vector.broadcast %shift_right_arithmetic3A : i32 to vector<16xi32>
        %shift_right_arithmetic3A_580 = arith.shrsi %bitcast_convert_type3A, %shift_right_arithmetic3A_579 : vector<16xi32>
        %sub3A_581 = arith.constant 1597463007 : i32
        %sub3A_582 = vector.broadcast %sub3A_581 : i32 to vector<16xi32>
        %sub3A_583 = arith.subi %sub3A_582, %shift_right_arithmetic3A_580 : vector<16xi32>
        %bitcast_convert_type3A_584 = tpu.bitcast %sub3A_583 : vector<16xi32> -> vector<16xf32>
        %mul3A_585 = arith.constant 5.000000e-01 : f32
        %mul3A_586 = vector.broadcast %mul3A_585 : f32 to vector<16xf32>
        %mul3A_587 = arith.mulf %mul3A_586, %add3A_578 : vector<16xf32>
        %mul3A_588 = arith.mulf %mul3A_587, %bitcast_convert_type3A_584 : vector<16xf32>
        %mul3A_589 = arith.mulf %mul3A_588, %bitcast_convert_type3A_584 : vector<16xf32>
        %sub3A_590 = arith.constant 1.500000e+00 : f32
        %sub3A_591 = vector.broadcast %sub3A_590 : f32 to vector<16xf32>
        %sub3A_592 = arith.subf %sub3A_591, %mul3A_589 : vector<16xf32>
        %mul3A_593 = arith.mulf %bitcast_convert_type3A_584, %sub3A_592 : vector<16xf32>
        %mul3A_594 = arith.constant 5.000000e-01 : f32
        %mul3A_595 = vector.broadcast %mul3A_594 : f32 to vector<16xf32>
        %mul3A_596 = arith.mulf %mul3A_595, %add3A_578 : vector<16xf32>
        %mul3A_597 = arith.mulf %mul3A_596, %mul3A_593 : vector<16xf32>
        %mul3A_598 = arith.mulf %mul3A_597, %mul3A_593 : vector<16xf32>
        %sub3A_599 = arith.constant 1.500000e+00 : f32
        %sub3A_600 = vector.broadcast %sub3A_599 : f32 to vector<16xf32>
        %sub3A_601 = arith.subf %sub3A_600, %mul3A_598 : vector<16xf32>
        %mul3A_602 = arith.mulf %mul3A_593, %sub3A_601 : vector<16xf32>
        %add3A_603 = arith.constant 0 : i32
        %add3A_604 = arith.addi %add3A_443, %add3A_603 : i32
        %add3A_605 = arith.constant 0 : i32
        %add3A_606 = arith.addi %add3A_604, %add3A_605 : i32
        %add3A_607 = vector.broadcast %add3A_606 : i32 to vector<16xi32>
        %add3A_608 = arith.addi %add3A_607, %iota3A : vector<16xi32>
        %mul3A_609 = arith.mulf %mul3A_602, %gather3A : vector<16xf32>
        %mul3A_610 = arith.mulf %sub3A_526, %mul3A_609 : vector<16xf32>
        %add3A_611 = arith.addf %mul3A_610, %gather3A_51 : vector<16xf32>
        tpu.vector_store_idx %arg13[%add3A_608], %add3A_611 : memref<8192xf32, #tpu.memory_space<vmem>>[vector<16xi32>], vector<16xf32>,
        %add3A_612 = arith.constant 0 : i32
        %add3A_613 = arith.addi %add3A_443, %add3A_612 : i32
        %add3A_614 = arith.constant 128 : i32
        %add3A_615 = arith.addi %add3A_613, %add3A_614 : i32
        %add3A_616 = vector.broadcast %add3A_615 : i32 to vector<16xi32>
        %add3A_617 = arith.addi %add3A_616, %iota3A : vector<16xi32>
        %mul3A_618 = arith.mulf %mul3A_602, %gather3A_6 : vector<16xf32>
        %mul3A_619 = arith.mulf %sub3A_527, %mul3A_618 : vector<16xf32>
        %add3A_620 = arith.addf %mul3A_619, %gather3A_54 : vector<16xf32>
        tpu.vector_store_idx %arg13[%add3A_617], %add3A_620 : memref<8192xf32, #tpu.memory_space<vmem>>[vector<16xi32>], vector<16xf32>,
        %add3A_621 = arith.constant 0 : i32
        %add3A_622 = arith.addi %add3A_443, %add3A_621 : i32
        %add3A_623 = arith.constant 256 : i32
        %add3A_624 = arith.addi %add3A_622, %add3A_623 : i32
        %add3A_625 = vector.broadcast %add3A_624 : i32 to vector<16xi32>
        %add3A_626 = arith.addi %add3A_625, %iota3A : vector<16xi32>
        %mul3A_627 = arith.mulf %mul3A_602, %gather3A_9 : vector<16xf32>
        %mul3A_628 = arith.mulf %sub3A_528, %mul3A_627 : vector<16xf32>
        %add3A_629 = arith.addf %mul3A_628, %gather3A_57 : vector<16xf32>
        tpu.vector_store_idx %arg13[%add3A_626], %add3A_629 : memref<8192xf32, #tpu.memory_space<vmem>>[vector<16xi32>], vector<16xf32>,
        %add3A_630 = arith.constant 0 : i32
        %add3A_631 = arith.addi %add3A_443, %add3A_630 : i32
        %add3A_632 = arith.constant 384 : i32
        %add3A_633 = arith.addi %add3A_631, %add3A_632 : i32
        %add3A_634 = vector.broadcast %add3A_633 : i32 to vector<16xi32>
        %add3A_635 = arith.addi %add3A_634, %iota3A : vector<16xi32>
        %mul3A_636 = arith.mulf %mul3A_602, %gather3A_12 : vector<16xf32>
        %mul3A_637 = arith.mulf %sub3A_529, %mul3A_636 : vector<16xf32>
        %add3A_638 = arith.addf %mul3A_637, %gather3A_60 : vector<16xf32>
        tpu.vector_store_idx %arg13[%add3A_635], %add3A_638 : memref<8192xf32, #tpu.memory_space<vmem>>[vector<16xi32>], vector<16xf32>,
        %add3A_639 = arith.constant 0 : i32
        %add3A_640 = arith.addi %add3A_443, %add3A_639 : i32
        %add3A_641 = arith.constant 512 : i32
        %add3A_642 = arith.addi %add3A_640, %add3A_641 : i32
        %add3A_643 = vector.broadcast %add3A_642 : i32 to vector<16xi32>
        %add3A_644 = arith.addi %add3A_643, %iota3A : vector<16xi32>
        %mul3A_645 = arith.mulf %mul3A_602, %gather3A_15 : vector<16xf32>
        %mul3A_646 = arith.mulf %sub3A_530, %mul3A_645 : vector<16xf32>
        %add3A_647 = arith.addf %mul3A_646, %gather3A_63 : vector<16xf32>
        tpu.vector_store_idx %arg13[%add3A_644], %add3A_647 : memref<8192xf32, #tpu.memory_space<vmem>>[vector<16xi32>], vector<16xf32>,
        %add3A_648 = arith.constant 0 : i32
        %add3A_649 = arith.addi %add3A_443, %add3A_648 : i32
        %add3A_650 = arith.constant 640 : i32
        %add3A_651 = arith.addi %add3A_649, %add3A_650 : i32
        %add3A_652 = vector.broadcast %add3A_651 : i32 to vector<16xi32>
        %add3A_653 = arith.addi %add3A_652, %iota3A : vector<16xi32>
        %mul3A_654 = arith.mulf %mul3A_602, %gather3A_18 : vector<16xf32>
        %mul3A_655 = arith.mulf %sub3A_531, %mul3A_654 : vector<16xf32>
        %add3A_656 = arith.addf %mul3A_655, %gather3A_66 : vector<16xf32>
        tpu.vector_store_idx %arg13[%add3A_653], %add3A_656 : memref<8192xf32, #tpu.memory_space<vmem>>[vector<16xi32>], vector<16xf32>,
        %add3A_657 = arith.constant 0 : i32
        %add3A_658 = arith.addi %add3A_443, %add3A_657 : i32
        %add3A_659 = arith.constant 768 : i32
        %add3A_660 = arith.addi %add3A_658, %add3A_659 : i32
        %add3A_661 = vector.broadcast %add3A_660 : i32 to vector<16xi32>
        %add3A_662 = arith.addi %add3A_661, %iota3A : vector<16xi32>
        %mul3A_663 = arith.mulf %mul3A_602, %gather3A_21 : vector<16xf32>
        %mul3A_664 = arith.mulf %sub3A_532, %mul3A_663 : vector<16xf32>
        %add3A_665 = arith.addf %mul3A_664, %gather3A_69 : vector<16xf32>
        tpu.vector_store_idx %arg13[%add3A_662], %add3A_665 : memref<8192xf32, #tpu.memory_space<vmem>>[vector<16xi32>], vector<16xf32>,
        %add3A_666 = arith.constant 0 : i32
        %add3A_667 = arith.addi %add3A_443, %add3A_666 : i32
        %add3A_668 = arith.constant 896 : i32
        %add3A_669 = arith.addi %add3A_667, %add3A_668 : i32
        %add3A_670 = vector.broadcast %add3A_669 : i32 to vector<16xi32>
        %add3A_671 = arith.addi %add3A_670, %iota3A : vector<16xi32>
        %mul3A_672 = arith.mulf %mul3A_602, %gather3A_24 : vector<16xf32>
        %mul3A_673 = arith.mulf %sub3A_533, %mul3A_672 : vector<16xf32>
        %add3A_674 = arith.addf %mul3A_673, %gather3A_72 : vector<16xf32>
        tpu.vector_store_idx %arg13[%add3A_671], %add3A_674 : memref<8192xf32, #tpu.memory_space<vmem>>[vector<16xi32>], vector<16xf32>,
        %add3A_675 = arith.constant 4096 : i32
        %add3A_676 = arith.addi %add3A_443, %add3A_675 : i32
        %add3A_677 = arith.constant 0 : i32
        %add3A_678 = arith.addi %add3A_676, %add3A_677 : i32
        %add3A_679 = vector.broadcast %add3A_678 : i32 to vector<16xi32>
        %add3A_680 = arith.addi %add3A_679, %iota3A : vector<16xi32>
        %mul3A_681 = arith.mulf %mul3A_602, %gather3A_27 : vector<16xf32>
        %mul3A_682 = arith.mulf %sub3A_534, %mul3A_681 : vector<16xf32>
        %add3A_683 = arith.addf %mul3A_682, %gather3A_75 : vector<16xf32>
        tpu.vector_store_idx %arg13[%add3A_680], %add3A_683 : memref<8192xf32, #tpu.memory_space<vmem>>[vector<16xi32>], vector<16xf32>,
        %add3A_684 = arith.constant 4096 : i32
        %add3A_685 = arith.addi %add3A_443, %add3A_684 : i32
        %add3A_686 = arith.constant 128 : i32
        %add3A_687 = arith.addi %add3A_685, %add3A_686 : i32
        %add3A_688 = vector.broadcast %add3A_687 : i32 to vector<16xi32>
        %add3A_689 = arith.addi %add3A_688, %iota3A : vector<16xi32>
        %mul3A_690 = arith.mulf %mul3A_602, %gather3A_30 : vector<16xf32>
        %mul3A_691 = arith.mulf %sub3A_535, %mul3A_690 : vector<16xf32>
        %add3A_692 = arith.addf %mul3A_691, %gather3A_78 : vector<16xf32>
        tpu.vector_store_idx %arg13[%add3A_689], %add3A_692 : memref<8192xf32, #tpu.memory_space<vmem>>[vector<16xi32>], vector<16xf32>,
        %add3A_693 = arith.constant 4096 : i32
        %add3A_694 = arith.addi %add3A_443, %add3A_693 : i32
        %add3A_695 = arith.constant 256 : i32
        %add3A_696 = arith.addi %add3A_694, %add3A_695 : i32
        %add3A_697 = vector.broadcast %add3A_696 : i32 to vector<16xi32>
        %add3A_698 = arith.addi %add3A_697, %iota3A : vector<16xi32>
        %mul3A_699 = arith.mulf %mul3A_602, %gather3A_33 : vector<16xf32>
        %mul3A_700 = arith.mulf %sub3A_536, %mul3A_699 : vector<16xf32>
        %add3A_701 = arith.addf %mul3A_700, %gather3A_81 : vector<16xf32>
        tpu.vector_store_idx %arg13[%add3A_698], %add3A_701 : memref<8192xf32, #tpu.memory_space<vmem>>[vector<16xi32>], vector<16xf32>,
        %add3A_702 = arith.constant 4096 : i32
        %add3A_703 = arith.addi %add3A_443, %add3A_702 : i32
        %add3A_704 = arith.constant 384 : i32
        %add3A_705 = arith.addi %add3A_703, %add3A_704 : i32
        %add3A_706 = vector.broadcast %add3A_705 : i32 to vector<16xi32>
        %add3A_707 = arith.addi %add3A_706, %iota3A : vector<16xi32>
        %mul3A_708 = arith.mulf %mul3A_602, %gather3A_36 : vector<16xf32>
        %mul3A_709 = arith.mulf %sub3A_537, %mul3A_708 : vector<16xf32>
        %add3A_710 = arith.addf %mul3A_709, %gather3A_84 : vector<16xf32>
        tpu.vector_store_idx %arg13[%add3A_707], %add3A_710 : memref<8192xf32, #tpu.memory_space<vmem>>[vector<16xi32>], vector<16xf32>,
        %add3A_711 = arith.constant 4096 : i32
        %add3A_712 = arith.addi %add3A_443, %add3A_711 : i32
        %add3A_713 = arith.constant 512 : i32
        %add3A_714 = arith.addi %add3A_712, %add3A_713 : i32
        %add3A_715 = vector.broadcast %add3A_714 : i32 to vector<16xi32>
        %add3A_716 = arith.addi %add3A_715, %iota3A : vector<16xi32>
        %mul3A_717 = arith.mulf %mul3A_602, %gather3A_39 : vector<16xf32>
        %mul3A_718 = arith.mulf %sub3A_538, %mul3A_717 : vector<16xf32>
        %add3A_719 = arith.addf %mul3A_718, %gather3A_87 : vector<16xf32>
        tpu.vector_store_idx %arg13[%add3A_716], %add3A_719 : memref<8192xf32, #tpu.memory_space<vmem>>[vector<16xi32>], vector<16xf32>,
        %add3A_720 = arith.constant 4096 : i32
        %add3A_721 = arith.addi %add3A_443, %add3A_720 : i32
        %add3A_722 = arith.constant 640 : i32
        %add3A_723 = arith.addi %add3A_721, %add3A_722 : i32
        %add3A_724 = vector.broadcast %add3A_723 : i32 to vector<16xi32>
        %add3A_725 = arith.addi %add3A_724, %iota3A : vector<16xi32>
        %mul3A_726 = arith.mulf %mul3A_602, %gather3A_42 : vector<16xf32>
        %mul3A_727 = arith.mulf %sub3A_539, %mul3A_726 : vector<16xf32>
        %add3A_728 = arith.addf %mul3A_727, %gather3A_90 : vector<16xf32>
        tpu.vector_store_idx %arg13[%add3A_725], %add3A_728 : memref<8192xf32, #tpu.memory_space<vmem>>[vector<16xi32>], vector<16xf32>,
        %add3A_729 = arith.constant 4096 : i32
        %add3A_730 = arith.addi %add3A_443, %add3A_729 : i32
        %add3A_731 = arith.constant 768 : i32
        %add3A_732 = arith.addi %add3A_730, %add3A_731 : i32
        %add3A_733 = vector.broadcast %add3A_732 : i32 to vector<16xi32>
        %add3A_734 = arith.addi %add3A_733, %iota3A : vector<16xi32>
        %mul3A_735 = arith.mulf %mul3A_602, %gather3A_45 : vector<16xf32>
        %mul3A_736 = arith.mulf %sub3A_540, %mul3A_735 : vector<16xf32>
        %add3A_737 = arith.addf %mul3A_736, %gather3A_93 : vector<16xf32>
        tpu.vector_store_idx %arg13[%add3A_734], %add3A_737 : memref<8192xf32, #tpu.memory_space<vmem>>[vector<16xi32>], vector<16xf32>,
        %add3A_738 = arith.constant 4096 : i32
        %add3A_739 = arith.addi %add3A_443, %add3A_738 : i32
        %add3A_740 = arith.constant 896 : i32
        %add3A_741 = arith.addi %add3A_739, %add3A_740 : i32
        %add3A_742 = vector.broadcast %add3A_741 : i32 to vector<16xi32>
        %add3A_743 = arith.addi %add3A_742, %iota3A : vector<16xi32>
        %mul3A_744 = arith.mulf %mul3A_602, %gather3A_48 : vector<16xf32>
        %mul3A_745 = arith.mulf %sub3A_541, %mul3A_744 : vector<16xf32>
        %add3A_746 = arith.addf %mul3A_745, %gather3A_96 : vector<16xf32>
        tpu.vector_store_idx %arg13[%add3A_743], %add3A_746 : memref<8192xf32, #tpu.memory_space<vmem>>[vector<16xi32>], vector<16xf32>,
        %mul3A_747 = arith.constant 4 : i32
        %mul3A_748 = arith.muli %mul3A_747, %scan3A_399 : i32
        %add3A_749 = arith.constant 1 : i32
        %add3A_750 = arith.addi %mul3A_748, %add3A_749 : i32
        %mul3A_751 = arith.constant 16 : i32
        %mul3A_752 = arith.muli %add3A_750, %mul3A_751 : i32
        %add3A_753 = vector.broadcast %mul3A_752 : i32 to vector<16xi32>
        %add3A_754 = arith.addi %add3A_753, %iota3A : vector<16xi32>
        %jit3A_755 = arith.constant 8 : i32
        %div3A_756 = arith.divsi %add3A_750, %jit3A_755 : i32
        %sign3A_757 = arith.constant 0 : i32
        %sign3A_758 = arith.cmpi sgt, %add3A_750, %sign3A_757 : i32
        %sign3A_759 = arith.extui %sign3A_758 : i1 to i32
        %sign3A_760 = arith.constant 0 : i32
        %sign3A_761 = arith.cmpi slt, %add3A_750, %sign3A_760 : i32
        %sign3A_762 = arith.extui %sign3A_761 : i1 to i32
        %sign3A_763 = arith.subi %sign3A_759, %sign3A_762 : i32
        %sign3A_764 = arith.constant 0 : i32
        %sign3A_765 = arith.cmpi sgt, %jit3A_755, %sign3A_764 : i32
        %sign3A_766 = arith.extui %sign3A_765 : i1 to i32
        %sign3A_767 = arith.constant 0 : i32
        %sign3A_768 = arith.cmpi slt, %jit3A_755, %sign3A_767 : i32
        %sign3A_769 = arith.extui %sign3A_768 : i1 to i32
        %sign3A_770 = arith.subi %sign3A_766, %sign3A_769 : i32
        %ne3A_771 = arith.cmpi ne, %sign3A_763, %sign3A_770 : i32
        %rem3A_772 = arith.remsi %add3A_750, %jit3A_755 : i32
        %ne3A_773 = arith.constant 0 : i32
        %ne3A_774 = arith.cmpi ne, %rem3A_772, %ne3A_773 : i32
        %and3A_775 = arith.andi %ne3A_771, %ne3A_774 : i1
        %sub3A_776 = arith.constant 1 : i32
        %sub3A_777 = arith.subi %div3A_756, %sub3A_776 : i32
        %select_n3A_778 = arith.select %and3A_775, %sub3A_777, %div3A_756 : i32
        %mul3A_779 = arith.constant 1024 : i32
        %mul3A_780 = arith.muli %select_n3A_778, %mul3A_779 : i32
        %jit3A_781 = arith.constant 8 : i32
        %eq3A_782 = arith.constant 0 : i32
        %eq3A_783 = arith.cmpi eq, %jit3A_781, %eq3A_782 : i32
        %jit3A_784 = arith.constant 1 : i32
        %select_n3A_785 = arith.select %eq3A_783, %jit3A_784, %jit3A_781 : i32
        %rem3A_786 = arith.remsi %add3A_750, %select_n3A_785 : i32
        %ne3A_787 = arith.constant 0 : i32
        %ne3A_788 = arith.cmpi ne, %rem3A_786, %ne3A_787 : i32
        %lt3A_789 = arith.constant 0 : i32
        %lt3A_790 = arith.cmpi slt, %rem3A_786, %lt3A_789 : i32
        %lt3A_791 = arith.constant 0 : i32
        %lt3A_792 = arith.cmpi slt, %select_n3A_785, %lt3A_791 : i32
        %ne3A_793 = arith.xori %lt3A_790, %lt3A_792 : i1
        %and3A_794 = arith.andi %ne3A_793, %ne3A_788 : i1
        %add3A_795 = arith.addi %rem3A_786, %select_n3A_785 : i32
        %select_n3A_796 = arith.select %and3A_794, %add3A_795, %rem3A_786 : i32
        %mul3A_797 = arith.constant 16 : i32
        %mul3A_798 = arith.muli %select_n3A_796, %mul3A_797 : i32
        %add3A_799 = arith.addi %mul3A_780, %mul3A_798 : i32
        %broadcast_in_dim3A_800 = arith.constant 0 : i32
        %broadcast_in_dim3A_801 = vector.broadcast %broadcast_in_dim3A_800 : i32 to vector<16xi32>
        %gather3A_802 = tpu.vector_load_idx %arg11[%add3A_754, %broadcast_in_dim3A_801] : memref<512x16xf32, #tpu.memory_space<vmem>>[vector<16xi32>, vector<16xi32>], vector<16xf32>,
        %add3A_803 = arith.addf %gather3A_802, %get3A_295 : vector<16xf32>
        %broadcast_in_dim3A_804 = arith.constant 1 : i32
        %broadcast_in_dim3A_805 = vector.broadcast %broadcast_in_dim3A_804 : i32 to vector<16xi32>
        %gather3A_806 = tpu.vector_load_idx %arg11[%add3A_754, %broadcast_in_dim3A_805] : memref<512x16xf32, #tpu.memory_space<vmem>>[vector<16xi32>, vector<16xi32>], vector<16xf32>,
        %add3A_807 = arith.addf %gather3A_806, %get3A_299 : vector<16xf32>
        %broadcast_in_dim3A_808 = arith.constant 2 : i32
        %broadcast_in_dim3A_809 = vector.broadcast %broadcast_in_dim3A_808 : i32 to vector<16xi32>
        %gather3A_810 = tpu.vector_load_idx %arg11[%add3A_754, %broadcast_in_dim3A_809] : memref<512x16xf32, #tpu.memory_space<vmem>>[vector<16xi32>, vector<16xi32>], vector<16xf32>,
        %add3A_811 = arith.addf %gather3A_810, %get3A_303 : vector<16xf32>
        %broadcast_in_dim3A_812 = arith.constant 3 : i32
        %broadcast_in_dim3A_813 = vector.broadcast %broadcast_in_dim3A_812 : i32 to vector<16xi32>
        %gather3A_814 = tpu.vector_load_idx %arg11[%add3A_754, %broadcast_in_dim3A_813] : memref<512x16xf32, #tpu.memory_space<vmem>>[vector<16xi32>, vector<16xi32>], vector<16xf32>,
        %add3A_815 = arith.addf %gather3A_814, %get3A_307 : vector<16xf32>
        %broadcast_in_dim3A_816 = arith.constant 4 : i32
        %broadcast_in_dim3A_817 = vector.broadcast %broadcast_in_dim3A_816 : i32 to vector<16xi32>
        %gather3A_818 = tpu.vector_load_idx %arg11[%add3A_754, %broadcast_in_dim3A_817] : memref<512x16xf32, #tpu.memory_space<vmem>>[vector<16xi32>, vector<16xi32>], vector<16xf32>,
        %add3A_819 = arith.addf %gather3A_818, %get3A_311 : vector<16xf32>
        %broadcast_in_dim3A_820 = arith.constant 5 : i32
        %broadcast_in_dim3A_821 = vector.broadcast %broadcast_in_dim3A_820 : i32 to vector<16xi32>
        %gather3A_822 = tpu.vector_load_idx %arg11[%add3A_754, %broadcast_in_dim3A_821] : memref<512x16xf32, #tpu.memory_space<vmem>>[vector<16xi32>, vector<16xi32>], vector<16xf32>,
        %add3A_823 = arith.addf %gather3A_822, %get3A_315 : vector<16xf32>
        %broadcast_in_dim3A_824 = arith.constant 6 : i32
        %broadcast_in_dim3A_825 = vector.broadcast %broadcast_in_dim3A_824 : i32 to vector<16xi32>
        %gather3A_826 = tpu.vector_load_idx %arg11[%add3A_754, %broadcast_in_dim3A_825] : memref<512x16xf32, #tpu.memory_space<vmem>>[vector<16xi32>, vector<16xi32>], vector<16xf32>,
        %add3A_827 = arith.addf %gather3A_826, %get3A_319 : vector<16xf32>
        %broadcast_in_dim3A_828 = arith.constant 7 : i32
        %broadcast_in_dim3A_829 = vector.broadcast %broadcast_in_dim3A_828 : i32 to vector<16xi32>
        %gather3A_830 = tpu.vector_load_idx %arg11[%add3A_754, %broadcast_in_dim3A_829] : memref<512x16xf32, #tpu.memory_space<vmem>>[vector<16xi32>, vector<16xi32>], vector<16xf32>,
        %add3A_831 = arith.addf %gather3A_830, %get3A_323 : vector<16xf32>
        %broadcast_in_dim3A_832 = arith.constant 8 : i32
        %broadcast_in_dim3A_833 = vector.broadcast %broadcast_in_dim3A_832 : i32 to vector<16xi32>
        %gather3A_834 = tpu.vector_load_idx %arg11[%add3A_754, %broadcast_in_dim3A_833] : memref<512x16xf32, #tpu.memory_space<vmem>>[vector<16xi32>, vector<16xi32>], vector<16xf32>,
        %add3A_835 = arith.addf %gather3A_834, %get3A_327 : vector<16xf32>
        %broadcast_in_dim3A_836 = arith.constant 9 : i32
        %broadcast_in_dim3A_837 = vector.broadcast %broadcast_in_dim3A_836 : i32 to vector<16xi32>
        %gather3A_838 = tpu.vector_load_idx %arg11[%add3A_754, %broadcast_in_dim3A_837] : memref<512x16xf32, #tpu.memory_space<vmem>>[vector<16xi32>, vector<16xi32>], vector<16xf32>,
        %add3A_839 = arith.addf %gather3A_838, %get3A_331 : vector<16xf32>
        %broadcast_in_dim3A_840 = arith.constant 10 : i32
        %broadcast_in_dim3A_841 = vector.broadcast %broadcast_in_dim3A_840 : i32 to vector<16xi32>
        %gather3A_842 = tpu.vector_load_idx %arg11[%add3A_754, %broadcast_in_dim3A_841] : memref<512x16xf32, #tpu.memory_space<vmem>>[vector<16xi32>, vector<16xi32>], vector<16xf32>,
        %add3A_843 = arith.addf %gather3A_842, %get3A_335 : vector<16xf32>
        %broadcast_in_dim3A_844 = arith.constant 11 : i32
        %broadcast_in_dim3A_845 = vector.broadcast %broadcast_in_dim3A_844 : i32 to vector<16xi32>
        %gather3A_846 = tpu.vector_load_idx %arg11[%add3A_754, %broadcast_in_dim3A_845] : memref<512x16xf32, #tpu.memory_space<vmem>>[vector<16xi32>, vector<16xi32>], vector<16xf32>,
        %add3A_847 = arith.addf %gather3A_846, %get3A_339 : vector<16xf32>
        %broadcast_in_dim3A_848 = arith.constant 12 : i32
        %broadcast_in_dim3A_849 = vector.broadcast %broadcast_in_dim3A_848 : i32 to vector<16xi32>
        %gather3A_850 = tpu.vector_load_idx %arg11[%add3A_754, %broadcast_in_dim3A_849] : memref<512x16xf32, #tpu.memory_space<vmem>>[vector<16xi32>, vector<16xi32>], vector<16xf32>,
        %add3A_851 = arith.addf %gather3A_850, %get3A_343 : vector<16xf32>
        %broadcast_in_dim3A_852 = arith.constant 13 : i32
        %broadcast_in_dim3A_853 = vector.broadcast %broadcast_in_dim3A_852 : i32 to vector<16xi32>
        %gather3A_854 = tpu.vector_load_idx %arg11[%add3A_754, %broadcast_in_dim3A_853] : memref<512x16xf32, #tpu.memory_space<vmem>>[vector<16xi32>, vector<16xi32>], vector<16xf32>,
        %add3A_855 = arith.addf %gather3A_854, %get3A_347 : vector<16xf32>
        %broadcast_in_dim3A_856 = arith.constant 14 : i32
        %broadcast_in_dim3A_857 = vector.broadcast %broadcast_in_dim3A_856 : i32 to vector<16xi32>
        %gather3A_858 = tpu.vector_load_idx %arg11[%add3A_754, %broadcast_in_dim3A_857] : memref<512x16xf32, #tpu.memory_space<vmem>>[vector<16xi32>, vector<16xi32>], vector<16xf32>,
        %add3A_859 = arith.addf %gather3A_858, %get3A_351 : vector<16xf32>
        %broadcast_in_dim3A_860 = arith.constant 15 : i32
        %broadcast_in_dim3A_861 = vector.broadcast %broadcast_in_dim3A_860 : i32 to vector<16xi32>
        %gather3A_862 = tpu.vector_load_idx %arg11[%add3A_754, %broadcast_in_dim3A_861] : memref<512x16xf32, #tpu.memory_space<vmem>>[vector<16xi32>, vector<16xi32>], vector<16xf32>,
        %add3A_863 = arith.addf %gather3A_862, %get3A_355 : vector<16xf32>
        %add3A_864 = arith.addf %add3A_803, %add3A_807 : vector<16xf32>
        %add3A_865 = arith.addf %add3A_811, %add3A_815 : vector<16xf32>
        %add3A_866 = arith.addf %add3A_819, %add3A_823 : vector<16xf32>
        %add3A_867 = arith.addf %add3A_827, %add3A_831 : vector<16xf32>
        %add3A_868 = arith.addf %add3A_835, %add3A_839 : vector<16xf32>
        %add3A_869 = arith.addf %add3A_843, %add3A_847 : vector<16xf32>
        %add3A_870 = arith.addf %add3A_851, %add3A_855 : vector<16xf32>
        %add3A_871 = arith.addf %add3A_859, %add3A_863 : vector<16xf32>
        %add3A_872 = arith.addf %add3A_864, %add3A_865 : vector<16xf32>
        %add3A_873 = arith.addf %add3A_866, %add3A_867 : vector<16xf32>
        %add3A_874 = arith.addf %add3A_868, %add3A_869 : vector<16xf32>
        %add3A_875 = arith.addf %add3A_870, %add3A_871 : vector<16xf32>
        %add3A_876 = arith.addf %add3A_872, %add3A_873 : vector<16xf32>
        %add3A_877 = arith.addf %add3A_874, %add3A_875 : vector<16xf32>
        %add3A_878 = arith.addf %add3A_876, %add3A_877 : vector<16xf32>
        %mul3A_879 = arith.constant 6.250000e-02 : f32
        %mul3A_880 = vector.broadcast %mul3A_879 : f32 to vector<16xf32>
        %mul3A_881 = arith.mulf %add3A_878, %mul3A_880 : vector<16xf32>
        %sub3A_882 = arith.subf %add3A_803, %mul3A_881 : vector<16xf32>
        %sub3A_883 = arith.subf %add3A_807, %mul3A_881 : vector<16xf32>
        %sub3A_884 = arith.subf %add3A_811, %mul3A_881 : vector<16xf32>
        %sub3A_885 = arith.subf %add3A_815, %mul3A_881 : vector<16xf32>
        %sub3A_886 = arith.subf %add3A_819, %mul3A_881 : vector<16xf32>
        %sub3A_887 = arith.subf %add3A_823, %mul3A_881 : vector<16xf32>
        %sub3A_888 = arith.subf %add3A_827, %mul3A_881 : vector<16xf32>
        %sub3A_889 = arith.subf %add3A_831, %mul3A_881 : vector<16xf32>
        %sub3A_890 = arith.subf %add3A_835, %mul3A_881 : vector<16xf32>
        %sub3A_891 = arith.subf %add3A_839, %mul3A_881 : vector<16xf32>
        %sub3A_892 = arith.subf %add3A_843, %mul3A_881 : vector<16xf32>
        %sub3A_893 = arith.subf %add3A_847, %mul3A_881 : vector<16xf32>
        %sub3A_894 = arith.subf %add3A_851, %mul3A_881 : vector<16xf32>
        %sub3A_895 = arith.subf %add3A_855, %mul3A_881 : vector<16xf32>
        %sub3A_896 = arith.subf %add3A_859, %mul3A_881 : vector<16xf32>
        %sub3A_897 = arith.subf %add3A_863, %mul3A_881 : vector<16xf32>
        %mul3A_898 = arith.mulf %sub3A_882, %sub3A_882 : vector<16xf32>
        %mul3A_899 = arith.mulf %sub3A_883, %sub3A_883 : vector<16xf32>
        %mul3A_900 = arith.mulf %sub3A_884, %sub3A_884 : vector<16xf32>
        %mul3A_901 = arith.mulf %sub3A_885, %sub3A_885 : vector<16xf32>
        %mul3A_902 = arith.mulf %sub3A_886, %sub3A_886 : vector<16xf32>
        %mul3A_903 = arith.mulf %sub3A_887, %sub3A_887 : vector<16xf32>
        %mul3A_904 = arith.mulf %sub3A_888, %sub3A_888 : vector<16xf32>
        %mul3A_905 = arith.mulf %sub3A_889, %sub3A_889 : vector<16xf32>
        %mul3A_906 = arith.mulf %sub3A_890, %sub3A_890 : vector<16xf32>
        %mul3A_907 = arith.mulf %sub3A_891, %sub3A_891 : vector<16xf32>
        %mul3A_908 = arith.mulf %sub3A_892, %sub3A_892 : vector<16xf32>
        %mul3A_909 = arith.mulf %sub3A_893, %sub3A_893 : vector<16xf32>
        %mul3A_910 = arith.mulf %sub3A_894, %sub3A_894 : vector<16xf32>
        %mul3A_911 = arith.mulf %sub3A_895, %sub3A_895 : vector<16xf32>
        %mul3A_912 = arith.mulf %sub3A_896, %sub3A_896 : vector<16xf32>
        %mul3A_913 = arith.mulf %sub3A_897, %sub3A_897 : vector<16xf32>
        %add3A_914 = arith.addf %mul3A_898, %mul3A_899 : vector<16xf32>
        %add3A_915 = arith.addf %mul3A_900, %mul3A_901 : vector<16xf32>
        %add3A_916 = arith.addf %mul3A_902, %mul3A_903 : vector<16xf32>
        %add3A_917 = arith.addf %mul3A_904, %mul3A_905 : vector<16xf32>
        %add3A_918 = arith.addf %mul3A_906, %mul3A_907 : vector<16xf32>
        %add3A_919 = arith.addf %mul3A_908, %mul3A_909 : vector<16xf32>
        %add3A_920 = arith.addf %mul3A_910, %mul3A_911 : vector<16xf32>
        %add3A_921 = arith.addf %mul3A_912, %mul3A_913 : vector<16xf32>
        %add3A_922 = arith.addf %add3A_914, %add3A_915 : vector<16xf32>
        %add3A_923 = arith.addf %add3A_916, %add3A_917 : vector<16xf32>
        %add3A_924 = arith.addf %add3A_918, %add3A_919 : vector<16xf32>
        %add3A_925 = arith.addf %add3A_920, %add3A_921 : vector<16xf32>
        %add3A_926 = arith.addf %add3A_922, %add3A_923 : vector<16xf32>
        %add3A_927 = arith.addf %add3A_924, %add3A_925 : vector<16xf32>
        %add3A_928 = arith.addf %add3A_926, %add3A_927 : vector<16xf32>
        %mul3A_929 = arith.constant 6.250000e-02 : f32
        %mul3A_930 = vector.broadcast %mul3A_929 : f32 to vector<16xf32>
        %mul3A_931 = arith.mulf %add3A_928, %mul3A_930 : vector<16xf32>
        %add3A_932 = arith.constant 9.99999974E-6 : f32
        %add3A_933 = vector.broadcast %add3A_932 : f32 to vector<16xf32>
        %add3A_934 = arith.addf %mul3A_931, %add3A_933 : vector<16xf32>
        %bitcast_convert_type3A_935 = tpu.bitcast %add3A_934 : vector<16xf32> -> vector<16xi32>
        %shift_right_arithmetic3A_936 = arith.constant 1 : i32
        %shift_right_arithmetic3A_937 = vector.broadcast %shift_right_arithmetic3A_936 : i32 to vector<16xi32>
        %shift_right_arithmetic3A_938 = arith.shrsi %bitcast_convert_type3A_935, %shift_right_arithmetic3A_937 : vector<16xi32>
        %sub3A_939 = arith.constant 1597463007 : i32
        %sub3A_940 = vector.broadcast %sub3A_939 : i32 to vector<16xi32>
        %sub3A_941 = arith.subi %sub3A_940, %shift_right_arithmetic3A_938 : vector<16xi32>
        %bitcast_convert_type3A_942 = tpu.bitcast %sub3A_941 : vector<16xi32> -> vector<16xf32>
        %mul3A_943 = arith.constant 5.000000e-01 : f32
        %mul3A_944 = vector.broadcast %mul3A_943 : f32 to vector<16xf32>
        %mul3A_945 = arith.mulf %mul3A_944, %add3A_934 : vector<16xf32>
        %mul3A_946 = arith.mulf %mul3A_945, %bitcast_convert_type3A_942 : vector<16xf32>
        %mul3A_947 = arith.mulf %mul3A_946, %bitcast_convert_type3A_942 : vector<16xf32>
        %sub3A_948 = arith.constant 1.500000e+00 : f32
        %sub3A_949 = vector.broadcast %sub3A_948 : f32 to vector<16xf32>
        %sub3A_950 = arith.subf %sub3A_949, %mul3A_947 : vector<16xf32>
        %mul3A_951 = arith.mulf %bitcast_convert_type3A_942, %sub3A_950 : vector<16xf32>
        %mul3A_952 = arith.constant 5.000000e-01 : f32
        %mul3A_953 = vector.broadcast %mul3A_952 : f32 to vector<16xf32>
        %mul3A_954 = arith.mulf %mul3A_953, %add3A_934 : vector<16xf32>
        %mul3A_955 = arith.mulf %mul3A_954, %mul3A_951 : vector<16xf32>
        %mul3A_956 = arith.mulf %mul3A_955, %mul3A_951 : vector<16xf32>
        %sub3A_957 = arith.constant 1.500000e+00 : f32
        %sub3A_958 = vector.broadcast %sub3A_957 : f32 to vector<16xf32>
        %sub3A_959 = arith.subf %sub3A_958, %mul3A_956 : vector<16xf32>
        %mul3A_960 = arith.mulf %mul3A_951, %sub3A_959 : vector<16xf32>
        %add3A_961 = arith.constant 0 : i32
        %add3A_962 = arith.addi %add3A_799, %add3A_961 : i32
        %add3A_963 = arith.constant 0 : i32
        %add3A_964 = arith.addi %add3A_962, %add3A_963 : i32
        %add3A_965 = vector.broadcast %add3A_964 : i32 to vector<16xi32>
        %add3A_966 = arith.addi %add3A_965, %iota3A : vector<16xi32>
        %mul3A_967 = arith.mulf %mul3A_960, %gather3A : vector<16xf32>
        %mul3A_968 = arith.mulf %sub3A_882, %mul3A_967 : vector<16xf32>
        %add3A_969 = arith.addf %mul3A_968, %gather3A_51 : vector<16xf32>
        tpu.vector_store_idx %arg13[%add3A_966], %add3A_969 : memref<8192xf32, #tpu.memory_space<vmem>>[vector<16xi32>], vector<16xf32>,
        %add3A_970 = arith.constant 0 : i32
        %add3A_971 = arith.addi %add3A_799, %add3A_970 : i32
        %add3A_972 = arith.constant 128 : i32
        %add3A_973 = arith.addi %add3A_971, %add3A_972 : i32
        %add3A_974 = vector.broadcast %add3A_973 : i32 to vector<16xi32>
        %add3A_975 = arith.addi %add3A_974, %iota3A : vector<16xi32>
        %mul3A_976 = arith.mulf %mul3A_960, %gather3A_6 : vector<16xf32>
        %mul3A_977 = arith.mulf %sub3A_883, %mul3A_976 : vector<16xf32>
        %add3A_978 = arith.addf %mul3A_977, %gather3A_54 : vector<16xf32>
        tpu.vector_store_idx %arg13[%add3A_975], %add3A_978 : memref<8192xf32, #tpu.memory_space<vmem>>[vector<16xi32>], vector<16xf32>,
        %add3A_979 = arith.constant 0 : i32
        %add3A_980 = arith.addi %add3A_799, %add3A_979 : i32
        %add3A_981 = arith.constant 256 : i32
        %add3A_982 = arith.addi %add3A_980, %add3A_981 : i32
        %add3A_983 = vector.broadcast %add3A_982 : i32 to vector<16xi32>
        %add3A_984 = arith.addi %add3A_983, %iota3A : vector<16xi32>
        %mul3A_985 = arith.mulf %mul3A_960, %gather3A_9 : vector<16xf32>
        %mul3A_986 = arith.mulf %sub3A_884, %mul3A_985 : vector<16xf32>
        %add3A_987 = arith.addf %mul3A_986, %gather3A_57 : vector<16xf32>
        tpu.vector_store_idx %arg13[%add3A_984], %add3A_987 : memref<8192xf32, #tpu.memory_space<vmem>>[vector<16xi32>], vector<16xf32>,
        %add3A_988 = arith.constant 0 : i32
        %add3A_989 = arith.addi %add3A_799, %add3A_988 : i32
        %add3A_990 = arith.constant 384 : i32
        %add3A_991 = arith.addi %add3A_989, %add3A_990 : i32
        %add3A_992 = vector.broadcast %add3A_991 : i32 to vector<16xi32>
        %add3A_993 = arith.addi %add3A_992, %iota3A : vector<16xi32>
        %mul3A_994 = arith.mulf %mul3A_960, %gather3A_12 : vector<16xf32>
        %mul3A_995 = arith.mulf %sub3A_885, %mul3A_994 : vector<16xf32>
        %add3A_996 = arith.addf %mul3A_995, %gather3A_60 : vector<16xf32>
        tpu.vector_store_idx %arg13[%add3A_993], %add3A_996 : memref<8192xf32, #tpu.memory_space<vmem>>[vector<16xi32>], vector<16xf32>,
        %add3A_997 = arith.constant 0 : i32
        %add3A_998 = arith.addi %add3A_799, %add3A_997 : i32
        %add3A_999 = arith.constant 512 : i32
        %add3A_1000 = arith.addi %add3A_998, %add3A_999 : i32
        %add3A_1001 = vector.broadcast %add3A_1000 : i32 to vector<16xi32>
        %add3A_1002 = arith.addi %add3A_1001, %iota3A : vector<16xi32>
        %mul3A_1003 = arith.mulf %mul3A_960, %gather3A_15 : vector<16xf32>
        %mul3A_1004 = arith.mulf %sub3A_886, %mul3A_1003 : vector<16xf32>
        %add3A_1005 = arith.addf %mul3A_1004, %gather3A_63 : vector<16xf32>
        tpu.vector_store_idx %arg13[%add3A_1002], %add3A_1005 : memref<8192xf32, #tpu.memory_space<vmem>>[vector<16xi32>], vector<16xf32>,
        %add3A_1006 = arith.constant 0 : i32
        %add3A_1007 = arith.addi %add3A_799, %add3A_1006 : i32
        %add3A_1008 = arith.constant 640 : i32
        %add3A_1009 = arith.addi %add3A_1007, %add3A_1008 : i32
        %add3A_1010 = vector.broadcast %add3A_1009 : i32 to vector<16xi32>
        %add3A_1011 = arith.addi %add3A_1010, %iota3A : vector<16xi32>
        %mul3A_1012 = arith.mulf %mul3A_960, %gather3A_18 : vector<16xf32>
        %mul3A_1013 = arith.mulf %sub3A_887, %mul3A_1012 : vector<16xf32>
        %add3A_1014 = arith.addf %mul3A_1013, %gather3A_66 : vector<16xf32>
        tpu.vector_store_idx %arg13[%add3A_1011], %add3A_1014 : memref<8192xf32, #tpu.memory_space<vmem>>[vector<16xi32>], vector<16xf32>,
        %add3A_1015 = arith.constant 0 : i32
        %add3A_1016 = arith.addi %add3A_799, %add3A_1015 : i32
        %add3A_1017 = arith.constant 768 : i32
        %add3A_1018 = arith.addi %add3A_1016, %add3A_1017 : i32
        %add3A_1019 = vector.broadcast %add3A_1018 : i32 to vector<16xi32>
        %add3A_1020 = arith.addi %add3A_1019, %iota3A : vector<16xi32>
        %mul3A_1021 = arith.mulf %mul3A_960, %gather3A_21 : vector<16xf32>
        %mul3A_1022 = arith.mulf %sub3A_888, %mul3A_1021 : vector<16xf32>
        %add3A_1023 = arith.addf %mul3A_1022, %gather3A_69 : vector<16xf32>
        tpu.vector_store_idx %arg13[%add3A_1020], %add3A_1023 : memref<8192xf32, #tpu.memory_space<vmem>>[vector<16xi32>], vector<16xf32>,
        %add3A_1024 = arith.constant 0 : i32
        %add3A_1025 = arith.addi %add3A_799, %add3A_1024 : i32
        %add3A_1026 = arith.constant 896 : i32
        %add3A_1027 = arith.addi %add3A_1025, %add3A_1026 : i32
        %add3A_1028 = vector.broadcast %add3A_1027 : i32 to vector<16xi32>
        %add3A_1029 = arith.addi %add3A_1028, %iota3A : vector<16xi32>
        %mul3A_1030 = arith.mulf %mul3A_960, %gather3A_24 : vector<16xf32>
        %mul3A_1031 = arith.mulf %sub3A_889, %mul3A_1030 : vector<16xf32>
        %add3A_1032 = arith.addf %mul3A_1031, %gather3A_72 : vector<16xf32>
        tpu.vector_store_idx %arg13[%add3A_1029], %add3A_1032 : memref<8192xf32, #tpu.memory_space<vmem>>[vector<16xi32>], vector<16xf32>,
        %add3A_1033 = arith.constant 4096 : i32
        %add3A_1034 = arith.addi %add3A_799, %add3A_1033 : i32
        %add3A_1035 = arith.constant 0 : i32
        %add3A_1036 = arith.addi %add3A_1034, %add3A_1035 : i32
        %add3A_1037 = vector.broadcast %add3A_1036 : i32 to vector<16xi32>
        %add3A_1038 = arith.addi %add3A_1037, %iota3A : vector<16xi32>
        %mul3A_1039 = arith.mulf %mul3A_960, %gather3A_27 : vector<16xf32>
        %mul3A_1040 = arith.mulf %sub3A_890, %mul3A_1039 : vector<16xf32>
        %add3A_1041 = arith.addf %mul3A_1040, %gather3A_75 : vector<16xf32>
        tpu.vector_store_idx %arg13[%add3A_1038], %add3A_1041 : memref<8192xf32, #tpu.memory_space<vmem>>[vector<16xi32>], vector<16xf32>,
        %add3A_1042 = arith.constant 4096 : i32
        %add3A_1043 = arith.addi %add3A_799, %add3A_1042 : i32
        %add3A_1044 = arith.constant 128 : i32
        %add3A_1045 = arith.addi %add3A_1043, %add3A_1044 : i32
        %add3A_1046 = vector.broadcast %add3A_1045 : i32 to vector<16xi32>
        %add3A_1047 = arith.addi %add3A_1046, %iota3A : vector<16xi32>
        %mul3A_1048 = arith.mulf %mul3A_960, %gather3A_30 : vector<16xf32>
        %mul3A_1049 = arith.mulf %sub3A_891, %mul3A_1048 : vector<16xf32>
        %add3A_1050 = arith.addf %mul3A_1049, %gather3A_78 : vector<16xf32>
        tpu.vector_store_idx %arg13[%add3A_1047], %add3A_1050 : memref<8192xf32, #tpu.memory_space<vmem>>[vector<16xi32>], vector<16xf32>,
        %add3A_1051 = arith.constant 4096 : i32
        %add3A_1052 = arith.addi %add3A_799, %add3A_1051 : i32
        %add3A_1053 = arith.constant 256 : i32
        %add3A_1054 = arith.addi %add3A_1052, %add3A_1053 : i32
        %add3A_1055 = vector.broadcast %add3A_1054 : i32 to vector<16xi32>
        %add3A_1056 = arith.addi %add3A_1055, %iota3A : vector<16xi32>
        %mul3A_1057 = arith.mulf %mul3A_960, %gather3A_33 : vector<16xf32>
        %mul3A_1058 = arith.mulf %sub3A_892, %mul3A_1057 : vector<16xf32>
        %add3A_1059 = arith.addf %mul3A_1058, %gather3A_81 : vector<16xf32>
        tpu.vector_store_idx %arg13[%add3A_1056], %add3A_1059 : memref<8192xf32, #tpu.memory_space<vmem>>[vector<16xi32>], vector<16xf32>,
        %add3A_1060 = arith.constant 4096 : i32
        %add3A_1061 = arith.addi %add3A_799, %add3A_1060 : i32
        %add3A_1062 = arith.constant 384 : i32
        %add3A_1063 = arith.addi %add3A_1061, %add3A_1062 : i32
        %add3A_1064 = vector.broadcast %add3A_1063 : i32 to vector<16xi32>
        %add3A_1065 = arith.addi %add3A_1064, %iota3A : vector<16xi32>
        %mul3A_1066 = arith.mulf %mul3A_960, %gather3A_36 : vector<16xf32>
        %mul3A_1067 = arith.mulf %sub3A_893, %mul3A_1066 : vector<16xf32>
        %add3A_1068 = arith.addf %mul3A_1067, %gather3A_84 : vector<16xf32>
        tpu.vector_store_idx %arg13[%add3A_1065], %add3A_1068 : memref<8192xf32, #tpu.memory_space<vmem>>[vector<16xi32>], vector<16xf32>,
        %add3A_1069 = arith.constant 4096 : i32
        %add3A_1070 = arith.addi %add3A_799, %add3A_1069 : i32
        %add3A_1071 = arith.constant 512 : i32
        %add3A_1072 = arith.addi %add3A_1070, %add3A_1071 : i32
        %add3A_1073 = vector.broadcast %add3A_1072 : i32 to vector<16xi32>
        %add3A_1074 = arith.addi %add3A_1073, %iota3A : vector<16xi32>
        %mul3A_1075 = arith.mulf %mul3A_960, %gather3A_39 : vector<16xf32>
        %mul3A_1076 = arith.mulf %sub3A_894, %mul3A_1075 : vector<16xf32>
        %add3A_1077 = arith.addf %mul3A_1076, %gather3A_87 : vector<16xf32>
        tpu.vector_store_idx %arg13[%add3A_1074], %add3A_1077 : memref<8192xf32, #tpu.memory_space<vmem>>[vector<16xi32>], vector<16xf32>,
        %add3A_1078 = arith.constant 4096 : i32
        %add3A_1079 = arith.addi %add3A_799, %add3A_1078 : i32
        %add3A_1080 = arith.constant 640 : i32
        %add3A_1081 = arith.addi %add3A_1079, %add3A_1080 : i32
        %add3A_1082 = vector.broadcast %add3A_1081 : i32 to vector<16xi32>
        %add3A_1083 = arith.addi %add3A_1082, %iota3A : vector<16xi32>
        %mul3A_1084 = arith.mulf %mul3A_960, %gather3A_42 : vector<16xf32>
        %mul3A_1085 = arith.mulf %sub3A_895, %mul3A_1084 : vector<16xf32>
        %add3A_1086 = arith.addf %mul3A_1085, %gather3A_90 : vector<16xf32>
        tpu.vector_store_idx %arg13[%add3A_1083], %add3A_1086 : memref<8192xf32, #tpu.memory_space<vmem>>[vector<16xi32>], vector<16xf32>,
        %add3A_1087 = arith.constant 4096 : i32
        %add3A_1088 = arith.addi %add3A_799, %add3A_1087 : i32
        %add3A_1089 = arith.constant 768 : i32
        %add3A_1090 = arith.addi %add3A_1088, %add3A_1089 : i32
        %add3A_1091 = vector.broadcast %add3A_1090 : i32 to vector<16xi32>
        %add3A_1092 = arith.addi %add3A_1091, %iota3A : vector<16xi32>
        %mul3A_1093 = arith.mulf %mul3A_960, %gather3A_45 : vector<16xf32>
        %mul3A_1094 = arith.mulf %sub3A_896, %mul3A_1093 : vector<16xf32>
        %add3A_1095 = arith.addf %mul3A_1094, %gather3A_93 : vector<16xf32>
        tpu.vector_store_idx %arg13[%add3A_1092], %add3A_1095 : memref<8192xf32, #tpu.memory_space<vmem>>[vector<16xi32>], vector<16xf32>,
        %add3A_1096 = arith.constant 4096 : i32
        %add3A_1097 = arith.addi %add3A_799, %add3A_1096 : i32
        %add3A_1098 = arith.constant 896 : i32
        %add3A_1099 = arith.addi %add3A_1097, %add3A_1098 : i32
        %add3A_1100 = vector.broadcast %add3A_1099 : i32 to vector<16xi32>
        %add3A_1101 = arith.addi %add3A_1100, %iota3A : vector<16xi32>
        %mul3A_1102 = arith.mulf %mul3A_960, %gather3A_48 : vector<16xf32>
        %mul3A_1103 = arith.mulf %sub3A_897, %mul3A_1102 : vector<16xf32>
        %add3A_1104 = arith.addf %mul3A_1103, %gather3A_96 : vector<16xf32>
        tpu.vector_store_idx %arg13[%add3A_1101], %add3A_1104 : memref<8192xf32, #tpu.memory_space<vmem>>[vector<16xi32>], vector<16xf32>,
        %mul3A_1105 = arith.constant 4 : i32
        %mul3A_1106 = arith.muli %mul3A_1105, %scan3A_399 : i32
        %add3A_1107 = arith.constant 2 : i32
        %add3A_1108 = arith.addi %mul3A_1106, %add3A_1107 : i32
        %mul3A_1109 = arith.constant 16 : i32
        %mul3A_1110 = arith.muli %add3A_1108, %mul3A_1109 : i32
        %add3A_1111 = vector.broadcast %mul3A_1110 : i32 to vector<16xi32>
        %add3A_1112 = arith.addi %add3A_1111, %iota3A : vector<16xi32>
        %jit3A_1113 = arith.constant 8 : i32
        %div3A_1114 = arith.divsi %add3A_1108, %jit3A_1113 : i32
        %sign3A_1115 = arith.constant 0 : i32
        %sign3A_1116 = arith.cmpi sgt, %add3A_1108, %sign3A_1115 : i32
        %sign3A_1117 = arith.extui %sign3A_1116 : i1 to i32
        %sign3A_1118 = arith.constant 0 : i32
        %sign3A_1119 = arith.cmpi slt, %add3A_1108, %sign3A_1118 : i32
        %sign3A_1120 = arith.extui %sign3A_1119 : i1 to i32
        %sign3A_1121 = arith.subi %sign3A_1117, %sign3A_1120 : i32
        %sign3A_1122 = arith.constant 0 : i32
        %sign3A_1123 = arith.cmpi sgt, %jit3A_1113, %sign3A_1122 : i32
        %sign3A_1124 = arith.extui %sign3A_1123 : i1 to i32
        %sign3A_1125 = arith.constant 0 : i32
        %sign3A_1126 = arith.cmpi slt, %jit3A_1113, %sign3A_1125 : i32
        %sign3A_1127 = arith.extui %sign3A_1126 : i1 to i32
        %sign3A_1128 = arith.subi %sign3A_1124, %sign3A_1127 : i32
        %ne3A_1129 = arith.cmpi ne, %sign3A_1121, %sign3A_1128 : i32
        %rem3A_1130 = arith.remsi %add3A_1108, %jit3A_1113 : i32
        %ne3A_1131 = arith.constant 0 : i32
        %ne3A_1132 = arith.cmpi ne, %rem3A_1130, %ne3A_1131 : i32
        %and3A_1133 = arith.andi %ne3A_1129, %ne3A_1132 : i1
        %sub3A_1134 = arith.constant 1 : i32
        %sub3A_1135 = arith.subi %div3A_1114, %sub3A_1134 : i32
        %select_n3A_1136 = arith.select %and3A_1133, %sub3A_1135, %div3A_1114 : i32
        %mul3A_1137 = arith.constant 1024 : i32
        %mul3A_1138 = arith.muli %select_n3A_1136, %mul3A_1137 : i32
        %jit3A_1139 = arith.constant 8 : i32
        %eq3A_1140 = arith.constant 0 : i32
        %eq3A_1141 = arith.cmpi eq, %jit3A_1139, %eq3A_1140 : i32
        %jit3A_1142 = arith.constant 1 : i32
        %select_n3A_1143 = arith.select %eq3A_1141, %jit3A_1142, %jit3A_1139 : i32
        %rem3A_1144 = arith.remsi %add3A_1108, %select_n3A_1143 : i32
        %ne3A_1145 = arith.constant 0 : i32
        %ne3A_1146 = arith.cmpi ne, %rem3A_1144, %ne3A_1145 : i32
        %lt3A_1147 = arith.constant 0 : i32
        %lt3A_1148 = arith.cmpi slt, %rem3A_1144, %lt3A_1147 : i32
        %lt3A_1149 = arith.constant 0 : i32
        %lt3A_1150 = arith.cmpi slt, %select_n3A_1143, %lt3A_1149 : i32
        %ne3A_1151 = arith.xori %lt3A_1148, %lt3A_1150 : i1
        %and3A_1152 = arith.andi %ne3A_1151, %ne3A_1146 : i1
        %add3A_1153 = arith.addi %rem3A_1144, %select_n3A_1143 : i32
        %select_n3A_1154 = arith.select %and3A_1152, %add3A_1153, %rem3A_1144 : i32
        %mul3A_1155 = arith.constant 16 : i32
        %mul3A_1156 = arith.muli %select_n3A_1154, %mul3A_1155 : i32
        %add3A_1157 = arith.addi %mul3A_1138, %mul3A_1156 : i32
        %broadcast_in_dim3A_1158 = arith.constant 0 : i32
        %broadcast_in_dim3A_1159 = vector.broadcast %broadcast_in_dim3A_1158 : i32 to vector<16xi32>
        %gather3A_1160 = tpu.vector_load_idx %arg11[%add3A_1112, %broadcast_in_dim3A_1159] : memref<512x16xf32, #tpu.memory_space<vmem>>[vector<16xi32>, vector<16xi32>], vector<16xf32>,
        %add3A_1161 = arith.addf %gather3A_1160, %get3A_295 : vector<16xf32>
        %broadcast_in_dim3A_1162 = arith.constant 1 : i32
        %broadcast_in_dim3A_1163 = vector.broadcast %broadcast_in_dim3A_1162 : i32 to vector<16xi32>
        %gather3A_1164 = tpu.vector_load_idx %arg11[%add3A_1112, %broadcast_in_dim3A_1163] : memref<512x16xf32, #tpu.memory_space<vmem>>[vector<16xi32>, vector<16xi32>], vector<16xf32>,
        %add3A_1165 = arith.addf %gather3A_1164, %get3A_299 : vector<16xf32>
        %broadcast_in_dim3A_1166 = arith.constant 2 : i32
        %broadcast_in_dim3A_1167 = vector.broadcast %broadcast_in_dim3A_1166 : i32 to vector<16xi32>
        %gather3A_1168 = tpu.vector_load_idx %arg11[%add3A_1112, %broadcast_in_dim3A_1167] : memref<512x16xf32, #tpu.memory_space<vmem>>[vector<16xi32>, vector<16xi32>], vector<16xf32>,
        %add3A_1169 = arith.addf %gather3A_1168, %get3A_303 : vector<16xf32>
        %broadcast_in_dim3A_1170 = arith.constant 3 : i32
        %broadcast_in_dim3A_1171 = vector.broadcast %broadcast_in_dim3A_1170 : i32 to vector<16xi32>
        %gather3A_1172 = tpu.vector_load_idx %arg11[%add3A_1112, %broadcast_in_dim3A_1171] : memref<512x16xf32, #tpu.memory_space<vmem>>[vector<16xi32>, vector<16xi32>], vector<16xf32>,
        %add3A_1173 = arith.addf %gather3A_1172, %get3A_307 : vector<16xf32>
        %broadcast_in_dim3A_1174 = arith.constant 4 : i32
        %broadcast_in_dim3A_1175 = vector.broadcast %broadcast_in_dim3A_1174 : i32 to vector<16xi32>
        %gather3A_1176 = tpu.vector_load_idx %arg11[%add3A_1112, %broadcast_in_dim3A_1175] : memref<512x16xf32, #tpu.memory_space<vmem>>[vector<16xi32>, vector<16xi32>], vector<16xf32>,
        %add3A_1177 = arith.addf %gather3A_1176, %get3A_311 : vector<16xf32>
        %broadcast_in_dim3A_1178 = arith.constant 5 : i32
        %broadcast_in_dim3A_1179 = vector.broadcast %broadcast_in_dim3A_1178 : i32 to vector<16xi32>
        %gather3A_1180 = tpu.vector_load_idx %arg11[%add3A_1112, %broadcast_in_dim3A_1179] : memref<512x16xf32, #tpu.memory_space<vmem>>[vector<16xi32>, vector<16xi32>], vector<16xf32>,
        %add3A_1181 = arith.addf %gather3A_1180, %get3A_315 : vector<16xf32>
        %broadcast_in_dim3A_1182 = arith.constant 6 : i32
        %broadcast_in_dim3A_1183 = vector.broadcast %broadcast_in_dim3A_1182 : i32 to vector<16xi32>
        %gather3A_1184 = tpu.vector_load_idx %arg11[%add3A_1112, %broadcast_in_dim3A_1183] : memref<512x16xf32, #tpu.memory_space<vmem>>[vector<16xi32>, vector<16xi32>], vector<16xf32>,
        %add3A_1185 = arith.addf %gather3A_1184, %get3A_319 : vector<16xf32>
        %broadcast_in_dim3A_1186 = arith.constant 7 : i32
        %broadcast_in_dim3A_1187 = vector.broadcast %broadcast_in_dim3A_1186 : i32 to vector<16xi32>
        %gather3A_1188 = tpu.vector_load_idx %arg11[%add3A_1112, %broadcast_in_dim3A_1187] : memref<512x16xf32, #tpu.memory_space<vmem>>[vector<16xi32>, vector<16xi32>], vector<16xf32>,
        %add3A_1189 = arith.addf %gather3A_1188, %get3A_323 : vector<16xf32>
        %broadcast_in_dim3A_1190 = arith.constant 8 : i32
        %broadcast_in_dim3A_1191 = vector.broadcast %broadcast_in_dim3A_1190 : i32 to vector<16xi32>
        %gather3A_1192 = tpu.vector_load_idx %arg11[%add3A_1112, %broadcast_in_dim3A_1191] : memref<512x16xf32, #tpu.memory_space<vmem>>[vector<16xi32>, vector<16xi32>], vector<16xf32>,
        %add3A_1193 = arith.addf %gather3A_1192, %get3A_327 : vector<16xf32>
        %broadcast_in_dim3A_1194 = arith.constant 9 : i32
        %broadcast_in_dim3A_1195 = vector.broadcast %broadcast_in_dim3A_1194 : i32 to vector<16xi32>
        %gather3A_1196 = tpu.vector_load_idx %arg11[%add3A_1112, %broadcast_in_dim3A_1195] : memref<512x16xf32, #tpu.memory_space<vmem>>[vector<16xi32>, vector<16xi32>], vector<16xf32>,
        %add3A_1197 = arith.addf %gather3A_1196, %get3A_331 : vector<16xf32>
        %broadcast_in_dim3A_1198 = arith.constant 10 : i32
        %broadcast_in_dim3A_1199 = vector.broadcast %broadcast_in_dim3A_1198 : i32 to vector<16xi32>
        %gather3A_1200 = tpu.vector_load_idx %arg11[%add3A_1112, %broadcast_in_dim3A_1199] : memref<512x16xf32, #tpu.memory_space<vmem>>[vector<16xi32>, vector<16xi32>], vector<16xf32>,
        %add3A_1201 = arith.addf %gather3A_1200, %get3A_335 : vector<16xf32>
        %broadcast_in_dim3A_1202 = arith.constant 11 : i32
        %broadcast_in_dim3A_1203 = vector.broadcast %broadcast_in_dim3A_1202 : i32 to vector<16xi32>
        %gather3A_1204 = tpu.vector_load_idx %arg11[%add3A_1112, %broadcast_in_dim3A_1203] : memref<512x16xf32, #tpu.memory_space<vmem>>[vector<16xi32>, vector<16xi32>], vector<16xf32>,
        %add3A_1205 = arith.addf %gather3A_1204, %get3A_339 : vector<16xf32>
        %broadcast_in_dim3A_1206 = arith.constant 12 : i32
        %broadcast_in_dim3A_1207 = vector.broadcast %broadcast_in_dim3A_1206 : i32 to vector<16xi32>
        %gather3A_1208 = tpu.vector_load_idx %arg11[%add3A_1112, %broadcast_in_dim3A_1207] : memref<512x16xf32, #tpu.memory_space<vmem>>[vector<16xi32>, vector<16xi32>], vector<16xf32>,
        %add3A_1209 = arith.addf %gather3A_1208, %get3A_343 : vector<16xf32>
        %broadcast_in_dim3A_1210 = arith.constant 13 : i32
        %broadcast_in_dim3A_1211 = vector.broadcast %broadcast_in_dim3A_1210 : i32 to vector<16xi32>
        %gather3A_1212 = tpu.vector_load_idx %arg11[%add3A_1112, %broadcast_in_dim3A_1211] : memref<512x16xf32, #tpu.memory_space<vmem>>[vector<16xi32>, vector<16xi32>], vector<16xf32>,
        %add3A_1213 = arith.addf %gather3A_1212, %get3A_347 : vector<16xf32>
        %broadcast_in_dim3A_1214 = arith.constant 14 : i32
        %broadcast_in_dim3A_1215 = vector.broadcast %broadcast_in_dim3A_1214 : i32 to vector<16xi32>
        %gather3A_1216 = tpu.vector_load_idx %arg11[%add3A_1112, %broadcast_in_dim3A_1215] : memref<512x16xf32, #tpu.memory_space<vmem>>[vector<16xi32>, vector<16xi32>], vector<16xf32>,
        %add3A_1217 = arith.addf %gather3A_1216, %get3A_351 : vector<16xf32>
        %broadcast_in_dim3A_1218 = arith.constant 15 : i32
        %broadcast_in_dim3A_1219 = vector.broadcast %broadcast_in_dim3A_1218 : i32 to vector<16xi32>
        %gather3A_1220 = tpu.vector_load_idx %arg11[%add3A_1112, %broadcast_in_dim3A_1219] : memref<512x16xf32, #tpu.memory_space<vmem>>[vector<16xi32>, vector<16xi32>], vector<16xf32>,
        %add3A_1221 = arith.addf %gather3A_1220, %get3A_355 : vector<16xf32>
        %add3A_1222 = arith.addf %add3A_1161, %add3A_1165 : vector<16xf32>
        %add3A_1223 = arith.addf %add3A_1169, %add3A_1173 : vector<16xf32>
        %add3A_1224 = arith.addf %add3A_1177, %add3A_1181 : vector<16xf32>
        %add3A_1225 = arith.addf %add3A_1185, %add3A_1189 : vector<16xf32>
        %add3A_1226 = arith.addf %add3A_1193, %add3A_1197 : vector<16xf32>
        %add3A_1227 = arith.addf %add3A_1201, %add3A_1205 : vector<16xf32>
        %add3A_1228 = arith.addf %add3A_1209, %add3A_1213 : vector<16xf32>
        %add3A_1229 = arith.addf %add3A_1217, %add3A_1221 : vector<16xf32>
        %add3A_1230 = arith.addf %add3A_1222, %add3A_1223 : vector<16xf32>
        %add3A_1231 = arith.addf %add3A_1224, %add3A_1225 : vector<16xf32>
        %add3A_1232 = arith.addf %add3A_1226, %add3A_1227 : vector<16xf32>
        %add3A_1233 = arith.addf %add3A_1228, %add3A_1229 : vector<16xf32>
        %add3A_1234 = arith.addf %add3A_1230, %add3A_1231 : vector<16xf32>
        %add3A_1235 = arith.addf %add3A_1232, %add3A_1233 : vector<16xf32>
        %add3A_1236 = arith.addf %add3A_1234, %add3A_1235 : vector<16xf32>
        %mul3A_1237 = arith.constant 6.250000e-02 : f32
        %mul3A_1238 = vector.broadcast %mul3A_1237 : f32 to vector<16xf32>
        %mul3A_1239 = arith.mulf %add3A_1236, %mul3A_1238 : vector<16xf32>
        %sub3A_1240 = arith.subf %add3A_1161, %mul3A_1239 : vector<16xf32>
        %sub3A_1241 = arith.subf %add3A_1165, %mul3A_1239 : vector<16xf32>
        %sub3A_1242 = arith.subf %add3A_1169, %mul3A_1239 : vector<16xf32>
        %sub3A_1243 = arith.subf %add3A_1173, %mul3A_1239 : vector<16xf32>
        %sub3A_1244 = arith.subf %add3A_1177, %mul3A_1239 : vector<16xf32>
        %sub3A_1245 = arith.subf %add3A_1181, %mul3A_1239 : vector<16xf32>
        %sub3A_1246 = arith.subf %add3A_1185, %mul3A_1239 : vector<16xf32>
        %sub3A_1247 = arith.subf %add3A_1189, %mul3A_1239 : vector<16xf32>
        %sub3A_1248 = arith.subf %add3A_1193, %mul3A_1239 : vector<16xf32>
        %sub3A_1249 = arith.subf %add3A_1197, %mul3A_1239 : vector<16xf32>
        %sub3A_1250 = arith.subf %add3A_1201, %mul3A_1239 : vector<16xf32>
        %sub3A_1251 = arith.subf %add3A_1205, %mul3A_1239 : vector<16xf32>
        %sub3A_1252 = arith.subf %add3A_1209, %mul3A_1239 : vector<16xf32>
        %sub3A_1253 = arith.subf %add3A_1213, %mul3A_1239 : vector<16xf32>
        %sub3A_1254 = arith.subf %add3A_1217, %mul3A_1239 : vector<16xf32>
        %sub3A_1255 = arith.subf %add3A_1221, %mul3A_1239 : vector<16xf32>
        %mul3A_1256 = arith.mulf %sub3A_1240, %sub3A_1240 : vector<16xf32>
        %mul3A_1257 = arith.mulf %sub3A_1241, %sub3A_1241 : vector<16xf32>
        %mul3A_1258 = arith.mulf %sub3A_1242, %sub3A_1242 : vector<16xf32>
        %mul3A_1259 = arith.mulf %sub3A_1243, %sub3A_1243 : vector<16xf32>
        %mul3A_1260 = arith.mulf %sub3A_1244, %sub3A_1244 : vector<16xf32>
        %mul3A_1261 = arith.mulf %sub3A_1245, %sub3A_1245 : vector<16xf32>
        %mul3A_1262 = arith.mulf %sub3A_1246, %sub3A_1246 : vector<16xf32>
        %mul3A_1263 = arith.mulf %sub3A_1247, %sub3A_1247 : vector<16xf32>
        %mul3A_1264 = arith.mulf %sub3A_1248, %sub3A_1248 : vector<16xf32>
        %mul3A_1265 = arith.mulf %sub3A_1249, %sub3A_1249 : vector<16xf32>
        %mul3A_1266 = arith.mulf %sub3A_1250, %sub3A_1250 : vector<16xf32>
        %mul3A_1267 = arith.mulf %sub3A_1251, %sub3A_1251 : vector<16xf32>
        %mul3A_1268 = arith.mulf %sub3A_1252, %sub3A_1252 : vector<16xf32>
        %mul3A_1269 = arith.mulf %sub3A_1253, %sub3A_1253 : vector<16xf32>
        %mul3A_1270 = arith.mulf %sub3A_1254, %sub3A_1254 : vector<16xf32>
        %mul3A_1271 = arith.mulf %sub3A_1255, %sub3A_1255 : vector<16xf32>
        %add3A_1272 = arith.addf %mul3A_1256, %mul3A_1257 : vector<16xf32>
        %add3A_1273 = arith.addf %mul3A_1258, %mul3A_1259 : vector<16xf32>
        %add3A_1274 = arith.addf %mul3A_1260, %mul3A_1261 : vector<16xf32>
        %add3A_1275 = arith.addf %mul3A_1262, %mul3A_1263 : vector<16xf32>
        %add3A_1276 = arith.addf %mul3A_1264, %mul3A_1265 : vector<16xf32>
        %add3A_1277 = arith.addf %mul3A_1266, %mul3A_1267 : vector<16xf32>
        %add3A_1278 = arith.addf %mul3A_1268, %mul3A_1269 : vector<16xf32>
        %add3A_1279 = arith.addf %mul3A_1270, %mul3A_1271 : vector<16xf32>
        %add3A_1280 = arith.addf %add3A_1272, %add3A_1273 : vector<16xf32>
        %add3A_1281 = arith.addf %add3A_1274, %add3A_1275 : vector<16xf32>
        %add3A_1282 = arith.addf %add3A_1276, %add3A_1277 : vector<16xf32>
        %add3A_1283 = arith.addf %add3A_1278, %add3A_1279 : vector<16xf32>
        %add3A_1284 = arith.addf %add3A_1280, %add3A_1281 : vector<16xf32>
        %add3A_1285 = arith.addf %add3A_1282, %add3A_1283 : vector<16xf32>
        %add3A_1286 = arith.addf %add3A_1284, %add3A_1285 : vector<16xf32>
        %mul3A_1287 = arith.constant 6.250000e-02 : f32
        %mul3A_1288 = vector.broadcast %mul3A_1287 : f32 to vector<16xf32>
        %mul3A_1289 = arith.mulf %add3A_1286, %mul3A_1288 : vector<16xf32>
        %add3A_1290 = arith.constant 9.99999974E-6 : f32
        %add3A_1291 = vector.broadcast %add3A_1290 : f32 to vector<16xf32>
        %add3A_1292 = arith.addf %mul3A_1289, %add3A_1291 : vector<16xf32>
        %bitcast_convert_type3A_1293 = tpu.bitcast %add3A_1292 : vector<16xf32> -> vector<16xi32>
        %shift_right_arithmetic3A_1294 = arith.constant 1 : i32
        %shift_right_arithmetic3A_1295 = vector.broadcast %shift_right_arithmetic3A_1294 : i32 to vector<16xi32>
        %shift_right_arithmetic3A_1296 = arith.shrsi %bitcast_convert_type3A_1293, %shift_right_arithmetic3A_1295 : vector<16xi32>
        %sub3A_1297 = arith.constant 1597463007 : i32
        %sub3A_1298 = vector.broadcast %sub3A_1297 : i32 to vector<16xi32>
        %sub3A_1299 = arith.subi %sub3A_1298, %shift_right_arithmetic3A_1296 : vector<16xi32>
        %bitcast_convert_type3A_1300 = tpu.bitcast %sub3A_1299 : vector<16xi32> -> vector<16xf32>
        %mul3A_1301 = arith.constant 5.000000e-01 : f32
        %mul3A_1302 = vector.broadcast %mul3A_1301 : f32 to vector<16xf32>
        %mul3A_1303 = arith.mulf %mul3A_1302, %add3A_1292 : vector<16xf32>
        %mul3A_1304 = arith.mulf %mul3A_1303, %bitcast_convert_type3A_1300 : vector<16xf32>
        %mul3A_1305 = arith.mulf %mul3A_1304, %bitcast_convert_type3A_1300 : vector<16xf32>
        %sub3A_1306 = arith.constant 1.500000e+00 : f32
        %sub3A_1307 = vector.broadcast %sub3A_1306 : f32 to vector<16xf32>
        %sub3A_1308 = arith.subf %sub3A_1307, %mul3A_1305 : vector<16xf32>
        %mul3A_1309 = arith.mulf %bitcast_convert_type3A_1300, %sub3A_1308 : vector<16xf32>
        %mul3A_1310 = arith.constant 5.000000e-01 : f32
        %mul3A_1311 = vector.broadcast %mul3A_1310 : f32 to vector<16xf32>
        %mul3A_1312 = arith.mulf %mul3A_1311, %add3A_1292 : vector<16xf32>
        %mul3A_1313 = arith.mulf %mul3A_1312, %mul3A_1309 : vector<16xf32>
        %mul3A_1314 = arith.mulf %mul3A_1313, %mul3A_1309 : vector<16xf32>
        %sub3A_1315 = arith.constant 1.500000e+00 : f32
        %sub3A_1316 = vector.broadcast %sub3A_1315 : f32 to vector<16xf32>
        %sub3A_1317 = arith.subf %sub3A_1316, %mul3A_1314 : vector<16xf32>
        %mul3A_1318 = arith.mulf %mul3A_1309, %sub3A_1317 : vector<16xf32>
        %add3A_1319 = arith.constant 0 : i32
        %add3A_1320 = arith.addi %add3A_1157, %add3A_1319 : i32
        %add3A_1321 = arith.constant 0 : i32
        %add3A_1322 = arith.addi %add3A_1320, %add3A_1321 : i32
        %add3A_1323 = vector.broadcast %add3A_1322 : i32 to vector<16xi32>
        %add3A_1324 = arith.addi %add3A_1323, %iota3A : vector<16xi32>
        %mul3A_1325 = arith.mulf %mul3A_1318, %gather3A : vector<16xf32>
        %mul3A_1326 = arith.mulf %sub3A_1240, %mul3A_1325 : vector<16xf32>
        %add3A_1327 = arith.addf %mul3A_1326, %gather3A_51 : vector<16xf32>
        tpu.vector_store_idx %arg13[%add3A_1324], %add3A_1327 : memref<8192xf32, #tpu.memory_space<vmem>>[vector<16xi32>], vector<16xf32>,
        %add3A_1328 = arith.constant 0 : i32
        %add3A_1329 = arith.addi %add3A_1157, %add3A_1328 : i32
        %add3A_1330 = arith.constant 128 : i32
        %add3A_1331 = arith.addi %add3A_1329, %add3A_1330 : i32
        %add3A_1332 = vector.broadcast %add3A_1331 : i32 to vector<16xi32>
        %add3A_1333 = arith.addi %add3A_1332, %iota3A : vector<16xi32>
        %mul3A_1334 = arith.mulf %mul3A_1318, %gather3A_6 : vector<16xf32>
        %mul3A_1335 = arith.mulf %sub3A_1241, %mul3A_1334 : vector<16xf32>
        %add3A_1336 = arith.addf %mul3A_1335, %gather3A_54 : vector<16xf32>
        tpu.vector_store_idx %arg13[%add3A_1333], %add3A_1336 : memref<8192xf32, #tpu.memory_space<vmem>>[vector<16xi32>], vector<16xf32>,
        %add3A_1337 = arith.constant 0 : i32
        %add3A_1338 = arith.addi %add3A_1157, %add3A_1337 : i32
        %add3A_1339 = arith.constant 256 : i32
        %add3A_1340 = arith.addi %add3A_1338, %add3A_1339 : i32
        %add3A_1341 = vector.broadcast %add3A_1340 : i32 to vector<16xi32>
        %add3A_1342 = arith.addi %add3A_1341, %iota3A : vector<16xi32>
        %mul3A_1343 = arith.mulf %mul3A_1318, %gather3A_9 : vector<16xf32>
        %mul3A_1344 = arith.mulf %sub3A_1242, %mul3A_1343 : vector<16xf32>
        %add3A_1345 = arith.addf %mul3A_1344, %gather3A_57 : vector<16xf32>
        tpu.vector_store_idx %arg13[%add3A_1342], %add3A_1345 : memref<8192xf32, #tpu.memory_space<vmem>>[vector<16xi32>], vector<16xf32>,
        %add3A_1346 = arith.constant 0 : i32
        %add3A_1347 = arith.addi %add3A_1157, %add3A_1346 : i32
        %add3A_1348 = arith.constant 384 : i32
        %add3A_1349 = arith.addi %add3A_1347, %add3A_1348 : i32
        %add3A_1350 = vector.broadcast %add3A_1349 : i32 to vector<16xi32>
        %add3A_1351 = arith.addi %add3A_1350, %iota3A : vector<16xi32>
        %mul3A_1352 = arith.mulf %mul3A_1318, %gather3A_12 : vector<16xf32>
        %mul3A_1353 = arith.mulf %sub3A_1243, %mul3A_1352 : vector<16xf32>
        %add3A_1354 = arith.addf %mul3A_1353, %gather3A_60 : vector<16xf32>
        tpu.vector_store_idx %arg13[%add3A_1351], %add3A_1354 : memref<8192xf32, #tpu.memory_space<vmem>>[vector<16xi32>], vector<16xf32>,
        %add3A_1355 = arith.constant 0 : i32
        %add3A_1356 = arith.addi %add3A_1157, %add3A_1355 : i32
        %add3A_1357 = arith.constant 512 : i32
        %add3A_1358 = arith.addi %add3A_1356, %add3A_1357 : i32
        %add3A_1359 = vector.broadcast %add3A_1358 : i32 to vector<16xi32>
        %add3A_1360 = arith.addi %add3A_1359, %iota3A : vector<16xi32>
        %mul3A_1361 = arith.mulf %mul3A_1318, %gather3A_15 : vector<16xf32>
        %mul3A_1362 = arith.mulf %sub3A_1244, %mul3A_1361 : vector<16xf32>
        %add3A_1363 = arith.addf %mul3A_1362, %gather3A_63 : vector<16xf32>
        tpu.vector_store_idx %arg13[%add3A_1360], %add3A_1363 : memref<8192xf32, #tpu.memory_space<vmem>>[vector<16xi32>], vector<16xf32>,
        %add3A_1364 = arith.constant 0 : i32
        %add3A_1365 = arith.addi %add3A_1157, %add3A_1364 : i32
        %add3A_1366 = arith.constant 640 : i32
        %add3A_1367 = arith.addi %add3A_1365, %add3A_1366 : i32
        %add3A_1368 = vector.broadcast %add3A_1367 : i32 to vector<16xi32>
        %add3A_1369 = arith.addi %add3A_1368, %iota3A : vector<16xi32>
        %mul3A_1370 = arith.mulf %mul3A_1318, %gather3A_18 : vector<16xf32>
        %mul3A_1371 = arith.mulf %sub3A_1245, %mul3A_1370 : vector<16xf32>
        %add3A_1372 = arith.addf %mul3A_1371, %gather3A_66 : vector<16xf32>
        tpu.vector_store_idx %arg13[%add3A_1369], %add3A_1372 : memref<8192xf32, #tpu.memory_space<vmem>>[vector<16xi32>], vector<16xf32>,
        %add3A_1373 = arith.constant 0 : i32
        %add3A_1374 = arith.addi %add3A_1157, %add3A_1373 : i32
        %add3A_1375 = arith.constant 768 : i32
        %add3A_1376 = arith.addi %add3A_1374, %add3A_1375 : i32
        %add3A_1377 = vector.broadcast %add3A_1376 : i32 to vector<16xi32>
        %add3A_1378 = arith.addi %add3A_1377, %iota3A : vector<16xi32>
        %mul3A_1379 = arith.mulf %mul3A_1318, %gather3A_21 : vector<16xf32>
        %mul3A_1380 = arith.mulf %sub3A_1246, %mul3A_1379 : vector<16xf32>
        %add3A_1381 = arith.addf %mul3A_1380, %gather3A_69 : vector<16xf32>
        tpu.vector_store_idx %arg13[%add3A_1378], %add3A_1381 : memref<8192xf32, #tpu.memory_space<vmem>>[vector<16xi32>], vector<16xf32>,
        %add3A_1382 = arith.constant 0 : i32
        %add3A_1383 = arith.addi %add3A_1157, %add3A_1382 : i32
        %add3A_1384 = arith.constant 896 : i32
        %add3A_1385 = arith.addi %add3A_1383, %add3A_1384 : i32
        %add3A_1386 = vector.broadcast %add3A_1385 : i32 to vector<16xi32>
        %add3A_1387 = arith.addi %add3A_1386, %iota3A : vector<16xi32>
        %mul3A_1388 = arith.mulf %mul3A_1318, %gather3A_24 : vector<16xf32>
        %mul3A_1389 = arith.mulf %sub3A_1247, %mul3A_1388 : vector<16xf32>
        %add3A_1390 = arith.addf %mul3A_1389, %gather3A_72 : vector<16xf32>
        tpu.vector_store_idx %arg13[%add3A_1387], %add3A_1390 : memref<8192xf32, #tpu.memory_space<vmem>>[vector<16xi32>], vector<16xf32>,
        %add3A_1391 = arith.constant 4096 : i32
        %add3A_1392 = arith.addi %add3A_1157, %add3A_1391 : i32
        %add3A_1393 = arith.constant 0 : i32
        %add3A_1394 = arith.addi %add3A_1392, %add3A_1393 : i32
        %add3A_1395 = vector.broadcast %add3A_1394 : i32 to vector<16xi32>
        %add3A_1396 = arith.addi %add3A_1395, %iota3A : vector<16xi32>
        %mul3A_1397 = arith.mulf %mul3A_1318, %gather3A_27 : vector<16xf32>
        %mul3A_1398 = arith.mulf %sub3A_1248, %mul3A_1397 : vector<16xf32>
        %add3A_1399 = arith.addf %mul3A_1398, %gather3A_75 : vector<16xf32>
        tpu.vector_store_idx %arg13[%add3A_1396], %add3A_1399 : memref<8192xf32, #tpu.memory_space<vmem>>[vector<16xi32>], vector<16xf32>,
        %add3A_1400 = arith.constant 4096 : i32
        %add3A_1401 = arith.addi %add3A_1157, %add3A_1400 : i32
        %add3A_1402 = arith.constant 128 : i32
        %add3A_1403 = arith.addi %add3A_1401, %add3A_1402 : i32
        %add3A_1404 = vector.broadcast %add3A_1403 : i32 to vector<16xi32>
        %add3A_1405 = arith.addi %add3A_1404, %iota3A : vector<16xi32>
        %mul3A_1406 = arith.mulf %mul3A_1318, %gather3A_30 : vector<16xf32>
        %mul3A_1407 = arith.mulf %sub3A_1249, %mul3A_1406 : vector<16xf32>
        %add3A_1408 = arith.addf %mul3A_1407, %gather3A_78 : vector<16xf32>
        tpu.vector_store_idx %arg13[%add3A_1405], %add3A_1408 : memref<8192xf32, #tpu.memory_space<vmem>>[vector<16xi32>], vector<16xf32>,
        %add3A_1409 = arith.constant 4096 : i32
        %add3A_1410 = arith.addi %add3A_1157, %add3A_1409 : i32
        %add3A_1411 = arith.constant 256 : i32
        %add3A_1412 = arith.addi %add3A_1410, %add3A_1411 : i32
        %add3A_1413 = vector.broadcast %add3A_1412 : i32 to vector<16xi32>
        %add3A_1414 = arith.addi %add3A_1413, %iota3A : vector<16xi32>
        %mul3A_1415 = arith.mulf %mul3A_1318, %gather3A_33 : vector<16xf32>
        %mul3A_1416 = arith.mulf %sub3A_1250, %mul3A_1415 : vector<16xf32>
        %add3A_1417 = arith.addf %mul3A_1416, %gather3A_81 : vector<16xf32>
        tpu.vector_store_idx %arg13[%add3A_1414], %add3A_1417 : memref<8192xf32, #tpu.memory_space<vmem>>[vector<16xi32>], vector<16xf32>,
        %add3A_1418 = arith.constant 4096 : i32
        %add3A_1419 = arith.addi %add3A_1157, %add3A_1418 : i32
        %add3A_1420 = arith.constant 384 : i32
        %add3A_1421 = arith.addi %add3A_1419, %add3A_1420 : i32
        %add3A_1422 = vector.broadcast %add3A_1421 : i32 to vector<16xi32>
        %add3A_1423 = arith.addi %add3A_1422, %iota3A : vector<16xi32>
        %mul3A_1424 = arith.mulf %mul3A_1318, %gather3A_36 : vector<16xf32>
        %mul3A_1425 = arith.mulf %sub3A_1251, %mul3A_1424 : vector<16xf32>
        %add3A_1426 = arith.addf %mul3A_1425, %gather3A_84 : vector<16xf32>
        tpu.vector_store_idx %arg13[%add3A_1423], %add3A_1426 : memref<8192xf32, #tpu.memory_space<vmem>>[vector<16xi32>], vector<16xf32>,
        %add3A_1427 = arith.constant 4096 : i32
        %add3A_1428 = arith.addi %add3A_1157, %add3A_1427 : i32
        %add3A_1429 = arith.constant 512 : i32
        %add3A_1430 = arith.addi %add3A_1428, %add3A_1429 : i32
        %add3A_1431 = vector.broadcast %add3A_1430 : i32 to vector<16xi32>
        %add3A_1432 = arith.addi %add3A_1431, %iota3A : vector<16xi32>
        %mul3A_1433 = arith.mulf %mul3A_1318, %gather3A_39 : vector<16xf32>
        %mul3A_1434 = arith.mulf %sub3A_1252, %mul3A_1433 : vector<16xf32>
        %add3A_1435 = arith.addf %mul3A_1434, %gather3A_87 : vector<16xf32>
        tpu.vector_store_idx %arg13[%add3A_1432], %add3A_1435 : memref<8192xf32, #tpu.memory_space<vmem>>[vector<16xi32>], vector<16xf32>,
        %add3A_1436 = arith.constant 4096 : i32
        %add3A_1437 = arith.addi %add3A_1157, %add3A_1436 : i32
        %add3A_1438 = arith.constant 640 : i32
        %add3A_1439 = arith.addi %add3A_1437, %add3A_1438 : i32
        %add3A_1440 = vector.broadcast %add3A_1439 : i32 to vector<16xi32>
        %add3A_1441 = arith.addi %add3A_1440, %iota3A : vector<16xi32>
        %mul3A_1442 = arith.mulf %mul3A_1318, %gather3A_42 : vector<16xf32>
        %mul3A_1443 = arith.mulf %sub3A_1253, %mul3A_1442 : vector<16xf32>
        %add3A_1444 = arith.addf %mul3A_1443, %gather3A_90 : vector<16xf32>
        tpu.vector_store_idx %arg13[%add3A_1441], %add3A_1444 : memref<8192xf32, #tpu.memory_space<vmem>>[vector<16xi32>], vector<16xf32>,
        %add3A_1445 = arith.constant 4096 : i32
        %add3A_1446 = arith.addi %add3A_1157, %add3A_1445 : i32
        %add3A_1447 = arith.constant 768 : i32
        %add3A_1448 = arith.addi %add3A_1446, %add3A_1447 : i32
        %add3A_1449 = vector.broadcast %add3A_1448 : i32 to vector<16xi32>
        %add3A_1450 = arith.addi %add3A_1449, %iota3A : vector<16xi32>
        %mul3A_1451 = arith.mulf %mul3A_1318, %gather3A_45 : vector<16xf32>
        %mul3A_1452 = arith.mulf %sub3A_1254, %mul3A_1451 : vector<16xf32>
        %add3A_1453 = arith.addf %mul3A_1452, %gather3A_93 : vector<16xf32>
        tpu.vector_store_idx %arg13[%add3A_1450], %add3A_1453 : memref<8192xf32, #tpu.memory_space<vmem>>[vector<16xi32>], vector<16xf32>,
        %add3A_1454 = arith.constant 4096 : i32
        %add3A_1455 = arith.addi %add3A_1157, %add3A_1454 : i32
        %add3A_1456 = arith.constant 896 : i32
        %add3A_1457 = arith.addi %add3A_1455, %add3A_1456 : i32
        %add3A_1458 = vector.broadcast %add3A_1457 : i32 to vector<16xi32>
        %add3A_1459 = arith.addi %add3A_1458, %iota3A : vector<16xi32>
        %mul3A_1460 = arith.mulf %mul3A_1318, %gather3A_48 : vector<16xf32>
        %mul3A_1461 = arith.mulf %sub3A_1255, %mul3A_1460 : vector<16xf32>
        %add3A_1462 = arith.addf %mul3A_1461, %gather3A_96 : vector<16xf32>
        tpu.vector_store_idx %arg13[%add3A_1459], %add3A_1462 : memref<8192xf32, #tpu.memory_space<vmem>>[vector<16xi32>], vector<16xf32>,
        %mul3A_1463 = arith.constant 4 : i32
        %mul3A_1464 = arith.muli %mul3A_1463, %scan3A_399 : i32
        %add3A_1465 = arith.constant 3 : i32
        %add3A_1466 = arith.addi %mul3A_1464, %add3A_1465 : i32
        %mul3A_1467 = arith.constant 16 : i32
        %mul3A_1468 = arith.muli %add3A_1466, %mul3A_1467 : i32
        %add3A_1469 = vector.broadcast %mul3A_1468 : i32 to vector<16xi32>
        %add3A_1470 = arith.addi %add3A_1469, %iota3A : vector<16xi32>
        %jit3A_1471 = arith.constant 8 : i32
        %div3A_1472 = arith.divsi %add3A_1466, %jit3A_1471 : i32
        %sign3A_1473 = arith.constant 0 : i32
        %sign3A_1474 = arith.cmpi sgt, %add3A_1466, %sign3A_1473 : i32
        %sign3A_1475 = arith.extui %sign3A_1474 : i1 to i32
        %sign3A_1476 = arith.constant 0 : i32
        %sign3A_1477 = arith.cmpi slt, %add3A_1466, %sign3A_1476 : i32
        %sign3A_1478 = arith.extui %sign3A_1477 : i1 to i32
        %sign3A_1479 = arith.subi %sign3A_1475, %sign3A_1478 : i32
        %sign3A_1480 = arith.constant 0 : i32
        %sign3A_1481 = arith.cmpi sgt, %jit3A_1471, %sign3A_1480 : i32
        %sign3A_1482 = arith.extui %sign3A_1481 : i1 to i32
        %sign3A_1483 = arith.constant 0 : i32
        %sign3A_1484 = arith.cmpi slt, %jit3A_1471, %sign3A_1483 : i32
        %sign3A_1485 = arith.extui %sign3A_1484 : i1 to i32
        %sign3A_1486 = arith.subi %sign3A_1482, %sign3A_1485 : i32
        %ne3A_1487 = arith.cmpi ne, %sign3A_1479, %sign3A_1486 : i32
        %rem3A_1488 = arith.remsi %add3A_1466, %jit3A_1471 : i32
        %ne3A_1489 = arith.constant 0 : i32
        %ne3A_1490 = arith.cmpi ne, %rem3A_1488, %ne3A_1489 : i32
        %and3A_1491 = arith.andi %ne3A_1487, %ne3A_1490 : i1
        %sub3A_1492 = arith.constant 1 : i32
        %sub3A_1493 = arith.subi %div3A_1472, %sub3A_1492 : i32
        %select_n3A_1494 = arith.select %and3A_1491, %sub3A_1493, %div3A_1472 : i32
        %mul3A_1495 = arith.constant 1024 : i32
        %mul3A_1496 = arith.muli %select_n3A_1494, %mul3A_1495 : i32
        %jit3A_1497 = arith.constant 8 : i32
        %eq3A_1498 = arith.constant 0 : i32
        %eq3A_1499 = arith.cmpi eq, %jit3A_1497, %eq3A_1498 : i32
        %jit3A_1500 = arith.constant 1 : i32
        %select_n3A_1501 = arith.select %eq3A_1499, %jit3A_1500, %jit3A_1497 : i32
        %rem3A_1502 = arith.remsi %add3A_1466, %select_n3A_1501 : i32
        %ne3A_1503 = arith.constant 0 : i32
        %ne3A_1504 = arith.cmpi ne, %rem3A_1502, %ne3A_1503 : i32
        %lt3A_1505 = arith.constant 0 : i32
        %lt3A_1506 = arith.cmpi slt, %rem3A_1502, %lt3A_1505 : i32
        %lt3A_1507 = arith.constant 0 : i32
        %lt3A_1508 = arith.cmpi slt, %select_n3A_1501, %lt3A_1507 : i32
        %ne3A_1509 = arith.xori %lt3A_1506, %lt3A_1508 : i1
        %and3A_1510 = arith.andi %ne3A_1509, %ne3A_1504 : i1
        %add3A_1511 = arith.addi %rem3A_1502, %select_n3A_1501 : i32
        %select_n3A_1512 = arith.select %and3A_1510, %add3A_1511, %rem3A_1502 : i32
        %mul3A_1513 = arith.constant 16 : i32
        %mul3A_1514 = arith.muli %select_n3A_1512, %mul3A_1513 : i32
        %add3A_1515 = arith.addi %mul3A_1496, %mul3A_1514 : i32
        %broadcast_in_dim3A_1516 = arith.constant 0 : i32
        %broadcast_in_dim3A_1517 = vector.broadcast %broadcast_in_dim3A_1516 : i32 to vector<16xi32>
        %gather3A_1518 = tpu.vector_load_idx %arg11[%add3A_1470, %broadcast_in_dim3A_1517] : memref<512x16xf32, #tpu.memory_space<vmem>>[vector<16xi32>, vector<16xi32>], vector<16xf32>,
        %add3A_1519 = arith.addf %gather3A_1518, %get3A_295 : vector<16xf32>
        %broadcast_in_dim3A_1520 = arith.constant 1 : i32
        %broadcast_in_dim3A_1521 = vector.broadcast %broadcast_in_dim3A_1520 : i32 to vector<16xi32>
        %gather3A_1522 = tpu.vector_load_idx %arg11[%add3A_1470, %broadcast_in_dim3A_1521] : memref<512x16xf32, #tpu.memory_space<vmem>>[vector<16xi32>, vector<16xi32>], vector<16xf32>,
        %add3A_1523 = arith.addf %gather3A_1522, %get3A_299 : vector<16xf32>
        %broadcast_in_dim3A_1524 = arith.constant 2 : i32
        %broadcast_in_dim3A_1525 = vector.broadcast %broadcast_in_dim3A_1524 : i32 to vector<16xi32>
        %gather3A_1526 = tpu.vector_load_idx %arg11[%add3A_1470, %broadcast_in_dim3A_1525] : memref<512x16xf32, #tpu.memory_space<vmem>>[vector<16xi32>, vector<16xi32>], vector<16xf32>,
        %add3A_1527 = arith.addf %gather3A_1526, %get3A_303 : vector<16xf32>
        %broadcast_in_dim3A_1528 = arith.constant 3 : i32
        %broadcast_in_dim3A_1529 = vector.broadcast %broadcast_in_dim3A_1528 : i32 to vector<16xi32>
        %gather3A_1530 = tpu.vector_load_idx %arg11[%add3A_1470, %broadcast_in_dim3A_1529] : memref<512x16xf32, #tpu.memory_space<vmem>>[vector<16xi32>, vector<16xi32>], vector<16xf32>,
        %add3A_1531 = arith.addf %gather3A_1530, %get3A_307 : vector<16xf32>
        %broadcast_in_dim3A_1532 = arith.constant 4 : i32
        %broadcast_in_dim3A_1533 = vector.broadcast %broadcast_in_dim3A_1532 : i32 to vector<16xi32>
        %gather3A_1534 = tpu.vector_load_idx %arg11[%add3A_1470, %broadcast_in_dim3A_1533] : memref<512x16xf32, #tpu.memory_space<vmem>>[vector<16xi32>, vector<16xi32>], vector<16xf32>,
        %add3A_1535 = arith.addf %gather3A_1534, %get3A_311 : vector<16xf32>
        %broadcast_in_dim3A_1536 = arith.constant 5 : i32
        %broadcast_in_dim3A_1537 = vector.broadcast %broadcast_in_dim3A_1536 : i32 to vector<16xi32>
        %gather3A_1538 = tpu.vector_load_idx %arg11[%add3A_1470, %broadcast_in_dim3A_1537] : memref<512x16xf32, #tpu.memory_space<vmem>>[vector<16xi32>, vector<16xi32>], vector<16xf32>,
        %add3A_1539 = arith.addf %gather3A_1538, %get3A_315 : vector<16xf32>
        %broadcast_in_dim3A_1540 = arith.constant 6 : i32
        %broadcast_in_dim3A_1541 = vector.broadcast %broadcast_in_dim3A_1540 : i32 to vector<16xi32>
        %gather3A_1542 = tpu.vector_load_idx %arg11[%add3A_1470, %broadcast_in_dim3A_1541] : memref<512x16xf32, #tpu.memory_space<vmem>>[vector<16xi32>, vector<16xi32>], vector<16xf32>,
        %add3A_1543 = arith.addf %gather3A_1542, %get3A_319 : vector<16xf32>
        %broadcast_in_dim3A_1544 = arith.constant 7 : i32
        %broadcast_in_dim3A_1545 = vector.broadcast %broadcast_in_dim3A_1544 : i32 to vector<16xi32>
        %gather3A_1546 = tpu.vector_load_idx %arg11[%add3A_1470, %broadcast_in_dim3A_1545] : memref<512x16xf32, #tpu.memory_space<vmem>>[vector<16xi32>, vector<16xi32>], vector<16xf32>,
        %add3A_1547 = arith.addf %gather3A_1546, %get3A_323 : vector<16xf32>
        %broadcast_in_dim3A_1548 = arith.constant 8 : i32
        %broadcast_in_dim3A_1549 = vector.broadcast %broadcast_in_dim3A_1548 : i32 to vector<16xi32>
        %gather3A_1550 = tpu.vector_load_idx %arg11[%add3A_1470, %broadcast_in_dim3A_1549] : memref<512x16xf32, #tpu.memory_space<vmem>>[vector<16xi32>, vector<16xi32>], vector<16xf32>,
        %add3A_1551 = arith.addf %gather3A_1550, %get3A_327 : vector<16xf32>
        %broadcast_in_dim3A_1552 = arith.constant 9 : i32
        %broadcast_in_dim3A_1553 = vector.broadcast %broadcast_in_dim3A_1552 : i32 to vector<16xi32>
        %gather3A_1554 = tpu.vector_load_idx %arg11[%add3A_1470, %broadcast_in_dim3A_1553] : memref<512x16xf32, #tpu.memory_space<vmem>>[vector<16xi32>, vector<16xi32>], vector<16xf32>,
        %add3A_1555 = arith.addf %gather3A_1554, %get3A_331 : vector<16xf32>
        %broadcast_in_dim3A_1556 = arith.constant 10 : i32
        %broadcast_in_dim3A_1557 = vector.broadcast %broadcast_in_dim3A_1556 : i32 to vector<16xi32>
        %gather3A_1558 = tpu.vector_load_idx %arg11[%add3A_1470, %broadcast_in_dim3A_1557] : memref<512x16xf32, #tpu.memory_space<vmem>>[vector<16xi32>, vector<16xi32>], vector<16xf32>,
        %add3A_1559 = arith.addf %gather3A_1558, %get3A_335 : vector<16xf32>
        %broadcast_in_dim3A_1560 = arith.constant 11 : i32
        %broadcast_in_dim3A_1561 = vector.broadcast %broadcast_in_dim3A_1560 : i32 to vector<16xi32>
        %gather3A_1562 = tpu.vector_load_idx %arg11[%add3A_1470, %broadcast_in_dim3A_1561] : memref<512x16xf32, #tpu.memory_space<vmem>>[vector<16xi32>, vector<16xi32>], vector<16xf32>,
        %add3A_1563 = arith.addf %gather3A_1562, %get3A_339 : vector<16xf32>
        %broadcast_in_dim3A_1564 = arith.constant 12 : i32
        %broadcast_in_dim3A_1565 = vector.broadcast %broadcast_in_dim3A_1564 : i32 to vector<16xi32>
        %gather3A_1566 = tpu.vector_load_idx %arg11[%add3A_1470, %broadcast_in_dim3A_1565] : memref<512x16xf32, #tpu.memory_space<vmem>>[vector<16xi32>, vector<16xi32>], vector<16xf32>,
        %add3A_1567 = arith.addf %gather3A_1566, %get3A_343 : vector<16xf32>
        %broadcast_in_dim3A_1568 = arith.constant 13 : i32
        %broadcast_in_dim3A_1569 = vector.broadcast %broadcast_in_dim3A_1568 : i32 to vector<16xi32>
        %gather3A_1570 = tpu.vector_load_idx %arg11[%add3A_1470, %broadcast_in_dim3A_1569] : memref<512x16xf32, #tpu.memory_space<vmem>>[vector<16xi32>, vector<16xi32>], vector<16xf32>,
        %add3A_1571 = arith.addf %gather3A_1570, %get3A_347 : vector<16xf32>
        %broadcast_in_dim3A_1572 = arith.constant 14 : i32
        %broadcast_in_dim3A_1573 = vector.broadcast %broadcast_in_dim3A_1572 : i32 to vector<16xi32>
        %gather3A_1574 = tpu.vector_load_idx %arg11[%add3A_1470, %broadcast_in_dim3A_1573] : memref<512x16xf32, #tpu.memory_space<vmem>>[vector<16xi32>, vector<16xi32>], vector<16xf32>,
        %add3A_1575 = arith.addf %gather3A_1574, %get3A_351 : vector<16xf32>
        %broadcast_in_dim3A_1576 = arith.constant 15 : i32
        %broadcast_in_dim3A_1577 = vector.broadcast %broadcast_in_dim3A_1576 : i32 to vector<16xi32>
        %gather3A_1578 = tpu.vector_load_idx %arg11[%add3A_1470, %broadcast_in_dim3A_1577] : memref<512x16xf32, #tpu.memory_space<vmem>>[vector<16xi32>, vector<16xi32>], vector<16xf32>,
        %add3A_1579 = arith.addf %gather3A_1578, %get3A_355 : vector<16xf32>
        %add3A_1580 = arith.addf %add3A_1519, %add3A_1523 : vector<16xf32>
        %add3A_1581 = arith.addf %add3A_1527, %add3A_1531 : vector<16xf32>
        %add3A_1582 = arith.addf %add3A_1535, %add3A_1539 : vector<16xf32>
        %add3A_1583 = arith.addf %add3A_1543, %add3A_1547 : vector<16xf32>
        %add3A_1584 = arith.addf %add3A_1551, %add3A_1555 : vector<16xf32>
        %add3A_1585 = arith.addf %add3A_1559, %add3A_1563 : vector<16xf32>
        %add3A_1586 = arith.addf %add3A_1567, %add3A_1571 : vector<16xf32>
        %add3A_1587 = arith.addf %add3A_1575, %add3A_1579 : vector<16xf32>
        %add3A_1588 = arith.addf %add3A_1580, %add3A_1581 : vector<16xf32>
        %add3A_1589 = arith.addf %add3A_1582, %add3A_1583 : vector<16xf32>
        %add3A_1590 = arith.addf %add3A_1584, %add3A_1585 : vector<16xf32>
        %add3A_1591 = arith.addf %add3A_1586, %add3A_1587 : vector<16xf32>
        %add3A_1592 = arith.addf %add3A_1588, %add3A_1589 : vector<16xf32>
        %add3A_1593 = arith.addf %add3A_1590, %add3A_1591 : vector<16xf32>
        %add3A_1594 = arith.addf %add3A_1592, %add3A_1593 : vector<16xf32>
        %mul3A_1595 = arith.constant 6.250000e-02 : f32
        %mul3A_1596 = vector.broadcast %mul3A_1595 : f32 to vector<16xf32>
        %mul3A_1597 = arith.mulf %add3A_1594, %mul3A_1596 : vector<16xf32>
        %sub3A_1598 = arith.subf %add3A_1519, %mul3A_1597 : vector<16xf32>
        %sub3A_1599 = arith.subf %add3A_1523, %mul3A_1597 : vector<16xf32>
        %sub3A_1600 = arith.subf %add3A_1527, %mul3A_1597 : vector<16xf32>
        %sub3A_1601 = arith.subf %add3A_1531, %mul3A_1597 : vector<16xf32>
        %sub3A_1602 = arith.subf %add3A_1535, %mul3A_1597 : vector<16xf32>
        %sub3A_1603 = arith.subf %add3A_1539, %mul3A_1597 : vector<16xf32>
        %sub3A_1604 = arith.subf %add3A_1543, %mul3A_1597 : vector<16xf32>
        %sub3A_1605 = arith.subf %add3A_1547, %mul3A_1597 : vector<16xf32>
        %sub3A_1606 = arith.subf %add3A_1551, %mul3A_1597 : vector<16xf32>
        %sub3A_1607 = arith.subf %add3A_1555, %mul3A_1597 : vector<16xf32>
        %sub3A_1608 = arith.subf %add3A_1559, %mul3A_1597 : vector<16xf32>
        %sub3A_1609 = arith.subf %add3A_1563, %mul3A_1597 : vector<16xf32>
        %sub3A_1610 = arith.subf %add3A_1567, %mul3A_1597 : vector<16xf32>
        %sub3A_1611 = arith.subf %add3A_1571, %mul3A_1597 : vector<16xf32>
        %sub3A_1612 = arith.subf %add3A_1575, %mul3A_1597 : vector<16xf32>
        %sub3A_1613 = arith.subf %add3A_1579, %mul3A_1597 : vector<16xf32>
        %mul3A_1614 = arith.mulf %sub3A_1598, %sub3A_1598 : vector<16xf32>
        %mul3A_1615 = arith.mulf %sub3A_1599, %sub3A_1599 : vector<16xf32>
        %mul3A_1616 = arith.mulf %sub3A_1600, %sub3A_1600 : vector<16xf32>
        %mul3A_1617 = arith.mulf %sub3A_1601, %sub3A_1601 : vector<16xf32>
        %mul3A_1618 = arith.mulf %sub3A_1602, %sub3A_1602 : vector<16xf32>
        %mul3A_1619 = arith.mulf %sub3A_1603, %sub3A_1603 : vector<16xf32>
        %mul3A_1620 = arith.mulf %sub3A_1604, %sub3A_1604 : vector<16xf32>
        %mul3A_1621 = arith.mulf %sub3A_1605, %sub3A_1605 : vector<16xf32>
        %mul3A_1622 = arith.mulf %sub3A_1606, %sub3A_1606 : vector<16xf32>
        %mul3A_1623 = arith.mulf %sub3A_1607, %sub3A_1607 : vector<16xf32>
        %mul3A_1624 = arith.mulf %sub3A_1608, %sub3A_1608 : vector<16xf32>
        %mul3A_1625 = arith.mulf %sub3A_1609, %sub3A_1609 : vector<16xf32>
        %mul3A_1626 = arith.mulf %sub3A_1610, %sub3A_1610 : vector<16xf32>
        %mul3A_1627 = arith.mulf %sub3A_1611, %sub3A_1611 : vector<16xf32>
        %mul3A_1628 = arith.mulf %sub3A_1612, %sub3A_1612 : vector<16xf32>
        %mul3A_1629 = arith.mulf %sub3A_1613, %sub3A_1613 : vector<16xf32>
        %add3A_1630 = arith.addf %mul3A_1614, %mul3A_1615 : vector<16xf32>
        %add3A_1631 = arith.addf %mul3A_1616, %mul3A_1617 : vector<16xf32>
        %add3A_1632 = arith.addf %mul3A_1618, %mul3A_1619 : vector<16xf32>
        %add3A_1633 = arith.addf %mul3A_1620, %mul3A_1621 : vector<16xf32>
        %add3A_1634 = arith.addf %mul3A_1622, %mul3A_1623 : vector<16xf32>
        %add3A_1635 = arith.addf %mul3A_1624, %mul3A_1625 : vector<16xf32>
        %add3A_1636 = arith.addf %mul3A_1626, %mul3A_1627 : vector<16xf32>
        %add3A_1637 = arith.addf %mul3A_1628, %mul3A_1629 : vector<16xf32>
        %add3A_1638 = arith.addf %add3A_1630, %add3A_1631 : vector<16xf32>
        %add3A_1639 = arith.addf %add3A_1632, %add3A_1633 : vector<16xf32>
        %add3A_1640 = arith.addf %add3A_1634, %add3A_1635 : vector<16xf32>
        %add3A_1641 = arith.addf %add3A_1636, %add3A_1637 : vector<16xf32>
        %add3A_1642 = arith.addf %add3A_1638, %add3A_1639 : vector<16xf32>
        %add3A_1643 = arith.addf %add3A_1640, %add3A_1641 : vector<16xf32>
        %add3A_1644 = arith.addf %add3A_1642, %add3A_1643 : vector<16xf32>
        %mul3A_1645 = arith.constant 6.250000e-02 : f32
        %mul3A_1646 = vector.broadcast %mul3A_1645 : f32 to vector<16xf32>
        %mul3A_1647 = arith.mulf %add3A_1644, %mul3A_1646 : vector<16xf32>
        %add3A_1648 = arith.constant 9.99999974E-6 : f32
        %add3A_1649 = vector.broadcast %add3A_1648 : f32 to vector<16xf32>
        %add3A_1650 = arith.addf %mul3A_1647, %add3A_1649 : vector<16xf32>
        %bitcast_convert_type3A_1651 = tpu.bitcast %add3A_1650 : vector<16xf32> -> vector<16xi32>
        %shift_right_arithmetic3A_1652 = arith.constant 1 : i32
        %shift_right_arithmetic3A_1653 = vector.broadcast %shift_right_arithmetic3A_1652 : i32 to vector<16xi32>
        %shift_right_arithmetic3A_1654 = arith.shrsi %bitcast_convert_type3A_1651, %shift_right_arithmetic3A_1653 : vector<16xi32>
        %sub3A_1655 = arith.constant 1597463007 : i32
        %sub3A_1656 = vector.broadcast %sub3A_1655 : i32 to vector<16xi32>
        %sub3A_1657 = arith.subi %sub3A_1656, %shift_right_arithmetic3A_1654 : vector<16xi32>
        %bitcast_convert_type3A_1658 = tpu.bitcast %sub3A_1657 : vector<16xi32> -> vector<16xf32>
        %mul3A_1659 = arith.constant 5.000000e-01 : f32
        %mul3A_1660 = vector.broadcast %mul3A_1659 : f32 to vector<16xf32>
        %mul3A_1661 = arith.mulf %mul3A_1660, %add3A_1650 : vector<16xf32>
        %mul3A_1662 = arith.mulf %mul3A_1661, %bitcast_convert_type3A_1658 : vector<16xf32>
        %mul3A_1663 = arith.mulf %mul3A_1662, %bitcast_convert_type3A_1658 : vector<16xf32>
        %sub3A_1664 = arith.constant 1.500000e+00 : f32
        %sub3A_1665 = vector.broadcast %sub3A_1664 : f32 to vector<16xf32>
        %sub3A_1666 = arith.subf %sub3A_1665, %mul3A_1663 : vector<16xf32>
        %mul3A_1667 = arith.mulf %bitcast_convert_type3A_1658, %sub3A_1666 : vector<16xf32>
        %mul3A_1668 = arith.constant 5.000000e-01 : f32
        %mul3A_1669 = vector.broadcast %mul3A_1668 : f32 to vector<16xf32>
        %mul3A_1670 = arith.mulf %mul3A_1669, %add3A_1650 : vector<16xf32>
        %mul3A_1671 = arith.mulf %mul3A_1670, %mul3A_1667 : vector<16xf32>
        %mul3A_1672 = arith.mulf %mul3A_1671, %mul3A_1667 : vector<16xf32>
        %sub3A_1673 = arith.constant 1.500000e+00 : f32
        %sub3A_1674 = vector.broadcast %sub3A_1673 : f32 to vector<16xf32>
        %sub3A_1675 = arith.subf %sub3A_1674, %mul3A_1672 : vector<16xf32>
        %mul3A_1676 = arith.mulf %mul3A_1667, %sub3A_1675 : vector<16xf32>
        %add3A_1677 = arith.constant 0 : i32
        %add3A_1678 = arith.addi %add3A_1515, %add3A_1677 : i32
        %add3A_1679 = arith.constant 0 : i32
        %add3A_1680 = arith.addi %add3A_1678, %add3A_1679 : i32
        %add3A_1681 = vector.broadcast %add3A_1680 : i32 to vector<16xi32>
        %add3A_1682 = arith.addi %add3A_1681, %iota3A : vector<16xi32>
        %mul3A_1683 = arith.mulf %mul3A_1676, %gather3A : vector<16xf32>
        %mul3A_1684 = arith.mulf %sub3A_1598, %mul3A_1683 : vector<16xf32>
        %add3A_1685 = arith.addf %mul3A_1684, %gather3A_51 : vector<16xf32>
        tpu.vector_store_idx %arg13[%add3A_1682], %add3A_1685 : memref<8192xf32, #tpu.memory_space<vmem>>[vector<16xi32>], vector<16xf32>,
        %add3A_1686 = arith.constant 0 : i32
        %add3A_1687 = arith.addi %add3A_1515, %add3A_1686 : i32
        %add3A_1688 = arith.constant 128 : i32
        %add3A_1689 = arith.addi %add3A_1687, %add3A_1688 : i32
        %add3A_1690 = vector.broadcast %add3A_1689 : i32 to vector<16xi32>
        %add3A_1691 = arith.addi %add3A_1690, %iota3A : vector<16xi32>
        %mul3A_1692 = arith.mulf %mul3A_1676, %gather3A_6 : vector<16xf32>
        %mul3A_1693 = arith.mulf %sub3A_1599, %mul3A_1692 : vector<16xf32>
        %add3A_1694 = arith.addf %mul3A_1693, %gather3A_54 : vector<16xf32>
        tpu.vector_store_idx %arg13[%add3A_1691], %add3A_1694 : memref<8192xf32, #tpu.memory_space<vmem>>[vector<16xi32>], vector<16xf32>,
        %add3A_1695 = arith.constant 0 : i32
        %add3A_1696 = arith.addi %add3A_1515, %add3A_1695 : i32
        %add3A_1697 = arith.constant 256 : i32
        %add3A_1698 = arith.addi %add3A_1696, %add3A_1697 : i32
        %add3A_1699 = vector.broadcast %add3A_1698 : i32 to vector<16xi32>
        %add3A_1700 = arith.addi %add3A_1699, %iota3A : vector<16xi32>
        %mul3A_1701 = arith.mulf %mul3A_1676, %gather3A_9 : vector<16xf32>
        %mul3A_1702 = arith.mulf %sub3A_1600, %mul3A_1701 : vector<16xf32>
        %add3A_1703 = arith.addf %mul3A_1702, %gather3A_57 : vector<16xf32>
        tpu.vector_store_idx %arg13[%add3A_1700], %add3A_1703 : memref<8192xf32, #tpu.memory_space<vmem>>[vector<16xi32>], vector<16xf32>,
        %add3A_1704 = arith.constant 0 : i32
        %add3A_1705 = arith.addi %add3A_1515, %add3A_1704 : i32
        %add3A_1706 = arith.constant 384 : i32
        %add3A_1707 = arith.addi %add3A_1705, %add3A_1706 : i32
        %add3A_1708 = vector.broadcast %add3A_1707 : i32 to vector<16xi32>
        %add3A_1709 = arith.addi %add3A_1708, %iota3A : vector<16xi32>
        %mul3A_1710 = arith.mulf %mul3A_1676, %gather3A_12 : vector<16xf32>
        %mul3A_1711 = arith.mulf %sub3A_1601, %mul3A_1710 : vector<16xf32>
        %add3A_1712 = arith.addf %mul3A_1711, %gather3A_60 : vector<16xf32>
        tpu.vector_store_idx %arg13[%add3A_1709], %add3A_1712 : memref<8192xf32, #tpu.memory_space<vmem>>[vector<16xi32>], vector<16xf32>,
        %add3A_1713 = arith.constant 0 : i32
        %add3A_1714 = arith.addi %add3A_1515, %add3A_1713 : i32
        %add3A_1715 = arith.constant 512 : i32
        %add3A_1716 = arith.addi %add3A_1714, %add3A_1715 : i32
        %add3A_1717 = vector.broadcast %add3A_1716 : i32 to vector<16xi32>
        %add3A_1718 = arith.addi %add3A_1717, %iota3A : vector<16xi32>
        %mul3A_1719 = arith.mulf %mul3A_1676, %gather3A_15 : vector<16xf32>
        %mul3A_1720 = arith.mulf %sub3A_1602, %mul3A_1719 : vector<16xf32>
        %add3A_1721 = arith.addf %mul3A_1720, %gather3A_63 : vector<16xf32>
        tpu.vector_store_idx %arg13[%add3A_1718], %add3A_1721 : memref<8192xf32, #tpu.memory_space<vmem>>[vector<16xi32>], vector<16xf32>,
        %add3A_1722 = arith.constant 0 : i32
        %add3A_1723 = arith.addi %add3A_1515, %add3A_1722 : i32
        %add3A_1724 = arith.constant 640 : i32
        %add3A_1725 = arith.addi %add3A_1723, %add3A_1724 : i32
        %add3A_1726 = vector.broadcast %add3A_1725 : i32 to vector<16xi32>
        %add3A_1727 = arith.addi %add3A_1726, %iota3A : vector<16xi32>
        %mul3A_1728 = arith.mulf %mul3A_1676, %gather3A_18 : vector<16xf32>
        %mul3A_1729 = arith.mulf %sub3A_1603, %mul3A_1728 : vector<16xf32>
        %add3A_1730 = arith.addf %mul3A_1729, %gather3A_66 : vector<16xf32>
        tpu.vector_store_idx %arg13[%add3A_1727], %add3A_1730 : memref<8192xf32, #tpu.memory_space<vmem>>[vector<16xi32>], vector<16xf32>,
        %add3A_1731 = arith.constant 0 : i32
        %add3A_1732 = arith.addi %add3A_1515, %add3A_1731 : i32
        %add3A_1733 = arith.constant 768 : i32
        %add3A_1734 = arith.addi %add3A_1732, %add3A_1733 : i32
        %add3A_1735 = vector.broadcast %add3A_1734 : i32 to vector<16xi32>
        %add3A_1736 = arith.addi %add3A_1735, %iota3A : vector<16xi32>
        %mul3A_1737 = arith.mulf %mul3A_1676, %gather3A_21 : vector<16xf32>
        %mul3A_1738 = arith.mulf %sub3A_1604, %mul3A_1737 : vector<16xf32>
        %add3A_1739 = arith.addf %mul3A_1738, %gather3A_69 : vector<16xf32>
        tpu.vector_store_idx %arg13[%add3A_1736], %add3A_1739 : memref<8192xf32, #tpu.memory_space<vmem>>[vector<16xi32>], vector<16xf32>,
        %add3A_1740 = arith.constant 0 : i32
        %add3A_1741 = arith.addi %add3A_1515, %add3A_1740 : i32
        %add3A_1742 = arith.constant 896 : i32
        %add3A_1743 = arith.addi %add3A_1741, %add3A_1742 : i32
        %add3A_1744 = vector.broadcast %add3A_1743 : i32 to vector<16xi32>
        %add3A_1745 = arith.addi %add3A_1744, %iota3A : vector<16xi32>
        %mul3A_1746 = arith.mulf %mul3A_1676, %gather3A_24 : vector<16xf32>
        %mul3A_1747 = arith.mulf %sub3A_1605, %mul3A_1746 : vector<16xf32>
        %add3A_1748 = arith.addf %mul3A_1747, %gather3A_72 : vector<16xf32>
        tpu.vector_store_idx %arg13[%add3A_1745], %add3A_1748 : memref<8192xf32, #tpu.memory_space<vmem>>[vector<16xi32>], vector<16xf32>,
        %add3A_1749 = arith.constant 4096 : i32
        %add3A_1750 = arith.addi %add3A_1515, %add3A_1749 : i32
        %add3A_1751 = arith.constant 0 : i32
        %add3A_1752 = arith.addi %add3A_1750, %add3A_1751 : i32
        %add3A_1753 = vector.broadcast %add3A_1752 : i32 to vector<16xi32>
        %add3A_1754 = arith.addi %add3A_1753, %iota3A : vector<16xi32>
        %mul3A_1755 = arith.mulf %mul3A_1676, %gather3A_27 : vector<16xf32>
        %mul3A_1756 = arith.mulf %sub3A_1606, %mul3A_1755 : vector<16xf32>
        %add3A_1757 = arith.addf %mul3A_1756, %gather3A_75 : vector<16xf32>
        tpu.vector_store_idx %arg13[%add3A_1754], %add3A_1757 : memref<8192xf32, #tpu.memory_space<vmem>>[vector<16xi32>], vector<16xf32>,
        %add3A_1758 = arith.constant 4096 : i32
        %add3A_1759 = arith.addi %add3A_1515, %add3A_1758 : i32
        %add3A_1760 = arith.constant 128 : i32
        %add3A_1761 = arith.addi %add3A_1759, %add3A_1760 : i32
        %add3A_1762 = vector.broadcast %add3A_1761 : i32 to vector<16xi32>
        %add3A_1763 = arith.addi %add3A_1762, %iota3A : vector<16xi32>
        %mul3A_1764 = arith.mulf %mul3A_1676, %gather3A_30 : vector<16xf32>
        %mul3A_1765 = arith.mulf %sub3A_1607, %mul3A_1764 : vector<16xf32>
        %add3A_1766 = arith.addf %mul3A_1765, %gather3A_78 : vector<16xf32>
        tpu.vector_store_idx %arg13[%add3A_1763], %add3A_1766 : memref<8192xf32, #tpu.memory_space<vmem>>[vector<16xi32>], vector<16xf32>,
        %add3A_1767 = arith.constant 4096 : i32
        %add3A_1768 = arith.addi %add3A_1515, %add3A_1767 : i32
        %add3A_1769 = arith.constant 256 : i32
        %add3A_1770 = arith.addi %add3A_1768, %add3A_1769 : i32
        %add3A_1771 = vector.broadcast %add3A_1770 : i32 to vector<16xi32>
        %add3A_1772 = arith.addi %add3A_1771, %iota3A : vector<16xi32>
        %mul3A_1773 = arith.mulf %mul3A_1676, %gather3A_33 : vector<16xf32>
        %mul3A_1774 = arith.mulf %sub3A_1608, %mul3A_1773 : vector<16xf32>
        %add3A_1775 = arith.addf %mul3A_1774, %gather3A_81 : vector<16xf32>
        tpu.vector_store_idx %arg13[%add3A_1772], %add3A_1775 : memref<8192xf32, #tpu.memory_space<vmem>>[vector<16xi32>], vector<16xf32>,
        %add3A_1776 = arith.constant 4096 : i32
        %add3A_1777 = arith.addi %add3A_1515, %add3A_1776 : i32
        %add3A_1778 = arith.constant 384 : i32
        %add3A_1779 = arith.addi %add3A_1777, %add3A_1778 : i32
        %add3A_1780 = vector.broadcast %add3A_1779 : i32 to vector<16xi32>
        %add3A_1781 = arith.addi %add3A_1780, %iota3A : vector<16xi32>
        %mul3A_1782 = arith.mulf %mul3A_1676, %gather3A_36 : vector<16xf32>
        %mul3A_1783 = arith.mulf %sub3A_1609, %mul3A_1782 : vector<16xf32>
        %add3A_1784 = arith.addf %mul3A_1783, %gather3A_84 : vector<16xf32>
        tpu.vector_store_idx %arg13[%add3A_1781], %add3A_1784 : memref<8192xf32, #tpu.memory_space<vmem>>[vector<16xi32>], vector<16xf32>,
        %add3A_1785 = arith.constant 4096 : i32
        %add3A_1786 = arith.addi %add3A_1515, %add3A_1785 : i32
        %add3A_1787 = arith.constant 512 : i32
        %add3A_1788 = arith.addi %add3A_1786, %add3A_1787 : i32
        %add3A_1789 = vector.broadcast %add3A_1788 : i32 to vector<16xi32>
        %add3A_1790 = arith.addi %add3A_1789, %iota3A : vector<16xi32>
        %mul3A_1791 = arith.mulf %mul3A_1676, %gather3A_39 : vector<16xf32>
        %mul3A_1792 = arith.mulf %sub3A_1610, %mul3A_1791 : vector<16xf32>
        %add3A_1793 = arith.addf %mul3A_1792, %gather3A_87 : vector<16xf32>
        tpu.vector_store_idx %arg13[%add3A_1790], %add3A_1793 : memref<8192xf32, #tpu.memory_space<vmem>>[vector<16xi32>], vector<16xf32>,
        %add3A_1794 = arith.constant 4096 : i32
        %add3A_1795 = arith.addi %add3A_1515, %add3A_1794 : i32
        %add3A_1796 = arith.constant 640 : i32
        %add3A_1797 = arith.addi %add3A_1795, %add3A_1796 : i32
        %add3A_1798 = vector.broadcast %add3A_1797 : i32 to vector<16xi32>
        %add3A_1799 = arith.addi %add3A_1798, %iota3A : vector<16xi32>
        %mul3A_1800 = arith.mulf %mul3A_1676, %gather3A_42 : vector<16xf32>
        %mul3A_1801 = arith.mulf %sub3A_1611, %mul3A_1800 : vector<16xf32>
        %add3A_1802 = arith.addf %mul3A_1801, %gather3A_90 : vector<16xf32>
        tpu.vector_store_idx %arg13[%add3A_1799], %add3A_1802 : memref<8192xf32, #tpu.memory_space<vmem>>[vector<16xi32>], vector<16xf32>,
        %add3A_1803 = arith.constant 4096 : i32
        %add3A_1804 = arith.addi %add3A_1515, %add3A_1803 : i32
        %add3A_1805 = arith.constant 768 : i32
        %add3A_1806 = arith.addi %add3A_1804, %add3A_1805 : i32
        %add3A_1807 = vector.broadcast %add3A_1806 : i32 to vector<16xi32>
        %add3A_1808 = arith.addi %add3A_1807, %iota3A : vector<16xi32>
        %mul3A_1809 = arith.mulf %mul3A_1676, %gather3A_45 : vector<16xf32>
        %mul3A_1810 = arith.mulf %sub3A_1612, %mul3A_1809 : vector<16xf32>
        %add3A_1811 = arith.addf %mul3A_1810, %gather3A_93 : vector<16xf32>
        tpu.vector_store_idx %arg13[%add3A_1808], %add3A_1811 : memref<8192xf32, #tpu.memory_space<vmem>>[vector<16xi32>], vector<16xf32>,
        %add3A_1812 = arith.constant 4096 : i32
        %add3A_1813 = arith.addi %add3A_1515, %add3A_1812 : i32
        %add3A_1814 = arith.constant 896 : i32
        %add3A_1815 = arith.addi %add3A_1813, %add3A_1814 : i32
        %add3A_1816 = vector.broadcast %add3A_1815 : i32 to vector<16xi32>
        %add3A_1817 = arith.addi %add3A_1816, %iota3A : vector<16xi32>
        %mul3A_1818 = arith.mulf %mul3A_1676, %gather3A_48 : vector<16xf32>
        %mul3A_1819 = arith.mulf %sub3A_1613, %mul3A_1818 : vector<16xf32>
        %add3A_1820 = arith.addf %mul3A_1819, %gather3A_96 : vector<16xf32>
        tpu.vector_store_idx %arg13[%add3A_1817], %add3A_1820 : memref<8192xf32, #tpu.memory_space<vmem>>[vector<16xi32>], vector<16xf32>,
      }
      %scan3A_361 = arith.constant 8 : i32
      %mul3A_362 = arith.constant 256 : i32
      %mul3A_363 = arith.muli %add3A_274, %mul3A_362 : i32
      %add3A_364 = arith.constant 0 : i32
      %add3A_365 = arith.addi %mul3A_363, %add3A_364 : i32
      %mul3A_366 = arith.constant 4 : i32
      %mul3A_367 = arith.muli %add3A, %mul3A_366 : i32
      %add3A_368 = arith.addi %add3A_365, %mul3A_367 : i32
      %mul3A_369 = arith.constant 1024 : i32
      %mul3A_370 = arith.muli %add3A_368, %mul3A_369 : i32
      %dma_start3A_371 = arith.constant 0 : i32
      %dma_start3A_372 = tpu.memref_slice %arg13[%dma_start3A_371] : memref<8192xf32, #tpu.memory_space<vmem>> -> memref<4096xf32, #tpu.memory_space<vmem>>
      %dma_start3A_373 = tpu.memref_slice %arg7[%mul3A_370] : memref<52428800xf32, #tpu.memory_space<hbm>> -> memref<4096xf32, #tpu.memory_space<hbm>>
      %dma_start3A_374 = tpu.memref_slice %arg7[%mul3A_370] : memref<52428800xf32, #tpu.memory_space<hbm>> -> memref<4096xf32, #tpu.memory_space<hbm>>
      %dma_start3A_375 = arith.constant 0 : i32
      %dma_start3A_376 = tpu.memref_slice %arg13[%dma_start3A_375] : memref<8192xf32, #tpu.memory_space<vmem>> -> memref<4096xf32, #tpu.memory_space<vmem>>
      tpu.enqueue_dma source(%dma_start3A_376 : memref<4096xf32, #tpu.memory_space<vmem>>) target(%dma_start3A_374 : memref<4096xf32, #tpu.memory_space<hbm>>) target_semaphore(%arg22 : memref<!tpu.dma_semaphore, #tpu.memory_space<semaphore_mem>>)
      %mul3A_377 = arith.constant 256 : i32
      %mul3A_378 = arith.muli %add3A_274, %mul3A_377 : i32
      %add3A_379 = arith.constant 128 : i32
      %add3A_380 = arith.addi %mul3A_378, %add3A_379 : i32
      %mul3A_381 = arith.constant 4 : i32
      %mul3A_382 = arith.muli %add3A, %mul3A_381 : i32
      %add3A_383 = arith.addi %add3A_380, %mul3A_382 : i32
      %mul3A_384 = arith.constant 1024 : i32
      %mul3A_385 = arith.muli %add3A_383, %mul3A_384 : i32
      %dma_start3A_386 = arith.constant 4096 : i32
      %dma_start3A_387 = tpu.memref_slice %arg13[%dma_start3A_386] : memref<8192xf32, #tpu.memory_space<vmem>> -> memref<4096xf32, #tpu.memory_space<vmem>>
      %dma_start3A_388 = tpu.memref_slice %arg7[%mul3A_385] : memref<52428800xf32, #tpu.memory_space<hbm>> -> memref<4096xf32, #tpu.memory_space<hbm>>
      %dma_start3A_389 = tpu.memref_slice %arg7[%mul3A_385] : memref<52428800xf32, #tpu.memory_space<hbm>> -> memref<4096xf32, #tpu.memory_space<hbm>>
      %dma_start3A_390 = arith.constant 4096 : i32
      %dma_start3A_391 = tpu.memref_slice %arg13[%dma_start3A_390] : memref<8192xf32, #tpu.memory_space<vmem>> -> memref<4096xf32, #tpu.memory_space<vmem>>
      tpu.enqueue_dma source(%dma_start3A_391 : memref<4096xf32, #tpu.memory_space<vmem>>) target(%dma_start3A_389 : memref<4096xf32, #tpu.memory_space<hbm>>) target_semaphore(%arg22 : memref<!tpu.dma_semaphore, #tpu.memory_space<semaphore_mem>>)
      %add3A_392 = arith.constant 2 : i32
      %add3A_393 = arith.addi %add3A_274, %add3A_392 : i32
      %lt3A_394 = arith.constant 200 : i32
      %lt3A_395 = arith.cmpi slt, %add3A_393, %lt3A_394 : i32
      %convert_element_type3A_396 = arith.extui %lt3A_395 : i1 to i32
      %cond3A_397 = arith.constant 0 : i32
      %cond3A_398 = arith.cmpi ne, %convert_element_type3A_396, %cond3A_397 : i32
      scf.if %cond3A_398 {
        %add3A_399 = arith.constant 2 : i32
        %add3A_400 = arith.addi %add3A_274, %add3A_399 : i32
        %mul3A_401 = arith.constant 16384 : i32
        %mul3A_402 = arith.muli %add3A_400, %mul3A_401 : i32
        %add3A_403 = arith.addi %mul3A_402, %mul3A_2 : i32
        %dma_start3A_404 = tpu.memref_slice %arg2[%add3A_403] : memref<3276800xi32, #tpu.memory_space<hbm>> -> memref<512xi32, #tpu.memory_space<hbm>>
        %dma_start3A_405 = tpu.memref_slice %arg2[%add3A_403] : memref<3276800xi32, #tpu.memory_space<hbm>> -> memref<512xi32, #tpu.memory_space<hbm>>
        tpu.enqueue_dma source(%dma_start3A_405 : memref<512xi32, #tpu.memory_space<hbm>>) target(%arg9 : memref<512xi32, #tpu.memory_space<vmem>>) target_semaphore(%arg18 : memref<!tpu.dma_semaphore, #tpu.memory_space<semaphore_mem>>)
      } else {
      }
    }
    %scan3A_114 = arith.constant 100 : i32
    %dma_wait3A_115 = arith.constant 0 : i32
    %dma_wait3A_116 = tpu.memref_slice %arg12[%dma_wait3A_115] : memref<8192xf32, #tpu.memory_space<vmem>> -> memref<4096xf32, #tpu.memory_space<vmem>>
    %dma_wait3A_117 = arith.constant 0 : i32
    %dma_wait3A_118 = tpu.memref_slice %arg7[%dma_wait3A_117] : memref<52428800xf32, #tpu.memory_space<hbm>> -> memref<4096xf32, #tpu.memory_space<hbm>>
    %dma_wait3A_119 = arith.constant 0 : i32
    %dma_wait3A_120 = tpu.memref_slice %arg7[%dma_wait3A_119] : memref<52428800xf32, #tpu.memory_space<hbm>> -> memref<4096xf32, #tpu.memory_space<hbm>>
    %dma_wait3A_121 = arith.constant 0 : i32
    %dma_wait3A_122 = tpu.memref_slice %arg12[%dma_wait3A_121] : memref<8192xf32, #tpu.memory_space<vmem>> -> memref<4096xf32, #tpu.memory_space<vmem>>
    tpu.wait_dma2 semaphore(%arg21 : memref<!tpu.dma_semaphore, #tpu.memory_space<semaphore_mem>>) src(%dma_wait3A_122 : memref<4096xf32, #tpu.memory_space<vmem>>) dst(%dma_wait3A_120 : memref<4096xf32, #tpu.memory_space<hbm>>)
    %dma_wait3A_123 = arith.constant 4096 : i32
    %dma_wait3A_124 = tpu.memref_slice %arg12[%dma_wait3A_123] : memref<8192xf32, #tpu.memory_space<vmem>> -> memref<4096xf32, #tpu.memory_space<vmem>>
    %dma_wait3A_125 = arith.constant 0 : i32
    %dma_wait3A_126 = tpu.memref_slice %arg7[%dma_wait3A_125] : memref<52428800xf32, #tpu.memory_space<hbm>> -> memref<4096xf32, #tpu.memory_space<hbm>>
    %dma_wait3A_127 = arith.constant 0 : i32
    %dma_wait3A_128 = tpu.memref_slice %arg7[%dma_wait3A_127] : memref<52428800xf32, #tpu.memory_space<hbm>> -> memref<4096xf32, #tpu.memory_space<hbm>>
    %dma_wait3A_129 = arith.constant 4096 : i32
    %dma_wait3A_130 = tpu.memref_slice %arg12[%dma_wait3A_129] : memref<8192xf32, #tpu.memory_space<vmem>> -> memref<4096xf32, #tpu.memory_space<vmem>>
    tpu.wait_dma2 semaphore(%arg21 : memref<!tpu.dma_semaphore, #tpu.memory_space<semaphore_mem>>) src(%dma_wait3A_130 : memref<4096xf32, #tpu.memory_space<vmem>>) dst(%dma_wait3A_128 : memref<4096xf32, #tpu.memory_space<hbm>>)
    %dma_wait3A_131 = arith.constant 0 : i32
    %dma_wait3A_132 = tpu.memref_slice %arg13[%dma_wait3A_131] : memref<8192xf32, #tpu.memory_space<vmem>> -> memref<4096xf32, #tpu.memory_space<vmem>>
    %dma_wait3A_133 = arith.constant 0 : i32
    %dma_wait3A_134 = tpu.memref_slice %arg7[%dma_wait3A_133] : memref<52428800xf32, #tpu.memory_space<hbm>> -> memref<4096xf32, #tpu.memory_space<hbm>>
    %dma_wait3A_135 = arith.constant 0 : i32
    %dma_wait3A_136 = tpu.memref_slice %arg7[%dma_wait3A_135] : memref<52428800xf32, #tpu.memory_space<hbm>> -> memref<4096xf32, #tpu.memory_space<hbm>>
    %dma_wait3A_137 = arith.constant 0 : i32
    %dma_wait3A_138 = tpu.memref_slice %arg13[%dma_wait3A_137] : memref<8192xf32, #tpu.memory_space<vmem>> -> memref<4096xf32, #tpu.memory_space<vmem>>
    tpu.wait_dma2 semaphore(%arg22 : memref<!tpu.dma_semaphore, #tpu.memory_space<semaphore_mem>>) src(%dma_wait3A_138 : memref<4096xf32, #tpu.memory_space<vmem>>) dst(%dma_wait3A_136 : memref<4096xf32, #tpu.memory_space<hbm>>)
    %dma_wait3A_139 = arith.constant 4096 : i32
    %dma_wait3A_140 = tpu.memref_slice %arg13[%dma_wait3A_139] : memref<8192xf32, #tpu.memory_space<vmem>> -> memref<4096xf32, #tpu.memory_space<vmem>>
    %dma_wait3A_141 = arith.constant 0 : i32
    %dma_wait3A_142 = tpu.memref_slice %arg7[%dma_wait3A_141] : memref<52428800xf32, #tpu.memory_space<hbm>> -> memref<4096xf32, #tpu.memory_space<hbm>>
    %dma_wait3A_143 = arith.constant 0 : i32
    %dma_wait3A_144 = tpu.memref_slice %arg7[%dma_wait3A_143] : memref<52428800xf32, #tpu.memory_space<hbm>> -> memref<4096xf32, #tpu.memory_space<hbm>>
    %dma_wait3A_145 = arith.constant 4096 : i32
    %dma_wait3A_146 = tpu.memref_slice %arg13[%dma_wait3A_145] : memref<8192xf32, #tpu.memory_space<vmem>> -> memref<4096xf32, #tpu.memory_space<vmem>>
    tpu.wait_dma2 semaphore(%arg22 : memref<!tpu.dma_semaphore, #tpu.memory_space<semaphore_mem>>) src(%dma_wait3A_146 : memref<4096xf32, #tpu.memory_space<vmem>>) dst(%dma_wait3A_144 : memref<4096xf32, #tpu.memory_space<hbm>>)
    return
  }
}

</mosaic_0001>

<sc_bundles>
// kernel: kernel.3.cloned.1.call-start
scs
__scs_entry_jumppad:
0x0: {  	(pc) =	sbr.rel $0x88, $3  }
0x1: {  	(tag) =	ssettag $0x0;
	lr =	simm.s32 $0x1  }
0x2: {  	[smem:$0x3F9D] =	sst lr;
	_ =	strace $0xD0000000  }
0x3: {  	_ = 	snop  }
0x4: {  	_ = 	snop  }
0x5: {  	_ = 	snop  }
0x6: {  	_ = 	snop  }
0x7: {  	_ = 	snop  }
__scs_overlays_trampoline_lowered:
0x8: {  	[smem:$0x3FAC] =	sst s0  }
0x9: {  	[smem:$0x3FAD] =	sst s1  }
0xa: {  	[smem:$0x3FAE] =	sst s2  }
0xb: {  	[smem:$0x3FAF] =	sst s3  }
0xc: {  	[smem:$0x3FB0] =	sst s4  }
0xd: {  	[smem:$0x3FB1] =	sst s5  }
0xe: {  	[smem:$0x3FB2] =	sst s6  }
0xf: {  	[smem:$0x3FB3] =	sst s7  }
0x10: {  	[smem:$0x3FB4] =	sst s8  }
0x11: {  	[smem:$0x3FB5] =	sst s9;
	s0 =	simm.s32 @!p0 $0x0  }
0x12: {  	s1 =	sld [smem:$0x3F9B];
	s0 =	simm.s32 @p0 $0x1  }
0x13: {  	[smem:$0x3FB6] =	sst s0;
	s0 =	simm.s32 @!p1 $0x0  }
0x14: {  	s2 =	sld [smem:$0x3F9A];
	s0 =	simm.s32 @p1 $0x1  }
0x15: {  	[smem:$0x3FB7] =	sst s0;
	s0 =	simm.s32 @!p2 $0x0  }
0x16: {  	s3 =	sld [smem:$0x3FDB];
	s0 =	simm.s32 @p2 $0x1  }
0x17: {  	s4 =	simm.s32 $0x1BF5;
	[smem:$0x3FB9] =	sst s0  }
0x18: {  	s0 =	sld [smem:$0x3F9C];
	_ =	swait.ge [sflag:s4], $0x0  }
0x19: {  	s7 =	sld [smem:$0x3F9D]  }
0x1a: {  	s8 =	sadd.s32 $0xFFFFE003, lr  }
0x1b: {  	s9 =	sadd.s32 $0xFFFFFEF7, lr;
	s5 =	simm.s32 $0xFFFFFFFF;
	p2 =	slt.u32 s8, $0xFFFFF086  }
0x1c: {  	p1 =	slt.u32 s9, $0xF7A;
	s5 =	simm.s32 @!p2 $0x0  }
0x1d: {  	s5 =	simm.s32 @p1 $0x1;
	p0 =	seq.s32 s7, s2  }
0x1e: {  	s7 =	smul.u32 @!p0 $0xF7A, s2;
	p2 =	seq.s32 @!p0 s5, $0x0  }
0x1f: {  	s9 =	smul.u32 $0xF7A, s1;
	s8 =	simm.s32 @!p0 $0x1BF5;
	p2 =	por !p2, p0  }
0x20: {  	[sflag:s8] =	ssyncset.s32 @!p0 $0xFFFFF086;
	s6 =	sadd.s32 @!p0 s3, s7;
	s7 =	simm.s32 @!p0 $0x108  }
0x21: {  	s3 =	sadd.s32 s3, s9;
	s6 =	sadd.s32 @!p0 $0x88, s6;
	s7 =	simm.s32 @p2 $0x1082  }
0x22: {  	[simem:s7], [sflag:s8] =	dma.local @!p0 [hbm:s6], $0xF7A  }
0x23: {  	s9 =	sor.u32 $0xD0000000, s2;
	s6 =	simm.s32 $0x108;
	_ =	swait.ge @!p0 [sflag:s8], $0x0  }
0x24: {  	s3 =	sadd.s32 $0x88, s3;
	s6 =	simm.s32 @!p1 $0x1082;
	[sflag:s4] =	ssyncset.s32 $0xFFFFF086  }
0x25: {  	[simem:s6], [sflag:s4] =	dma.local [hbm:s3], $0xF7A  }
0x26: {  	[smem:$0x3F9D] =	sst s1;
	(tag) =	ssettag s2;
	_ =	strace s9  }
0x27: {  	s1 =	sld [smem:$0x3FAD]  }
0x28: {  	s2 =	sld [smem:$0x3FAE]  }
0x29: {  	s4 =	sld [smem:$0x3FB0]  }
0x2a: {  	p0 =	seq.s32 s5, $0x0;
	s5 =	sld [smem:$0x3FB1]  }
0x2b: {  	s6 =	sld [smem:$0x3FB2]  }
0x2c: {  	s7 =	sld [smem:$0x3FB3]  }
0x2d: {  	s3 =	simm.s32 $0x108;
	s8 =	sld [smem:$0x3FB4]  }
0x2e: {  	s3 =	simm.s32 @!p0 $0x1082;
	s9 =	sld [smem:$0x3FB5]  }
0x2f: {  	lr =	sadd.s32 s0, s3;
	s0 =	sld [smem:$0x3FAC]  }
0x30: {  	s3 =	sld [smem:$0x3FAF]  }
0x31: {  	[smem:$0x3FB8] =	sst s10  }
0x32: {  	s10 =	sld [smem:$0x3FB6];
	_ =	sdelay $0x3  }
0x33: {  	p0 =	seq.s32 s10, $0x1;
	s10 =	sld [smem:$0x3FB8];
	_ =	sdelay $0x3  }
0x34: {  	[smem:$0x3FB8] =	sst s10  }
0x35: {  	s10 =	sld [smem:$0x3FB7];
	_ =	sdelay $0x3  }
0x36: {  	p1 =	seq.s32 s10, $0x1;
	s10 =	sld [smem:$0x3FB8];
	_ =	sdelay $0x3  }
0x37: {  	[smem:$0x3FB8] =	sst s10  }
0x38: {  	s10 =	sld [smem:$0x3FB9]  }
0x39: {  	_ = 	snop;
	(pc) =	sbr.ind lr, $3  }
0x3a: {  	_ = 	snop  }
0x3b: {  	_ = 	snop  }
0x3c: {  	p2 =	seq.s32 s10, $0x1;
	s10 =	sld [smem:$0x3FB8]  }
0x3d: {  	_ =	shalt  }
0x3e: {  	_ =	shalt  }
0x3f: {  	_ =	shalt  }
0x40: {  	_ =	shalt  }
0x41: {  	_ =	shalt  }
0x42: {  	_ =	shalt  }
0x43: {  	_ =	shalt  }
0x44: {  	_ =	shalt  }
0x45: {  	_ =	shalt  }
0x46: {  	_ =	shalt  }
0x47: {  	_ =	shalt  }
0x48: {  	_ =	shalt  }
0x49: {  	_ =	shalt  }
0x4a: {  	_ =	shalt  }
0x4b: {  	_ =	shalt  }
0x4c: {  	_ =	shalt  }
0x4d: {  	_ =	shalt  }
0x4e: {  	_ =	shalt  }
0x4f: {  	_ =	shalt  }
0x50: {  	_ =	shalt  }
0x51: {  	_ =	shalt  }
0x52: {  	_ =	shalt  }
0x53: {  	_ =	shalt  }
0x54: {  	_ =	shalt  }
0x55: {  	_ =	shalt  }
0x56: {  	_ =	shalt  }
0x57: {  	_ =	shalt  }
0x58: {  	_ =	shalt  }
0x59: {  	_ =	shalt  }
0x5a: {  	_ =	shalt  }
0x5b: {  	_ =	shalt  }
0x5c: {  	_ =	shalt  }
0x5d: {  	_ =	shalt  }
0x5e: {  	_ =	shalt  }
0x5f: {  	_ =	shalt  }
0x60: {  	_ =	shalt  }
0x61: {  	_ =	shalt  }
0x62: {  	_ =	shalt  }
0x63: {  	_ =	shalt  }
0x64: {  	_ =	shalt  }
0x65: {  	_ =	shalt  }
0x66: {  	_ =	shalt  }
0x67: {  	_ =	shalt  }
0x68: {  	_ =	shalt  }
0x69: {  	_ =	shalt  }
0x6a: {  	_ =	shalt  }
0x6b: {  	_ =	shalt  }
0x6c: {  	_ =	shalt  }
0x6d: {  	_ =	shalt  }
0x6e: {  	_ =	shalt  }
0x6f: {  	_ =	shalt  }
0x70: {  	_ =	shalt  }
0x71: {  	_ =	shalt  }
0x72: {  	_ =	shalt  }
0x73: {  	_ =	shalt  }
0x74: {  	_ =	shalt  }
0x75: {  	_ =	shalt  }
0x76: {  	_ =	shalt  }
0x77: {  	_ =	shalt  }
0x78: {  	_ =	shalt  }
0x79: {  	_ =	shalt  }
0x7a: {  	_ =	shalt  }
0x7b: {  	_ =	shalt  }
0x7c: {  	_ =	shalt  }
0x7d: {  	_ =	shalt  }
0x7e: {  	_ =	shalt  }
0x7f: {  	_ =	shalt  }
0x80: {  	_ =	shalt  }
0x81: {  	_ =	shalt  }
0x82: {  	_ =	shalt  }
0x83: {  	_ =	shalt  }
0x84: {  	_ =	shalt  }
0x85: {  	_ =	shalt  }
0x86: {  	_ =	shalt  }
0x87: {  	_ =	shalt  }
.Lfunc_end0:
.L_simem_size_0:
called_computation_lowered:
.L_overlay_start_0:
0x88: {  	s2 =	sld [smem:$0x3FD9]  }
0x89: {  	s3 =	sld [smem:$0x3FFE];
	_ =	sdelay $0x1  }
0x8a: {  	s1 =	srdreg.scid  }
0x8b: {  	s0 =	sand.u32 $0x1, s1  }
0x8c: {  	s17 =	sshll.u32 s0, $0xA;
	s2 =	sadd.s32 s3, s2  }
0x8d: {  	s2 =	sadd.s32 s2, s17  }
0x8e: {  	[smem:$0x3FC4] =	sst s2  }
0x8f: {  	_ = 	snop  }
0x90: {  	s2 =	sld [smem:$0x3FC7]  }
0x91: {  	s18 =	sld [smem:$0x3FC6]  }
0x92: {  	s4 =	sld [smem:$0x3FD0];
	(tm) =	ssettm $0x1  }
0x93: {  	s5 =	sld [smem:$0x3FFB];
	_ =	sdelay $0x3  }
0x94: {  	_ =	strace s5  }
0x95: {  	s5 =	sld [smem:$0x3FFC];
	_ =	sdelay $0x3  }
0x96: {  	_ =	strace s5  }
0x97: {  	s5 =	sld [smem:$0x3FFD];
	_ =	sdelay $0x3  }
0x98: {  	_ =	strace s5  }
0x99: {  	_ =	strace $0x8FFFFFFF  }
0x9a: {  	s19 =	sld [smem:$0x3FDB];
	_ =	sdelay $0x1  }
0x9b: {  	s6 =	simm.s32 $_scs_section_size  }
0x9c: {  	s7 =	simm.s32 $_size__tile_overlayer_lowered;
	s8 =	simm.s32 $_tile_overlayer_lowered  }
0x9d: {  	s22 =	simm.s32 $0x1BFF;
	s21 =	sshll.u32 s8, $0x1;
	s5 =	sadd.s32 s6, s19  }
0x9e: {  	s9 =	simm.s32 $0x0;
	s20 =	sshll.u32 s7, $0x1;
	s7 =	sadd.s32 s21, s5  }
0x9f: {  	[timem:s9], [sflag:s22] =	dma.local [hbm:s7], s20  }
0xa0: {  	_ =	swait.ge [sflag:s22], s20  }
0xa1: {  	s6 =	ssub.s32 $0x0, s20;
	[sflag:s22] =	ssyncset.done $0x0  }
0xa2: {  	[sflag:s22] =	ssyncadd.s32 s6;
	_ =	sdelay $0x1  }
0xa3: {  	s23 =	simm.s32 $0x1B8B  }
0xa4: {  	_ =	swait.ge [sflag:s23], $0x1  }
0xa5: {  	[sflag:s23] =	ssyncset.done $0x0  }
0xa6: {  	s25 =	simm.s32 $0x1B8E;
	s24 =	sld [smem:$0x3FFE];
	[sflag:s23] =	ssyncadd.s32 $0xFFFFFFFF  }
0xa7: {  	s26 =	simm.s32 $execute0_lowered;
	[smem:$0x3FD2] =	sst s25  }
0xa8: {  	s7 =	sshll.u32 s26, $0x1;
	_ =	strace $0x80000046;
	[dreg:$0x1] =	wrdreg $0xFFFFFFFF  }
0xa9: {  	s28 =	simm.s32 $_size_execute0_lowered;
	s5 =	sadd.s32 s5, s7;
	[dreg:$0x0] =	wrdreg $0x0  }
0xaa: {  	s7 =	sshll.u32 s28, $0x1;
	[dreg:$0x2] =	wrdreg s5  }
0xab: {  	[dreg:$0x3] =	wrdreg s7  }
0xac: {  	[dreg:$0x4] =	wrdreg $0xC0  }
0xad: {  	_ =	task [dreg:s9], $0x5FFFF  }
0xae: {  	[dreg:$0x1] =	wrdreg $0xFFFFFFFF  }
0xaf: {  	[dreg:$0x0] =	wrdreg $0x60  }
0xb0: {  	[dreg:$0x2] =	wrdreg s24  }
0xb1: {  	[dreg:$0x3] =	wrdreg s2  }
0xb2: {  	[dreg:$0x4] =	wrdreg s18  }
0xb3: {  	[dreg:$0x5] =	wrdreg s4  }
0xb4: {  	[dreg:$0x6] =	wrdreg $0x9  }
0xb5: {  	_ =	task.clear_ibuf [dreg:s9], $0x7FFFF;
	_ =	strace $0x90000046  }
0xb6: {  	s29 =	simm.s32 $0x9;
	_ =	strace $0x80000048  }
0xb7: {  	_ =	swait.ge [sflag:s29], $0x1  }
0xb8: {  	[sflag:s29] =	ssyncadd.s32 $0xFFFFFFFF  }
0xb9: {  	_ =	strace $0x90000048  }
0xba: {  	_ =	sfence  }
0xbb: {  	s30 =	sld [smem:$0x0];
	_ =	sdelay $0x2  }
0xbc: {  	s31 =	sshll.u32 s1, $0xD;
	s1 =	sshrl.u32 s1, $0x2  }
0xbd: {  	s3 =	sand.u32 $0x4000, s31;
	s1 =	sadd.s32 s1, s30  }
0xbe: {  	s0 =	sor.u32 s3, s0;
	s1 =	sshll.u32 s1, $0x11  }
0xbf: {  	s0 =	sor.u32 s1, s0  }
0xc0: {  	s0 =	sadd.s32 $0x8F2B, s0  }
0xc1: {  	[sflag:s0] =	ssyncadd.remote.s32 $0x1  }
0xc2: {  	_ =	sfence.sel $0xFFFF  }
0xc3: {  	[dreg:$0x0] =	wrdreg $0xFFFFFFFF;
	(pc) =	sbr.abs _section_cstart, $3  }
0xc4: {  	[dreg:$0x1] =	wrdreg $0xFFFFFFFF  }
0xc5: {  	_ =	task.clear_ibuf [dreg:s9], $0x2FFFF;
	_ =	strace $0x9FFFFFFF  }
0xc6: {  	(tm) =	ssettm $0x7FFFFFFF  }
0xc7: {  	_ =	shalt  }
tec
execute0_lowered:
.L_overlay_start_1:
0x0: {  	(tag) =	ssettag $0x1  }
0x1: {  	s0 =	rddreg [dreg:$0x0]  }
0x2: {  	s3 =	rddreg [dreg:$0x3]  }
0x3: {  	s5 =	simm.s32 $0x0;
	s1 =	srdreg.scid;
	s2 =	stileid.u32  }
0x4: {  	s17 =	simm.s32 $0x14C00;
	s18 =	simm.s32 $0x14C10;
	s19 =	simm.s32 $0x200  }
0x5: {  	s20 =	simm.s32 $0x1;
	s21 =	simm.s32 $0x400;
	s22 =	simm.s32 $0x2  }
0x6: {  	s23 =	simm.s32 $0x2400;
	s28 =	simm.s32 $0x4;
	s29 =	simm.s32 $0x6  }
0x7: {  	s30 =	simm.s32 $0x6400;
	s31 =	simm.s32 $0x7400;
	[smem:$0x7FF] =	sst s5  }
0x8: {  	s1 =	sand.u32 $0x1, s1;
	s2 =	sshll.u32 s2, $0x1;
	s6 =	sadd.s32 $0x800, s0  }
0x9: {  	s4 =	sadd.s32 $0x95600, s0;
	s8 =	sadd.s32 $0x64800, s0;
	_ =	strace $0x80000047  }
0xa: {  	[dreg:$0x5] =	wrdreg s4;
	s2 =	sor.u32 s1, s2;
	s24 =	ssub.s32 $0x2, s1  }
0xb: {  	s4 =	simm.s32 $0x0;
	s25 =	sshll.u32 s2, $0x6;
	s26 =	sshrl.u32 s24, $0x1  }
.Ltmp0:
0xc: {  	s7 =	sshll.u32 s2, $0x9;
	s13 =	sshll.u32 s2, $0x2;
	(pc) =	sbr.rel .LBB2_1-.Ltmp0, $4  }
0xd: {  	s1 =	sadd.s32 s6, s25;
	s0 =	ssub.s32 s24, s26;
	s11 =	sor.u32 $0x8000, s7  }
0xe: {  	s12 =	sor.u32 $0xC000, s7;
	[dreg:$0x6] =	wrdreg s1;
	s1 =	sadd.s32 $0x800, s1  }
0xf: {  	s24 =	simm.s32 $0x3;
	s0 =	smax.u32 s0, $0x1;
	[dreg:$0x7] =	wrdreg s1  }
0x10: {  	v15 =	vlaneseq.u32;
	s25 =	simm.s32 $0x4400;
	s26 =	simm.s32 $0x5400;
	[dreg:$0x8] =	wrdreg s0  }
.LBB2_12:
0x11: {  	s0 =	simm.s32 $0x5  }
0x12: {  	_ =	swait.ge [sflag:s0], $0x1000  }
0x13: {  	[sflag:s0] =	ssyncset.done $0x0  }
0x14: {  	[sflag:s0] =	ssyncadd.s32 $0xFFFFF000  }
0x15: {  	_ =	swait.ge [sflag:s0], $0x1000  }
0x16: {  	[sflag:s0] =	ssyncset.done $0x0  }
0x17: {  	[sflag:s0] =	ssyncadd.s32 $0xFFFFF000  }
0x18: {  	_ =	swait.ge [sflag:s29], $0x1000  }
0x19: {  	[sflag:s29] =	ssyncset.done $0x0  }
0x1a: {  	[sflag:s29] =	ssyncadd.s32 $0xFFFFF000  }
0x1b: {  	_ =	swait.ge [sflag:s29], $0x1000  }
0x1c: {  	s4 =	sadd.s32 $0x1, s4;
	s16 =	rddreg [dreg:$0x8]  }
0x1d: {  	p0 =	sne.s32 s4, s16  }
.Ltmp1:
0x1e: {  	_ = 	snop;
	(pc) =	sbr.rel @!p0 .LBB2_13-.Ltmp1, $3  }
0x1f: {  	_ =	sdelay $0x1  }
0x20: {  	[sflag:s29] =	ssyncset.done $0x0  }
0x21: {  	[sflag:s29] =	ssyncadd.s32 $0xFFFFF000  }
.LBB2_1:
0x22: {  	s0 =	rddreg [dreg:$0x5];
	s1 =	simm.s32 $0x8400;
	s9 =	simm.s32 $0x7  }
0x23: {  	[tilespmem:s1], [sflag:$0x7] =	stream.linear.gather [hbm4b:s0+s5], $0xC800, $0x38;
	[tilespmem:$0x14C20] =	vst v63  }
0x24: {  	_ =	swait.ge [sflag:s9], $0xC800  }
0x25: {  	[sflag:s9] =	ssyncset.done $0x0  }
0x26: {  	[sflag:s9] =	ssyncadd.s32 $0xFFFF3800  }
0x27: {  	s10 =	rddreg [dreg:$0x1]  }
0x28: {  	[tilespmem:s17], [sflag:$0x7] =	stream.linear.gather [hbm4b:s10+s5], $0x10, $0x38;
	[tilespmem:$0x14C20] =	vst v63  }
0x29: {  	_ =	swait.ge [sflag:s9], $0x10  }
0x2a: {  	[sflag:s9] =	ssyncset.done $0x0  }
0x2b: {  	[sflag:s9] =	ssyncadd.s32 $0xFFFFFFF0  }
0x2c: {  	s14 =	rddreg [dreg:$0x2]  }
0x2d: {  	v0 =	vimm.s32 $0x1;
	[tilespmem:s18], [sflag:$0x7] =	stream.linear.gather [hbm4b:s14+s5], $0x10, $0x38;
	[tilespmem:$0x14C20] =	vst v63  }
0x2e: {  	v1 =	vimm.s32 $0x2;
	_ =	swait.ge [sflag:s9], $0x10  }
0x2f: {  	v2 =	vimm.s32 $0x3;
	[sflag:s9] =	ssyncset.done $0x0  }
0x30: {  	v3 =	vimm.s32 $0x4;
	[sflag:s9] =	ssyncadd.s32 $0xFFFFFFF0  }
0x31: {  	v4 =	vimm.s32 $0x5;
	v24 =	vld.msk [tilespmem:s17+$0x0], $0xffff  }
0x32: {  	v5 =	vimm.s32 $0x6;
	v25 =	vld.idx.msk [tilespmem:v0+s17+$0x0], $0xffff  }
0x33: {  	v47 =	vimm.s32 $0x7;
	v26 =	vld.idx.msk [tilespmem:v1+s17+$0x0], $0xffff  }
0x34: {  	v48 =	vimm.s32 $0x8;
	v27 =	vld.idx.msk [tilespmem:v2+s17+$0x0], $0xffff  }
0x35: {  	v49 =	vimm.s32 $0x9;
	v28 =	vld.idx.msk [tilespmem:v3+s17+$0x0], $0xffff  }
0x36: {  	v50 =	vimm.s32 $0xA;
	v29 =	vld.idx.msk [tilespmem:v4+s17+$0x0], $0xffff  }
0x37: {  	v10 =	vimm.s32 $0xB;
	v6 =	vld.idx.msk [tilespmem:v5+s17+$0x0], $0xffff  }
0x38: {  	v11 =	vimm.s32 $0xC;
	v7 =	vld.idx.msk [tilespmem:v47+s17+$0x0], $0xffff  }
0x39: {  	v12 =	vimm.s32 $0xD;
	v8 =	vld.idx.msk [tilespmem:v48+s17+$0x0], $0xffff  }
0x3a: {  	v13 =	vimm.s32 $0xE;
	v9 =	vld.idx.msk [tilespmem:v49+s17+$0x0], $0xffff  }
0x3b: {  	v14 =	vimm.s32 $0xF;
	v23 =	vld.idx.msk [tilespmem:v50+s17+$0x0], $0xffff  }
0x3c: {  	v22 =	vld.idx.msk [tilespmem:v10+s17+$0x0], $0xffff  }
0x3d: {  	v19 =	vld.idx.msk [tilespmem:v11+s17+$0x0], $0xffff  }
0x3e: {  	v20 =	vld.idx.msk [tilespmem:v12+s17+$0x0], $0xffff  }
0x3f: {  	v21 =	vld.idx.msk [tilespmem:v13+s17+$0x0], $0xffff  }
0x40: {  	v16 =	vld.idx.msk [tilespmem:v14+s17+$0x0], $0xffff  }
0x41: {  	v17 =	vld.msk [tilespmem:s18+$0x0], $0xffff  }
0x42: {  	v0 =	vld.idx.msk [tilespmem:v0+s18+$0x0], $0xffff  }
0x43: {  	v51 =	vld.idx.msk [tilespmem:v1+s18+$0x0], $0xffff  }
0x44: {  	v52 =	vld.idx.msk [tilespmem:v2+s18+$0x0], $0xffff  }
0x45: {  	v53 =	vld.idx.msk [tilespmem:v3+s18+$0x0], $0xffff  }
0x46: {  	v54 =	vld.idx.msk [tilespmem:v4+s18+$0x0], $0xffff  }
0x47: {  	v55 =	vld.idx.msk [tilespmem:v5+s18+$0x0], $0xffff  }
0x48: {  	v56 =	vld.idx.msk [tilespmem:v47+s18+$0x0], $0xffff  }
0x49: {  	v57 =	vld.idx.msk [tilespmem:v48+s18+$0x0], $0xffff  }
0x4a: {  	v58 =	vld.idx.msk [tilespmem:v49+s18+$0x0], $0xffff  }
0x4b: {  	v59 =	vld.idx.msk [tilespmem:v50+s18+$0x0], $0xffff  }
0x4c: {  	v60 =	vld.idx.msk [tilespmem:v10+s18+$0x0], $0xffff  }
0x4d: {  	v11 =	vld.idx.msk [tilespmem:v11+s18+$0x0], $0xffff  }
0x4e: {  	v61 =	vld.idx.msk [tilespmem:v12+s18+$0x0], $0xffff  }
0x4f: {  	s15 =	rddreg [dreg:$0x6];
	v62 =	vld.idx.msk [tilespmem:v13+s18+$0x0], $0xffff  }
0x50: {  	v63 =	vld.idx.msk [tilespmem:v14+s18+$0x0], $0xffff;
	[tilespmem:s5], [sflag:$0x1] =	stream.linear.gather [hbm4b:s15+s5], $0x200, $0x38  }
0x51: {  	s16 =	rddreg [dreg:$0x7]  }
0x52: {  	[tilespmem:s19], [sflag:$0x2] =	stream.linear.gather [hbm4b:s16+s5], $0x200, $0x38;
	[tilespmem:$0x14C20] =	vst v63  }
0x53: {  	[tilespmem:$0x1FE20] =	vst v6  }
0x54: {  	[tilespmem:$0x1FE30] =	vst v7  }
0x55: {  	[tilespmem:$0x1FE40] =	vst v8  }
0x56: {  	[tilespmem:$0x1FE50] =	vst v9  }
0x57: {  	[tilespmem:$0x1FE60] =	vst v17  }
0x58: {  	[tilespmem:$0x1FE70] =	vst v0  }
0x59: {  	[tilespmem:$0x1FE80] =	vst v51  }
0x5a: {  	[tilespmem:$0x1FE90] =	vst v52  }
0x5b: {  	[tilespmem:$0x1FEA0] =	vst v53  }
0x5c: {  	[tilespmem:$0x1FEB0] =	vst v54  }
0x5d: {  	[tilespmem:$0x1FEC0] =	vst v55  }
0x5e: {  	[tilespmem:$0x1FED0] =	vst v56  }
0x5f: {  	[tilespmem:$0x1FEE0] =	vst v57  }
0x60: {  	[tilespmem:$0x1FEF0] =	vst v58  }
0x61: {  	[tilespmem:$0x1FF00] =	vst v59  }
0x62: {  	[tilespmem:$0x1FF10] =	vst v60  }
0x63: {  	_ =	swait.ge [sflag:s20], $0x200  }
0x64: {  	[tilespmem:$0x1FF20] =	vst v63  }
0x65: {  	[tilespmem:$0x1FF30] =	vst v62  }
0x66: {  	[tilespmem:$0x1FF40] =	vst v61  }
0x67: {  	[tilespmem:$0x1FF50] =	vst v11  }
0x68: {  	[tilespmem:$0x1FF60] =	vst v16  }
0x69: {  	[tilespmem:$0x1FF70] =	vst v19  }
0x6a: {  	[tilespmem:$0x1FF80] =	vst v20  }
0x6b: {  	[tilespmem:$0x1FF90] =	vst v21  }
0x6c: {  	[tilespmem:$0x1FFA0] =	vst v22  }
0x6d: {  	[tilespmem:$0x1FFB0] =	vst v23  }
0x6e: {  	[tilespmem:$0x1FFC0] =	vst v24  }
0x6f: {  	[tilespmem:$0x1FFD0] =	vst v25  }
0x70: {  	[sflag:s20] =	ssyncset.done $0x0;
	[tilespmem:$0x1FFE0] =	vst v26  }
0x71: {  	s1 =	simm.s32 $0x0;
	[tilespmem:$0x1FFF0] =	vst v27;
	[sflag:s20] =	ssyncadd.s32 $0xFFFFFE00  }
0x72: {  	[tilespmem:s21], [sflag:$0x3] =	stream.indirect.gather [hbm4b:s8+s19], $0x10, s5, s19, $0xb8;
	[tilespmem:$0x14C20] =	vst v63  }
.LBB2_2:
0x73: {  	_ =	swait.ge [sflag:s22], $0x200  }
0x74: {  	[sflag:s22] =	ssyncset.done $0x0  }
0x75: {  	[sflag:s22] =	ssyncadd.s32 $0xFFFFFE00  }
0x76: {  	[tilespmem:s23], [sflag:$0x4] =	stream.indirect.gather [hbm4b:s8+s19], $0x10, s19, s19, $0xb8;
	[tilespmem:$0x14C20] =	vst v63  }
0x77: {  	_ =	swait.ge [sflag:s24], $0x2000  }
0x78: {  	p0 =	seq.s32 s1, $0x0;
	[sflag:s24] =	ssyncset.done $0x0  }
0x79: {  	s0 =	simm.s32 @!p0 $0x5;
	[sflag:s24] =	ssyncadd.s32 $0xFFFFE000  }
0x7a: {  	_ =	swait.ge @!p0 [sflag:s0], $0x1000  }
0x7b: {  	[sflag:s0] =	ssyncset.done @!p0 $0x0  }
0x7c: {  	[sflag:s0] =	ssyncadd.s32 @!p0 $0xFFFFF000  }
0x7d: {  	_ =	swait.ge @!p0 [sflag:s0], $0x1000  }
0x7e: {  	[sflag:s0] =	ssyncset.done @!p0 $0x0  }
0x7f: {  	s15 =	sshll.u32 s1, $0x9;
	[sflag:s0] =	ssyncadd.s32 @!p0 $0xFFFFF000  }
0x80: {  	v0 =	vld [tilespmem:s15+$0x8400]  }
0x81: {  	v49 =	vld [tilespmem:s15+$0x8410]  }
0x82: {  	v50 =	vld [tilespmem:s15+$0x8420]  }
0x83: {  	v51 =	vld [tilespmem:s15+$0x8430]  }
0x84: {  	v52 =	vld [tilespmem:s15+$0x8440]  }
0x85: {  	v53 =	vld [tilespmem:s15+$0x8450];
	[tilespmem:$0x1FD20] =	vst v0  }
0x86: {  	v54 =	vld [tilespmem:s15+$0x8460];
	[tilespmem:$0x1FD30] =	vst v49  }
0x87: {  	v55 =	vld [tilespmem:s15+$0x8470];
	[tilespmem:$0x1FD40] =	vst v50  }
0x88: {  	v56 =	vld [tilespmem:s15+$0x8480];
	[tilespmem:$0x1FD50] =	vst v51  }
0x89: {  	v57 =	vld [tilespmem:s15+$0x8490];
	[tilespmem:$0x1FD60] =	vst v52  }
0x8a: {  	v58 =	vld [tilespmem:s15+$0x84A0];
	[tilespmem:$0x1FD70] =	vst v53  }
0x8b: {  	v59 =	vld [tilespmem:s15+$0x84B0];
	[tilespmem:$0x1FD80] =	vst v54  }
0x8c: {  	v60 =	vld [tilespmem:s15+$0x84C0];
	[tilespmem:$0x1FD90] =	vst v55  }
0x8d: {  	v61 =	vld [tilespmem:s15+$0x84D0];
	[tilespmem:$0x1FDA0] =	vst v56  }
0x8e: {  	v62 =	vld [tilespmem:s15+$0x84E0];
	[tilespmem:$0x1FDB0] =	vst v57  }
0x8f: {  	v63 =	vld [tilespmem:s15+$0x84F0];
	[tilespmem:$0x1FDC0] =	vst v58  }
0x90: {  	[tilespmem:$0x1FDD0] =	vst v59  }
0x91: {  	[tilespmem:$0x1FDE0] =	vst v60  }
0x92: {  	[tilespmem:$0x1FDF0] =	vst v61  }
0x93: {  	s2 =	sshll.u32 s1, $0xF;
	[tilespmem:$0x1FE00] =	vst v62  }
0x94: {  	s10 =	simm.s32 $0x30;
	s14 =	simm.s32 $0x0;
	s7 =	sor.u32 $0x80, s15;
	[tilespmem:$0x1FE10] =	vst v63  }
.LBB2_3:
0x95: {  	v63 =	vld [tilespmem:$0x1FD20]  }
0x96: {  	v0 =	vld [tilespmem:$0x1FD30]  }
0x97: {  	v36 =	vld [tilespmem:$0x1FD40]  }
0x98: {  	v37 =	vld [tilespmem:$0x1FD50]  }
0x99: {  	v38 =	vld [tilespmem:$0x1FD60]  }
0x9a: {  	v39 =	vld [tilespmem:$0x1FD70]  }
0x9b: {  	v46 =	vld [tilespmem:$0x1FD80]  }
0x9c: {  	s0 =	sadd.s32 $0xFFFFFFD0, s10;
	v47 =	vld [tilespmem:$0x1FD90]  }
0x9d: {  	v62 =	vmul.u32 $0x10, v15;
	v49 =	vld [tilespmem:$0x1FDA0];
	v1 =	vmov s0  }
0x9e: {  	v50 =	vld [tilespmem:$0x1FDB0];
	v1 =	vshll.u32 v1, $0x4  }
0x9f: {  	v51 =	vld [tilespmem:$0x1FDC0];
	v1 =	vor.u32 v62, v1  }
0xa0: {  	v52 =	vld [tilespmem:$0x1FDD0];
	v2 =	vor.u32 $0x1, v1  }
0xa1: {  	v53 =	vld [tilespmem:$0x1FDE0];
	v3 =	vor.u32 $0x2, v1  }
0xa2: {  	v54 =	vld [tilespmem:$0x1FDF0];
	v4 =	vor.u32 $0x3, v1  }
0xa3: {  	v55 =	vld [tilespmem:$0x1FE00];
	v5 =	vor.u32 $0x4, v1  }
0xa4: {  	v7 =	vor.u32 $0x5, v1;
	v6 =	vld.idx.msk [tilespmem:v1+s21+$0x0], $0xffff  }
0xa5: {  	v8 =	vor.u32 $0x6, v1;
	v2 =	vld.idx.msk [tilespmem:v2+s21+$0x0], $0xffff  }
0xa6: {  	v9 =	vor.u32 $0x7, v1;
	v3 =	vld.idx.msk [tilespmem:v3+s21+$0x0], $0xffff  }
0xa7: {  	v10 =	vor.u32 $0x8, v1;
	v4 =	vld.idx.msk [tilespmem:v4+s21+$0x0], $0xffff  }
0xa8: {  	v11 =	vor.u32 $0x9, v1;
	v5 =	vld.idx.msk [tilespmem:v5+s21+$0x0], $0xffff  }
0xa9: {  	v12 =	vor.u32 $0xA, v1;
	v7 =	vld.idx.msk [tilespmem:v7+s21+$0x0], $0xffff  }
0xaa: {  	v13 =	vor.u32 $0xB, v1;
	v8 =	vld.idx.msk [tilespmem:v8+s21+$0x0], $0xffff  }
0xab: {  	v14 =	vor.u32 $0xC, v1;
	v9 =	vld.idx.msk [tilespmem:v9+s21+$0x0], $0xffff  }
0xac: {  	v16 =	vor.u32 $0xD, v1;
	v10 =	vld.idx.msk [tilespmem:v10+s21+$0x0], $0xffff  }
0xad: {  	v17 =	vor.u32 $0xE, v1;
	v11 =	vld.idx.msk [tilespmem:v11+s21+$0x0], $0xffff  }
0xae: {  	v12 =	vld.idx.msk [tilespmem:v12+s21+$0x0], $0xffff  }
0xaf: {  	v1 =	vor.u32 $0xF, v1;
	v13 =	vld.idx.msk [tilespmem:v13+s21+$0x0], $0xffff  }
0xb0: {  	v14 =	vld.idx.msk [tilespmem:v14+s21+$0x0], $0xffff;
	v6 =	vadd.f32 v6, v63;
	v2 =	vadd.f32 v2, v0  }
0xb1: {  	v16 =	vld.idx.msk [tilespmem:v16+s21+$0x0], $0xffff;
	v3 =	vadd.f32 v3, v36;
	v4 =	vadd.f32 v4, v37  }
0xb2: {  	v17 =	vld.idx.msk [tilespmem:v17+s21+$0x0], $0xffff;
	v5 =	vadd.f32 v5, v38;
	v7 =	vadd.f32 v7, v39  }
0xb3: {  	v56 =	vld [tilespmem:$0x1FE10];
	v8 =	vadd.f32 v8, v46;
	v9 =	vadd.f32 v9, v47  }
0xb4: {  	v1 =	vld.idx.msk [tilespmem:v1+s21+$0x0], $0xffff;
	v10 =	vadd.f32 v10, v49;
	v11 =	vadd.f32 v11, v50  }
0xb5: {  	v12 =	vadd.f32 v12, v51;
	v13 =	vadd.f32 v13, v52  }
0xb6: {  	v14 =	vadd.f32 v14, v53;
	v16 =	vadd.f32 v16, v54  }
0xb7: {  	v17 =	vadd.f32 v17, v55;
	v18 =	vadd.f32 v2, v6  }
0xb8: {  	v19 =	vadd.f32 v4, v3;
	v20 =	vadd.f32 v7, v5  }
0xb9: {  	v21 =	vadd.f32 v9, v8;
	v1 =	vadd.f32 v1, v56  }
0xba: {  	v22 =	vadd.f32 v11, v10;
	v23 =	vadd.f32 v13, v12  }
0xbb: {  	v24 =	vadd.f32 v16, v14;
	v25 =	vadd.f32 v1, v17  }
0xbc: {  	v18 =	vadd.f32 v19, v18;
	v48 =	vadd.f32 v21, v20  }
0xbd: {  	v57 =	vadd.f32 v23, v22;
	v58 =	vadd.f32 v25, v24;
	_ =	sdelay $0x1  }
0xbe: {  	v18 =	vadd.f32 v48, v18;
	v59 =	vadd.f32 v58, v57;
	_ =	sdelay $0x1  }
0xbf: {  	v18 =	vadd.f32 v59, v18;
	_ =	sdelay $0x1  }
0xc0: {  	v18 =	vmul.f32 $6.250000000e-02, v18;
	_ =	sdelay $0x1  }
0xc1: {  	v6 =	vsub.f32 v6, v18;
	v19 =	vsub.f32 v2, v18  }
0xc2: {  	v3 =	vsub.f32 v3, v18;
	v4 =	vsub.f32 v4, v18  }
0xc3: {  	v5 =	vsub.f32 v5, v18;
	v7 =	vsub.f32 v7, v18  }
0xc4: {  	v8 =	vsub.f32 v8, v18;
	v9 =	vsub.f32 v9, v18  }
0xc5: {  	v10 =	vsub.f32 v10, v18;
	v11 =	vsub.f32 v11, v18  }
0xc6: {  	v12 =	vsub.f32 v12, v18;
	v60 =	vmul.f32 v6, v6;
	v61 =	vmul.f32 v19, v19  }
0xc7: {  	v13 =	vsub.f32 v13, v18;
	v40 =	vmul.f32 v3, v3;
	v41 =	vmul.f32 v4, v4  }
0xc8: {  	v14 =	vsub.f32 v14, v18;
	v42 =	vmul.f32 v5, v5;
	v43 =	vmul.f32 v7, v7  }
0xc9: {  	v2 =	vsub.f32 v17, v18;
	v26 =	vmul.f32 v8, v8;
	v17 =	vmul.f32 v9, v9  }
0xca: {  	v16 =	vsub.f32 v16, v18;
	v27 =	vmul.f32 v10, v10;
	v44 =	vmul.f32 v11, v11  }
0xcb: {  	v34 =	vmovc v28;
	v35 =	vmov v29;
	v28 =	vmul.f32 v12, v12;
	v29 =	vmul.f32 v13, v13  }
0xcc: {  	v1 =	vsub.f32 v1, v18;
	v45 =	vmul.f32 v14, v14;
	v48 =	vmul.f32 v16, v16  }
0xcd: {  	v57 =	vmul.f32 v2, v2;
	v20 =	vadd.f32 v61, v60;
	v22 =	vadd.f32 v41, v40  }
0xce: {  	v58 =	vmul.f32 v1, v1;
	v24 =	vadd.f32 v43, v42;
	v17 =	vadd.f32 v17, v26  }
0xcf: {  	v18 =	vadd.f32 v44, v27;
	v27 =	vadd.f32 v29, v28  }
0xd0: {  	v21 =	vadd.f32 v48, v45;
	v59 =	vadd.f32 v58, v57  }
0xd1: {  	v20 =	vadd.f32 v22, v20;
	v17 =	vadd.f32 v17, v24  }
0xd2: {  	v18 =	vadd.f32 v27, v18;
	v21 =	vadd.f32 v59, v21;
	_ =	sdelay $0x1  }
0xd3: {  	v17 =	vadd.f32 v17, v20;
	v18 =	vadd.f32 v21, v18;
	_ =	sdelay $0x1  }
0xd4: {  	v17 =	vadd.f32 v18, v17;
	_ =	sdelay $0x1  }
0xd5: {  	v17 =	vmul.f32 $6.250000000e-02, v17;
	_ =	sdelay $0x1  }
0xd6: {  	v17 =	vadd.f32 $9.999999740e-06, v17;
	_ =	sdelay $0x1  }
0xd7: {  	v60 =	vshra.s32 v17, $0x1;
	v17 =	vmul.f32 $5.000000000e-01, v17  }
0xd8: {  	v18 =	vsub.s32 $0x5F3759DF, v60  }
0xd9: {  	v61 =	vmul.f32 v18, v17;
	_ =	sdelay $0x1  }
0xda: {  	v20 =	vmul.f32 v18, v61;
	_ =	sdelay $0x1  }
0xdb: {  	v20 =	vsub.f32 $1.500000000e+00, v20;
	_ =	sdelay $0x1  }
0xdc: {  	v18 =	vmul.f32 v18, v20;
	_ =	sdelay $0x1  }
0xdd: {  	v17 =	vmul.f32 v18, v17  }
0xde: {  	v30 =	vld [tilespmem:$0x1FEE0]  }
0xdf: {  	v23 =	vld [tilespmem:$0x1FFC0];
	v17 =	vmul.f32 v17, v18  }
0xe0: {  	v25 =	vld [tilespmem:$0x1FFE0]  }
0xe1: {  	v24 =	vld [tilespmem:$0x1FFD0];
	v17 =	vsub.f32 $1.500000000e+00, v17  }
0xe2: {  	v57 =	vld [tilespmem:$0x1FE20]  }
0xe3: {  	v58 =	vld [tilespmem:$0x1FE30];
	v17 =	vmul.f32 v17, v18  }
0xe4: {  	v26 =	vld [tilespmem:$0x1FFF0]  }
0xe5: {  	v45 =	vld [tilespmem:$0x1FE80];
	v18 =	vmul.f32 v17, v23  }
0xe6: {  	v42 =	vld [tilespmem:$0x1FE90];
	v20 =	vmul.f32 v17, v24;
	v32 =	vmul.f32 v17, v34  }
0xe7: {  	v59 =	vld [tilespmem:$0x1FE70];
	v33 =	vmul.f32 v17, v35;
	v48 =	vmul.f32 v17, v57  }
0xe8: {  	v60 =	vld [tilespmem:$0x1FE60];
	v61 =	vmul.f32 v17, v58;
	v6 =	vmul.f32 v18, v6  }
0xe9: {  	s9 =	sand.u32 $0xC00, s14;
	s0 =	sand.u32 $0x40, s0;
	v24 =	vld [tilespmem:$0x1FFB0];
	v18 =	vmul.f32 v17, v25;
	v19 =	vmul.f32 v20, v19  }
0xea: {  	s16 =	sor.u32 s0, s9;
	v8 =	vmul.f32 v48, v8;
	v9 =	vmul.f32 v61, v9;
	v61 =	vld [tilespmem:$0x1FE50]  }
0xeb: {  	s0 =	sor.u32 $0x80, s16;
	v20 =	vor.u32 s16, v15;
	v48 =	vld [tilespmem:$0x1FE40];
	v3 =	vmul.f32 v18, v3;
	v18 =	vmul.f32 v17, v26  }
0xec: {  	v43 =	vld [tilespmem:$0x1FEA0];
	v22 =	vor.u32 s0, v15;
	s0 =	sor.u32 $0x100, s16;
	v5 =	vmul.f32 v32, v5  }
0xed: {  	v44 =	vld [tilespmem:$0x1FEB0];
	v7 =	vmul.f32 v33, v7;
	v4 =	vmul.f32 v18, v4;
	v18 =	vor.u32 s0, v15;
	s0 =	sor.u32 $0x180, s16  }
0xee: {  	v31 =	vld [tilespmem:$0x1FEF0];
	v6 =	vadd.f32 v6, v60;
	v19 =	vadd.f32 v19, v59;
	v23 =	vor.u32 s0, v15;
	s0 =	sor.u32 $0x200, s16  }
0xef: {  	v40 =	vld [tilespmem:$0x1FED0];
	v3 =	vadd.f32 v3, v45;
	v33 =	vmul.f32 v17, v61;
	v25 =	vor.u32 s0, v15  }
0xf0: {  	v41 =	vld [tilespmem:$0x1FEC0];
	v32 =	vmul.f32 v17, v48;
	[tilespmem:v20+s25+$0x0] =	vst.idx.msk $0xffff, v6;
	v20 =	vmul.f32 v17, v24  }
0xf1: {  	v4 =	vadd.f32 v4, v42;
	s0 =	sor.u32 $0x280, s16;
	[tilespmem:v22+s25+$0x0] =	vst.idx.msk $0xffff, v19;
	v26 =	vmul.f32 v33, v11;
	v33 =	vld [tilespmem:$0x1FFA0]  }
0xf2: {  	v5 =	vadd.f32 v5, v43;
	v6 =	vadd.f32 v7, v44;
	v7 =	vor.u32 s0, v15;
	s0 =	sor.u32 $0x300, s16;
	[tilespmem:v18+s25+$0x0] =	vst.idx.msk $0xffff, v3  }
0xf3: {  	v10 =	vmul.f32 v32, v10;
	v20 =	vmul.f32 v20, v12;
	v12 =	vld [tilespmem:$0x1FF70];
	v19 =	vor.u32 s0, v15;
	s0 =	sor.u32 $0x380, s16;
	[tilespmem:v23+s25+$0x0] =	vst.idx.msk $0xffff, v4  }
0xf4: {  	v3 =	vadd.f32 v9, v40;
	v9 =	vor.u32 s0, v15;
	s0 =	sor.u32 $0x1000, s16;
	[tilespmem:v25+s25+$0x0] =	vst.idx.msk $0xffff, v5;
	v5 =	vadd.f32 v26, v31;
	v26 =	vld [tilespmem:$0x1FF80]  }
0xf5: {  	v32 =	vld [tilespmem:$0x1FF00];
	v4 =	vadd.f32 v10, v30;
	v10 =	vor.u32 s0, v15;
	s0 =	sor.u32 $0x1080, s16  }
0xf6: {  	v8 =	vadd.f32 v8, v41;
	v11 =	vor.u32 s0, v15;
	s0 =	sor.u32 $0x1100, s16;
	v18 =	vmul.f32 v17, v33  }
0xf7: {  	[tilespmem:v7+s25+$0x0] =	vst.idx.msk $0xffff, v6;
	v21 =	vor.u32 s0, v15;
	v33 =	vld [tilespmem:$0x1FF10]  }
0xf8: {  	s0 =	sor.u32 $0x1180, s16;
	[tilespmem:v19+s25+$0x0] =	vst.idx.msk $0xffff, v8;
	v22 =	vmul.f32 v18, v13;
	v18 =	vld [tilespmem:$0x1FF50]  }
0xf9: {  	v12 =	vmul.f32 v17, v12;
	v13 =	vor.u32 s0, v15;
	s0 =	sor.u32 $0x1200, s16;
	[tilespmem:v9+s25+$0x0] =	vst.idx.msk $0xffff, v3;
	v8 =	vmul.f32 v17, v26;
	v26 =	vld [tilespmem:$0x1FF40]  }
0xfa: {  	v23 =	vadd.f32 v20, v32;
	v9 =	vor.u32 s0, v15;
	s0 =	sor.u32 $0x1280, s16;
	[tilespmem:v10+s25+$0x0] =	vst.idx.msk $0xffff, v4  }
0xfb: {  	v19 =	vld [tilespmem:$0x1FF90];
	v24 =	vmul.f32 v12, v14;
	v10 =	vor.u32 s0, v15;
	[tilespmem:v11+s25+$0x0] =	vst.idx.msk $0xffff, v5  }
0xfc: {  	v25 =	vadd.f32 v22, v33;
	[tilespmem:v21+s25+$0x0] =	vst.idx.msk $0xffff, v23;
	v22 =	vld [tilespmem:$0x1FF60];
	v21 =	vmul.f32 v8, v16  }
0xfd: {  	v5 =	vadd.f32 v24, v18  }
0xfe: {  	[tilespmem:v13+s25+$0x0] =	vst.idx.msk $0xffff, v25;
	v3 =	vadd.f32 v21, v26  }
0xff: {  	s0 =	sor.u32 $0x1300, s16;
	v8 =	vld [tilespmem:$0x1FF30];
	[tilespmem:v9+s25+$0x0] =	vst.idx.msk $0xffff, v5  }
0x100: {  	v20 =	vor.u32 s0, v15;
	s0 =	sadd.s32 $0xFFFFFFE0, s10;
	v6 =	vmul.f32 v17, v19;
	[tilespmem:v10+s25+$0x0] =	vst.idx.msk $0xffff, v3;
	v10 =	vld [tilespmem:$0x1FF20]  }
0x101: {  	s16 =	sor.u32 $0x1380, s16;
	v23 =	vmov s0;
	v7 =	vmul.f32 v17, v22  }
0x102: {  	v24 =	vor.u32 s16, v15;
	v25 =	vshll.u32 v23, $0x4;
	v2 =	vmul.f32 v6, v2  }
0x103: {  	v6 =	vor.u32 v62, v25;
	v1 =	vmul.f32 v7, v1  }
0x104: {  	v9 =	vor.u32 $0x1, v6;
	v2 =	vadd.f32 v2, v8  }
0x105: {  	v18 =	vor.u32 $0x2, v6;
	v1 =	vadd.f32 v1, v10  }
0x106: {  	v19 =	vor.u32 $0x3, v6;
	[tilespmem:v20+s25+$0x0] =	vst.idx.msk $0xffff, v2  }
0x107: {  	v20 =	vor.u32 $0x4, v6;
	[tilespmem:v24+s25+$0x0] =	vst.idx.msk $0xffff, v1  }
0x108: {  	v21 =	vor.u32 $0x5, v6;
	v4 =	vld.idx.msk [tilespmem:v6+s21+$0x0], $0xffff  }
0x109: {  	v22 =	vor.u32 $0x6, v6;
	v5 =	vld.idx.msk [tilespmem:v9+s21+$0x0], $0xffff  }
0x10a: {  	v23 =	vor.u32 $0x7, v6;
	v3 =	vld.idx.msk [tilespmem:v18+s21+$0x0], $0xffff  }
0x10b: {  	v25 =	vor.u32 $0x9, v6;
	v2 =	vld.idx.msk [tilespmem:v19+s21+$0x0], $0xffff  }
0x10c: {  	v12 =	vor.u32 $0xA, v6;
	v1 =	vld.idx.msk [tilespmem:v20+s21+$0x0], $0xffff  }
0x10d: {  	v13 =	vor.u32 $0xB, v6;
	v7 =	vld.idx.msk [tilespmem:v21+s21+$0x0], $0xffff  }
0x10e: {  	v14 =	vor.u32 $0xC, v6;
	v8 =	vld.idx.msk [tilespmem:v22+s21+$0x0], $0xffff  }
0x10f: {  	v16 =	vor.u32 $0xD, v6;
	v9 =	vld.idx.msk [tilespmem:v23+s21+$0x0], $0xffff  }
0x110: {  	v17 =	vor.u32 $0xE, v6;
	v11 =	vld.idx.msk [tilespmem:v25+s21+$0x0], $0xffff  }
0x111: {  	v12 =	vld.idx.msk [tilespmem:v12+s21+$0x0], $0xffff  }
0x112: {  	v24 =	vor.u32 $0x8, v6;
	v13 =	vld.idx.msk [tilespmem:v13+s21+$0x0], $0xffff  }
0x113: {  	v6 =	vor.u32 $0xF, v6;
	v14 =	vld.idx.msk [tilespmem:v14+s21+$0x0], $0xffff  }
0x114: {  	v16 =	vld.idx.msk [tilespmem:v16+s21+$0x0], $0xffff;
	v4 =	vadd.f32 v4, v63;
	v5 =	vadd.f32 v5, v0  }
0x115: {  	v17 =	vld.idx.msk [tilespmem:v17+s21+$0x0], $0xffff;
	v3 =	vadd.f32 v3, v36;
	v2 =	vadd.f32 v2, v37  }
0x116: {  	v1 =	vadd.f32 v1, v38;
	v7 =	vadd.f32 v7, v39  }
0x117: {  	v10 =	vld.idx.msk [tilespmem:v24+s21+$0x0], $0xffff;
	v8 =	vadd.f32 v8, v46;
	v9 =	vadd.f32 v9, v47  }
0x118: {  	v6 =	vld.idx.msk [tilespmem:v6+s21+$0x0], $0xffff;
	v11 =	vadd.f32 v11, v50;
	v12 =	vadd.f32 v12, v51  }
0x119: {  	v13 =	vadd.f32 v13, v52;
	v14 =	vadd.f32 v14, v53  }
0x11a: {  	v16 =	vadd.f32 v16, v54;
	v17 =	vadd.f32 v17, v55  }
0x11b: {  	v18 =	vadd.f32 v5, v4;
	v19 =	vadd.f32 v2, v3  }
0x11c: {  	v20 =	vadd.f32 v7, v1;
	v21 =	vadd.f32 v9, v8  }
0x11d: {  	v10 =	vadd.f32 v10, v49;
	v6 =	vadd.f32 v6, v56  }
0x11e: {  	v23 =	vadd.f32 v13, v12;
	v24 =	vadd.f32 v16, v14  }
0x11f: {  	v22 =	vadd.f32 v11, v10;
	v25 =	vadd.f32 v6, v17  }
0x120: {  	v18 =	vadd.f32 v19, v18;
	v19 =	vadd.f32 v21, v20  }
0x121: {  	v20 =	vadd.f32 v23, v22;
	v26 =	vadd.f32 v25, v24;
	_ =	sdelay $0x1  }
0x122: {  	v18 =	vadd.f32 v19, v18;
	v24 =	vadd.f32 v26, v20;
	_ =	sdelay $0x1  }
0x123: {  	v18 =	vadd.f32 v24, v18;
	_ =	sdelay $0x1  }
0x124: {  	v18 =	vmul.f32 $6.250000000e-02, v18;
	_ =	sdelay $0x1  }
0x125: {  	v4 =	vsub.f32 v4, v18  }
0x126: {  	v5 =	vsub.f32 v5, v18;
	v3 =	vsub.f32 v3, v18  }
0x127: {  	v2 =	vsub.f32 v2, v18;
	v19 =	vsub.f32 v1, v18  }
0x128: {  	v7 =	vsub.f32 v7, v18;
	v8 =	vsub.f32 v8, v18  }
0x129: {  	v9 =	vsub.f32 v9, v18;
	v10 =	vsub.f32 v10, v18  }
0x12a: {  	v11 =	vsub.f32 v11, v18;
	v12 =	vsub.f32 v12, v18;
	v20 =	vmul.f32 v4, v4  }
0x12b: {  	v13 =	vsub.f32 v13, v18;
	v21 =	vmul.f32 v5, v5;
	v22 =	vmul.f32 v3, v3  }
0x12c: {  	v14 =	vsub.f32 v14, v18;
	v23 =	vmul.f32 v2, v2;
	v24 =	vmul.f32 v19, v19  }
0x12d: {  	v16 =	vsub.f32 v16, v18;
	v25 =	vmul.f32 v7, v7;
	v26 =	vmul.f32 v8, v8  }
0x12e: {  	v17 =	vsub.f32 v17, v18;
	v27 =	vmul.f32 v9, v9;
	v28 =	vmul.f32 v10, v10  }
0x12f: {  	v1 =	vsub.f32 v6, v18;
	v6 =	vmul.f32 v11, v11;
	v18 =	vmul.f32 v12, v12  }
0x130: {  	v29 =	vmul.f32 v13, v13;
	v20 =	vadd.f32 v21, v20;
	v21 =	vmul.f32 v14, v14  }
0x131: {  	v22 =	vadd.f32 v23, v22;
	v23 =	vmul.f32 v16, v16;
	v24 =	vadd.f32 v25, v24  }
0x132: {  	v25 =	vmul.f32 v17, v17;
	v26 =	vadd.f32 v27, v26;
	v27 =	vmul.f32 v1, v1  }
0x133: {  	v6 =	vadd.f32 v6, v28;
	v18 =	vadd.f32 v29, v18  }
0x134: {  	v21 =	vadd.f32 v23, v21;
	v23 =	vadd.f32 v27, v25  }
0x135: {  	v20 =	vadd.f32 v22, v20;
	v25 =	vadd.f32 v26, v24  }
0x136: {  	v6 =	vadd.f32 v18, v6;
	v26 =	vadd.f32 v23, v21;
	_ =	sdelay $0x1  }
0x137: {  	v20 =	vadd.f32 v25, v20;
	v6 =	vadd.f32 v26, v6;
	_ =	sdelay $0x1  }
0x138: {  	v6 =	vadd.f32 v6, v20;
	_ =	sdelay $0x1  }
0x139: {  	v6 =	vmul.f32 $6.250000000e-02, v6;
	_ =	sdelay $0x1  }
0x13a: {  	v6 =	vadd.f32 $9.999999740e-06, v6;
	_ =	sdelay $0x1  }
0x13b: {  	v23 =	vshra.s32 v6, $0x1;
	v6 =	vmul.f32 $5.000000000e-01, v6  }
0x13c: {  	v18 =	vsub.s32 $0x5F3759DF, v23  }
0x13d: {  	v24 =	vmul.f32 v18, v6;
	_ =	sdelay $0x1  }
0x13e: {  	v20 =	vmul.f32 v18, v24;
	_ =	sdelay $0x1  }
0x13f: {  	v20 =	vsub.f32 $1.500000000e+00, v20;
	_ =	sdelay $0x1  }
0x140: {  	v18 =	vmul.f32 v18, v20;
	_ =	sdelay $0x1  }
0x141: {  	v6 =	vmul.f32 v18, v6;
	_ =	sdelay $0x1  }
0x142: {  	v6 =	vmul.f32 v6, v18  }
0x143: {  	v25 =	vld [tilespmem:$0x1FFC0]  }
0x144: {  	v26 =	vld [tilespmem:$0x1FFD0];
	v6 =	vsub.f32 $1.500000000e+00, v6  }
0x145: {  	v23 =	vld [tilespmem:$0x1FFE0]  }
0x146: {  	v6 =	vmul.f32 v6, v18;
	_ =	sdelay $0x1  }
0x147: {  	v24 =	vld [tilespmem:$0x1FFF0];
	v18 =	vmul.f32 v6, v25  }
0x148: {  	v20 =	vmul.f32 v6, v26;
	v25 =	vmul.f32 v6, v34  }
0x149: {  	v4 =	vmul.f32 v18, v4;
	v18 =	vmul.f32 v6, v23  }
0x14a: {  	v21 =	vmul.f32 v6, v35;
	v26 =	vmul.f32 v6, v61  }
0x14b: {  	s0 =	sand.u32 $0x50, s0;
	v5 =	vmul.f32 v20, v5;
	v3 =	vmul.f32 v18, v3  }
0x14c: {  	s16 =	sor.u32 s9, s0;
	v18 =	vmul.f32 v6, v24;
	v24 =	vmul.f32 v6, v57  }
0x14d: {  	s0 =	sor.u32 $0x80, s16;
	v20 =	vor.u32 s16, v15;
	v19 =	vmul.f32 v25, v19;
	v7 =	vmul.f32 v21, v7  }
0x14e: {  	v22 =	vor.u32 s0, v15;
	s0 =	sor.u32 $0x100, s16;
	v8 =	vmul.f32 v24, v8;
	v24 =	vmul.f32 v6, v48  }
0x14f: {  	v21 =	vmul.f32 v6, v58;
	v2 =	vmul.f32 v18, v2;
	v18 =	vor.u32 s0, v15;
	s0 =	sor.u32 $0x180, s16  }
0x150: {  	v4 =	vadd.f32 v4, v60;
	v23 =	vor.u32 s0, v15;
	s0 =	sor.u32 $0x200, s16;
	v10 =	vmul.f32 v24, v10;
	v24 =	vld [tilespmem:$0x1FFB0]  }
0x151: {  	v5 =	vadd.f32 v5, v59;
	v9 =	vmul.f32 v21, v9;
	v25 =	vor.u32 s0, v15;
	s0 =	sor.u32 $0x280, s16  }
0x152: {  	v3 =	vadd.f32 v3, v45;
	[tilespmem:v20+s25+$0x0] =	vst.idx.msk $0xffff, v4;
	v4 =	vadd.f32 v7, v44;
	v7 =	vor.u32 s0, v15;
	s0 =	sor.u32 $0x300, s16  }
0x153: {  	v2 =	vadd.f32 v2, v42;
	[tilespmem:v22+s25+$0x0] =	vst.idx.msk $0xffff, v5;
	v5 =	vadd.f32 v8, v41;
	v8 =	vor.u32 s0, v15;
	s0 =	sor.u32 $0x380, s16  }
0x154: {  	v19 =	vadd.f32 v19, v43;
	[tilespmem:v18+s25+$0x0] =	vst.idx.msk $0xffff, v3;
	v3 =	vadd.f32 v9, v40;
	v9 =	vor.u32 s0, v15;
	s0 =	sor.u32 $0x1000, s16  }
0x155: {  	[tilespmem:v23+s25+$0x0] =	vst.idx.msk $0xffff, v2;
	v2 =	vadd.f32 v10, v30;
	v10 =	vor.u32 s0, v15;
	s0 =	sor.u32 $0x1080, s16;
	v20 =	vmul.f32 v6, v24  }
0x156: {  	[tilespmem:v25+s25+$0x0] =	vst.idx.msk $0xffff, v19;
	v18 =	vor.u32 s0, v15;
	v25 =	vld [tilespmem:$0x1FFA0]  }
0x157: {  	v11 =	vmul.f32 v26, v11;
	[tilespmem:v7+s25+$0x0] =	vst.idx.msk $0xffff, v4;
	v26 =	vmul.f32 v20, v12;
	v12 =	vld [tilespmem:$0x1FF70]  }
0x158: {  	[tilespmem:v8+s25+$0x0] =	vst.idx.msk $0xffff, v5  }
0x159: {  	v21 =	vadd.f32 v11, v31;
	[tilespmem:v9+s25+$0x0] =	vst.idx.msk $0xffff, v3  }
0x15a: {  	s0 =	sor.u32 $0x1100, s16;
	[tilespmem:v10+s25+$0x0] =	vst.idx.msk $0xffff, v2  }
0x15b: {  	v20 =	vor.u32 s0, v15;
	s0 =	sor.u32 $0x1180, s16;
	v19 =	vmul.f32 v6, v25;
	[tilespmem:v18+s25+$0x0] =	vst.idx.msk $0xffff, v21;
	v18 =	vld [tilespmem:$0x1FF50]  }
0x15c: {  	v11 =	vor.u32 s0, v15;
	s0 =	sor.u32 $0x1200, s16;
	v12 =	vmul.f32 v6, v12  }
0x15d: {  	v23 =	vadd.f32 v26, v32;
	v9 =	vor.u32 s0, v15;
	v26 =	vld [tilespmem:$0x1FF80];
	v22 =	vmul.f32 v19, v13  }
0x15e: {  	v19 =	vld [tilespmem:$0x1FF90];
	v24 =	vmul.f32 v12, v14  }
0x15f: {  	v21 =	vld [tilespmem:$0x1FF60];
	v25 =	vadd.f32 v22, v33  }
0x160: {  	[tilespmem:v20+s25+$0x0] =	vst.idx.msk $0xffff, v23;
	v4 =	vadd.f32 v24, v18  }
0x161: {  	s0 =	sor.u32 $0x1280, s16;
	[tilespmem:v11+s25+$0x0] =	vst.idx.msk $0xffff, v25;
	v25 =	vld [tilespmem:$0x1FF40]  }
0x162: {  	v10 =	vor.u32 s0, v15;
	s0 =	sor.u32 $0x1300, s16;
	v8 =	vmul.f32 v6, v26;
	[tilespmem:v9+s25+$0x0] =	vst.idx.msk $0xffff, v4;
	v9 =	vld [tilespmem:$0x1FF30]  }
0x163: {  	v12 =	vor.u32 s0, v15;
	s0 =	sadd.s32 $0xFFFFFFF0, s10;
	v18 =	vld [tilespmem:$0x1FF20];
	v5 =	vmul.f32 v6, v19  }
0x164: {  	s16 =	sor.u32 $0x1380, s16;
	v22 =	vmov s0;
	v20 =	vmul.f32 v8, v16;
	v6 =	vmul.f32 v6, v21  }
0x165: {  	v24 =	vor.u32 s16, v15;
	v7 =	vshll.u32 v22, $0x4;
	v23 =	vmul.f32 v5, v17  }
0x166: {  	v26 =	vor.u32 v62, v7;
	v1 =	vmul.f32 v6, v1;
	v3 =	vadd.f32 v20, v25  }
0x167: {  	v11 =	vor.u32 $0x1, v26;
	v2 =	vadd.f32 v23, v9  }
0x168: {  	v19 =	vor.u32 $0x2, v26;
	v1 =	vadd.f32 v1, v18;
	[tilespmem:v10+s25+$0x0] =	vst.idx.msk $0xffff, v3  }
0x169: {  	v20 =	vor.u32 $0x3, v26;
	[tilespmem:v12+s25+$0x0] =	vst.idx.msk $0xffff, v2  }
0x16a: {  	v21 =	vor.u32 $0x4, v26;
	[tilespmem:v24+s25+$0x0] =	vst.idx.msk $0xffff, v1  }
0x16b: {  	v7 =	vor.u32 $0x5, v26;
	v5 =	vld.idx.msk [tilespmem:v26+s21+$0x0], $0xffff  }
0x16c: {  	v22 =	vor.u32 $0x6, v26;
	v4 =	vld.idx.msk [tilespmem:v11+s21+$0x0], $0xffff  }
0x16d: {  	v25 =	vor.u32 $0x9, v26;
	v3 =	vld.idx.msk [tilespmem:v19+s21+$0x0], $0xffff  }
0x16e: {  	v13 =	vor.u32 $0xB, v26;
	v2 =	vld.idx.msk [tilespmem:v20+s21+$0x0], $0xffff  }
0x16f: {  	v14 =	vor.u32 $0xC, v26;
	v1 =	vld.idx.msk [tilespmem:v21+s21+$0x0], $0xffff  }
0x170: {  	v16 =	vor.u32 $0xD, v26;
	v7 =	vld.idx.msk [tilespmem:v7+s21+$0x0], $0xffff  }
0x171: {  	v17 =	vor.u32 $0xE, v26;
	v8 =	vld.idx.msk [tilespmem:v22+s21+$0x0], $0xffff  }
0x172: {  	v6 =	vor.u32 $0xF, v26;
	v11 =	vld.idx.msk [tilespmem:v25+s21+$0x0], $0xffff  }
0x173: {  	v23 =	vor.u32 $0x7, v26;
	v13 =	vld.idx.msk [tilespmem:v13+s21+$0x0], $0xffff  }
0x174: {  	v14 =	vld.idx.msk [tilespmem:v14+s21+$0x0], $0xffff  }
0x175: {  	v12 =	vor.u32 $0xA, v26;
	v16 =	vld.idx.msk [tilespmem:v16+s21+$0x0], $0xffff  }
0x176: {  	v24 =	vor.u32 $0x8, v26;
	v17 =	vld.idx.msk [tilespmem:v17+s21+$0x0], $0xffff  }
0x177: {  	v6 =	vld.idx.msk [tilespmem:v6+s21+$0x0], $0xffff;
	v5 =	vadd.f32 v5, v63;
	v4 =	vadd.f32 v4, v0  }
0x178: {  	v9 =	vld.idx.msk [tilespmem:v23+s21+$0x0], $0xffff;
	v3 =	vadd.f32 v3, v36;
	v2 =	vadd.f32 v2, v37  }
0x179: {  	v1 =	vadd.f32 v1, v38;
	v7 =	vadd.f32 v7, v39  }
0x17a: {  	v12 =	vld.idx.msk [tilespmem:v12+s21+$0x0], $0xffff;
	v8 =	vadd.f32 v8, v46;
	v11 =	vadd.f32 v11, v50  }
0x17b: {  	v10 =	vld.idx.msk [tilespmem:v24+s21+$0x0], $0xffff;
	v13 =	vadd.f32 v13, v52;
	v14 =	vadd.f32 v14, v53  }
0x17c: {  	v16 =	vadd.f32 v16, v54;
	v17 =	vadd.f32 v17, v55  }
0x17d: {  	v6 =	vadd.f32 v6, v56;
	v9 =	vadd.f32 v9, v47  }
0x17e: {  	v18 =	vadd.f32 v4, v5;
	v19 =	vadd.f32 v2, v3  }
0x17f: {  	v20 =	vadd.f32 v7, v1;
	v24 =	vadd.f32 v16, v14  }
0x180: {  	v12 =	vadd.f32 v12, v51;
	v10 =	vadd.f32 v10, v49  }
0x181: {  	v25 =	vadd.f32 v6, v17;
	v21 =	vadd.f32 v9, v8  }
0x182: {  	v23 =	vadd.f32 v13, v12;
	v22 =	vadd.f32 v11, v10  }
0x183: {  	v18 =	vadd.f32 v19, v18;
	v24 =	vadd.f32 v25, v24  }
0x184: {  	v19 =	vadd.f32 v21, v20;
	v26 =	vadd.f32 v23, v22;
	_ =	sdelay $0x1  }
0x185: {  	v18 =	vadd.f32 v19, v18;
	v25 =	vadd.f32 v24, v26;
	_ =	sdelay $0x1  }
0x186: {  	v18 =	vadd.f32 v25, v18;
	_ =	sdelay $0x1  }
0x187: {  	v18 =	vmul.f32 $6.250000000e-02, v18;
	_ =	sdelay $0x1  }
0x188: {  	v5 =	vsub.f32 v5, v18  }
0x189: {  	v4 =	vsub.f32 v4, v18;
	v3 =	vsub.f32 v3, v18  }
0x18a: {  	v2 =	vsub.f32 v2, v18;
	v1 =	vsub.f32 v1, v18  }
0x18b: {  	v7 =	vsub.f32 v7, v18;
	v8 =	vsub.f32 v8, v18  }
0x18c: {  	v9 =	vsub.f32 v9, v18;
	v10 =	vsub.f32 v10, v18  }
0x18d: {  	v11 =	vsub.f32 v11, v18;
	v12 =	vsub.f32 v12, v18;
	v19 =	vmul.f32 v5, v5  }
0x18e: {  	v13 =	vsub.f32 v13, v18;
	v20 =	vmul.f32 v4, v4;
	v21 =	vmul.f32 v3, v3  }
0x18f: {  	v14 =	vsub.f32 v14, v18;
	v22 =	vmul.f32 v2, v2;
	v23 =	vmul.f32 v1, v1  }
0x190: {  	v16 =	vsub.f32 v16, v18;
	v24 =	vmul.f32 v7, v7;
	v25 =	vmul.f32 v8, v8  }
0x191: {  	v17 =	vsub.f32 v17, v18;
	v26 =	vmul.f32 v9, v9;
	v27 =	vmul.f32 v10, v10  }
0x192: {  	v6 =	vsub.f32 v6, v18;
	v18 =	vmul.f32 v11, v11;
	v28 =	vmul.f32 v12, v12  }
0x193: {  	v29 =	vmul.f32 v13, v13;
	v19 =	vadd.f32 v20, v19;
	v20 =	vmul.f32 v14, v14  }
0x194: {  	v21 =	vadd.f32 v22, v21;
	v22 =	vmul.f32 v16, v16;
	v23 =	vadd.f32 v24, v23  }
0x195: {  	v24 =	vmul.f32 v17, v17;
	v25 =	vadd.f32 v26, v25;
	v26 =	vmul.f32 v6, v6  }
0x196: {  	v18 =	vadd.f32 v18, v27;
	v27 =	vadd.f32 v29, v28  }
0x197: {  	v20 =	vadd.f32 v22, v20;
	v26 =	vadd.f32 v26, v24  }
0x198: {  	v19 =	vadd.f32 v21, v19;
	v24 =	vadd.f32 v25, v23  }
0x199: {  	v18 =	vadd.f32 v27, v18;
	v20 =	vadd.f32 v26, v20;
	_ =	sdelay $0x1  }
0x19a: {  	v19 =	vadd.f32 v24, v19;
	v18 =	vadd.f32 v20, v18;
	_ =	sdelay $0x1  }
0x19b: {  	v18 =	vadd.f32 v18, v19;
	_ =	sdelay $0x1  }
0x19c: {  	v18 =	vmul.f32 $6.250000000e-02, v18;
	_ =	sdelay $0x1  }
0x19d: {  	v18 =	vadd.f32 $9.999999740e-06, v18;
	_ =	sdelay $0x1  }
0x19e: {  	v25 =	vshra.s32 v18, $0x1;
	v18 =	vmul.f32 $5.000000000e-01, v18  }
0x19f: {  	v19 =	vsub.s32 $0x5F3759DF, v25  }
0x1a0: {  	v26 =	vmul.f32 v19, v18;
	_ =	sdelay $0x1  }
0x1a1: {  	v20 =	vmul.f32 v19, v26;
	_ =	sdelay $0x1  }
0x1a2: {  	v20 =	vsub.f32 $1.500000000e+00, v20;
	_ =	sdelay $0x1  }
0x1a3: {  	v19 =	vmul.f32 v19, v20;
	_ =	sdelay $0x1  }
0x1a4: {  	v18 =	vmul.f32 v19, v18;
	_ =	sdelay $0x1  }
0x1a5: {  	v22 =	vld [tilespmem:$0x1FFC0];
	v18 =	vmul.f32 v18, v19  }
0x1a6: {  	v24 =	vld [tilespmem:$0x1FFE0]  }
0x1a7: {  	v25 =	vld [tilespmem:$0x1FFF0];
	v18 =	vsub.f32 $1.500000000e+00, v18  }
0x1a8: {  	v23 =	vld [tilespmem:$0x1FFD0]  }
0x1a9: {  	v18 =	vmul.f32 v18, v19;
	_ =	sdelay $0x1  }
0x1aa: {  	s0 =	sand.u32 $0x60, s0;
	v19 =	vmul.f32 v18, v22  }
0x1ab: {  	s0 =	sor.u32 s9, s0;
	v20 =	vmul.f32 v18, v24;
	v21 =	vmul.f32 v18, v25  }
0x1ac: {  	s16 =	sor.u32 $0x80, s0;
	v22 =	vor.u32 s0, v15;
	v5 =	vmul.f32 v19, v5;
	v19 =	vmul.f32 v18, v23  }
0x1ad: {  	v26 =	vmul.f32 v18, v34;
	v24 =	vmul.f32 v18, v57;
	v23 =	vor.u32 s16, v15  }
0x1ae: {  	v27 =	vmul.f32 v18, v48;
	s16 =	sor.u32 $0x100, s0;
	v4 =	vmul.f32 v19, v4  }
0x1af: {  	v3 =	vmul.f32 v20, v3;
	v20 =	vor.u32 s16, v15;
	s16 =	sor.u32 $0x180, s0;
	v5 =	vadd.f32 v5, v60  }
0x1b0: {  	v2 =	vmul.f32 v21, v2;
	v19 =	vor.u32 s16, v15;
	s16 =	sor.u32 $0x200, s0;
	v4 =	vadd.f32 v4, v59  }
0x1b1: {  	v1 =	vmul.f32 v26, v1;
	v21 =	vmul.f32 v18, v35;
	v25 =	vor.u32 s16, v15;
	[tilespmem:v22+s25+$0x0] =	vst.idx.msk $0xffff, v5  }
0x1b2: {  	v26 =	vmul.f32 v18, v58;
	v3 =	vadd.f32 v3, v45;
	s16 =	sor.u32 $0x280, s0;
	[tilespmem:v23+s25+$0x0] =	vst.idx.msk $0xffff, v4;
	v23 =	vld [tilespmem:$0x1FFB0]  }
0x1b3: {  	v8 =	vmul.f32 v24, v8;
	v2 =	vadd.f32 v2, v42;
	v22 =	vor.u32 s16, v15;
	s16 =	sor.u32 $0x300, s0  }
0x1b4: {  	v1 =	vadd.f32 v1, v43;
	v21 =	vmul.f32 v21, v7;
	v4 =	vor.u32 s16, v15;
	s16 =	sor.u32 $0x380, s0;
	[tilespmem:v20+s25+$0x0] =	vst.idx.msk $0xffff, v3  }
0x1b5: {  	v9 =	vmul.f32 v26, v9;
	v5 =	vadd.f32 v8, v41;
	v8 =	vor.u32 s16, v15;
	s16 =	sor.u32 $0x1000, s0;
	[tilespmem:v19+s25+$0x0] =	vst.idx.msk $0xffff, v2  }
0x1b6: {  	v26 =	vmul.f32 v18, v61;
	v24 =	vadd.f32 v21, v44;
	[tilespmem:v25+s25+$0x0] =	vst.idx.msk $0xffff, v1;
	v1 =	vor.u32 s16, v15;
	s16 =	sor.u32 $0x1080, s0  }
0x1b7: {  	v10 =	vmul.f32 v27, v10;
	v3 =	vor.u32 s16, v15;
	s16 =	sor.u32 $0x1100, s0;
	v19 =	vmul.f32 v18, v23  }
0x1b8: {  	v26 =	vmul.f32 v26, v11;
	v2 =	vadd.f32 v9, v40;
	[tilespmem:v22+s25+$0x0] =	vst.idx.msk $0xffff, v24;
	v24 =	vld [tilespmem:$0x1FFA0];
	v21 =	vor.u32 s16, v15  }
0x1b9: {  	v9 =	vadd.f32 v10, v30;
	v25 =	vld [tilespmem:$0x1FF70];
	[tilespmem:v4+s25+$0x0] =	vst.idx.msk $0xffff, v5;
	v19 =	vmul.f32 v19, v12  }
0x1ba: {  	v4 =	vadd.f32 v26, v31;
	[tilespmem:v8+s25+$0x0] =	vst.idx.msk $0xffff, v2  }
0x1bb: {  	[tilespmem:v1+s25+$0x0] =	vst.idx.msk $0xffff, v9;
	v5 =	vadd.f32 v19, v32  }
0x1bc: {  	[tilespmem:v3+s25+$0x0] =	vst.idx.msk $0xffff, v4  }
0x1bd: {  	s16 =	sor.u32 $0x1180, s0;
	v7 =	vmul.f32 v18, v24;
	[tilespmem:v21+s25+$0x0] =	vst.idx.msk $0xffff, v5;
	v21 =	vld [tilespmem:$0x1FF60]  }
0x1be: {  	v23 =	vor.u32 s16, v15;
	v20 =	vmul.f32 v18, v25;
	v25 =	vld [tilespmem:$0x1FF80]  }
0x1bf: {  	v9 =	vld [tilespmem:$0x1FF50];
	v22 =	vmul.f32 v7, v13  }
0x1c0: {  	v19 =	vld [tilespmem:$0x1FF90]  }
0x1c1: {  	v26 =	vadd.f32 v22, v33  }
0x1c2: {  	v10 =	vmul.f32 v18, v21  }
0x1c3: {  	s16 =	sor.u32 $0x1200, s0;
	v24 =	vmul.f32 v20, v14;
	[tilespmem:v23+s25+$0x0] =	vst.idx.msk $0xffff, v26;
	v26 =	vld [tilespmem:$0x1FF40]  }
0x1c4: {  	v8 =	vor.u32 s16, v15;
	s16 =	sor.u32 $0x1280, s0;
	v11 =	vmul.f32 v18, v25;
	v6 =	vmul.f32 v10, v6;
	v10 =	vld [tilespmem:$0x1FF30]  }
0x1c5: {  	v4 =	vor.u32 s16, v15;
	s16 =	sor.u32 $0x1300, s0;
	v2 =	vadd.f32 v24, v9;
	v9 =	vmul.f32 v18, v19;
	v18 =	vld [tilespmem:$0x1FF20]  }
0x1c6: {  	s0 =	sor.u32 $0x1380, s0;
	v20 =	vor.u32 s16, v15;
	v22 =	vmov s10;
	v3 =	vmul.f32 v11, v16  }
0x1c7: {  	v24 =	vor.u32 s0, v15;
	v25 =	vshll.u32 v22, $0x4;
	v23 =	vmul.f32 v9, v17  }
0x1c8: {  	v9 =	vor.u32 v62, v25;
	v3 =	vadd.f32 v3, v26  }
0x1c9: {  	[tilespmem:v8+s25+$0x0] =	vst.idx.msk $0xffff, v2;
	v11 =	vor.u32 $0x1, v9;
	v1 =	vadd.f32 v23, v10  }
0x1ca: {  	v19 =	vor.u32 $0x2, v9;
	[tilespmem:v4+s25+$0x0] =	vst.idx.msk $0xffff, v3;
	v3 =	vadd.f32 v6, v18  }
0x1cb: {  	v21 =	vor.u32 $0x4, v9;
	[tilespmem:v20+s25+$0x0] =	vst.idx.msk $0xffff, v1  }
0x1cc: {  	v22 =	vor.u32 $0x5, v9;
	[tilespmem:v24+s25+$0x0] =	vst.idx.msk $0xffff, v3  }
0x1cd: {  	v25 =	vor.u32 $0x8, v9;
	v5 =	vld.idx.msk [tilespmem:v9+s21+$0x0], $0xffff  }
0x1ce: {  	v26 =	vor.u32 $0x9, v9;
	v2 =	vld.idx.msk [tilespmem:v11+s21+$0x0], $0xffff  }
0x1cf: {  	v12 =	vor.u32 $0xA, v9;
	v4 =	vld.idx.msk [tilespmem:v19+s21+$0x0], $0xffff  }
0x1d0: {  	v13 =	vor.u32 $0xB, v9;
	v3 =	vld.idx.msk [tilespmem:v21+s21+$0x0], $0xffff  }
0x1d1: {  	v14 =	vor.u32 $0xC, v9;
	v6 =	vld.idx.msk [tilespmem:v22+s21+$0x0], $0xffff  }
0x1d2: {  	v16 =	vor.u32 $0xD, v9;
	v10 =	vld.idx.msk [tilespmem:v25+s21+$0x0], $0xffff  }
0x1d3: {  	v17 =	vor.u32 $0xE, v9;
	v11 =	vld.idx.msk [tilespmem:v26+s21+$0x0], $0xffff  }
0x1d4: {  	v23 =	vor.u32 $0x6, v9;
	v12 =	vld.idx.msk [tilespmem:v12+s21+$0x0], $0xffff  }
0x1d5: {  	v20 =	vor.u32 $0x3, v9;
	v13 =	vld.idx.msk [tilespmem:v13+s21+$0x0], $0xffff  }
0x1d6: {  	v24 =	vor.u32 $0x7, v9;
	v14 =	vld.idx.msk [tilespmem:v14+s21+$0x0], $0xffff  }
0x1d7: {  	v9 =	vor.u32 $0xF, v9;
	v16 =	vld.idx.msk [tilespmem:v16+s21+$0x0], $0xffff  }
0x1d8: {  	v17 =	vld.idx.msk [tilespmem:v17+s21+$0x0], $0xffff;
	v5 =	vadd.f32 v5, v63;
	v2 =	vadd.f32 v2, v0  }
0x1d9: {  	v7 =	vld.idx.msk [tilespmem:v23+s21+$0x0], $0xffff;
	v4 =	vadd.f32 v4, v36;
	v3 =	vadd.f32 v3, v38  }
0x1da: {  	v1 =	vld.idx.msk [tilespmem:v20+s21+$0x0], $0xffff;
	v6 =	vadd.f32 v6, v39;
	v10 =	vadd.f32 v10, v49  }
0x1db: {  	v8 =	vld.idx.msk [tilespmem:v24+s21+$0x0], $0xffff;
	v11 =	vadd.f32 v11, v50;
	v12 =	vadd.f32 v12, v51  }
0x1dc: {  	v9 =	vld.idx.msk [tilespmem:v9+s21+$0x0], $0xffff;
	v13 =	vadd.f32 v13, v52;
	v14 =	vadd.f32 v14, v53  }
0x1dd: {  	v16 =	vadd.f32 v16, v54;
	v17 =	vadd.f32 v17, v55  }
0x1de: {  	v7 =	vadd.f32 v7, v46;
	v36 =	vadd.f32 v2, v5  }
0x1df: {  	v38 =	vadd.f32 v6, v3;
	v46 =	vadd.f32 v11, v10  }
0x1e0: {  	v49 =	vadd.f32 v16, v14;
	v1 =	vadd.f32 v1, v37  }
0x1e1: {  	v8 =	vadd.f32 v8, v47;
	v9 =	vadd.f32 v9, v56  }
0x1e2: {  	v47 =	vadd.f32 v13, v12;
	v37 =	vadd.f32 v1, v4  }
0x1e3: {  	v39 =	vadd.f32 v8, v7;
	v50 =	vadd.f32 v9, v17  }
0x1e4: {  	v52 =	vadd.f32 v47, v46;
	v18 =	vadd.f32 v37, v36  }
0x1e5: {  	v51 =	vadd.f32 v39, v38;
	v53 =	vadd.f32 v50, v49;
	_ =	sdelay $0x1  }
0x1e6: {  	v18 =	vadd.f32 v51, v18;
	v54 =	vadd.f32 v53, v52;
	_ =	sdelay $0x1  }
0x1e7: {  	v18 =	vadd.f32 v54, v18;
	_ =	sdelay $0x1  }
0x1e8: {  	v18 =	vmul.f32 $6.250000000e-02, v18;
	_ =	sdelay $0x1  }
0x1e9: {  	v5 =	vsub.f32 v5, v18  }
0x1ea: {  	v2 =	vsub.f32 v2, v18;
	v4 =	vsub.f32 v4, v18  }
0x1eb: {  	v1 =	vsub.f32 v1, v18;
	v3 =	vsub.f32 v3, v18  }
0x1ec: {  	v6 =	vsub.f32 v6, v18;
	v7 =	vsub.f32 v7, v18  }
0x1ed: {  	v8 =	vsub.f32 v8, v18;
	v10 =	vsub.f32 v10, v18  }
0x1ee: {  	v11 =	vsub.f32 v11, v18;
	v55 =	vmul.f32 v5, v5;
	v56 =	vmul.f32 v2, v2  }
0x1ef: {  	v12 =	vsub.f32 v12, v18;
	v63 =	vmul.f32 v4, v4;
	v0 =	vmul.f32 v1, v1  }
0x1f0: {  	v13 =	vsub.f32 v13, v18;
	v36 =	vmul.f32 v3, v3;
	v37 =	vmul.f32 v6, v6  }
0x1f1: {  	v14 =	vsub.f32 v14, v18;
	v38 =	vmul.f32 v7, v7;
	v39 =	vmul.f32 v8, v8  }
0x1f2: {  	v16 =	vsub.f32 v16, v18;
	v27 =	vmul.f32 v10, v10;
	v46 =	vmul.f32 v11, v11  }
0x1f3: {  	v17 =	vsub.f32 v17, v18;
	v28 =	vmul.f32 v12, v12;
	v29 =	vmul.f32 v13, v13  }
0x1f4: {  	v9 =	vsub.f32 v9, v18;
	v47 =	vmul.f32 v14, v14;
	v49 =	vmul.f32 v16, v16  }
0x1f5: {  	v50 =	vmul.f32 v17, v17;
	v19 =	vadd.f32 v56, v55;
	v21 =	vadd.f32 v0, v63  }
0x1f6: {  	v51 =	vmul.f32 v9, v9;
	v23 =	vadd.f32 v37, v36;
	v25 =	vadd.f32 v39, v38  }
0x1f7: {  	v18 =	vadd.f32 v46, v27;
	v27 =	vadd.f32 v29, v28  }
0x1f8: {  	v20 =	vadd.f32 v49, v47;
	v52 =	vadd.f32 v51, v50  }
0x1f9: {  	v19 =	vadd.f32 v21, v19;
	v55 =	vadd.f32 v25, v23  }
0x1fa: {  	v18 =	vadd.f32 v27, v18;
	v20 =	vadd.f32 v52, v20;
	_ =	sdelay $0x1  }
0x1fb: {  	v19 =	vadd.f32 v55, v19;
	v18 =	vadd.f32 v20, v18;
	_ =	sdelay $0x1  }
0x1fc: {  	v18 =	vadd.f32 v18, v19;
	_ =	sdelay $0x1  }
0x1fd: {  	v18 =	vmul.f32 $6.250000000e-02, v18;
	_ =	sdelay $0x1  }
0x1fe: {  	v18 =	vadd.f32 $9.999999740e-06, v18;
	_ =	sdelay $0x1  }
0x1ff: {  	v63 =	vshra.s32 v18, $0x1;
	v18 =	vmul.f32 $5.000000000e-01, v18  }
0x200: {  	v19 =	vsub.s32 $0x5F3759DF, v63  }
0x201: {  	v0 =	vmul.f32 v19, v18;
	_ =	sdelay $0x1  }
0x202: {  	v20 =	vmul.f32 v19, v0;
	_ =	sdelay $0x1  }
0x203: {  	v20 =	vsub.f32 $1.500000000e+00, v20;
	_ =	sdelay $0x1  }
0x204: {  	v19 =	vmul.f32 v19, v20;
	_ =	sdelay $0x1  }
0x205: {  	v18 =	vmul.f32 v19, v18  }
0x206: {  	v53 =	vld [tilespmem:$0x1FFE0]  }
0x207: {  	v54 =	vld [tilespmem:$0x1FFC0];
	v18 =	vmul.f32 v18, v19  }
0x208: {  	v56 =	vld [tilespmem:$0x1FFD0]  }
0x209: {  	v27 =	vld [tilespmem:$0x1FFF0];
	v18 =	vsub.f32 $1.500000000e+00, v18;
	_ =	sdelay $0x1  }
0x20a: {  	v18 =	vmul.f32 v18, v19;
	_ =	sdelay $0x1  }
0x20b: {  	v63 =	vld [tilespmem:$0x1FFA0];
	v19 =	vmul.f32 v18, v54;
	v36 =	vmul.f32 v18, v56  }
0x20c: {  	s16 =	sand.u32 $0x70, s10;
	v26 =	vld [tilespmem:$0x1FF80];
	v37 =	vmul.f32 v18, v53;
	v39 =	vmul.f32 v18, v27  }
0x20d: {  	s0 =	sor.u32 s9, s16;
	v47 =	vmul.f32 v18, v34;
	v49 =	vmul.f32 v18, v35  }
0x20e: {  	s9 =	sor.u32 $0x80, s0;
	v38 =	vor.u32 s0, v15;
	v51 =	vmul.f32 v18, v57;
	v52 =	vmul.f32 v18, v58  }
0x20f: {  	s16 =	sor.u32 $0x100, s0;
	v46 =	vor.u32 s9, v15;
	v56 =	vmul.f32 v18, v48;
	v58 =	vmul.f32 v18, v61  }
0x210: {  	v50 =	vor.u32 s16, v15;
	s16 =	sor.u32 $0x180, s0;
	v25 =	vmul.f32 v18, v63;
	v2 =	vmul.f32 v36, v2  }
0x211: {  	v53 =	vor.u32 s16, v15;
	v48 =	vmul.f32 v18, v26;
	v5 =	vmul.f32 v19, v5  }
0x212: {  	v4 =	vmul.f32 v37, v4;
	v1 =	vmul.f32 v39, v1;
	v2 =	vadd.f32 v2, v59;
	v59 =	vld [tilespmem:$0x1FFB0]  }
0x213: {  	s16 =	sor.u32 $0x200, s0;
	v3 =	vmul.f32 v47, v3;
	v6 =	vmul.f32 v49, v6;
	v5 =	vadd.f32 v5, v60  }
0x214: {  	v54 =	vor.u32 s16, v15;
	s16 =	sor.u32 $0x280, s0;
	v7 =	vmul.f32 v51, v7;
	v8 =	vmul.f32 v52, v8  }
0x215: {  	v55 =	vor.u32 s16, v15;
	s16 =	sor.u32 $0x300, s0;
	v10 =	vmul.f32 v56, v10;
	v4 =	vadd.f32 v4, v45;
	[tilespmem:v38+s25+$0x0] =	vst.idx.msk $0xffff, v5  }
0x216: {  	v57 =	vor.u32 s16, v15;
	s16 =	sor.u32 $0x380, s0;
	v1 =	vadd.f32 v1, v42;
	v3 =	vadd.f32 v3, v43;
	v38 =	vld [tilespmem:$0x1FF70];
	[tilespmem:v46+s25+$0x0] =	vst.idx.msk $0xffff, v2  }
0x217: {  	v7 =	vadd.f32 v7, v41;
	v60 =	vor.u32 s16, v15;
	s16 =	sor.u32 $0x1000, s0;
	v41 =	vld [tilespmem:$0x1FF90];
	[tilespmem:v50+s25+$0x0] =	vst.idx.msk $0xffff, v4;
	v61 =	vmul.f32 v18, v59  }
0x218: {  	v11 =	vmul.f32 v58, v11;
	v6 =	vadd.f32 v6, v44;
	v24 =	vor.u32 s16, v15;
	s16 =	sor.u32 $0x1080, s0;
	[tilespmem:v53+s25+$0x0] =	vst.idx.msk $0xffff, v1  }
0x219: {  	v52 =	vmul.f32 v48, v16;
	v16 =	vld [tilespmem:$0x1FF60];
	[tilespmem:v54+s25+$0x0] =	vst.idx.msk $0xffff, v3;
	v37 =	vmul.f32 v61, v12;
	v12 =	vor.u32 s16, v15;
	s16 =	sor.u32 $0x1100, s0  }
0x21a: {  	v8 =	vadd.f32 v8, v40;
	v36 =	vadd.f32 v10, v30;
	v54 =	vld [tilespmem:$0x1FF50];
	[tilespmem:v55+s25+$0x0] =	vst.idx.msk $0xffff, v6;
	v42 =	vor.u32 s16, v15;
	s16 =	sor.u32 $0x1180, s0  }
0x21b: {  	v39 =	vadd.f32 v11, v31;
	v45 =	vmul.f32 v18, v38;
	[tilespmem:v57+s25+$0x0] =	vst.idx.msk $0xffff, v7;
	v57 =	vld [tilespmem:$0x1FF40];
	v44 =	vor.u32 s16, v15;
	s16 =	sor.u32 $0x1200, s0  }
0x21c: {  	v40 =	vmul.f32 v25, v13;
	v51 =	vmul.f32 v18, v41;
	v59 =	vld [tilespmem:$0x1FF30];
	[tilespmem:v60+s25+$0x0] =	vst.idx.msk $0xffff, v8;
	v47 =	vor.u32 s16, v15;
	s16 =	sor.u32 $0x1280, s0  }
0x21d: {  	v61 =	vld [tilespmem:$0x1FF20];
	v43 =	vadd.f32 v37, v32;
	v49 =	vmul.f32 v45, v14;
	[tilespmem:v24+s25+$0x0] =	vst.idx.msk $0xffff, v36;
	v50 =	vor.u32 s16, v15;
	s16 =	sor.u32 $0x1300, s0  }
0x21e: {  	v46 =	vadd.f32 v40, v33;
	s0 =	sor.u32 $0x1380, s0;
	[tilespmem:v12+s25+$0x0] =	vst.idx.msk $0xffff, v39;
	v53 =	vor.u32 s16, v15;
	v12 =	vmul.f32 v18, v16  }
0x21f: {  	p1 =	sne.s32 s10, $0x1F0;
	v55 =	vmul.f32 v51, v17;
	v1 =	vadd.f32 v49, v54;
	v56 =	vor.u32 s0, v15;
	[tilespmem:v42+s25+$0x0] =	vst.idx.msk $0xffff, v43  }
.Ltmp2:
0x220: {  	v5 =	vadd.f32 v52, v57;
	[tilespmem:v44+s25+$0x0] =	vst.idx.msk $0xffff, v46;
	v58 =	vmul.f32 v12, v9;
	(pc) =	sbr.rel @p1 .LBB2_3-.Ltmp2, $4  }
0x221: {  	v60 =	vadd.f32 v55, v59;
	[tilespmem:v47+s25+$0x0] =	vst.idx.msk $0xffff, v1  }
0x222: {  	[tilespmem:v50+s25+$0x0] =	vst.idx.msk $0xffff, v5;
	v63 =	vadd.f32 v58, v61  }
0x223: {  	[tilespmem:v53+s25+$0x0] =	vst.idx.msk $0xffff, v60  }
0x224: {  	s14 =	sadd.s32 $0x200, s14;
	s10 =	sadd.s32 $0x40, s10;
	v29 =	vmov v35;
	v28 =	vmov v34;
	[tilespmem:v56+s25+$0x0] =	vst.idx.msk $0xffff, v63  }
0x225: {  	s0 =	sor.u32 s13, s15  }
0x226: {  	s0 =	sshll.u32 s0, $0x7  }
0x227: {  	p1 =	sne.s32 s1, $0x63;
	s0 =	sadd.s32 s3, s0  }
0x228: {  	[hbm4b:s0+s5] =	stream.linear.scatter [tilespmem:s25], [sflag:$0x5], $0x1000, $0x38;
	[tilespmem:$0x14C20] =	vst v63  }
.Ltmp3:
0x229: {  	s16 =	sor.u32 s13, s7;
	(pc) =	sbr.rel @p1 .LBB2_6-.Ltmp3, $4  }
0x22a: {  	s0 =	sshll.u32 s16, $0x7  }
0x22b: {  	s0 =	sand.u32 $0x1FFFFE00, s0  }
0x22c: {  	s0 =	sadd.s32 s3, s0  }
0x22d: {  	v48 =	vmov v62;
	[hbm4b:s0+s5] =	stream.linear.scatter [tilespmem:s26], [sflag:$0x5], $0x1000, $0x38;
	[tilespmem:$0x14C20] =	vst v63  }
.Ltmp4:
0x22e: {  	(pc) =	sbr.rel .LBB2_7-.Ltmp4, $4  }
0x22f: {  	_ = 	snop  }
0x230: {  	_ =	swait.ge [sflag:s28], $0x2000  }
0x231: {  	[sflag:s28] =	ssyncset.done $0x0  }
0x232: {  	[sflag:s28] =	ssyncadd.s32 $0xFFFFE000  }
.LBB2_6:
0x233: {  	s0 =	sadd.s32 s11, s2  }
0x234: {  	s0 =	sshrl.u32 s0, $0x3  }
0x235: {  	s0 =	sadd.s32 s6, s0  }
0x236: {  	[tilespmem:s5], [sflag:$0x1] =	stream.linear.gather [hbm4b:s0+s5], $0x200, $0x38;
	[tilespmem:$0x14C20] =	vst v63  }
0x237: {  	_ =	swait.ge [sflag:s20], $0x200  }
0x238: {  	[sflag:s20] =	ssyncset.done $0x0  }
.Ltmp5:
0x239: {  	[sflag:s20] =	ssyncadd.s32 $0xFFFFFE00;
	(pc) =	sbr.rel @p0 .LBB2_8-.Ltmp5, $4  }
0x23a: {  	[tilespmem:s21], [sflag:$0x3] =	stream.indirect.gather [hbm4b:s8+s19], $0x10, s5, s19, $0xb8;
	[tilespmem:$0x14C20] =	vst v63  }
0x23b: {  	_ =	swait.ge [sflag:s28], $0x2000  }
0x23c: {  	[sflag:s28] =	ssyncset.done $0x0  }
0x23d: {  	[sflag:s28] =	ssyncadd.s32 $0xFFFFE000  }
.LBB2_7:
0x23e: {  	_ =	swait.ge [sflag:s29], $0x1000  }
0x23f: {  	[sflag:s29] =	ssyncset.done $0x0  }
0x240: {  	[sflag:s29] =	ssyncadd.s32 $0xFFFFF000  }
0x241: {  	_ =	swait.ge [sflag:s29], $0x1000  }
0x242: {  	[sflag:s29] =	ssyncset.done $0x0  }
0x243: {  	[sflag:s29] =	ssyncadd.s32 $0xFFFFF000  }
.LBB2_8:
0x244: {  	v0 =	vld [tilespmem:s15+$0x8500]  }
0x245: {  	v49 =	vld [tilespmem:s15+$0x8510]  }
0x246: {  	v50 =	vld [tilespmem:s15+$0x8520]  }
0x247: {  	v51 =	vld [tilespmem:s15+$0x8530]  }
0x248: {  	v52 =	vld [tilespmem:s15+$0x8540]  }
0x249: {  	v53 =	vld [tilespmem:s15+$0x8550];
	[tilespmem:$0x1FC20] =	vst v0  }
0x24a: {  	v54 =	vld [tilespmem:s15+$0x8560];
	[tilespmem:$0x1FC30] =	vst v49  }
0x24b: {  	v55 =	vld [tilespmem:s15+$0x8570];
	[tilespmem:$0x1FC40] =	vst v50  }
0x24c: {  	v56 =	vld [tilespmem:s15+$0x8580];
	[tilespmem:$0x1FC50] =	vst v51  }
0x24d: {  	v57 =	vld [tilespmem:s15+$0x8590];
	[tilespmem:$0x1FC60] =	vst v52  }
0x24e: {  	v58 =	vld [tilespmem:s15+$0x85A0];
	[tilespmem:$0x1FC70] =	vst v53  }
0x24f: {  	v59 =	vld [tilespmem:s15+$0x85B0];
	[tilespmem:$0x1FC80] =	vst v54  }
0x250: {  	v60 =	vld [tilespmem:s15+$0x85C0];
	[tilespmem:$0x1FC90] =	vst v55  }
0x251: {  	v61 =	vld [tilespmem:s15+$0x85D0];
	[tilespmem:$0x1FCA0] =	vst v56  }
0x252: {  	v62 =	vld [tilespmem:s15+$0x85E0];
	[tilespmem:$0x1FCB0] =	vst v57  }
0x253: {  	v63 =	vld [tilespmem:s15+$0x85F0];
	[tilespmem:$0x1FCC0] =	vst v58  }
0x254: {  	[tilespmem:$0x1FCD0] =	vst v59  }
0x255: {  	[tilespmem:$0x1FCE0] =	vst v60  }
0x256: {  	[tilespmem:$0x1FCF0] =	vst v61  }
0x257: {  	s10 =	sor.u32 $0x100, s15;
	v32 =	vld [tilespmem:$0x1FF00];
	[tilespmem:$0x1FD00] =	vst v62  }
0x258: {  	s7 =	sor.u32 $0x180, s15;
	s14 =	simm.s32 $0x30;
	s15 =	simm.s32 $0x0;
	v33 =	vld [tilespmem:$0x1FF10];
	[tilespmem:$0x1FD10] =	vst v63  }
.LBB2_9:
0x259: {  	v63 =	vld [tilespmem:$0x1FC20]  }
0x25a: {  	v0 =	vld [tilespmem:$0x1FC30]  }
0x25b: {  	v36 =	vld [tilespmem:$0x1FC40]  }
0x25c: {  	v37 =	vld [tilespmem:$0x1FC50]  }
0x25d: {  	v38 =	vld [tilespmem:$0x1FC60]  }
0x25e: {  	v39 =	vld [tilespmem:$0x1FC70]  }
0x25f: {  	v46 =	vld [tilespmem:$0x1FC80]  }
0x260: {  	s0 =	sadd.s32 $0xFFFFFFD0, s14;
	v47 =	vld [tilespmem:$0x1FC90]  }
0x261: {  	v49 =	vld [tilespmem:$0x1FCA0];
	v1 =	vmov s0  }
0x262: {  	v50 =	vld [tilespmem:$0x1FCB0];
	v1 =	vshll.u32 v1, $0x4  }
0x263: {  	v51 =	vld [tilespmem:$0x1FCC0];
	v1 =	vor.u32 v48, v1  }
0x264: {  	v52 =	vld [tilespmem:$0x1FCD0];
	v2 =	vor.u32 $0x1, v1  }
0x265: {  	v53 =	vld [tilespmem:$0x1FCE0];
	v3 =	vor.u32 $0x2, v1  }
0x266: {  	v54 =	vld [tilespmem:$0x1FCF0];
	v4 =	vor.u32 $0x3, v1  }
0x267: {  	v55 =	vld [tilespmem:$0x1FD00];
	v5 =	vor.u32 $0x4, v1  }
0x268: {  	v7 =	vor.u32 $0x5, v1;
	v6 =	vld.idx.msk [tilespmem:v1+s23+$0x0], $0xffff  }
0x269: {  	v8 =	vor.u32 $0x6, v1;
	v2 =	vld.idx.msk [tilespmem:v2+s23+$0x0], $0xffff  }
0x26a: {  	v9 =	vor.u32 $0x7, v1;
	v3 =	vld.idx.msk [tilespmem:v3+s23+$0x0], $0xffff  }
0x26b: {  	v10 =	vor.u32 $0x8, v1;
	v4 =	vld.idx.msk [tilespmem:v4+s23+$0x0], $0xffff  }
0x26c: {  	v11 =	vor.u32 $0x9, v1;
	v5 =	vld.idx.msk [tilespmem:v5+s23+$0x0], $0xffff  }
0x26d: {  	v12 =	vor.u32 $0xA, v1;
	v7 =	vld.idx.msk [tilespmem:v7+s23+$0x0], $0xffff  }
0x26e: {  	v13 =	vor.u32 $0xB, v1;
	v8 =	vld.idx.msk [tilespmem:v8+s23+$0x0], $0xffff  }
0x26f: {  	v14 =	vor.u32 $0xC, v1;
	v9 =	vld.idx.msk [tilespmem:v9+s23+$0x0], $0xffff  }
0x270: {  	v16 =	vor.u32 $0xD, v1;
	v10 =	vld.idx.msk [tilespmem:v10+s23+$0x0], $0xffff  }
0x271: {  	v17 =	vor.u32 $0xE, v1;
	v11 =	vld.idx.msk [tilespmem:v11+s23+$0x0], $0xffff  }
0x272: {  	v12 =	vld.idx.msk [tilespmem:v12+s23+$0x0], $0xffff  }
0x273: {  	v1 =	vor.u32 $0xF, v1;
	v13 =	vld.idx.msk [tilespmem:v13+s23+$0x0], $0xffff  }
0x274: {  	v14 =	vld.idx.msk [tilespmem:v14+s23+$0x0], $0xffff;
	v6 =	vadd.f32 v6, v63;
	v2 =	vadd.f32 v2, v0  }
0x275: {  	v16 =	vld.idx.msk [tilespmem:v16+s23+$0x0], $0xffff;
	v3 =	vadd.f32 v3, v36;
	v4 =	vadd.f32 v4, v37  }
0x276: {  	v17 =	vld.idx.msk [tilespmem:v17+s23+$0x0], $0xffff;
	v5 =	vadd.f32 v5, v38;
	v7 =	vadd.f32 v7, v39  }
0x277: {  	v56 =	vld [tilespmem:$0x1FD10];
	v8 =	vadd.f32 v8, v46;
	v9 =	vadd.f32 v9, v47  }
0x278: {  	v1 =	vld.idx.msk [tilespmem:v1+s23+$0x0], $0xffff;
	v10 =	vadd.f32 v10, v49;
	v11 =	vadd.f32 v11, v50  }
0x279: {  	v12 =	vadd.f32 v12, v51;
	v13 =	vadd.f32 v13, v52  }
0x27a: {  	v14 =	vadd.f32 v14, v53;
	v16 =	vadd.f32 v16, v54  }
0x27b: {  	v17 =	vadd.f32 v17, v55;
	v18 =	vadd.f32 v2, v6  }
0x27c: {  	v19 =	vadd.f32 v4, v3;
	v20 =	vadd.f32 v7, v5  }
0x27d: {  	v21 =	vadd.f32 v9, v8;
	v1 =	vadd.f32 v1, v56  }
0x27e: {  	v22 =	vadd.f32 v11, v10;
	v23 =	vadd.f32 v13, v12  }
0x27f: {  	v24 =	vadd.f32 v16, v14;
	v25 =	vadd.f32 v1, v17  }
0x280: {  	v18 =	vadd.f32 v19, v18;
	v45 =	vadd.f32 v21, v20  }
0x281: {  	v57 =	vadd.f32 v23, v22;
	v58 =	vadd.f32 v25, v24;
	_ =	sdelay $0x1  }
0x282: {  	v18 =	vadd.f32 v45, v18;
	v59 =	vadd.f32 v58, v57;
	_ =	sdelay $0x1  }
0x283: {  	v18 =	vadd.f32 v59, v18;
	_ =	sdelay $0x1  }
0x284: {  	v18 =	vmul.f32 $6.250000000e-02, v18;
	_ =	sdelay $0x1  }
0x285: {  	v6 =	vsub.f32 v6, v18;
	v19 =	vsub.f32 v2, v18  }
0x286: {  	v3 =	vsub.f32 v3, v18;
	v4 =	vsub.f32 v4, v18  }
0x287: {  	v5 =	vsub.f32 v5, v18;
	v7 =	vsub.f32 v7, v18  }
0x288: {  	v8 =	vsub.f32 v8, v18;
	v9 =	vsub.f32 v9, v18  }
0x289: {  	v10 =	vsub.f32 v10, v18;
	v11 =	vsub.f32 v11, v18  }
0x28a: {  	v12 =	vsub.f32 v12, v18;
	v60 =	vmul.f32 v6, v6;
	v61 =	vmul.f32 v19, v19  }
0x28b: {  	v13 =	vsub.f32 v13, v18;
	v62 =	vmul.f32 v3, v3;
	v40 =	vmul.f32 v4, v4  }
0x28c: {  	v14 =	vsub.f32 v14, v18;
	v41 =	vmul.f32 v5, v5;
	v42 =	vmul.f32 v7, v7  }
0x28d: {  	v2 =	vsub.f32 v17, v18;
	v26 =	vmul.f32 v8, v8;
	v17 =	vmul.f32 v9, v9  }
0x28e: {  	v16 =	vsub.f32 v16, v18;
	v27 =	vmul.f32 v10, v10;
	v43 =	vmul.f32 v11, v11  }
0x28f: {  	v28 =	vmul.f32 v12, v12;
	v29 =	vmul.f32 v13, v13  }
0x290: {  	v1 =	vsub.f32 v1, v18;
	v44 =	vmul.f32 v14, v14;
	v45 =	vmul.f32 v16, v16  }
0x291: {  	v57 =	vmul.f32 v2, v2;
	v20 =	vadd.f32 v61, v60;
	v22 =	vadd.f32 v40, v62  }
0x292: {  	v58 =	vmul.f32 v1, v1;
	v24 =	vadd.f32 v42, v41;
	v17 =	vadd.f32 v17, v26  }
0x293: {  	v18 =	vadd.f32 v43, v27;
	v59 =	vadd.f32 v29, v28  }
0x294: {  	v21 =	vadd.f32 v45, v44;
	v60 =	vadd.f32 v58, v57  }
0x295: {  	v20 =	vadd.f32 v22, v20;
	v17 =	vadd.f32 v17, v24  }
0x296: {  	v18 =	vadd.f32 v59, v18;
	v21 =	vadd.f32 v60, v21;
	_ =	sdelay $0x1  }
0x297: {  	v17 =	vadd.f32 v17, v20;
	v18 =	vadd.f32 v21, v18;
	_ =	sdelay $0x1  }
0x298: {  	v17 =	vadd.f32 v18, v17;
	_ =	sdelay $0x1  }
0x299: {  	v17 =	vmul.f32 $6.250000000e-02, v17;
	_ =	sdelay $0x1  }
0x29a: {  	v17 =	vadd.f32 $9.999999740e-06, v17;
	_ =	sdelay $0x1  }
0x29b: {  	v61 =	vshra.s32 v17, $0x1;
	v17 =	vmul.f32 $5.000000000e-01, v17  }
0x29c: {  	v18 =	vsub.s32 $0x5F3759DF, v61  }
0x29d: {  	v62 =	vmul.f32 v18, v17;
	_ =	sdelay $0x1  }
0x29e: {  	v20 =	vmul.f32 v18, v62;
	_ =	sdelay $0x1  }
0x29f: {  	v20 =	vsub.f32 $1.500000000e+00, v20;
	_ =	sdelay $0x1  }
0x2a0: {  	v18 =	vmul.f32 v18, v20;
	_ =	sdelay $0x1  }
0x2a1: {  	v17 =	vmul.f32 v18, v17  }
0x2a2: {  	v25 =	vld [tilespmem:$0x1FFD0]  }
0x2a3: {  	v26 =	vld [tilespmem:$0x1FFE0];
	v17 =	vmul.f32 v17, v18  }
0x2a4: {  	v24 =	vld [tilespmem:$0x1FFC0]  }
0x2a5: {  	v42 =	vld [tilespmem:$0x1FE60];
	v17 =	vsub.f32 $1.500000000e+00, v17  }
0x2a6: {  	v60 =	vld [tilespmem:$0x1FE30]  }
0x2a7: {  	v61 =	vld [tilespmem:$0x1FE20];
	v17 =	vmul.f32 v17, v18  }
0x2a8: {  	v27 =	vld [tilespmem:$0x1FFF0]  }
0x2a9: {  	v59 =	vld [tilespmem:$0x1FE40];
	v18 =	vmul.f32 v17, v24;
	v20 =	vmul.f32 v17, v25  }
0x2aa: {  	v43 =	vld [tilespmem:$0x1FE70];
	v29 =	vmul.f32 v17, v34;
	v30 =	vmul.f32 v17, v35  }
0x2ab: {  	s9 =	sand.u32 $0xC00, s15;
	s0 =	sand.u32 $0x40, s0;
	v44 =	vld [tilespmem:$0x1FE80];
	v6 =	vmul.f32 v18, v6;
	v18 =	vmul.f32 v17, v26  }
0x2ac: {  	s16 =	sor.u32 s0, s9;
	v41 =	vld [tilespmem:$0x1FE90];
	v31 =	vmul.f32 v17, v61;
	v45 =	vmul.f32 v17, v60  }
0x2ad: {  	s0 =	sor.u32 $0x80, s16;
	v28 =	vor.u32 s16, v15;
	v40 =	vld [tilespmem:$0x1FEA0];
	v3 =	vmul.f32 v18, v3;
	v18 =	vmul.f32 v17, v27  }
0x2ae: {  	v57 =	vld [tilespmem:$0x1FEC0];
	v22 =	vor.u32 s0, v15;
	s0 =	sor.u32 $0x100, s16;
	v62 =	vmul.f32 v17, v59;
	v19 =	vmul.f32 v20, v19  }
0x2af: {  	v7 =	vmul.f32 v30, v7;
	v30 =	vld [tilespmem:$0x1FFB0];
	v4 =	vmul.f32 v18, v4;
	v18 =	vor.u32 s0, v15;
	s0 =	sor.u32 $0x180, s16  }
0x2b0: {  	v58 =	vld [tilespmem:$0x1FED0];
	v5 =	vmul.f32 v29, v5;
	v6 =	vadd.f32 v6, v42;
	v23 =	vor.u32 s0, v15;
	s0 =	sor.u32 $0x200, s16  }
0x2b1: {  	v8 =	vmul.f32 v31, v8;
	v31 =	vld [tilespmem:$0x1FEB0];
	v19 =	vadd.f32 v19, v43;
	v25 =	vor.u32 s0, v15  }
0x2b2: {  	v9 =	vmul.f32 v45, v9;
	v45 =	vld [tilespmem:$0x1FE50];
	v3 =	vadd.f32 v3, v44;
	[tilespmem:v28+s30+$0x0] =	vst.idx.msk $0xffff, v6  }
0x2b3: {  	v10 =	vmul.f32 v62, v10;
	v62 =	vld [tilespmem:$0x1FEE0];
	[tilespmem:v22+s30+$0x0] =	vst.idx.msk $0xffff, v19;
	v4 =	vadd.f32 v4, v41  }
0x2b4: {  	v24 =	vld [tilespmem:$0x1FFA0];
	v5 =	vadd.f32 v5, v40;
	v20 =	vmul.f32 v17, v30;
	s0 =	sor.u32 $0x280, s16;
	[tilespmem:v18+s30+$0x0] =	vst.idx.msk $0xffff, v3  }
0x2b5: {  	v27 =	vor.u32 s0, v15;
	s0 =	sor.u32 $0x300, s16;
	[tilespmem:v23+s30+$0x0] =	vst.idx.msk $0xffff, v4  }
0x2b6: {  	v28 =	vor.u32 s0, v15;
	s0 =	sor.u32 $0x380, s16;
	[tilespmem:v25+s30+$0x0] =	vst.idx.msk $0xffff, v5;
	v25 =	vmul.f32 v20, v12;
	v12 =	vld [tilespmem:$0x1FF70]  }
0x2b7: {  	v26 =	vadd.f32 v7, v31;
	v30 =	vld [tilespmem:$0x1FEF0];
	v3 =	vadd.f32 v9, v58;
	v9 =	vor.u32 s0, v15;
	s0 =	sor.u32 $0x1000, s16  }
0x2b8: {  	v29 =	vmul.f32 v17, v45;
	v4 =	vadd.f32 v10, v62;
	v10 =	vor.u32 s0, v15;
	s0 =	sor.u32 $0x1080, s16  }
0x2b9: {  	v8 =	vadd.f32 v8, v57;
	v18 =	vmul.f32 v17, v24;
	v23 =	vor.u32 s0, v15;
	s0 =	sor.u32 $0x1100, s16  }
0x2ba: {  	v21 =	vld [tilespmem:$0x1FF50];
	v22 =	vmul.f32 v29, v11;
	[tilespmem:v27+s30+$0x0] =	vst.idx.msk $0xffff, v26;
	v26 =	vor.u32 s0, v15;
	s0 =	sor.u32 $0x1180, s16  }
0x2bb: {  	v27 =	vmul.f32 v18, v13;
	[tilespmem:v28+s30+$0x0] =	vst.idx.msk $0xffff, v8;
	v13 =	vor.u32 s0, v15;
	s0 =	sor.u32 $0x1200, s16;
	v12 =	vmul.f32 v17, v12  }
0x2bc: {  	v19 =	vld [tilespmem:$0x1FF80];
	v5 =	vadd.f32 v22, v30;
	[tilespmem:v9+s30+$0x0] =	vst.idx.msk $0xffff, v3;
	v9 =	vor.u32 s0, v15  }
0x2bd: {  	v22 =	vld [tilespmem:$0x1FF90];
	v28 =	vadd.f32 v25, v32;
	[tilespmem:v10+s30+$0x0] =	vst.idx.msk $0xffff, v4;
	v29 =	vmul.f32 v12, v14  }
0x2be: {  	v25 =	vld [tilespmem:$0x1FF60];
	v18 =	vadd.f32 v27, v33;
	[tilespmem:v23+s30+$0x0] =	vst.idx.msk $0xffff, v5  }
0x2bf: {  	[tilespmem:v26+s30+$0x0] =	vst.idx.msk $0xffff, v28;
	v5 =	vadd.f32 v29, v21  }
0x2c0: {  	s0 =	sor.u32 $0x1280, s16;
	[tilespmem:v13+s30+$0x0] =	vst.idx.msk $0xffff, v18;
	v29 =	vld [tilespmem:$0x1FF40]  }
0x2c1: {  	v8 =	vmul.f32 v17, v19;
	v20 =	vor.u32 s0, v15;
	s0 =	sor.u32 $0x1300, s16;
	[tilespmem:v9+s30+$0x0] =	vst.idx.msk $0xffff, v5;
	v9 =	vld [tilespmem:$0x1FF30]  }
0x2c2: {  	v19 =	vld [tilespmem:$0x1FF20];
	v6 =	vmul.f32 v17, v22;
	v23 =	vor.u32 s0, v15;
	s0 =	sadd.s32 $0xFFFFFFE0, s14  }
0x2c3: {  	v24 =	vmul.f32 v8, v16;
	s16 =	sor.u32 $0x1380, s16;
	v26 =	vmov s0;
	v7 =	vmul.f32 v17, v25  }
0x2c4: {  	v27 =	vor.u32 s16, v15;
	v2 =	vmul.f32 v6, v2;
	v28 =	vshll.u32 v26, $0x4  }
0x2c5: {  	v6 =	vor.u32 v48, v28;
	v1 =	vmul.f32 v7, v1;
	v3 =	vadd.f32 v24, v29  }
0x2c6: {  	v18 =	vor.u32 $0x1, v6;
	v2 =	vadd.f32 v2, v9  }
0x2c7: {  	v21 =	vor.u32 $0x3, v6;
	v1 =	vadd.f32 v1, v19;
	[tilespmem:v20+s30+$0x0] =	vst.idx.msk $0xffff, v3  }
0x2c8: {  	v22 =	vor.u32 $0x4, v6;
	[tilespmem:v23+s30+$0x0] =	vst.idx.msk $0xffff, v2  }
0x2c9: {  	v24 =	vor.u32 $0x6, v6;
	[tilespmem:v27+s30+$0x0] =	vst.idx.msk $0xffff, v1  }
0x2ca: {  	v25 =	vor.u32 $0x7, v6;
	v4 =	vld.idx.msk [tilespmem:v6+s23+$0x0], $0xffff  }
0x2cb: {  	v26 =	vor.u32 $0x8, v6;
	v5 =	vld.idx.msk [tilespmem:v18+s23+$0x0], $0xffff  }
0x2cc: {  	v12 =	vor.u32 $0xA, v6;
	v2 =	vld.idx.msk [tilespmem:v21+s23+$0x0], $0xffff  }
0x2cd: {  	v13 =	vor.u32 $0xB, v6;
	v1 =	vld.idx.msk [tilespmem:v22+s23+$0x0], $0xffff  }
0x2ce: {  	v14 =	vor.u32 $0xC, v6;
	v8 =	vld.idx.msk [tilespmem:v24+s23+$0x0], $0xffff  }
0x2cf: {  	v16 =	vor.u32 $0xD, v6;
	v9 =	vld.idx.msk [tilespmem:v25+s23+$0x0], $0xffff  }
0x2d0: {  	v17 =	vor.u32 $0xE, v6;
	v10 =	vld.idx.msk [tilespmem:v26+s23+$0x0], $0xffff  }
0x2d1: {  	v20 =	vor.u32 $0x2, v6;
	v12 =	vld.idx.msk [tilespmem:v12+s23+$0x0], $0xffff  }
0x2d2: {  	v23 =	vor.u32 $0x5, v6;
	v13 =	vld.idx.msk [tilespmem:v13+s23+$0x0], $0xffff  }
0x2d3: {  	v27 =	vor.u32 $0x9, v6;
	v14 =	vld.idx.msk [tilespmem:v14+s23+$0x0], $0xffff  }
0x2d4: {  	v6 =	vor.u32 $0xF, v6;
	v16 =	vld.idx.msk [tilespmem:v16+s23+$0x0], $0xffff  }
0x2d5: {  	v17 =	vld.idx.msk [tilespmem:v17+s23+$0x0], $0xffff;
	v4 =	vadd.f32 v4, v63;
	v5 =	vadd.f32 v5, v0  }
0x2d6: {  	v3 =	vld.idx.msk [tilespmem:v20+s23+$0x0], $0xffff;
	v2 =	vadd.f32 v2, v37;
	v1 =	vadd.f32 v1, v38  }
0x2d7: {  	v7 =	vld.idx.msk [tilespmem:v23+s23+$0x0], $0xffff;
	v8 =	vadd.f32 v8, v46;
	v9 =	vadd.f32 v9, v47  }
0x2d8: {  	v11 =	vld.idx.msk [tilespmem:v27+s23+$0x0], $0xffff;
	v10 =	vadd.f32 v10, v49;
	v12 =	vadd.f32 v12, v51  }
0x2d9: {  	v6 =	vld.idx.msk [tilespmem:v6+s23+$0x0], $0xffff;
	v13 =	vadd.f32 v13, v52;
	v14 =	vadd.f32 v14, v53  }
0x2da: {  	v16 =	vadd.f32 v16, v54;
	v17 =	vadd.f32 v17, v55  }
0x2db: {  	v3 =	vadd.f32 v3, v36;
	v18 =	vadd.f32 v5, v4  }
0x2dc: {  	v21 =	vadd.f32 v9, v8;
	v28 =	vadd.f32 v13, v12  }
0x2dd: {  	v24 =	vadd.f32 v16, v14;
	v7 =	vadd.f32 v7, v39  }
0x2de: {  	v11 =	vadd.f32 v11, v50;
	v6 =	vadd.f32 v6, v56  }
0x2df: {  	v19 =	vadd.f32 v2, v3;
	v20 =	vadd.f32 v7, v1  }
0x2e0: {  	v22 =	vadd.f32 v11, v10;
	v29 =	vadd.f32 v6, v17  }
0x2e1: {  	v18 =	vadd.f32 v19, v18;
	v27 =	vadd.f32 v21, v20  }
0x2e2: {  	v28 =	vadd.f32 v28, v22;
	v29 =	vadd.f32 v29, v24;
	_ =	sdelay $0x1  }
0x2e3: {  	v18 =	vadd.f32 v27, v18;
	v24 =	vadd.f32 v29, v28;
	_ =	sdelay $0x1  }
0x2e4: {  	v18 =	vadd.f32 v24, v18;
	_ =	sdelay $0x1  }
0x2e5: {  	v18 =	vmul.f32 $6.250000000e-02, v18;
	_ =	sdelay $0x1  }
0x2e6: {  	v4 =	vsub.f32 v4, v18  }
0x2e7: {  	v5 =	vsub.f32 v5, v18;
	v3 =	vsub.f32 v3, v18  }
0x2e8: {  	v2 =	vsub.f32 v2, v18;
	v19 =	vsub.f32 v1, v18  }
0x2e9: {  	v7 =	vsub.f32 v7, v18;
	v8 =	vsub.f32 v8, v18  }
0x2ea: {  	v9 =	vsub.f32 v9, v18;
	v10 =	vsub.f32 v10, v18  }
0x2eb: {  	v11 =	vsub.f32 v11, v18;
	v12 =	vsub.f32 v12, v18;
	v20 =	vmul.f32 v4, v4  }
0x2ec: {  	v13 =	vsub.f32 v13, v18;
	v21 =	vmul.f32 v5, v5;
	v22 =	vmul.f32 v3, v3  }
0x2ed: {  	v14 =	vsub.f32 v14, v18;
	v23 =	vmul.f32 v2, v2;
	v24 =	vmul.f32 v19, v19  }
0x2ee: {  	v16 =	vsub.f32 v16, v18;
	v25 =	vmul.f32 v7, v7;
	v26 =	vmul.f32 v8, v8  }
0x2ef: {  	v17 =	vsub.f32 v17, v18;
	v27 =	vmul.f32 v9, v9;
	v28 =	vmul.f32 v10, v10  }
0x2f0: {  	v1 =	vsub.f32 v6, v18;
	v6 =	vmul.f32 v11, v11;
	v18 =	vmul.f32 v12, v12  }
0x2f1: {  	v29 =	vmul.f32 v13, v13;
	v20 =	vadd.f32 v21, v20;
	v21 =	vmul.f32 v14, v14  }
0x2f2: {  	v22 =	vadd.f32 v23, v22;
	v23 =	vmul.f32 v16, v16;
	v24 =	vadd.f32 v25, v24  }
0x2f3: {  	v25 =	vmul.f32 v17, v17;
	v26 =	vadd.f32 v27, v26;
	v27 =	vmul.f32 v1, v1  }
0x2f4: {  	v6 =	vadd.f32 v6, v28;
	v18 =	vadd.f32 v29, v18  }
0x2f5: {  	v21 =	vadd.f32 v23, v21;
	v25 =	vadd.f32 v27, v25  }
0x2f6: {  	v20 =	vadd.f32 v22, v20;
	v26 =	vadd.f32 v26, v24  }
0x2f7: {  	v6 =	vadd.f32 v18, v6;
	v27 =	vadd.f32 v25, v21;
	_ =	sdelay $0x1  }
0x2f8: {  	v20 =	vadd.f32 v26, v20;
	v6 =	vadd.f32 v27, v6;
	_ =	sdelay $0x1  }
0x2f9: {  	v6 =	vadd.f32 v6, v20;
	_ =	sdelay $0x1  }
0x2fa: {  	v6 =	vmul.f32 $6.250000000e-02, v6;
	_ =	sdelay $0x1  }
0x2fb: {  	v6 =	vadd.f32 $9.999999740e-06, v6;
	_ =	sdelay $0x1  }
0x2fc: {  	v28 =	vshra.s32 v6, $0x1;
	v6 =	vmul.f32 $5.000000000e-01, v6  }
0x2fd: {  	v18 =	vsub.s32 $0x5F3759DF, v28  }
0x2fe: {  	v29 =	vmul.f32 v18, v6;
	_ =	sdelay $0x1  }
0x2ff: {  	v20 =	vmul.f32 v18, v29;
	_ =	sdelay $0x1  }
0x300: {  	v20 =	vsub.f32 $1.500000000e+00, v20;
	_ =	sdelay $0x1  }
0x301: {  	v18 =	vmul.f32 v18, v20;
	_ =	sdelay $0x1  }
0x302: {  	v6 =	vmul.f32 v18, v6;
	_ =	sdelay $0x1  }
0x303: {  	v6 =	vmul.f32 v6, v18  }
0x304: {  	v23 =	vld [tilespmem:$0x1FFC0]  }
0x305: {  	v24 =	vld [tilespmem:$0x1FFD0];
	v6 =	vsub.f32 $1.500000000e+00, v6;
	_ =	sdelay $0x1  }
0x306: {  	v25 =	vld [tilespmem:$0x1FFE0];
	v6 =	vmul.f32 v6, v18;
	_ =	sdelay $0x1  }
0x307: {  	v26 =	vld [tilespmem:$0x1FFF0];
	v29 =	vmul.f32 v6, v61  }
0x308: {  	v18 =	vmul.f32 v6, v23;
	v20 =	vmul.f32 v6, v24  }
0x309: {  	s0 =	sand.u32 $0x50, s0;
	v8 =	vmul.f32 v29, v8;
	v29 =	vmul.f32 v6, v59  }
0x30a: {  	s16 =	sor.u32 s9, s0;
	v4 =	vmul.f32 v18, v4;
	v18 =	vmul.f32 v6, v25  }
0x30b: {  	v5 =	vmul.f32 v20, v5;
	v20 =	vor.u32 s16, v15;
	v10 =	vmul.f32 v29, v10;
	v29 =	vld [tilespmem:$0x1FFB0]  }
0x30c: {  	s0 =	sor.u32 $0x80, s16;
	v3 =	vmul.f32 v18, v3;
	v18 =	vmul.f32 v6, v26  }
0x30d: {  	v22 =	vor.u32 s0, v15;
	s0 =	sor.u32 $0x100, s16  }
0x30e: {  	v4 =	vadd.f32 v4, v42;
	v2 =	vmul.f32 v18, v2;
	v18 =	vor.u32 s0, v15;
	s0 =	sor.u32 $0x180, s16  }
0x30f: {  	v27 =	vmul.f32 v6, v34;
	v28 =	vmul.f32 v6, v35;
	v23 =	vor.u32 s0, v15;
	s0 =	sor.u32 $0x200, s16  }
0x310: {  	v21 =	vld [tilespmem:$0x1FFA0];
	v5 =	vadd.f32 v5, v43;
	[tilespmem:v20+s30+$0x0] =	vst.idx.msk $0xffff, v4;
	v25 =	vor.u32 s0, v15;
	v20 =	vmul.f32 v6, v29  }
0x311: {  	v19 =	vmul.f32 v27, v19;
	v7 =	vmul.f32 v28, v7;
	v3 =	vadd.f32 v3, v44  }
0x312: {  	v2 =	vadd.f32 v2, v41;
	[tilespmem:v22+s30+$0x0] =	vst.idx.msk $0xffff, v5;
	v22 =	vmul.f32 v20, v12;
	v12 =	vld [tilespmem:$0x1FF70]  }
0x313: {  	v28 =	vmul.f32 v6, v60;
	v19 =	vadd.f32 v19, v40;
	s0 =	sor.u32 $0x280, s16;
	[tilespmem:v18+s30+$0x0] =	vst.idx.msk $0xffff, v3  }
0x314: {  	v4 =	vadd.f32 v7, v31;
	v7 =	vor.u32 s0, v15;
	s0 =	sor.u32 $0x300, s16;
	[tilespmem:v23+s30+$0x0] =	vst.idx.msk $0xffff, v2  }
0x315: {  	v9 =	vmul.f32 v28, v9;
	v26 =	vor.u32 s0, v15;
	s0 =	sor.u32 $0x380, s16;
	[tilespmem:v25+s30+$0x0] =	vst.idx.msk $0xffff, v19;
	v19 =	vmul.f32 v6, v21  }
0x316: {  	v28 =	vmul.f32 v6, v45;
	v27 =	vor.u32 s0, v15;
	s0 =	sor.u32 $0x1000, s16;
	v2 =	vadd.f32 v10, v62;
	v21 =	vld [tilespmem:$0x1FF50]  }
0x317: {  	v10 =	vor.u32 s0, v15;
	s0 =	sor.u32 $0x1080, s16;
	v25 =	vmul.f32 v19, v13;
	v19 =	vld [tilespmem:$0x1FF80];
	v12 =	vmul.f32 v6, v12  }
0x318: {  	v11 =	vmul.f32 v28, v11;
	v5 =	vadd.f32 v8, v57;
	v18 =	vor.u32 s0, v15;
	s0 =	sor.u32 $0x1100, s16  }
0x319: {  	v3 =	vadd.f32 v9, v58;
	[tilespmem:v7+s30+$0x0] =	vst.idx.msk $0xffff, v4;
	v23 =	vor.u32 s0, v15;
	v28 =	vmul.f32 v12, v14  }
0x31a: {  	s0 =	sor.u32 $0x1180, s16;
	[tilespmem:v26+s30+$0x0] =	vst.idx.msk $0xffff, v5  }
0x31b: {  	v24 =	vadd.f32 v11, v30;
	v26 =	vor.u32 s0, v15;
	s0 =	sor.u32 $0x1200, s16;
	[tilespmem:v27+s30+$0x0] =	vst.idx.msk $0xffff, v3;
	v4 =	vadd.f32 v28, v21;
	v28 =	vld [tilespmem:$0x1FF40]  }
0x31c: {  	v27 =	vadd.f32 v22, v32;
	v9 =	vor.u32 s0, v15;
	s0 =	sor.u32 $0x1280, s16;
	[tilespmem:v10+s30+$0x0] =	vst.idx.msk $0xffff, v2;
	v8 =	vmul.f32 v6, v19  }
0x31d: {  	v22 =	vld [tilespmem:$0x1FF90];
	v20 =	vor.u32 s0, v15;
	[tilespmem:v18+s30+$0x0] =	vst.idx.msk $0xffff, v24  }
0x31e: {  	v29 =	vadd.f32 v25, v33;
	v24 =	vld [tilespmem:$0x1FF60];
	[tilespmem:v23+s30+$0x0] =	vst.idx.msk $0xffff, v27;
	v23 =	vmul.f32 v8, v16;
	_ =	sdelay $0x1  }
0x31f: {  	[tilespmem:v26+s30+$0x0] =	vst.idx.msk $0xffff, v29;
	v3 =	vadd.f32 v23, v28  }
0x320: {  	s0 =	sor.u32 $0x1300, s16;
	v18 =	vld [tilespmem:$0x1FF30];
	[tilespmem:v9+s30+$0x0] =	vst.idx.msk $0xffff, v4  }
0x321: {  	v12 =	vor.u32 s0, v15;
	s0 =	sadd.s32 $0xFFFFFFF0, s14;
	v5 =	vmul.f32 v6, v22;
	[tilespmem:v20+s30+$0x0] =	vst.idx.msk $0xffff, v3;
	v20 =	vld [tilespmem:$0x1FF20]  }
0x322: {  	s16 =	sor.u32 $0x1380, s16;
	v25 =	vmov s0;
	v6 =	vmul.f32 v6, v24  }
0x323: {  	v27 =	vor.u32 s16, v15;
	v7 =	vshll.u32 v25, $0x4;
	v26 =	vmul.f32 v5, v17  }
0x324: {  	v29 =	vor.u32 v48, v7;
	v1 =	vmul.f32 v6, v1  }
0x325: {  	v19 =	vor.u32 $0x1, v29;
	v2 =	vadd.f32 v26, v18  }
0x326: {  	v21 =	vor.u32 $0x2, v29;
	v1 =	vadd.f32 v1, v20  }
0x327: {  	v22 =	vor.u32 $0x3, v29;
	[tilespmem:v12+s30+$0x0] =	vst.idx.msk $0xffff, v2  }
0x328: {  	v23 =	vor.u32 $0x4, v29;
	[tilespmem:v27+s30+$0x0] =	vst.idx.msk $0xffff, v1  }
0x329: {  	v7 =	vor.u32 $0x5, v29;
	v5 =	vld.idx.msk [tilespmem:v29+s23+$0x0], $0xffff  }
0x32a: {  	v24 =	vor.u32 $0x6, v29;
	v4 =	vld.idx.msk [tilespmem:v19+s23+$0x0], $0xffff  }
0x32b: {  	v25 =	vor.u32 $0x7, v29;
	v3 =	vld.idx.msk [tilespmem:v21+s23+$0x0], $0xffff  }
0x32c: {  	v26 =	vor.u32 $0x8, v29;
	v2 =	vld.idx.msk [tilespmem:v22+s23+$0x0], $0xffff  }
0x32d: {  	v12 =	vor.u32 $0xA, v29;
	v1 =	vld.idx.msk [tilespmem:v23+s23+$0x0], $0xffff  }
0x32e: {  	v13 =	vor.u32 $0xB, v29;
	v7 =	vld.idx.msk [tilespmem:v7+s23+$0x0], $0xffff  }
0x32f: {  	v14 =	vor.u32 $0xC, v29;
	v8 =	vld.idx.msk [tilespmem:v24+s23+$0x0], $0xffff  }
0x330: {  	v16 =	vor.u32 $0xD, v29;
	v9 =	vld.idx.msk [tilespmem:v25+s23+$0x0], $0xffff  }
0x331: {  	v17 =	vor.u32 $0xE, v29;
	v10 =	vld.idx.msk [tilespmem:v26+s23+$0x0], $0xffff  }
0x332: {  	v6 =	vor.u32 $0xF, v29;
	v12 =	vld.idx.msk [tilespmem:v12+s23+$0x0], $0xffff  }
0x333: {  	v13 =	vld.idx.msk [tilespmem:v13+s23+$0x0], $0xffff  }
0x334: {  	v27 =	vor.u32 $0x9, v29;
	v14 =	vld.idx.msk [tilespmem:v14+s23+$0x0], $0xffff  }
0x335: {  	v16 =	vld.idx.msk [tilespmem:v16+s23+$0x0], $0xffff;
	v5 =	vadd.f32 v5, v63;
	v4 =	vadd.f32 v4, v0  }
0x336: {  	v17 =	vld.idx.msk [tilespmem:v17+s23+$0x0], $0xffff;
	v3 =	vadd.f32 v3, v36;
	v2 =	vadd.f32 v2, v37  }
0x337: {  	v6 =	vld.idx.msk [tilespmem:v6+s23+$0x0], $0xffff;
	v1 =	vadd.f32 v1, v38;
	v7 =	vadd.f32 v7, v39  }
0x338: {  	v8 =	vadd.f32 v8, v46;
	v9 =	vadd.f32 v9, v47  }
0x339: {  	v11 =	vld.idx.msk [tilespmem:v27+s23+$0x0], $0xffff;
	v10 =	vadd.f32 v10, v49;
	v12 =	vadd.f32 v12, v51  }
0x33a: {  	v13 =	vadd.f32 v13, v52;
	v14 =	vadd.f32 v14, v53  }
0x33b: {  	v16 =	vadd.f32 v16, v54;
	v17 =	vadd.f32 v17, v55  }
0x33c: {  	v6 =	vadd.f32 v6, v56;
	v18 =	vadd.f32 v4, v5  }
0x33d: {  	v19 =	vadd.f32 v2, v3;
	v20 =	vadd.f32 v7, v1  }
0x33e: {  	v28 =	vadd.f32 v9, v8;
	v11 =	vadd.f32 v11, v50  }
0x33f: {  	v29 =	vadd.f32 v13, v12;
	v24 =	vadd.f32 v16, v14  }
0x340: {  	v25 =	vadd.f32 v6, v17;
	v22 =	vadd.f32 v11, v10  }
0x341: {  	v18 =	vadd.f32 v19, v18;
	v28 =	vadd.f32 v28, v20  }
0x342: {  	v26 =	vadd.f32 v25, v24;
	v29 =	vadd.f32 v29, v22;
	_ =	sdelay $0x1  }
0x343: {  	v18 =	vadd.f32 v28, v18;
	v27 =	vadd.f32 v26, v29;
	_ =	sdelay $0x1  }
0x344: {  	v18 =	vadd.f32 v27, v18;
	_ =	sdelay $0x1  }
0x345: {  	v18 =	vmul.f32 $6.250000000e-02, v18;
	_ =	sdelay $0x1  }
0x346: {  	v5 =	vsub.f32 v5, v18  }
0x347: {  	v4 =	vsub.f32 v4, v18;
	v3 =	vsub.f32 v3, v18  }
0x348: {  	v2 =	vsub.f32 v2, v18;
	v1 =	vsub.f32 v1, v18  }
0x349: {  	v7 =	vsub.f32 v7, v18;
	v8 =	vsub.f32 v8, v18  }
0x34a: {  	v9 =	vsub.f32 v9, v18;
	v10 =	vsub.f32 v10, v18  }
0x34b: {  	v11 =	vsub.f32 v11, v18;
	v12 =	vsub.f32 v12, v18;
	v19 =	vmul.f32 v5, v5  }
0x34c: {  	v13 =	vsub.f32 v13, v18;
	v20 =	vmul.f32 v4, v4;
	v21 =	vmul.f32 v3, v3  }
0x34d: {  	v14 =	vsub.f32 v14, v18;
	v22 =	vmul.f32 v2, v2;
	v23 =	vmul.f32 v1, v1  }
0x34e: {  	v16 =	vsub.f32 v16, v18;
	v24 =	vmul.f32 v7, v7;
	v25 =	vmul.f32 v8, v8  }
0x34f: {  	v17 =	vsub.f32 v17, v18;
	v26 =	vmul.f32 v9, v9;
	v27 =	vmul.f32 v10, v10  }
0x350: {  	v6 =	vsub.f32 v6, v18;
	v18 =	vmul.f32 v11, v11;
	v28 =	vmul.f32 v12, v12  }
0x351: {  	v29 =	vmul.f32 v13, v13;
	v19 =	vadd.f32 v20, v19;
	v20 =	vmul.f32 v14, v14  }
0x352: {  	v21 =	vadd.f32 v22, v21;
	v22 =	vmul.f32 v16, v16;
	v23 =	vadd.f32 v24, v23  }
0x353: {  	v24 =	vmul.f32 v17, v17;
	v25 =	vadd.f32 v26, v25;
	v26 =	vmul.f32 v6, v6  }
0x354: {  	v18 =	vadd.f32 v18, v27;
	v27 =	vadd.f32 v29, v28  }
0x355: {  	v20 =	vadd.f32 v22, v20;
	v28 =	vadd.f32 v26, v24  }
0x356: {  	v19 =	vadd.f32 v21, v19;
	v29 =	vadd.f32 v25, v23  }
0x357: {  	v18 =	vadd.f32 v27, v18;
	v20 =	vadd.f32 v28, v20;
	_ =	sdelay $0x1  }
0x358: {  	v19 =	vadd.f32 v29, v19;
	v18 =	vadd.f32 v20, v18;
	_ =	sdelay $0x1  }
0x359: {  	v18 =	vadd.f32 v18, v19;
	_ =	sdelay $0x1  }
0x35a: {  	v18 =	vmul.f32 $6.250000000e-02, v18;
	_ =	sdelay $0x1  }
0x35b: {  	v18 =	vadd.f32 $9.999999740e-06, v18;
	_ =	sdelay $0x1  }
0x35c: {  	v23 =	vshra.s32 v18, $0x1;
	v18 =	vmul.f32 $5.000000000e-01, v18  }
0x35d: {  	v19 =	vsub.s32 $0x5F3759DF, v23  }
0x35e: {  	v24 =	vmul.f32 v19, v18;
	_ =	sdelay $0x1  }
0x35f: {  	v20 =	vmul.f32 v19, v24;
	_ =	sdelay $0x1  }
0x360: {  	v20 =	vsub.f32 $1.500000000e+00, v20;
	_ =	sdelay $0x1  }
0x361: {  	v19 =	vmul.f32 v19, v20;
	_ =	sdelay $0x1  }
0x362: {  	v18 =	vmul.f32 v19, v18;
	_ =	sdelay $0x1  }
0x363: {  	v25 =	vld [tilespmem:$0x1FFC0];
	v18 =	vmul.f32 v18, v19  }
0x364: {  	v27 =	vld [tilespmem:$0x1FFE0]  }
0x365: {  	v28 =	vld [tilespmem:$0x1FFF0];
	v18 =	vsub.f32 $1.500000000e+00, v18;
	_ =	sdelay $0x1  }
0x366: {  	v26 =	vld [tilespmem:$0x1FFD0];
	v18 =	vmul.f32 v18, v19;
	_ =	sdelay $0x1  }
0x367: {  	v19 =	vmul.f32 v18, v25;
	v20 =	vmul.f32 v18, v27  }
0x368: {  	s0 =	sand.u32 $0x60, s0;
	v21 =	vmul.f32 v18, v28;
	v29 =	vmul.f32 v18, v34  }
0x369: {  	s0 =	sor.u32 s9, s0;
	v24 =	vmul.f32 v18, v61;
	v27 =	vmul.f32 v18, v59  }
0x36a: {  	s16 =	sor.u32 $0x80, s0;
	v22 =	vor.u32 s0, v15;
	v5 =	vmul.f32 v19, v5;
	v19 =	vmul.f32 v18, v26  }
0x36b: {  	v23 =	vor.u32 s16, v15;
	s16 =	sor.u32 $0x100, s0;
	v3 =	vmul.f32 v20, v3;
	v2 =	vmul.f32 v21, v2  }
0x36c: {  	v20 =	vor.u32 s16, v15;
	s16 =	sor.u32 $0x180, s0;
	v1 =	vmul.f32 v29, v1;
	v4 =	vmul.f32 v19, v4  }
0x36d: {  	v21 =	vmul.f32 v18, v35;
	v5 =	vadd.f32 v5, v42;
	v19 =	vor.u32 s16, v15;
	s16 =	sor.u32 $0x200, s0  }
0x36e: {  	v26 =	vmul.f32 v18, v60;
	v25 =	vor.u32 s16, v15;
	v4 =	vadd.f32 v4, v43  }
0x36f: {  	v10 =	vmul.f32 v27, v10;
	v27 =	vld [tilespmem:$0x1FFB0];
	v3 =	vadd.f32 v3, v44;
	s16 =	sor.u32 $0x280, s0;
	[tilespmem:v22+s30+$0x0] =	vst.idx.msk $0xffff, v5  }
0x370: {  	v8 =	vmul.f32 v24, v8;
	v2 =	vadd.f32 v2, v41;
	v22 =	vor.u32 s16, v15;
	s16 =	sor.u32 $0x300, s0;
	[tilespmem:v23+s30+$0x0] =	vst.idx.msk $0xffff, v4  }
0x371: {  	v1 =	vadd.f32 v1, v40;
	v21 =	vmul.f32 v21, v7;
	v4 =	vor.u32 s16, v15;
	s16 =	sor.u32 $0x380, s0;
	[tilespmem:v20+s30+$0x0] =	vst.idx.msk $0xffff, v3  }
0x372: {  	v9 =	vmul.f32 v26, v9;
	v24 =	vadd.f32 v8, v57;
	v8 =	vor.u32 s16, v15;
	s16 =	sor.u32 $0x1000, s0;
	[tilespmem:v19+s30+$0x0] =	vst.idx.msk $0xffff, v2  }
0x373: {  	v28 =	vld [tilespmem:$0x1FFA0];
	v26 =	vmul.f32 v18, v45;
	v23 =	vadd.f32 v21, v31;
	[tilespmem:v25+s30+$0x0] =	vst.idx.msk $0xffff, v1;
	v1 =	vor.u32 s16, v15;
	s16 =	sor.u32 $0x1080, s0  }
0x374: {  	v19 =	vmul.f32 v18, v27;
	v3 =	vor.u32 s16, v15;
	s16 =	sor.u32 $0x1100, s0  }
0x375: {  	v2 =	vadd.f32 v9, v58;
	[tilespmem:v22+s30+$0x0] =	vst.idx.msk $0xffff, v23;
	v23 =	vmul.f32 v26, v11;
	v25 =	vor.u32 s16, v15  }
0x376: {  	v9 =	vadd.f32 v10, v62;
	[tilespmem:v4+s30+$0x0] =	vst.idx.msk $0xffff, v24;
	v24 =	vmul.f32 v19, v12  }
0x377: {  	v29 =	vld [tilespmem:$0x1FF70];
	[tilespmem:v8+s30+$0x0] =	vst.idx.msk $0xffff, v2;
	v4 =	vadd.f32 v23, v30  }
0x378: {  	v7 =	vmul.f32 v18, v28;
	v28 =	vld [tilespmem:$0x1FF80];
	v5 =	vadd.f32 v24, v32;
	[tilespmem:v1+s30+$0x0] =	vst.idx.msk $0xffff, v9  }
0x379: {  	v23 =	vld [tilespmem:$0x1FF90];
	[tilespmem:v3+s30+$0x0] =	vst.idx.msk $0xffff, v4  }
0x37a: {  	[tilespmem:v25+s30+$0x0] =	vst.idx.msk $0xffff, v5;
	v25 =	vld [tilespmem:$0x1FF60];
	_ =	sdelay $0x3  }
0x37b: {  	v20 =	vmul.f32 v18, v29;
	v11 =	vmul.f32 v18, v28;
	v19 =	vld [tilespmem:$0x1FF50]  }
0x37c: {  	v9 =	vmul.f32 v18, v23;
	v10 =	vmul.f32 v18, v25;
	v18 =	vld [tilespmem:$0x1FF40]  }
0x37d: {  	s16 =	sor.u32 $0x1180, s0  }
0x37e: {  	v27 =	vmul.f32 v20, v14;
	v26 =	vmul.f32 v7, v13;
	v7 =	vor.u32 s16, v15  }
0x37f: {  	s16 =	sor.u32 $0x1200, s0;
	v21 =	vmul.f32 v11, v16  }
0x380: {  	v20 =	vor.u32 s16, v15;
	s16 =	sor.u32 $0x1280, s0;
	v2 =	vadd.f32 v27, v19;
	v19 =	vld [tilespmem:$0x1FF30]  }
0x381: {  	v29 =	vadd.f32 v26, v33;
	v22 =	vor.u32 s16, v15;
	s16 =	sor.u32 $0x1300, s0;
	v3 =	vadd.f32 v21, v18;
	v21 =	vld [tilespmem:$0x1FF20]  }
0x382: {  	v26 =	vmov s14;
	s0 =	sor.u32 $0x1380, s0;
	v24 =	vor.u32 s16, v15  }
0x383: {  	v28 =	vor.u32 s0, v15;
	[tilespmem:v7+s30+$0x0] =	vst.idx.msk $0xffff, v29;
	v29 =	vshll.u32 v26, $0x4;
	v27 =	vmul.f32 v9, v17  }
0x384: {  	v9 =	vor.u32 v48, v29;
	v6 =	vmul.f32 v10, v6  }
0x385: {  	[tilespmem:v20+s30+$0x0] =	vst.idx.msk $0xffff, v2;
	v20 =	vor.u32 $0x1, v9;
	v1 =	vadd.f32 v27, v19  }
0x386: {  	[tilespmem:v22+s30+$0x0] =	vst.idx.msk $0xffff, v3;
	v22 =	vor.u32 $0x2, v9;
	v3 =	vadd.f32 v6, v21  }
0x387: {  	v23 =	vor.u32 $0x3, v9;
	[tilespmem:v24+s30+$0x0] =	vst.idx.msk $0xffff, v1  }
0x388: {  	v24 =	vor.u32 $0x4, v9;
	[tilespmem:v28+s30+$0x0] =	vst.idx.msk $0xffff, v3  }
0x389: {  	v25 =	vor.u32 $0x5, v9;
	v5 =	vld.idx.msk [tilespmem:v9+s23+$0x0], $0xffff  }
0x38a: {  	v26 =	vor.u32 $0x6, v9;
	v2 =	vld.idx.msk [tilespmem:v20+s23+$0x0], $0xffff  }
0x38b: {  	v27 =	vor.u32 $0x7, v9;
	v4 =	vld.idx.msk [tilespmem:v22+s23+$0x0], $0xffff  }
0x38c: {  	v29 =	vor.u32 $0x9, v9;
	v1 =	vld.idx.msk [tilespmem:v23+s23+$0x0], $0xffff  }
0x38d: {  	v12 =	vor.u32 $0xA, v9;
	v3 =	vld.idx.msk [tilespmem:v24+s23+$0x0], $0xffff  }
0x38e: {  	v13 =	vor.u32 $0xB, v9;
	v6 =	vld.idx.msk [tilespmem:v25+s23+$0x0], $0xffff  }
0x38f: {  	v14 =	vor.u32 $0xC, v9;
	v7 =	vld.idx.msk [tilespmem:v26+s23+$0x0], $0xffff  }
0x390: {  	v16 =	vor.u32 $0xD, v9;
	v8 =	vld.idx.msk [tilespmem:v27+s23+$0x0], $0xffff  }
0x391: {  	v17 =	vor.u32 $0xE, v9;
	v11 =	vld.idx.msk [tilespmem:v29+s23+$0x0], $0xffff  }
0x392: {  	v12 =	vld.idx.msk [tilespmem:v12+s23+$0x0], $0xffff  }
0x393: {  	v28 =	vor.u32 $0x8, v9;
	v13 =	vld.idx.msk [tilespmem:v13+s23+$0x0], $0xffff  }
0x394: {  	v9 =	vor.u32 $0xF, v9;
	v14 =	vld.idx.msk [tilespmem:v14+s23+$0x0], $0xffff  }
0x395: {  	v16 =	vld.idx.msk [tilespmem:v16+s23+$0x0], $0xffff;
	v5 =	vadd.f32 v5, v63;
	v2 =	vadd.f32 v2, v0  }
0x396: {  	v17 =	vld.idx.msk [tilespmem:v17+s23+$0x0], $0xffff;
	v4 =	vadd.f32 v4, v36;
	v1 =	vadd.f32 v1, v37  }
0x397: {  	v3 =	vadd.f32 v3, v38;
	v6 =	vadd.f32 v6, v39  }
0x398: {  	v10 =	vld.idx.msk [tilespmem:v28+s23+$0x0], $0xffff;
	v7 =	vadd.f32 v7, v46;
	v8 =	vadd.f32 v8, v47  }
0x399: {  	v9 =	vld.idx.msk [tilespmem:v9+s23+$0x0], $0xffff;
	v11 =	vadd.f32 v11, v50;
	v12 =	vadd.f32 v12, v51  }
0x39a: {  	v13 =	vadd.f32 v13, v52;
	v14 =	vadd.f32 v14, v53  }
0x39b: {  	v16 =	vadd.f32 v16, v54;
	v17 =	vadd.f32 v17, v55  }
0x39c: {  	v63 =	vadd.f32 v2, v5;
	v0 =	vadd.f32 v1, v4  }
0x39d: {  	v28 =	vadd.f32 v6, v3;
	v29 =	vadd.f32 v8, v7  }
0x39e: {  	v10 =	vadd.f32 v10, v49;
	v9 =	vadd.f32 v9, v56  }
0x39f: {  	v37 =	vadd.f32 v13, v12;
	v38 =	vadd.f32 v16, v14  }
0x3a0: {  	v36 =	vadd.f32 v11, v10;
	v39 =	vadd.f32 v9, v17  }
0x3a1: {  	v18 =	vadd.f32 v0, v63;
	v46 =	vadd.f32 v29, v28  }
0x3a2: {  	v47 =	vadd.f32 v37, v36;
	v49 =	vadd.f32 v39, v38;
	_ =	sdelay $0x1  }
0x3a3: {  	v18 =	vadd.f32 v46, v18;
	v50 =	vadd.f32 v49, v47;
	_ =	sdelay $0x1  }
0x3a4: {  	v18 =	vadd.f32 v50, v18;
	_ =	sdelay $0x1  }
0x3a5: {  	v18 =	vmul.f32 $6.250000000e-02, v18;
	_ =	sdelay $0x1  }
0x3a6: {  	v5 =	vsub.f32 v5, v18  }
0x3a7: {  	v2 =	vsub.f32 v2, v18;
	v4 =	vsub.f32 v4, v18  }
0x3a8: {  	v1 =	vsub.f32 v1, v18;
	v3 =	vsub.f32 v3, v18  }
0x3a9: {  	v6 =	vsub.f32 v6, v18;
	v7 =	vsub.f32 v7, v18  }
0x3aa: {  	v8 =	vsub.f32 v8, v18;
	v10 =	vsub.f32 v10, v18  }
0x3ab: {  	v11 =	vsub.f32 v11, v18;
	v51 =	vmul.f32 v5, v5;
	v52 =	vmul.f32 v2, v2  }
0x3ac: {  	v12 =	vsub.f32 v12, v18;
	v53 =	vmul.f32 v4, v4;
	v54 =	vmul.f32 v1, v1  }
0x3ad: {  	v13 =	vsub.f32 v13, v18;
	v55 =	vmul.f32 v3, v3;
	v56 =	vmul.f32 v6, v6  }
0x3ae: {  	v14 =	vsub.f32 v14, v18;
	v63 =	vmul.f32 v7, v7;
	v0 =	vmul.f32 v8, v8  }
0x3af: {  	v16 =	vsub.f32 v16, v18;
	v36 =	vmul.f32 v10, v10;
	v37 =	vmul.f32 v11, v11  }
0x3b0: {  	v17 =	vsub.f32 v17, v18;
	v38 =	vmul.f32 v12, v12;
	v39 =	vmul.f32 v13, v13  }
0x3b1: {  	v9 =	vsub.f32 v9, v18;
	v46 =	vmul.f32 v14, v14;
	v47 =	vmul.f32 v16, v16  }
0x3b2: {  	v49 =	vmul.f32 v17, v17;
	v19 =	vadd.f32 v52, v51;
	v21 =	vadd.f32 v54, v53  }
0x3b3: {  	v50 =	vmul.f32 v9, v9;
	v23 =	vadd.f32 v56, v55;
	v25 =	vadd.f32 v0, v63  }
0x3b4: {  	v18 =	vadd.f32 v37, v36;
	v51 =	vadd.f32 v39, v38  }
0x3b5: {  	v20 =	vadd.f32 v47, v46;
	v52 =	vadd.f32 v50, v49  }
0x3b6: {  	v19 =	vadd.f32 v21, v19;
	v55 =	vadd.f32 v25, v23  }
0x3b7: {  	v18 =	vadd.f32 v51, v18;
	v20 =	vadd.f32 v52, v20;
	_ =	sdelay $0x1  }
0x3b8: {  	v19 =	vadd.f32 v55, v19;
	v18 =	vadd.f32 v20, v18;
	_ =	sdelay $0x1  }
0x3b9: {  	v18 =	vadd.f32 v18, v19;
	_ =	sdelay $0x1  }
0x3ba: {  	v18 =	vmul.f32 $6.250000000e-02, v18;
	_ =	sdelay $0x1  }
0x3bb: {  	v18 =	vadd.f32 $9.999999740e-06, v18;
	_ =	sdelay $0x1  }
0x3bc: {  	v36 =	vshra.s32 v18, $0x1;
	v18 =	vmul.f32 $5.000000000e-01, v18  }
0x3bd: {  	v19 =	vsub.s32 $0x5F3759DF, v36  }
0x3be: {  	v37 =	vmul.f32 v19, v18;
	_ =	sdelay $0x1  }
0x3bf: {  	v20 =	vmul.f32 v19, v37;
	_ =	sdelay $0x1  }
0x3c0: {  	v20 =	vsub.f32 $1.500000000e+00, v20;
	_ =	sdelay $0x1  }
0x3c1: {  	v19 =	vmul.f32 v19, v20;
	_ =	sdelay $0x1  }
0x3c2: {  	v18 =	vmul.f32 v19, v18  }
0x3c3: {  	v53 =	vld [tilespmem:$0x1FFE0]  }
0x3c4: {  	v54 =	vld [tilespmem:$0x1FFC0];
	v18 =	vmul.f32 v18, v19  }
0x3c5: {  	v56 =	vld [tilespmem:$0x1FFD0]  }
0x3c6: {  	v63 =	vld [tilespmem:$0x1FFF0];
	v18 =	vsub.f32 $1.500000000e+00, v18;
	_ =	sdelay $0x1  }
0x3c7: {  	v18 =	vmul.f32 v18, v19;
	_ =	sdelay $0x1  }
0x3c8: {  	s16 =	sand.u32 $0x70, s14;
	v19 =	vmul.f32 v18, v54;
	v38 =	vmul.f32 v18, v56  }
0x3c9: {  	s0 =	sor.u32 s9, s16;
	v24 =	vld [tilespmem:$0x1FFB0];
	v39 =	vmul.f32 v18, v53;
	v46 =	vmul.f32 v18, v63  }
0x3ca: {  	s9 =	sor.u32 $0x80, s0;
	v27 =	vld [tilespmem:$0x1FFA0];
	v49 =	vmul.f32 v18, v34;
	v50 =	vmul.f32 v18, v35  }
0x3cb: {  	s16 =	sor.u32 $0x100, s0;
	v47 =	vor.u32 s9, v15;
	v52 =	vmul.f32 v18, v61;
	v5 =	vmul.f32 v19, v5  }
0x3cc: {  	v51 =	vor.u32 s16, v15;
	v53 =	vmul.f32 v18, v60;
	v60 =	vmul.f32 v18, v59  }
0x3cd: {  	s16 =	sor.u32 $0x180, s0;
	v6 =	vmul.f32 v50, v6;
	v5 =	vadd.f32 v5, v42;
	v42 =	vor.u32 s0, v15  }
0x3ce: {  	v54 =	vor.u32 s16, v15;
	v63 =	vmul.f32 v18, v45;
	v26 =	vmul.f32 v18, v24  }
0x3cf: {  	s16 =	sor.u32 $0x200, s0;
	v29 =	vmul.f32 v18, v27;
	v2 =	vmul.f32 v38, v2;
	v6 =	vadd.f32 v6, v31;
	v31 =	vld [tilespmem:$0x1FF80]  }
0x3d0: {  	v55 =	vor.u32 s16, v15;
	v4 =	vmul.f32 v39, v4;
	v1 =	vmul.f32 v46, v1  }
0x3d1: {  	s16 =	sor.u32 $0x280, s0;
	v3 =	vmul.f32 v49, v3;
	v7 =	vmul.f32 v52, v7;
	v2 =	vadd.f32 v2, v43  }
0x3d2: {  	v8 =	vmul.f32 v53, v8;
	v56 =	vor.u32 s16, v15;
	s16 =	sor.u32 $0x300, s0;
	v4 =	vadd.f32 v4, v44;
	[tilespmem:v42+s30+$0x0] =	vst.idx.msk $0xffff, v5  }
0x3d3: {  	v10 =	vmul.f32 v60, v10;
	v38 =	vld [tilespmem:$0x1FF70];
	v61 =	vor.u32 s16, v15;
	s16 =	sor.u32 $0x380, s0;
	v1 =	vadd.f32 v1, v41;
	[tilespmem:v47+s30+$0x0] =	vst.idx.msk $0xffff, v2  }
0x3d4: {  	v3 =	vadd.f32 v3, v40;
	v25 =	vor.u32 s16, v15;
	s16 =	sor.u32 $0x1000, s0;
	v49 =	vmul.f32 v18, v31;
	[tilespmem:v51+s30+$0x0] =	vst.idx.msk $0xffff, v4  }
0x3d5: {  	v11 =	vmul.f32 v63, v11;
	v37 =	vmul.f32 v26, v12;
	v41 =	vld [tilespmem:$0x1FF90];
	v28 =	vor.u32 s16, v15;
	s16 =	sor.u32 $0x1080, s0;
	[tilespmem:v54+s30+$0x0] =	vst.idx.msk $0xffff, v1  }
0x3d6: {  	v7 =	vadd.f32 v7, v57;
	v12 =	vor.u32 s16, v15;
	s16 =	sor.u32 $0x1100, s0;
	v53 =	vmul.f32 v49, v16;
	v16 =	vld [tilespmem:$0x1FF60];
	[tilespmem:v55+s30+$0x0] =	vst.idx.msk $0xffff, v3  }
0x3d7: {  	v8 =	vadd.f32 v8, v58;
	v36 =	vadd.f32 v10, v62;
	v42 =	vor.u32 s16, v15;
	s16 =	sor.u32 $0x1180, s0;
	v55 =	vld [tilespmem:$0x1FF50];
	[tilespmem:v56+s30+$0x0] =	vst.idx.msk $0xffff, v6  }
0x3d8: {  	v39 =	vadd.f32 v11, v30;
	v58 =	vld [tilespmem:$0x1FF40];
	v45 =	vmul.f32 v18, v38;
	v44 =	vor.u32 s16, v15;
	s16 =	sor.u32 $0x1200, s0;
	[tilespmem:v61+s30+$0x0] =	vst.idx.msk $0xffff, v7  }
0x3d9: {  	v60 =	vld [tilespmem:$0x1FF30];
	v40 =	vmul.f32 v29, v13;
	v43 =	vadd.f32 v37, v32;
	v47 =	vor.u32 s16, v15;
	s16 =	sor.u32 $0x1280, s0;
	[tilespmem:v25+s30+$0x0] =	vst.idx.msk $0xffff, v8  }
0x3da: {  	v62 =	vld [tilespmem:$0x1FF20];
	v50 =	vmul.f32 v45, v14;
	v52 =	vmul.f32 v18, v41;
	v51 =	vor.u32 s16, v15;
	s16 =	sor.u32 $0x1300, s0;
	[tilespmem:v28+s30+$0x0] =	vst.idx.msk $0xffff, v36  }
0x3db: {  	v46 =	vadd.f32 v40, v33;
	s0 =	sor.u32 $0x1380, s0;
	v54 =	vor.u32 s16, v15;
	[tilespmem:v12+s30+$0x0] =	vst.idx.msk $0xffff, v39;
	v12 =	vmul.f32 v18, v16  }
0x3dc: {  	p0 =	sne.s32 s14, $0x1F0;
	v57 =	vor.u32 s0, v15;
	v56 =	vmul.f32 v52, v17;
	v1 =	vadd.f32 v50, v55;
	[tilespmem:v42+s30+$0x0] =	vst.idx.msk $0xffff, v43  }
.Ltmp6:
0x3dd: {  	v5 =	vadd.f32 v53, v58;
	[tilespmem:v44+s30+$0x0] =	vst.idx.msk $0xffff, v46;
	v59 =	vmul.f32 v12, v9;
	(pc) =	sbr.rel @p0 .LBB2_9-.Ltmp6, $4  }
0x3de: {  	v61 =	vadd.f32 v56, v60;
	[tilespmem:v47+s30+$0x0] =	vst.idx.msk $0xffff, v1  }
0x3df: {  	[tilespmem:v51+s30+$0x0] =	vst.idx.msk $0xffff, v5;
	v63 =	vadd.f32 v59, v62  }
0x3e0: {  	[tilespmem:v54+s30+$0x0] =	vst.idx.msk $0xffff, v61  }
0x3e1: {  	s15 =	sadd.s32 $0x200, s15;
	s14 =	sadd.s32 $0x40, s14;
	[tilespmem:v57+s30+$0x0] =	vst.idx.msk $0xffff, v63  }
0x3e2: {  	s0 =	sor.u32 s13, s10  }
0x3e3: {  	s0 =	sshll.u32 s0, $0x7  }
0x3e4: {  	s0 =	sand.u32 $0x1FFFFE00, s0  }
0x3e5: {  	p0 =	seq.s32 s1, $0x63;
	s0 =	sadd.s32 s3, s0  }
0x3e6: {  	[hbm4b:s0+s5] =	stream.linear.scatter [tilespmem:s30], [sflag:$0x6], $0x1000, $0x38;
	[tilespmem:$0x14C20] =	vst v63  }
.Ltmp7:
0x3e7: {  	s16 =	sor.u32 s13, s7;
	(pc) =	sbr.rel @p0 .LBB2_12-.Ltmp7, $4  }
0x3e8: {  	s0 =	sshll.u32 s16, $0x7  }
0x3e9: {  	s0 =	sand.u32 $0x1FFFFE00, s0  }
0x3ea: {  	s0 =	sadd.s32 s3, s0  }
0x3eb: {  	[hbm4b:s0+s5] =	stream.linear.scatter [tilespmem:s31], [sflag:$0x6], $0x1000, $0x38;
	[tilespmem:$0x14C20] =	vst v63  }
.Ltmp8:
0x3ec: {  	(pc) =	sbr.rel .LBB2_2-.Ltmp8, $4  }
0x3ed: {  	s0 =	sadd.s32 s12, s2  }
0x3ee: {  	s0 =	sshrl.u32 s0, $0x3  }
0x3ef: {  	s1 =	sadd.s32 $0x1, s1;
	s0 =	sadd.s32 s6, s0  }
0x3f0: {  	v29 =	vmov v35;
	v28 =	vmov v34;
	[tilespmem:s19], [sflag:$0x2] =	stream.linear.gather [hbm4b:s0+s5], $0x200, $0x38;
	[tilespmem:$0x14C20] =	vst v63  }
.LBB2_13:
0x3f1: {  	_ =	sfence.sel $0x180000  }
0x3f2: {  	[bflag:$0x0] =	sbarrier.arrive $0xFFFF  }
0x3f3: {  	_ =	strace $0x90000047  }
0x3f4: {  	s0 =	stileid.u32;
	[bflag:$0x2] =	sbarrier.arrive $0xFFFF  }
0x3f5: {  	p0 =	sne.s32 s0, $0x0;
	s0 =	rddreg [dreg:$0x4]  }
0x3f6: {  	s0 =	sadd.s32 @!p0 $0x100000, s0  }
0x3f7: {  	[sflag:s0] =	ssyncadd.tile.s32 @!p0 $0x1;
	_ =	shalt  }
.Lfunc_end2:
_tile_overlayer_lowered:
.L_overlay_start_2:
0x3f8: {  	(tag) =	ssettag $0x2  }
0x3f9: {  	s0 =	rddreg [dreg:$0x0];
	s2 =	stileid.u32  }
0x3fa: {  	s1 =	rddreg [dreg:$0x1];
	p0 =	sne.s32 s2, $0x0  }
0x3fb: {  	s3 =	rddreg [dreg:$0x2];
	[bflag:$0x3] =	sbarrier.arrive $0xFFFF;
	s2 =	simm.s32 @!p0 $0x1C07  }
0x3fc: {  	[timem:s3], [sflag:s2] =	dma.local @!p0 [hbm:s0], s1  }
0x3fd: {  	s0 =	simm.s32 @!p0 $0x7  }
0x3fe: {  	_ =	swait.ge @!p0 [sflag:s0], s1  }
0x3ff: {  	s1 =	ssub.s32 @!p0 $0x0, s1;
	[sflag:s0] =	ssyncset.done @!p0 $0x0  }
0x400: {  	[sflag:s0] =	ssyncadd.s32 @!p0 s1  }
0x401: {  	[bflag:$0x3] =	sbarrier.arrive $0xFFFF  }
0x402: {  	_ =	shalt  }

</sc_bundles>
